<compile_context>
chip_gen: v7x
topology: tpu7x:2x2x1
jax: 0.10.2.dev20260603
libtpu: 0.0.44.dev20260713+nightly
codegen_flags: <defaults>
</compile_context>

<pallas_src>
import math

import jax
import jax.numpy as jnp
from jax import lax
from jax.experimental import pallas as pl
from jax.experimental.pallas import tpu as pltpu
from jax.experimental.pallas import tpu_sc as plsc

_SMOOTHING = 0.1
_VOCAB = 32000
_N_TOKENS = 2048
_CONF = 1.0 - _SMOOTHING
_SVAL = _SMOOTHING / float(_VOCAB - 2)
_C_HIT = (_VOCAB - 2) * _SVAL * math.log(_SVAL) + _CONF * math.log(_CONF)
_C_IGN = (_VOCAB - 1) * _SVAL * math.log(_SVAL) + _CONF * math.log(_CONF)

_LN = 16
_NWORKERS = 32
_TOK_PER_W = _N_TOKENS // _NWORKERS
_NCHUNK = _TOK_PER_W // _LN


def _sc_body(table_hbm, tgt_hbm, s_hbm, out_hbm, tgt_v, s_v, row_v,
             lane_v, zrows_v, trows_v, out_v, semz, semt):
    wid = lax.axis_index("s") * 2 + lax.axis_index("c")
    base = wid * _TOK_PER_W
    pltpu.sync_copy(tgt_hbm.at[pl.ds(base, _TOK_PER_W)], tgt_v)
    pltpu.sync_copy(s_hbm.at[pl.ds(base, _TOK_PER_W)], s_v)
    for k in range(_NCHUNK):
        t16 = tgt_v[pl.ds(k * _LN, _LN)]
        i16 = base + k * _LN + lax.iota(jnp.int32, _LN)
        row_v[pl.ds(k * _LN, _LN)] = i16
        lane_v[pl.ds(k * _LN, _LN)] = t16 & 127
    zcopy = pltpu.make_async_copy(
        table_hbm.at[row_v, pl.ds(0, 128)], zrows_v, semz)
    zcopy.start()
    tcopies = []
    lane_iota = lax.iota(jnp.int32, _LN)
    for j in range(_TOK_PER_W):
        t16 = tgt_v[pl.ds((j // _LN) * _LN, _LN)]
        tj = jnp.sum(jnp.where(lane_iota == (j % _LN), t16, 0))
        c128 = pl.multiple_of(tj - (tj & 127), 128)
        r8 = pl.multiple_of(base + (j // 8) * 8, 8)
        cp = pltpu.make_async_copy(
            table_hbm.at[pl.ds(r8, 8), pl.ds(c128, 128)],
            trows_v.at[j], semt)
        cp.start()
        tcopies.append(cp)
    zcopy.wait()
    for cp in tcopies:
        cp.wait()
    zero16 = lane_iota & 0
    for k in range(_NCHUNK):
        loc = k * _LN + lane_iota
        sub = loc & 7
        ln = lane_v[pl.ds(k * _LN, _LN)]
        tg = tgt_v[pl.ds(k * _LN, _LN)]
        sv = s_v[pl.ds(k * _LN, _LN)]
        t = plsc.load_gather(trows_v, [loc, sub, ln])
        z = plsc.load_gather(zrows_v, [loc, zero16])
        hit_val = _C_HIT + _SVAL * z + (_SVAL - _CONF) * t
        ign_val = _C_IGN + (_SVAL - _CONF) * z
        out_v[pl.ds(k * _LN, _LN)] = jnp.where(
            tg == 0, ign_val, hit_val) - _SVAL * sv
    pltpu.sync_copy(out_v, out_hbm.at[pl.ds(base, _TOK_PER_W)])


def _sc_gather_combine(table, tgt, s1d):
    mesh = plsc.VectorSubcoreMesh(core_axis_name="c", subcore_axis_name="s")
    f = pl.kernel(
        _sc_body,
        out_type=jax.ShapeDtypeStruct((_N_TOKENS,), jnp.float32),
        mesh=mesh,
        scratch_types=[
            pltpu.VMEM((_TOK_PER_W,), jnp.int32),
            pltpu.VMEM((_TOK_PER_W,), jnp.float32),
            pltpu.VMEM((_TOK_PER_W,), jnp.int32),
            pltpu.VMEM((_TOK_PER_W,), jnp.int32),
            pltpu.VMEM((_TOK_PER_W, 128), jnp.float32),
            pltpu.VMEM((_TOK_PER_W, 8, 128), jnp.float32),
            pltpu.VMEM((_TOK_PER_W,), jnp.float32),
            pltpu.SemaphoreType.DMA,
            pltpu.SemaphoreType.DMA,
        ],
        compiler_params=pltpu.CompilerParams(needs_layout_passes=False),
    )
    return f(table, tgt, s1d)


_BR = 128
_NRB = _N_TOKENS // _BR


def _tc_rowsum_body(x_ref, s_ref):
    s_ref[...] = jnp.sum(x_ref[...], axis=1, keepdims=True)


def _tc_rowsum(x, interpret=False):
    return pl.pallas_call(
        _tc_rowsum_body,
        grid=(_NRB,),
        in_specs=[pl.BlockSpec((_BR, _VOCAB), lambda j: (j, 0))],
        out_specs=pl.BlockSpec((_BR, 1), lambda j: (j, 0)),
        out_shape=jax.ShapeDtypeStruct((_N_TOKENS, 1), jnp.float32),
        interpret=interpret,
    )(x)


def kernel(model_prob, target):
    tgt = target.astype(jnp.int32)
    s1d = _tc_rowsum(model_prob).reshape(_N_TOKENS)
    return _sc_gather_combine(model_prob, tgt, s1d)

# --- scband reference (transcript-rebuilt; emitter-appended) ---
"""Pipeline reference for scband-label-smoothing-7206955123102 (READ-ONLY COPY).

The authoritative reference and input builder live on the scoring server;
editing this copy changes nothing except your own understanding.
"""

import jax, jax.numpy as jnp
import numpy as np

SMOOTHING = 0.1
VOCAB = 32000
IGNORE_INDICES = [0]
N_TOKENS = 2048

CONFIDENCE = 1.0 - SMOOTHING
SMOOTHING_VALUE = SMOOTHING / float(VOCAB - 1 - len(IGNORE_INDICES))


def setup_inputs(seed: int = 0) -> dict:
    key = jax.random.key(seed)
    k1, k2 = jax.random.split(key)
    model_prob = jax.random.normal(k1, (N_TOKENS, VOCAB), dtype=jnp.float32)
    target = jax.random.randint(k2, (N_TOKENS,), 0, VOCAB, dtype=jnp.int64 if jax.config.jax_enable_x64 else jnp.int32)
    return {"model_prob": model_prob, "target": target}


def reference(model_prob, target):
    # build smoothing buffer one_hot[V]
    one_hot = jnp.full((VOCAB,), SMOOTHING_VALUE, dtype=jnp.float32)
    for idx in IGNORE_INDICES:
        one_hot = one_hot.at[idx].set(0.0)
    n = model_prob.shape[0]
    # true_dist = repeat one_hot to [n, V], then scatter confidence at target
    true_dist = jnp.broadcast_to(one_hot[None, :], (n, VOCAB))
    true_dist = true_dist.at[jnp.arange(n), target].set(CONFIDENCE)
    # KLDivLoss(reduction='none'): t * (log(t) - input), with 0*log(0) := 0
    safe_t = jnp.where(true_dist > 0, true_dist, 1.0)
    kl = jnp.where(true_dist > 0, true_dist * (jnp.log(safe_t) - model_prob), 0.0)
    return kl.sum(axis=-1)

if __name__ == "__main__":
    import jax
    _d = setup_inputs()
    print(jax.jit(kernel)(*tuple(_d.values())))

</pallas_src>

<mosaic_0001>
#map = affine_map<(d0, d1) -> (0, 0)>
#map1 = affine_map<(d0, d1) -> (0)>
module attributes {stable_mosaic.version = 14 : i64} {
  func.func @_sc_body(%arg0: i32, %arg1: i32, %arg2: memref<2048x32000xf32, #tpu.memory_space<hbm>>, %arg3: memref<2048xi32, #tpu.memory_space<hbm>>, %arg4: memref<2048xf32, #tpu.memory_space<hbm>>, %arg5: memref<2048xf32, #tpu.memory_space<hbm>>, %arg6: memref<64xi32, #tpu.memory_space<vmem>>, %arg7: memref<64xf32, #tpu.memory_space<vmem>>, %arg8: memref<64xi32, #tpu.memory_space<vmem>>, %arg9: memref<64xi32, #tpu.memory_space<vmem>>, %arg10: memref<64x128xf32, #tpu.memory_space<vmem>>, %arg11: memref<64x8x128xf32, #tpu.memory_space<vmem>>, %arg12: memref<64xf32, #tpu.memory_space<vmem>>, %arg13: memref<!tpu.dma_semaphore, #tpu.memory_space<semaphore_mem>>, %arg14: memref<!tpu.dma_semaphore, #tpu.memory_space<semaphore_mem>>) attributes {dimension_semantics = [#tpu.dimension_semantics<core_parallel>, #tpu.dimension_semantics<subcore_parallel>], iteration_bounds = array<i64: 2, 16>, scalar_prefetch = 0 : i64, scratch_operands = 9 : i64, tpu.core_type = #tpu.core_type<sc_vector_subcore>, window_params = [{transform_indices = #map}, {transform_indices = #map1}, {transform_indices = #map1}, {transform_indices = #map1}]} {
    %mul3A = arith.constant 2 : i32
    %mul3A_0 = arith.muli %arg1, %mul3A : i32
    %add3A = arith.addi %mul3A_0, %arg0 : i32
    %mul3A_1 = arith.constant 64 : i32
    %mul3A_2 = arith.muli %add3A, %mul3A_1 : i32
    "tpu.region"() ({
      %run_scoped3A = tpu.sem_alloc : memref<!tpu.dma_semaphore, #tpu.memory_space<semaphore_mem>>
      %dma_start3A_2839 = tpu.memref_slice %arg3[%mul3A_2] : memref<2048xi32, #tpu.memory_space<hbm>> -> memref<64xi32, #tpu.memory_space<hbm>>
      %dma_start3A_2840 = tpu.memref_slice %arg3[%mul3A_2] : memref<2048xi32, #tpu.memory_space<hbm>> -> memref<64xi32, #tpu.memory_space<hbm>>
      tpu.enqueue_dma source(%dma_start3A_2840 : memref<64xi32, #tpu.memory_space<hbm>>) target(%arg6 : memref<64xi32, #tpu.memory_space<vmem>>) target_semaphore(%run_scoped3A : memref<!tpu.dma_semaphore, #tpu.memory_space<semaphore_mem>>)
      %dma_wait3A_2841 = tpu.memref_slice %arg3[%mul3A_2] : memref<2048xi32, #tpu.memory_space<hbm>> -> memref<64xi32, #tpu.memory_space<hbm>>
      %dma_wait3A_2842 = tpu.memref_slice %arg3[%mul3A_2] : memref<2048xi32, #tpu.memory_space<hbm>> -> memref<64xi32, #tpu.memory_space<hbm>>
      tpu.wait_dma2 semaphore(%run_scoped3A : memref<!tpu.dma_semaphore, #tpu.memory_space<semaphore_mem>>) src(%dma_wait3A_2842 : memref<64xi32, #tpu.memory_space<hbm>>) dst(%arg6 : memref<64xi32, #tpu.memory_space<vmem>>)
      tpu.yield
    }) : () -> ()
    "tpu.region"() ({
      %run_scoped3A = tpu.sem_alloc : memref<!tpu.dma_semaphore, #tpu.memory_space<semaphore_mem>>
      %dma_start3A_2839 = tpu.memref_slice %arg4[%mul3A_2] : memref<2048xf32, #tpu.memory_space<hbm>> -> memref<64xf32, #tpu.memory_space<hbm>>
      %dma_start3A_2840 = tpu.memref_slice %arg4[%mul3A_2] : memref<2048xf32, #tpu.memory_space<hbm>> -> memref<64xf32, #tpu.memory_space<hbm>>
      tpu.enqueue_dma source(%dma_start3A_2840 : memref<64xf32, #tpu.memory_space<hbm>>) target(%arg7 : memref<64xf32, #tpu.memory_space<vmem>>) target_semaphore(%run_scoped3A : memref<!tpu.dma_semaphore, #tpu.memory_space<semaphore_mem>>)
      %dma_wait3A_2841 = tpu.memref_slice %arg4[%mul3A_2] : memref<2048xf32, #tpu.memory_space<hbm>> -> memref<64xf32, #tpu.memory_space<hbm>>
      %dma_wait3A_2842 = tpu.memref_slice %arg4[%mul3A_2] : memref<2048xf32, #tpu.memory_space<hbm>> -> memref<64xf32, #tpu.memory_space<hbm>>
      tpu.wait_dma2 semaphore(%run_scoped3A : memref<!tpu.dma_semaphore, #tpu.memory_space<semaphore_mem>>) src(%dma_wait3A_2842 : memref<64xf32, #tpu.memory_space<hbm>>) dst(%arg7 : memref<64xf32, #tpu.memory_space<vmem>>)
      tpu.yield
    }) : () -> ()
    %get3A = arith.constant 0 : index
    %get3A_3 = tpu.vector_load %arg6[%get3A] {strides = array<i32>} : memref<64xi32, #tpu.memory_space<vmem>>, vector<16xi32>,
    %add3A_4 = arith.constant 0 : i32
    %add3A_5 = arith.addi %mul3A_2, %add3A_4 : i32
    %iota3A = tpu.iota {dimensions = array<i32: 0>} : vector<16xi32>
    %add3A_6 = vector.broadcast %add3A_5 : i32 to vector<16xi32>
    %add3A_7 = arith.addi %add3A_6, %iota3A : vector<16xi32>
    %swap3A = arith.constant 0 : index
    %swap3A_8 = tpu.vector_load %arg8[%swap3A] {strides = array<i32>} : memref<64xi32, #tpu.memory_space<vmem>>, vector<16xi32>,
    tpu.vector_store %arg8[%swap3A], %add3A_7 {strides = array<i32>} : memref<64xi32, #tpu.memory_space<vmem>>, vector<16xi32>,
    %and3A = arith.constant 127 : i32
    %and3A_9 = vector.broadcast %and3A : i32 to vector<16xi32>
    %and3A_10 = arith.andi %get3A_3, %and3A_9 : vector<16xi32>
    %swap3A_11 = arith.constant 0 : index
    %swap3A_12 = tpu.vector_load %arg9[%swap3A_11] {strides = array<i32>} : memref<64xi32, #tpu.memory_space<vmem>>, vector<16xi32>,
    tpu.vector_store %arg9[%swap3A_11], %and3A_10 {strides = array<i32>} : memref<64xi32, #tpu.memory_space<vmem>>, vector<16xi32>,
    %get3A_13 = arith.constant 16 : index
    %get3A_14 = tpu.vector_load %arg6[%get3A_13] {strides = array<i32>} : memref<64xi32, #tpu.memory_space<vmem>>, vector<16xi32>,
    %add3A_15 = arith.constant 16 : i32
    %add3A_16 = arith.addi %mul3A_2, %add3A_15 : i32
    %iota3A_17 = tpu.iota {dimensions = array<i32: 0>} : vector<16xi32>
    %add3A_18 = vector.broadcast %add3A_16 : i32 to vector<16xi32>
    %add3A_19 = arith.addi %add3A_18, %iota3A_17 : vector<16xi32>
    %swap3A_20 = arith.constant 16 : index
    %swap3A_21 = tpu.vector_load %arg8[%swap3A_20] {strides = array<i32>} : memref<64xi32, #tpu.memory_space<vmem>>, vector<16xi32>,
    tpu.vector_store %arg8[%swap3A_20], %add3A_19 {strides = array<i32>} : memref<64xi32, #tpu.memory_space<vmem>>, vector<16xi32>,
    %and3A_22 = arith.constant 127 : i32
    %and3A_23 = vector.broadcast %and3A_22 : i32 to vector<16xi32>
    %and3A_24 = arith.andi %get3A_14, %and3A_23 : vector<16xi32>
    %swap3A_25 = arith.constant 16 : index
    %swap3A_26 = tpu.vector_load %arg9[%swap3A_25] {strides = array<i32>} : memref<64xi32, #tpu.memory_space<vmem>>, vector<16xi32>,
    tpu.vector_store %arg9[%swap3A_25], %and3A_24 {strides = array<i32>} : memref<64xi32, #tpu.memory_space<vmem>>, vector<16xi32>,
    %get3A_27 = arith.constant 32 : index
    %get3A_28 = tpu.vector_load %arg6[%get3A_27] {strides = array<i32>} : memref<64xi32, #tpu.memory_space<vmem>>, vector<16xi32>,
    %add3A_29 = arith.constant 32 : i32
    %add3A_30 = arith.addi %mul3A_2, %add3A_29 : i32
    %iota3A_31 = tpu.iota {dimensions = array<i32: 0>} : vector<16xi32>
    %add3A_32 = vector.broadcast %add3A_30 : i32 to vector<16xi32>
    %add3A_33 = arith.addi %add3A_32, %iota3A_31 : vector<16xi32>
    %swap3A_34 = arith.constant 32 : index
    %swap3A_35 = tpu.vector_load %arg8[%swap3A_34] {strides = array<i32>} : memref<64xi32, #tpu.memory_space<vmem>>, vector<16xi32>,
    tpu.vector_store %arg8[%swap3A_34], %add3A_33 {strides = array<i32>} : memref<64xi32, #tpu.memory_space<vmem>>, vector<16xi32>,
    %and3A_36 = arith.constant 127 : i32
    %and3A_37 = vector.broadcast %and3A_36 : i32 to vector<16xi32>
    %and3A_38 = arith.andi %get3A_28, %and3A_37 : vector<16xi32>
    %swap3A_39 = arith.constant 32 : index
    %swap3A_40 = tpu.vector_load %arg9[%swap3A_39] {strides = array<i32>} : memref<64xi32, #tpu.memory_space<vmem>>, vector<16xi32>,
    tpu.vector_store %arg9[%swap3A_39], %and3A_38 {strides = array<i32>} : memref<64xi32, #tpu.memory_space<vmem>>, vector<16xi32>,
    %get3A_41 = arith.constant 48 : index
    %get3A_42 = tpu.vector_load %arg6[%get3A_41] {strides = array<i32>} : memref<64xi32, #tpu.memory_space<vmem>>, vector<16xi32>,
    %add3A_43 = arith.constant 48 : i32
    %add3A_44 = arith.addi %mul3A_2, %add3A_43 : i32
    %iota3A_45 = tpu.iota {dimensions = array<i32: 0>} : vector<16xi32>
    %add3A_46 = vector.broadcast %add3A_44 : i32 to vector<16xi32>
    %add3A_47 = arith.addi %add3A_46, %iota3A_45 : vector<16xi32>
    %swap3A_48 = arith.constant 48 : index
    %swap3A_49 = tpu.vector_load %arg8[%swap3A_48] {strides = array<i32>} : memref<64xi32, #tpu.memory_space<vmem>>, vector<16xi32>,
    tpu.vector_store %arg8[%swap3A_48], %add3A_47 {strides = array<i32>} : memref<64xi32, #tpu.memory_space<vmem>>, vector<16xi32>,
    %and3A_50 = arith.constant 127 : i32
    %and3A_51 = vector.broadcast %and3A_50 : i32 to vector<16xi32>
    %and3A_52 = arith.andi %get3A_42, %and3A_51 : vector<16xi32>
    %swap3A_53 = arith.constant 48 : index
    %swap3A_54 = tpu.vector_load %arg9[%swap3A_53] {strides = array<i32>} : memref<64xi32, #tpu.memory_space<vmem>>, vector<16xi32>,
    tpu.vector_store %arg9[%swap3A_53], %and3A_52 {strides = array<i32>} : memref<64xi32, #tpu.memory_space<vmem>>, vector<16xi32>,
    %dma_start3A = arith.constant 0 : i32
    %dma_start3A_55 = arith.constant 0 : i32
    %dma_start3A_56 = tpu.memref_slice %arg2[%dma_start3A, %dma_start3A_55] : memref<2048x32000xf32, #tpu.memory_space<hbm>> -> memref<2048x128xf32, #tpu.memory_space<hbm>>
    tpu.enqueue_indirect_dma source(%dma_start3A_56 : memref<2048x128xf32, #tpu.memory_space<hbm>>) target(%arg10 : memref<64x128xf32, #tpu.memory_space<vmem>>) offsets(%arg8 : memref<64xi32, #tpu.memory_space<vmem>>) semaphore(%arg13 : memref<!tpu.dma_semaphore, #tpu.memory_space<semaphore_mem>>)
    %iota3A_57 = tpu.iota {dimensions = array<i32: 0>} : vector<16xi32>
    %get3A_58 = arith.constant 0 : index
    %get3A_59 = tpu.vector_load %arg6[%get3A_58] {strides = array<i32>} : memref<64xi32, #tpu.memory_space<vmem>>, vector<16xi32>,
    %eq3A = arith.constant 0 : i32
    %eq3A_60 = vector.broadcast %eq3A : i32 to vector<16xi32>
    %eq3A_61 = arith.cmpi eq, %iota3A_57, %eq3A_60 : vector<16xi32>
    %jit3A = arith.constant 0 : i32
    %broadcast_in_dim3A = vector.broadcast %jit3A : i32 to vector<16xi32>
    %select_n3A = arith.select %eq3A_61, %get3A_59, %broadcast_in_dim3A : vector<16xi1>, vector<16xi32>
    %reduce_sum3A = arith.constant true
    %reduce_sum3A_62 = vector.broadcast %reduce_sum3A : i1 to vector<16xi1>
    %reduce_sum3A_63 = tpu.scan <sum>, %select_n3A masked %reduce_sum3A_62 : vector<16xi32>, vector<16xi1> -> vector<16xi32>
    %reduce_sum3A_64 = vector.extract %reduce_sum3A_63[15] : i32 from vector<16xi32>
    %and3A_65 = arith.constant 127 : i32
    %and3A_66 = arith.andi %reduce_sum3A_64, %and3A_65 : i32
    %sub3A = arith.subi %reduce_sum3A_64, %and3A_66 : i32
    %multiple_of3A = tpu.assume_multiple %sub3A, 128 : i32
    %add3A_67 = arith.constant 0 : i32
    %add3A_68 = arith.addi %mul3A_2, %add3A_67 : i32
    %multiple_of3A_69 = tpu.assume_multiple %add3A_68, 8 : i32
    %dma_start3A_70 = arith.constant 0 : i32
    %dma_start3A_71 = arith.constant 0 : i32
    %dma_start3A_72 = arith.constant 0 : i32
    %dma_start3A_73 = tpu.memref_slice %arg11[%dma_start3A_70, %dma_start3A_71, %dma_start3A_72] : memref<64x8x128xf32, #tpu.memory_space<vmem>> -> memref<1x8x128xf32, #tpu.memory_space<vmem>>
    %dma_start3A_74 = tpu.memref_squeeze %dma_start3A_73 : memref<1x8x128xf32, #tpu.memory_space<vmem>> -> memref<8x128xf32, #tpu.memory_space<vmem>>
    %dma_start3A_75 = tpu.memref_slice %arg2[%multiple_of3A_69, %multiple_of3A] : memref<2048x32000xf32, #tpu.memory_space<hbm>> -> memref<8x128xf32, #tpu.memory_space<hbm>>
    %dma_start3A_76 = arith.constant 0 : i32
    %dma_start3A_77 = arith.constant 0 : i32
    %dma_start3A_78 = tpu.memref_slice %arg11[%dma_start3A_70, %dma_start3A_76, %dma_start3A_77] : memref<64x8x128xf32, #tpu.memory_space<vmem>> -> memref<1x8x128xf32, #tpu.memory_space<vmem>>
    %dma_start3A_79 = tpu.memref_squeeze %dma_start3A_78 : memref<1x8x128xf32, #tpu.memory_space<vmem>> -> memref<8x128xf32, #tpu.memory_space<vmem>>
    %dma_start3A_80 = tpu.memref_slice %arg2[%multiple_of3A_69, %multiple_of3A] : memref<2048x32000xf32, #tpu.memory_space<hbm>> -> memref<8x128xf32, #tpu.memory_space<hbm>>
    tpu.enqueue_dma source(%dma_start3A_80 : memref<8x128xf32, #tpu.memory_space<hbm>>) target(%dma_start3A_79 : memref<8x128xf32, #tpu.memory_space<vmem>>) target_semaphore(%arg14 : memref<!tpu.dma_semaphore, #tpu.memory_space<semaphore_mem>>)
    %get3A_81 = arith.constant 0 : index
    %get3A_82 = tpu.vector_load %arg6[%get3A_81] {strides = array<i32>} : memref<64xi32, #tpu.memory_space<vmem>>, vector<16xi32>,
    %eq3A_83 = arith.constant 1 : i32
    %eq3A_84 = vector.broadcast %eq3A_83 : i32 to vector<16xi32>
    %eq3A_85 = arith.cmpi eq, %iota3A_57, %eq3A_84 : vector<16xi32>
    %jit3A_86 = arith.constant 0 : i32
    %broadcast_in_dim3A_87 = vector.broadcast %jit3A_86 : i32 to vector<16xi32>
    %select_n3A_88 = arith.select %eq3A_85, %get3A_82, %broadcast_in_dim3A_87 : vector<16xi1>, vector<16xi32>
    %reduce_sum3A_89 = arith.constant true
    %reduce_sum3A_90 = vector.broadcast %reduce_sum3A_89 : i1 to vector<16xi1>
    %reduce_sum3A_91 = tpu.scan <sum>, %select_n3A_88 masked %reduce_sum3A_90 : vector<16xi32>, vector<16xi1> -> vector<16xi32>
    %reduce_sum3A_92 = vector.extract %reduce_sum3A_91[15] : i32 from vector<16xi32>
    %and3A_93 = arith.constant 127 : i32
    %and3A_94 = arith.andi %reduce_sum3A_92, %and3A_93 : i32
    %sub3A_95 = arith.subi %reduce_sum3A_92, %and3A_94 : i32
    %multiple_of3A_96 = tpu.assume_multiple %sub3A_95, 128 : i32
    %add3A_97 = arith.constant 0 : i32
    %add3A_98 = arith.addi %mul3A_2, %add3A_97 : i32
    %multiple_of3A_99 = tpu.assume_multiple %add3A_98, 8 : i32
    %dma_start3A_100 = arith.constant 1 : i32
    %dma_start3A_101 = arith.constant 0 : i32
    %dma_start3A_102 = arith.constant 0 : i32
    %dma_start3A_103 = tpu.memref_slice %arg11[%dma_start3A_100, %dma_start3A_101, %dma_start3A_102] : memref<64x8x128xf32, #tpu.memory_space<vmem>> -> memref<1x8x128xf32, #tpu.memory_space<vmem>>
    %dma_start3A_104 = tpu.memref_squeeze %dma_start3A_103 : memref<1x8x128xf32, #tpu.memory_space<vmem>> -> memref<8x128xf32, #tpu.memory_space<vmem>>
    %dma_start3A_105 = tpu.memref_slice %arg2[%multiple_of3A_99, %multiple_of3A_96] : memref<2048x32000xf32, #tpu.memory_space<hbm>> -> memref<8x128xf32, #tpu.memory_space<hbm>>
    %dma_start3A_106 = arith.constant 0 : i32
    %dma_start3A_107 = arith.constant 0 : i32
    %dma_start3A_108 = tpu.memref_slice %arg11[%dma_start3A_100, %dma_start3A_106, %dma_start3A_107] : memref<64x8x128xf32, #tpu.memory_space<vmem>> -> memref<1x8x128xf32, #tpu.memory_space<vmem>>
    %dma_start3A_109 = tpu.memref_squeeze %dma_start3A_108 : memref<1x8x128xf32, #tpu.memory_space<vmem>> -> memref<8x128xf32, #tpu.memory_space<vmem>>
    %dma_start3A_110 = tpu.memref_slice %arg2[%multiple_of3A_99, %multiple_of3A_96] : memref<2048x32000xf32, #tpu.memory_space<hbm>> -> memref<8x128xf32, #tpu.memory_space<hbm>>
    tpu.enqueue_dma source(%dma_start3A_110 : memref<8x128xf32, #tpu.memory_space<hbm>>) target(%dma_start3A_109 : memref<8x128xf32, #tpu.memory_space<vmem>>) target_semaphore(%arg14 : memref<!tpu.dma_semaphore, #tpu.memory_space<semaphore_mem>>)
    %get3A_111 = arith.constant 0 : index
    %get3A_112 = tpu.vector_load %arg6[%get3A_111] {strides = array<i32>} : memref<64xi32, #tpu.memory_space<vmem>>, vector<16xi32>,
    %eq3A_113 = arith.constant 2 : i32
    %eq3A_114 = vector.broadcast %eq3A_113 : i32 to vector<16xi32>
    %eq3A_115 = arith.cmpi eq, %iota3A_57, %eq3A_114 : vector<16xi32>
    %jit3A_116 = arith.constant 0 : i32
    %broadcast_in_dim3A_117 = vector.broadcast %jit3A_116 : i32 to vector<16xi32>
    %select_n3A_118 = arith.select %eq3A_115, %get3A_112, %broadcast_in_dim3A_117 : vector<16xi1>, vector<16xi32>
    %reduce_sum3A_119 = arith.constant true
    %reduce_sum3A_120 = vector.broadcast %reduce_sum3A_119 : i1 to vector<16xi1>
    %reduce_sum3A_121 = tpu.scan <sum>, %select_n3A_118 masked %reduce_sum3A_120 : vector<16xi32>, vector<16xi1> -> vector<16xi32>
    %reduce_sum3A_122 = vector.extract %reduce_sum3A_121[15] : i32 from vector<16xi32>
    %and3A_123 = arith.constant 127 : i32
    %and3A_124 = arith.andi %reduce_sum3A_122, %and3A_123 : i32
    %sub3A_125 = arith.subi %reduce_sum3A_122, %and3A_124 : i32
    %multiple_of3A_126 = tpu.assume_multiple %sub3A_125, 128 : i32
    %add3A_127 = arith.constant 0 : i32
    %add3A_128 = arith.addi %mul3A_2, %add3A_127 : i32
    %multiple_of3A_129 = tpu.assume_multiple %add3A_128, 8 : i32
    %dma_start3A_130 = arith.constant 2 : i32
    %dma_start3A_131 = arith.constant 0 : i32
    %dma_start3A_132 = arith.constant 0 : i32
    %dma_start3A_133 = tpu.memref_slice %arg11[%dma_start3A_130, %dma_start3A_131, %dma_start3A_132] : memref<64x8x128xf32, #tpu.memory_space<vmem>> -> memref<1x8x128xf32, #tpu.memory_space<vmem>>
    %dma_start3A_134 = tpu.memref_squeeze %dma_start3A_133 : memref<1x8x128xf32, #tpu.memory_space<vmem>> -> memref<8x128xf32, #tpu.memory_space<vmem>>
    %dma_start3A_135 = tpu.memref_slice %arg2[%multiple_of3A_129, %multiple_of3A_126] : memref<2048x32000xf32, #tpu.memory_space<hbm>> -> memref<8x128xf32, #tpu.memory_space<hbm>>
    %dma_start3A_136 = arith.constant 0 : i32
    %dma_start3A_137 = arith.constant 0 : i32
    %dma_start3A_138 = tpu.memref_slice %arg11[%dma_start3A_130, %dma_start3A_136, %dma_start3A_137] : memref<64x8x128xf32, #tpu.memory_space<vmem>> -> memref<1x8x128xf32, #tpu.memory_space<vmem>>
    %dma_start3A_139 = tpu.memref_squeeze %dma_start3A_138 : memref<1x8x128xf32, #tpu.memory_space<vmem>> -> memref<8x128xf32, #tpu.memory_space<vmem>>
    %dma_start3A_140 = tpu.memref_slice %arg2[%multiple_of3A_129, %multiple_of3A_126] : memref<2048x32000xf32, #tpu.memory_space<hbm>> -> memref<8x128xf32, #tpu.memory_space<hbm>>
    tpu.enqueue_dma source(%dma_start3A_140 : memref<8x128xf32, #tpu.memory_space<hbm>>) target(%dma_start3A_139 : memref<8x128xf32, #tpu.memory_space<vmem>>) target_semaphore(%arg14 : memref<!tpu.dma_semaphore, #tpu.memory_space<semaphore_mem>>)
    %get3A_141 = arith.constant 0 : index
    %get3A_142 = tpu.vector_load %arg6[%get3A_141] {strides = array<i32>} : memref<64xi32, #tpu.memory_space<vmem>>, vector<16xi32>,
    %eq3A_143 = arith.constant 3 : i32
    %eq3A_144 = vector.broadcast %eq3A_143 : i32 to vector<16xi32>
    %eq3A_145 = arith.cmpi eq, %iota3A_57, %eq3A_144 : vector<16xi32>
    %jit3A_146 = arith.constant 0 : i32
    %broadcast_in_dim3A_147 = vector.broadcast %jit3A_146 : i32 to vector<16xi32>
    %select_n3A_148 = arith.select %eq3A_145, %get3A_142, %broadcast_in_dim3A_147 : vector<16xi1>, vector<16xi32>
    %reduce_sum3A_149 = arith.constant true
    %reduce_sum3A_150 = vector.broadcast %reduce_sum3A_149 : i1 to vector<16xi1>
    %reduce_sum3A_151 = tpu.scan <sum>, %select_n3A_148 masked %reduce_sum3A_150 : vector<16xi32>, vector<16xi1> -> vector<16xi32>
    %reduce_sum3A_152 = vector.extract %reduce_sum3A_151[15] : i32 from vector<16xi32>
    %and3A_153 = arith.constant 127 : i32
    %and3A_154 = arith.andi %reduce_sum3A_152, %and3A_153 : i32
    %sub3A_155 = arith.subi %reduce_sum3A_152, %and3A_154 : i32
    %multiple_of3A_156 = tpu.assume_multiple %sub3A_155, 128 : i32
    %add3A_157 = arith.constant 0 : i32
    %add3A_158 = arith.addi %mul3A_2, %add3A_157 : i32
    %multiple_of3A_159 = tpu.assume_multiple %add3A_158, 8 : i32
    %dma_start3A_160 = arith.constant 3 : i32
    %dma_start3A_161 = arith.constant 0 : i32
    %dma_start3A_162 = arith.constant 0 : i32
    %dma_start3A_163 = tpu.memref_slice %arg11[%dma_start3A_160, %dma_start3A_161, %dma_start3A_162] : memref<64x8x128xf32, #tpu.memory_space<vmem>> -> memref<1x8x128xf32, #tpu.memory_space<vmem>>
    %dma_start3A_164 = tpu.memref_squeeze %dma_start3A_163 : memref<1x8x128xf32, #tpu.memory_space<vmem>> -> memref<8x128xf32, #tpu.memory_space<vmem>>
    %dma_start3A_165 = tpu.memref_slice %arg2[%multiple_of3A_159, %multiple_of3A_156] : memref<2048x32000xf32, #tpu.memory_space<hbm>> -> memref<8x128xf32, #tpu.memory_space<hbm>>
    %dma_start3A_166 = arith.constant 0 : i32
    %dma_start3A_167 = arith.constant 0 : i32
    %dma_start3A_168 = tpu.memref_slice %arg11[%dma_start3A_160, %dma_start3A_166, %dma_start3A_167] : memref<64x8x128xf32, #tpu.memory_space<vmem>> -> memref<1x8x128xf32, #tpu.memory_space<vmem>>
    %dma_start3A_169 = tpu.memref_squeeze %dma_start3A_168 : memref<1x8x128xf32, #tpu.memory_space<vmem>> -> memref<8x128xf32, #tpu.memory_space<vmem>>
    %dma_start3A_170 = tpu.memref_slice %arg2[%multiple_of3A_159, %multiple_of3A_156] : memref<2048x32000xf32, #tpu.memory_space<hbm>> -> memref<8x128xf32, #tpu.memory_space<hbm>>
    tpu.enqueue_dma source(%dma_start3A_170 : memref<8x128xf32, #tpu.memory_space<hbm>>) target(%dma_start3A_169 : memref<8x128xf32, #tpu.memory_space<vmem>>) target_semaphore(%arg14 : memref<!tpu.dma_semaphore, #tpu.memory_space<semaphore_mem>>)
    %get3A_171 = arith.constant 0 : index
    %get3A_172 = tpu.vector_load %arg6[%get3A_171] {strides = array<i32>} : memref<64xi32, #tpu.memory_space<vmem>>, vector<16xi32>,
    %eq3A_173 = arith.constant 4 : i32
    %eq3A_174 = vector.broadcast %eq3A_173 : i32 to vector<16xi32>
    %eq3A_175 = arith.cmpi eq, %iota3A_57, %eq3A_174 : vector<16xi32>
    %jit3A_176 = arith.constant 0 : i32
    %broadcast_in_dim3A_177 = vector.broadcast %jit3A_176 : i32 to vector<16xi32>
    %select_n3A_178 = arith.select %eq3A_175, %get3A_172, %broadcast_in_dim3A_177 : vector<16xi1>, vector<16xi32>
    %reduce_sum3A_179 = arith.constant true
    %reduce_sum3A_180 = vector.broadcast %reduce_sum3A_179 : i1 to vector<16xi1>
    %reduce_sum3A_181 = tpu.scan <sum>, %select_n3A_178 masked %reduce_sum3A_180 : vector<16xi32>, vector<16xi1> -> vector<16xi32>
    %reduce_sum3A_182 = vector.extract %reduce_sum3A_181[15] : i32 from vector<16xi32>
    %and3A_183 = arith.constant 127 : i32
    %and3A_184 = arith.andi %reduce_sum3A_182, %and3A_183 : i32
    %sub3A_185 = arith.subi %reduce_sum3A_182, %and3A_184 : i32
    %multiple_of3A_186 = tpu.assume_multiple %sub3A_185, 128 : i32
    %add3A_187 = arith.constant 0 : i32
    %add3A_188 = arith.addi %mul3A_2, %add3A_187 : i32
    %multiple_of3A_189 = tpu.assume_multiple %add3A_188, 8 : i32
    %dma_start3A_190 = arith.constant 4 : i32
    %dma_start3A_191 = arith.constant 0 : i32
    %dma_start3A_192 = arith.constant 0 : i32
    %dma_start3A_193 = tpu.memref_slice %arg11[%dma_start3A_190, %dma_start3A_191, %dma_start3A_192] : memref<64x8x128xf32, #tpu.memory_space<vmem>> -> memref<1x8x128xf32, #tpu.memory_space<vmem>>
    %dma_start3A_194 = tpu.memref_squeeze %dma_start3A_193 : memref<1x8x128xf32, #tpu.memory_space<vmem>> -> memref<8x128xf32, #tpu.memory_space<vmem>>
    %dma_start3A_195 = tpu.memref_slice %arg2[%multiple_of3A_189, %multiple_of3A_186] : memref<2048x32000xf32, #tpu.memory_space<hbm>> -> memref<8x128xf32, #tpu.memory_space<hbm>>
    %dma_start3A_196 = arith.constant 0 : i32
    %dma_start3A_197 = arith.constant 0 : i32
    %dma_start3A_198 = tpu.memref_slice %arg11[%dma_start3A_190, %dma_start3A_196, %dma_start3A_197] : memref<64x8x128xf32, #tpu.memory_space<vmem>> -> memref<1x8x128xf32, #tpu.memory_space<vmem>>
    %dma_start3A_199 = tpu.memref_squeeze %dma_start3A_198 : memref<1x8x128xf32, #tpu.memory_space<vmem>> -> memref<8x128xf32, #tpu.memory_space<vmem>>
    %dma_start3A_200 = tpu.memref_slice %arg2[%multiple_of3A_189, %multiple_of3A_186] : memref<2048x32000xf32, #tpu.memory_space<hbm>> -> memref<8x128xf32, #tpu.memory_space<hbm>>
    tpu.enqueue_dma source(%dma_start3A_200 : memref<8x128xf32, #tpu.memory_space<hbm>>) target(%dma_start3A_199 : memref<8x128xf32, #tpu.memory_space<vmem>>) target_semaphore(%arg14 : memref<!tpu.dma_semaphore, #tpu.memory_space<semaphore_mem>>)
    %get3A_201 = arith.constant 0 : index
    %get3A_202 = tpu.vector_load %arg6[%get3A_201] {strides = array<i32>} : memref<64xi32, #tpu.memory_space<vmem>>, vector<16xi32>,
    %eq3A_203 = arith.constant 5 : i32
    %eq3A_204 = vector.broadcast %eq3A_203 : i32 to vector<16xi32>
    %eq3A_205 = arith.cmpi eq, %iota3A_57, %eq3A_204 : vector<16xi32>
    %jit3A_206 = arith.constant 0 : i32
    %broadcast_in_dim3A_207 = vector.broadcast %jit3A_206 : i32 to vector<16xi32>
    %select_n3A_208 = arith.select %eq3A_205, %get3A_202, %broadcast_in_dim3A_207 : vector<16xi1>, vector<16xi32>
    %reduce_sum3A_209 = arith.constant true
    %reduce_sum3A_210 = vector.broadcast %reduce_sum3A_209 : i1 to vector<16xi1>
    %reduce_sum3A_211 = tpu.scan <sum>, %select_n3A_208 masked %reduce_sum3A_210 : vector<16xi32>, vector<16xi1> -> vector<16xi32>
    %reduce_sum3A_212 = vector.extract %reduce_sum3A_211[15] : i32 from vector<16xi32>
    %and3A_213 = arith.constant 127 : i32
    %and3A_214 = arith.andi %reduce_sum3A_212, %and3A_213 : i32
    %sub3A_215 = arith.subi %reduce_sum3A_212, %and3A_214 : i32
    %multiple_of3A_216 = tpu.assume_multiple %sub3A_215, 128 : i32
    %add3A_217 = arith.constant 0 : i32
    %add3A_218 = arith.addi %mul3A_2, %add3A_217 : i32
    %multiple_of3A_219 = tpu.assume_multiple %add3A_218, 8 : i32
    %dma_start3A_220 = arith.constant 5 : i32
    %dma_start3A_221 = arith.constant 0 : i32
    %dma_start3A_222 = arith.constant 0 : i32
    %dma_start3A_223 = tpu.memref_slice %arg11[%dma_start3A_220, %dma_start3A_221, %dma_start3A_222] : memref<64x8x128xf32, #tpu.memory_space<vmem>> -> memref<1x8x128xf32, #tpu.memory_space<vmem>>
    %dma_start3A_224 = tpu.memref_squeeze %dma_start3A_223 : memref<1x8x128xf32, #tpu.memory_space<vmem>> -> memref<8x128xf32, #tpu.memory_space<vmem>>
    %dma_start3A_225 = tpu.memref_slice %arg2[%multiple_of3A_219, %multiple_of3A_216] : memref<2048x32000xf32, #tpu.memory_space<hbm>> -> memref<8x128xf32, #tpu.memory_space<hbm>>
    %dma_start3A_226 = arith.constant 0 : i32
    %dma_start3A_227 = arith.constant 0 : i32
    %dma_start3A_228 = tpu.memref_slice %arg11[%dma_start3A_220, %dma_start3A_226, %dma_start3A_227] : memref<64x8x128xf32, #tpu.memory_space<vmem>> -> memref<1x8x128xf32, #tpu.memory_space<vmem>>
    %dma_start3A_229 = tpu.memref_squeeze %dma_start3A_228 : memref<1x8x128xf32, #tpu.memory_space<vmem>> -> memref<8x128xf32, #tpu.memory_space<vmem>>
    %dma_start3A_230 = tpu.memref_slice %arg2[%multiple_of3A_219, %multiple_of3A_216] : memref<2048x32000xf32, #tpu.memory_space<hbm>> -> memref<8x128xf32, #tpu.memory_space<hbm>>
    tpu.enqueue_dma source(%dma_start3A_230 : memref<8x128xf32, #tpu.memory_space<hbm>>) target(%dma_start3A_229 : memref<8x128xf32, #tpu.memory_space<vmem>>) target_semaphore(%arg14 : memref<!tpu.dma_semaphore, #tpu.memory_space<semaphore_mem>>)
    %get3A_231 = arith.constant 0 : index
    %get3A_232 = tpu.vector_load %arg6[%get3A_231] {strides = array<i32>} : memref<64xi32, #tpu.memory_space<vmem>>, vector<16xi32>,
    %eq3A_233 = arith.constant 6 : i32
    %eq3A_234 = vector.broadcast %eq3A_233 : i32 to vector<16xi32>
    %eq3A_235 = arith.cmpi eq, %iota3A_57, %eq3A_234 : vector<16xi32>
    %jit3A_236 = arith.constant 0 : i32
    %broadcast_in_dim3A_237 = vector.broadcast %jit3A_236 : i32 to vector<16xi32>
    %select_n3A_238 = arith.select %eq3A_235, %get3A_232, %broadcast_in_dim3A_237 : vector<16xi1>, vector<16xi32>
    %reduce_sum3A_239 = arith.constant true
    %reduce_sum3A_240 = vector.broadcast %reduce_sum3A_239 : i1 to vector<16xi1>
    %reduce_sum3A_241 = tpu.scan <sum>, %select_n3A_238 masked %reduce_sum3A_240 : vector<16xi32>, vector<16xi1> -> vector<16xi32>
    %reduce_sum3A_242 = vector.extract %reduce_sum3A_241[15] : i32 from vector<16xi32>
    %and3A_243 = arith.constant 127 : i32
    %and3A_244 = arith.andi %reduce_sum3A_242, %and3A_243 : i32
    %sub3A_245 = arith.subi %reduce_sum3A_242, %and3A_244 : i32
    %multiple_of3A_246 = tpu.assume_multiple %sub3A_245, 128 : i32
    %add3A_247 = arith.constant 0 : i32
    %add3A_248 = arith.addi %mul3A_2, %add3A_247 : i32
    %multiple_of3A_249 = tpu.assume_multiple %add3A_248, 8 : i32
    %dma_start3A_250 = arith.constant 6 : i32
    %dma_start3A_251 = arith.constant 0 : i32
    %dma_start3A_252 = arith.constant 0 : i32
    %dma_start3A_253 = tpu.memref_slice %arg11[%dma_start3A_250, %dma_start3A_251, %dma_start3A_252] : memref<64x8x128xf32, #tpu.memory_space<vmem>> -> memref<1x8x128xf32, #tpu.memory_space<vmem>>
    %dma_start3A_254 = tpu.memref_squeeze %dma_start3A_253 : memref<1x8x128xf32, #tpu.memory_space<vmem>> -> memref<8x128xf32, #tpu.memory_space<vmem>>
    %dma_start3A_255 = tpu.memref_slice %arg2[%multiple_of3A_249, %multiple_of3A_246] : memref<2048x32000xf32, #tpu.memory_space<hbm>> -> memref<8x128xf32, #tpu.memory_space<hbm>>
    %dma_start3A_256 = arith.constant 0 : i32
    %dma_start3A_257 = arith.constant 0 : i32
    %dma_start3A_258 = tpu.memref_slice %arg11[%dma_start3A_250, %dma_start3A_256, %dma_start3A_257] : memref<64x8x128xf32, #tpu.memory_space<vmem>> -> memref<1x8x128xf32, #tpu.memory_space<vmem>>
    %dma_start3A_259 = tpu.memref_squeeze %dma_start3A_258 : memref<1x8x128xf32, #tpu.memory_space<vmem>> -> memref<8x128xf32, #tpu.memory_space<vmem>>
    %dma_start3A_260 = tpu.memref_slice %arg2[%multiple_of3A_249, %multiple_of3A_246] : memref<2048x32000xf32, #tpu.memory_space<hbm>> -> memref<8x128xf32, #tpu.memory_space<hbm>>
    tpu.enqueue_dma source(%dma_start3A_260 : memref<8x128xf32, #tpu.memory_space<hbm>>) target(%dma_start3A_259 : memref<8x128xf32, #tpu.memory_space<vmem>>) target_semaphore(%arg14 : memref<!tpu.dma_semaphore, #tpu.memory_space<semaphore_mem>>)
    %get3A_261 = arith.constant 0 : index
    %get3A_262 = tpu.vector_load %arg6[%get3A_261] {strides = array<i32>} : memref<64xi32, #tpu.memory_space<vmem>>, vector<16xi32>,
    %eq3A_263 = arith.constant 7 : i32
    %eq3A_264 = vector.broadcast %eq3A_263 : i32 to vector<16xi32>
    %eq3A_265 = arith.cmpi eq, %iota3A_57, %eq3A_264 : vector<16xi32>
    %jit3A_266 = arith.constant 0 : i32
    %broadcast_in_dim3A_267 = vector.broadcast %jit3A_266 : i32 to vector<16xi32>
    %select_n3A_268 = arith.select %eq3A_265, %get3A_262, %broadcast_in_dim3A_267 : vector<16xi1>, vector<16xi32>
    %reduce_sum3A_269 = arith.constant true
    %reduce_sum3A_270 = vector.broadcast %reduce_sum3A_269 : i1 to vector<16xi1>
    %reduce_sum3A_271 = tpu.scan <sum>, %select_n3A_268 masked %reduce_sum3A_270 : vector<16xi32>, vector<16xi1> -> vector<16xi32>
    %reduce_sum3A_272 = vector.extract %reduce_sum3A_271[15] : i32 from vector<16xi32>
    %and3A_273 = arith.constant 127 : i32
    %and3A_274 = arith.andi %reduce_sum3A_272, %and3A_273 : i32
    %sub3A_275 = arith.subi %reduce_sum3A_272, %and3A_274 : i32
    %multiple_of3A_276 = tpu.assume_multiple %sub3A_275, 128 : i32
    %add3A_277 = arith.constant 0 : i32
    %add3A_278 = arith.addi %mul3A_2, %add3A_277 : i32
    %multiple_of3A_279 = tpu.assume_multiple %add3A_278, 8 : i32
    %dma_start3A_280 = arith.constant 7 : i32
    %dma_start3A_281 = arith.constant 0 : i32
    %dma_start3A_282 = arith.constant 0 : i32
    %dma_start3A_283 = tpu.memref_slice %arg11[%dma_start3A_280, %dma_start3A_281, %dma_start3A_282] : memref<64x8x128xf32, #tpu.memory_space<vmem>> -> memref<1x8x128xf32, #tpu.memory_space<vmem>>
    %dma_start3A_284 = tpu.memref_squeeze %dma_start3A_283 : memref<1x8x128xf32, #tpu.memory_space<vmem>> -> memref<8x128xf32, #tpu.memory_space<vmem>>
    %dma_start3A_285 = tpu.memref_slice %arg2[%multiple_of3A_279, %multiple_of3A_276] : memref<2048x32000xf32, #tpu.memory_space<hbm>> -> memref<8x128xf32, #tpu.memory_space<hbm>>
    %dma_start3A_286 = arith.constant 0 : i32
    %dma_start3A_287 = arith.constant 0 : i32
    %dma_start3A_288 = tpu.memref_slice %arg11[%dma_start3A_280, %dma_start3A_286, %dma_start3A_287] : memref<64x8x128xf32, #tpu.memory_space<vmem>> -> memref<1x8x128xf32, #tpu.memory_space<vmem>>
    %dma_start3A_289 = tpu.memref_squeeze %dma_start3A_288 : memref<1x8x128xf32, #tpu.memory_space<vmem>> -> memref<8x128xf32, #tpu.memory_space<vmem>>
    %dma_start3A_290 = tpu.memref_slice %arg2[%multiple_of3A_279, %multiple_of3A_276] : memref<2048x32000xf32, #tpu.memory_space<hbm>> -> memref<8x128xf32, #tpu.memory_space<hbm>>
    tpu.enqueue_dma source(%dma_start3A_290 : memref<8x128xf32, #tpu.memory_space<hbm>>) target(%dma_start3A_289 : memref<8x128xf32, #tpu.memory_space<vmem>>) target_semaphore(%arg14 : memref<!tpu.dma_semaphore, #tpu.memory_space<semaphore_mem>>)
    %get3A_291 = arith.constant 0 : index
    %get3A_292 = tpu.vector_load %arg6[%get3A_291] {strides = array<i32>} : memref<64xi32, #tpu.memory_space<vmem>>, vector<16xi32>,
    %eq3A_293 = arith.constant 8 : i32
    %eq3A_294 = vector.broadcast %eq3A_293 : i32 to vector<16xi32>
    %eq3A_295 = arith.cmpi eq, %iota3A_57, %eq3A_294 : vector<16xi32>
    %jit3A_296 = arith.constant 0 : i32
    %broadcast_in_dim3A_297 = vector.broadcast %jit3A_296 : i32 to vector<16xi32>
    %select_n3A_298 = arith.select %eq3A_295, %get3A_292, %broadcast_in_dim3A_297 : vector<16xi1>, vector<16xi32>
    %reduce_sum3A_299 = arith.constant true
    %reduce_sum3A_300 = vector.broadcast %reduce_sum3A_299 : i1 to vector<16xi1>
    %reduce_sum3A_301 = tpu.scan <sum>, %select_n3A_298 masked %reduce_sum3A_300 : vector<16xi32>, vector<16xi1> -> vector<16xi32>
    %reduce_sum3A_302 = vector.extract %reduce_sum3A_301[15] : i32 from vector<16xi32>
    %and3A_303 = arith.constant 127 : i32
    %and3A_304 = arith.andi %reduce_sum3A_302, %and3A_303 : i32
    %sub3A_305 = arith.subi %reduce_sum3A_302, %and3A_304 : i32
    %multiple_of3A_306 = tpu.assume_multiple %sub3A_305, 128 : i32
    %add3A_307 = arith.constant 8 : i32
    %add3A_308 = arith.addi %mul3A_2, %add3A_307 : i32
    %multiple_of3A_309 = tpu.assume_multiple %add3A_308, 8 : i32
    %dma_start3A_310 = arith.constant 8 : i32
    %dma_start3A_311 = arith.constant 0 : i32
    %dma_start3A_312 = arith.constant 0 : i32
    %dma_start3A_313 = tpu.memref_slice %arg11[%dma_start3A_310, %dma_start3A_311, %dma_start3A_312] : memref<64x8x128xf32, #tpu.memory_space<vmem>> -> memref<1x8x128xf32, #tpu.memory_space<vmem>>
    %dma_start3A_314 = tpu.memref_squeeze %dma_start3A_313 : memref<1x8x128xf32, #tpu.memory_space<vmem>> -> memref<8x128xf32, #tpu.memory_space<vmem>>
    %dma_start3A_315 = tpu.memref_slice %arg2[%multiple_of3A_309, %multiple_of3A_306] : memref<2048x32000xf32, #tpu.memory_space<hbm>> -> memref<8x128xf32, #tpu.memory_space<hbm>>
    %dma_start3A_316 = arith.constant 0 : i32
    %dma_start3A_317 = arith.constant 0 : i32
    %dma_start3A_318 = tpu.memref_slice %arg11[%dma_start3A_310, %dma_start3A_316, %dma_start3A_317] : memref<64x8x128xf32, #tpu.memory_space<vmem>> -> memref<1x8x128xf32, #tpu.memory_space<vmem>>
    %dma_start3A_319 = tpu.memref_squeeze %dma_start3A_318 : memref<1x8x128xf32, #tpu.memory_space<vmem>> -> memref<8x128xf32, #tpu.memory_space<vmem>>
    %dma_start3A_320 = tpu.memref_slice %arg2[%multiple_of3A_309, %multiple_of3A_306] : memref<2048x32000xf32, #tpu.memory_space<hbm>> -> memref<8x128xf32, #tpu.memory_space<hbm>>
    tpu.enqueue_dma source(%dma_start3A_320 : memref<8x128xf32, #tpu.memory_space<hbm>>) target(%dma_start3A_319 : memref<8x128xf32, #tpu.memory_space<vmem>>) target_semaphore(%arg14 : memref<!tpu.dma_semaphore, #tpu.memory_space<semaphore_mem>>)
    %get3A_321 = arith.constant 0 : index
    %get3A_322 = tpu.vector_load %arg6[%get3A_321] {strides = array<i32>} : memref<64xi32, #tpu.memory_space<vmem>>, vector<16xi32>,
    %eq3A_323 = arith.constant 9 : i32
    %eq3A_324 = vector.broadcast %eq3A_323 : i32 to vector<16xi32>
    %eq3A_325 = arith.cmpi eq, %iota3A_57, %eq3A_324 : vector<16xi32>
    %jit3A_326 = arith.constant 0 : i32
    %broadcast_in_dim3A_327 = vector.broadcast %jit3A_326 : i32 to vector<16xi32>
    %select_n3A_328 = arith.select %eq3A_325, %get3A_322, %broadcast_in_dim3A_327 : vector<16xi1>, vector<16xi32>
    %reduce_sum3A_329 = arith.constant true
    %reduce_sum3A_330 = vector.broadcast %reduce_sum3A_329 : i1 to vector<16xi1>
    %reduce_sum3A_331 = tpu.scan <sum>, %select_n3A_328 masked %reduce_sum3A_330 : vector<16xi32>, vector<16xi1> -> vector<16xi32>
    %reduce_sum3A_332 = vector.extract %reduce_sum3A_331[15] : i32 from vector<16xi32>
    %and3A_333 = arith.constant 127 : i32
    %and3A_334 = arith.andi %reduce_sum3A_332, %and3A_333 : i32
    %sub3A_335 = arith.subi %reduce_sum3A_332, %and3A_334 : i32
    %multiple_of3A_336 = tpu.assume_multiple %sub3A_335, 128 : i32
    %add3A_337 = arith.constant 8 : i32
    %add3A_338 = arith.addi %mul3A_2, %add3A_337 : i32
    %multiple_of3A_339 = tpu.assume_multiple %add3A_338, 8 : i32
    %dma_start3A_340 = arith.constant 9 : i32
    %dma_start3A_341 = arith.constant 0 : i32
    %dma_start3A_342 = arith.constant 0 : i32
    %dma_start3A_343 = tpu.memref_slice %arg11[%dma_start3A_340, %dma_start3A_341, %dma_start3A_342] : memref<64x8x128xf32, #tpu.memory_space<vmem>> -> memref<1x8x128xf32, #tpu.memory_space<vmem>>
    %dma_start3A_344 = tpu.memref_squeeze %dma_start3A_343 : memref<1x8x128xf32, #tpu.memory_space<vmem>> -> memref<8x128xf32, #tpu.memory_space<vmem>>
    %dma_start3A_345 = tpu.memref_slice %arg2[%multiple_of3A_339, %multiple_of3A_336] : memref<2048x32000xf32, #tpu.memory_space<hbm>> -> memref<8x128xf32, #tpu.memory_space<hbm>>
    %dma_start3A_346 = arith.constant 0 : i32
    %dma_start3A_347 = arith.constant 0 : i32
    %dma_start3A_348 = tpu.memref_slice %arg11[%dma_start3A_340, %dma_start3A_346, %dma_start3A_347] : memref<64x8x128xf32, #tpu.memory_space<vmem>> -> memref<1x8x128xf32, #tpu.memory_space<vmem>>
    %dma_start3A_349 = tpu.memref_squeeze %dma_start3A_348 : memref<1x8x128xf32, #tpu.memory_space<vmem>> -> memref<8x128xf32, #tpu.memory_space<vmem>>
    %dma_start3A_350 = tpu.memref_slice %arg2[%multiple_of3A_339, %multiple_of3A_336] : memref<2048x32000xf32, #tpu.memory_space<hbm>> -> memref<8x128xf32, #tpu.memory_space<hbm>>
    tpu.enqueue_dma source(%dma_start3A_350 : memref<8x128xf32, #tpu.memory_space<hbm>>) target(%dma_start3A_349 : memref<8x128xf32, #tpu.memory_space<vmem>>) target_semaphore(%arg14 : memref<!tpu.dma_semaphore, #tpu.memory_space<semaphore_mem>>)
    %get3A_351 = arith.constant 0 : index
    %get3A_352 = tpu.vector_load %arg6[%get3A_351] {strides = array<i32>} : memref<64xi32, #tpu.memory_space<vmem>>, vector<16xi32>,
    %eq3A_353 = arith.constant 10 : i32
    %eq3A_354 = vector.broadcast %eq3A_353 : i32 to vector<16xi32>
    %eq3A_355 = arith.cmpi eq, %iota3A_57, %eq3A_354 : vector<16xi32>
    %jit3A_356 = arith.constant 0 : i32
    %broadcast_in_dim3A_357 = vector.broadcast %jit3A_356 : i32 to vector<16xi32>
    %select_n3A_358 = arith.select %eq3A_355, %get3A_352, %broadcast_in_dim3A_357 : vector<16xi1>, vector<16xi32>
    %reduce_sum3A_359 = arith.constant true
    %reduce_sum3A_360 = vector.broadcast %reduce_sum3A_359 : i1 to vector<16xi1>
    %reduce_sum3A_361 = tpu.scan <sum>, %select_n3A_358 masked %reduce_sum3A_360 : vector<16xi32>, vector<16xi1> -> vector<16xi32>
    %reduce_sum3A_362 = vector.extract %reduce_sum3A_361[15] : i32 from vector<16xi32>
    %and3A_363 = arith.constant 127 : i32
    %and3A_364 = arith.andi %reduce_sum3A_362, %and3A_363 : i32
    %sub3A_365 = arith.subi %reduce_sum3A_362, %and3A_364 : i32
    %multiple_of3A_366 = tpu.assume_multiple %sub3A_365, 128 : i32
    %add3A_367 = arith.constant 8 : i32
    %add3A_368 = arith.addi %mul3A_2, %add3A_367 : i32
    %multiple_of3A_369 = tpu.assume_multiple %add3A_368, 8 : i32
    %dma_start3A_370 = arith.constant 10 : i32
    %dma_start3A_371 = arith.constant 0 : i32
    %dma_start3A_372 = arith.constant 0 : i32
    %dma_start3A_373 = tpu.memref_slice %arg11[%dma_start3A_370, %dma_start3A_371, %dma_start3A_372] : memref<64x8x128xf32, #tpu.memory_space<vmem>> -> memref<1x8x128xf32, #tpu.memory_space<vmem>>
    %dma_start3A_374 = tpu.memref_squeeze %dma_start3A_373 : memref<1x8x128xf32, #tpu.memory_space<vmem>> -> memref<8x128xf32, #tpu.memory_space<vmem>>
    %dma_start3A_375 = tpu.memref_slice %arg2[%multiple_of3A_369, %multiple_of3A_366] : memref<2048x32000xf32, #tpu.memory_space<hbm>> -> memref<8x128xf32, #tpu.memory_space<hbm>>
    %dma_start3A_376 = arith.constant 0 : i32
    %dma_start3A_377 = arith.constant 0 : i32
    %dma_start3A_378 = tpu.memref_slice %arg11[%dma_start3A_370, %dma_start3A_376, %dma_start3A_377] : memref<64x8x128xf32, #tpu.memory_space<vmem>> -> memref<1x8x128xf32, #tpu.memory_space<vmem>>
    %dma_start3A_379 = tpu.memref_squeeze %dma_start3A_378 : memref<1x8x128xf32, #tpu.memory_space<vmem>> -> memref<8x128xf32, #tpu.memory_space<vmem>>
    %dma_start3A_380 = tpu.memref_slice %arg2[%multiple_of3A_369, %multiple_of3A_366] : memref<2048x32000xf32, #tpu.memory_space<hbm>> -> memref<8x128xf32, #tpu.memory_space<hbm>>
    tpu.enqueue_dma source(%dma_start3A_380 : memref<8x128xf32, #tpu.memory_space<hbm>>) target(%dma_start3A_379 : memref<8x128xf32, #tpu.memory_space<vmem>>) target_semaphore(%arg14 : memref<!tpu.dma_semaphore, #tpu.memory_space<semaphore_mem>>)
    %get3A_381 = arith.constant 0 : index
    %get3A_382 = tpu.vector_load %arg6[%get3A_381] {strides = array<i32>} : memref<64xi32, #tpu.memory_space<vmem>>, vector<16xi32>,
    %eq3A_383 = arith.constant 11 : i32
    %eq3A_384 = vector.broadcast %eq3A_383 : i32 to vector<16xi32>
    %eq3A_385 = arith.cmpi eq, %iota3A_57, %eq3A_384 : vector<16xi32>
    %jit3A_386 = arith.constant 0 : i32
    %broadcast_in_dim3A_387 = vector.broadcast %jit3A_386 : i32 to vector<16xi32>
    %select_n3A_388 = arith.select %eq3A_385, %get3A_382, %broadcast_in_dim3A_387 : vector<16xi1>, vector<16xi32>
    %reduce_sum3A_389 = arith.constant true
    %reduce_sum3A_390 = vector.broadcast %reduce_sum3A_389 : i1 to vector<16xi1>
    %reduce_sum3A_391 = tpu.scan <sum>, %select_n3A_388 masked %reduce_sum3A_390 : vector<16xi32>, vector<16xi1> -> vector<16xi32>
    %reduce_sum3A_392 = vector.extract %reduce_sum3A_391[15] : i32 from vector<16xi32>
    %and3A_393 = arith.constant 127 : i32
    %and3A_394 = arith.andi %reduce_sum3A_392, %and3A_393 : i32
    %sub3A_395 = arith.subi %reduce_sum3A_392, %and3A_394 : i32
    %multiple_of3A_396 = tpu.assume_multiple %sub3A_395, 128 : i32
    %add3A_397 = arith.constant 8 : i32
    %add3A_398 = arith.addi %mul3A_2, %add3A_397 : i32
    %multiple_of3A_399 = tpu.assume_multiple %add3A_398, 8 : i32
    %dma_start3A_400 = arith.constant 11 : i32
    %dma_start3A_401 = arith.constant 0 : i32
    %dma_start3A_402 = arith.constant 0 : i32
    %dma_start3A_403 = tpu.memref_slice %arg11[%dma_start3A_400, %dma_start3A_401, %dma_start3A_402] : memref<64x8x128xf32, #tpu.memory_space<vmem>> -> memref<1x8x128xf32, #tpu.memory_space<vmem>>
    %dma_start3A_404 = tpu.memref_squeeze %dma_start3A_403 : memref<1x8x128xf32, #tpu.memory_space<vmem>> -> memref<8x128xf32, #tpu.memory_space<vmem>>
    %dma_start3A_405 = tpu.memref_slice %arg2[%multiple_of3A_399, %multiple_of3A_396] : memref<2048x32000xf32, #tpu.memory_space<hbm>> -> memref<8x128xf32, #tpu.memory_space<hbm>>
    %dma_start3A_406 = arith.constant 0 : i32
    %dma_start3A_407 = arith.constant 0 : i32
    %dma_start3A_408 = tpu.memref_slice %arg11[%dma_start3A_400, %dma_start3A_406, %dma_start3A_407] : memref<64x8x128xf32, #tpu.memory_space<vmem>> -> memref<1x8x128xf32, #tpu.memory_space<vmem>>
    %dma_start3A_409 = tpu.memref_squeeze %dma_start3A_408 : memref<1x8x128xf32, #tpu.memory_space<vmem>> -> memref<8x128xf32, #tpu.memory_space<vmem>>
    %dma_start3A_410 = tpu.memref_slice %arg2[%multiple_of3A_399, %multiple_of3A_396] : memref<2048x32000xf32, #tpu.memory_space<hbm>> -> memref<8x128xf32, #tpu.memory_space<hbm>>
    tpu.enqueue_dma source(%dma_start3A_410 : memref<8x128xf32, #tpu.memory_space<hbm>>) target(%dma_start3A_409 : memref<8x128xf32, #tpu.memory_space<vmem>>) target_semaphore(%arg14 : memref<!tpu.dma_semaphore, #tpu.memory_space<semaphore_mem>>)
    %get3A_411 = arith.constant 0 : index
    %get3A_412 = tpu.vector_load %arg6[%get3A_411] {strides = array<i32>} : memref<64xi32, #tpu.memory_space<vmem>>, vector<16xi32>,
    %eq3A_413 = arith.constant 12 : i32
    %eq3A_414 = vector.broadcast %eq3A_413 : i32 to vector<16xi32>
    %eq3A_415 = arith.cmpi eq, %iota3A_57, %eq3A_414 : vector<16xi32>
    %jit3A_416 = arith.constant 0 : i32
    %broadcast_in_dim3A_417 = vector.broadcast %jit3A_416 : i32 to vector<16xi32>
    %select_n3A_418 = arith.select %eq3A_415, %get3A_412, %broadcast_in_dim3A_417 : vector<16xi1>, vector<16xi32>
    %reduce_sum3A_419 = arith.constant true
    %reduce_sum3A_420 = vector.broadcast %reduce_sum3A_419 : i1 to vector<16xi1>
    %reduce_sum3A_421 = tpu.scan <sum>, %select_n3A_418 masked %reduce_sum3A_420 : vector<16xi32>, vector<16xi1> -> vector<16xi32>
    %reduce_sum3A_422 = vector.extract %reduce_sum3A_421[15] : i32 from vector<16xi32>
    %and3A_423 = arith.constant 127 : i32
    %and3A_424 = arith.andi %reduce_sum3A_422, %and3A_423 : i32
    %sub3A_425 = arith.subi %reduce_sum3A_422, %and3A_424 : i32
    %multiple_of3A_426 = tpu.assume_multiple %sub3A_425, 128 : i32
    %add3A_427 = arith.constant 8 : i32
    %add3A_428 = arith.addi %mul3A_2, %add3A_427 : i32
    %multiple_of3A_429 = tpu.assume_multiple %add3A_428, 8 : i32
    %dma_start3A_430 = arith.constant 12 : i32
    %dma_start3A_431 = arith.constant 0 : i32
    %dma_start3A_432 = arith.constant 0 : i32
    %dma_start3A_433 = tpu.memref_slice %arg11[%dma_start3A_430, %dma_start3A_431, %dma_start3A_432] : memref<64x8x128xf32, #tpu.memory_space<vmem>> -> memref<1x8x128xf32, #tpu.memory_space<vmem>>
    %dma_start3A_434 = tpu.memref_squeeze %dma_start3A_433 : memref<1x8x128xf32, #tpu.memory_space<vmem>> -> memref<8x128xf32, #tpu.memory_space<vmem>>
    %dma_start3A_435 = tpu.memref_slice %arg2[%multiple_of3A_429, %multiple_of3A_426] : memref<2048x32000xf32, #tpu.memory_space<hbm>> -> memref<8x128xf32, #tpu.memory_space<hbm>>
    %dma_start3A_436 = arith.constant 0 : i32
    %dma_start3A_437 = arith.constant 0 : i32
    %dma_start3A_438 = tpu.memref_slice %arg11[%dma_start3A_430, %dma_start3A_436, %dma_start3A_437] : memref<64x8x128xf32, #tpu.memory_space<vmem>> -> memref<1x8x128xf32, #tpu.memory_space<vmem>>
    %dma_start3A_439 = tpu.memref_squeeze %dma_start3A_438 : memref<1x8x128xf32, #tpu.memory_space<vmem>> -> memref<8x128xf32, #tpu.memory_space<vmem>>
    %dma_start3A_440 = tpu.memref_slice %arg2[%multiple_of3A_429, %multiple_of3A_426] : memref<2048x32000xf32, #tpu.memory_space<hbm>> -> memref<8x128xf32, #tpu.memory_space<hbm>>
    tpu.enqueue_dma source(%dma_start3A_440 : memref<8x128xf32, #tpu.memory_space<hbm>>) target(%dma_start3A_439 : memref<8x128xf32, #tpu.memory_space<vmem>>) target_semaphore(%arg14 : memref<!tpu.dma_semaphore, #tpu.memory_space<semaphore_mem>>)
    %get3A_441 = arith.constant 0 : index
    %get3A_442 = tpu.vector_load %arg6[%get3A_441] {strides = array<i32>} : memref<64xi32, #tpu.memory_space<vmem>>, vector<16xi32>,
    %eq3A_443 = arith.constant 13 : i32
    %eq3A_444 = vector.broadcast %eq3A_443 : i32 to vector<16xi32>
    %eq3A_445 = arith.cmpi eq, %iota3A_57, %eq3A_444 : vector<16xi32>
    %jit3A_446 = arith.constant 0 : i32
    %broadcast_in_dim3A_447 = vector.broadcast %jit3A_446 : i32 to vector<16xi32>
    %select_n3A_448 = arith.select %eq3A_445, %get3A_442, %broadcast_in_dim3A_447 : vector<16xi1>, vector<16xi32>
    %reduce_sum3A_449 = arith.constant true
    %reduce_sum3A_450 = vector.broadcast %reduce_sum3A_449 : i1 to vector<16xi1>
    %reduce_sum3A_451 = tpu.scan <sum>, %select_n3A_448 masked %reduce_sum3A_450 : vector<16xi32>, vector<16xi1> -> vector<16xi32>
    %reduce_sum3A_452 = vector.extract %reduce_sum3A_451[15] : i32 from vector<16xi32>
    %and3A_453 = arith.constant 127 : i32
    %and3A_454 = arith.andi %reduce_sum3A_452, %and3A_453 : i32
    %sub3A_455 = arith.subi %reduce_sum3A_452, %and3A_454 : i32
    %multiple_of3A_456 = tpu.assume_multiple %sub3A_455, 128 : i32
    %add3A_457 = arith.constant 8 : i32
    %add3A_458 = arith.addi %mul3A_2, %add3A_457 : i32
    %multiple_of3A_459 = tpu.assume_multiple %add3A_458, 8 : i32
    %dma_start3A_460 = arith.constant 13 : i32
    %dma_start3A_461 = arith.constant 0 : i32
    %dma_start3A_462 = arith.constant 0 : i32
    %dma_start3A_463 = tpu.memref_slice %arg11[%dma_start3A_460, %dma_start3A_461, %dma_start3A_462] : memref<64x8x128xf32, #tpu.memory_space<vmem>> -> memref<1x8x128xf32, #tpu.memory_space<vmem>>
    %dma_start3A_464 = tpu.memref_squeeze %dma_start3A_463 : memref<1x8x128xf32, #tpu.memory_space<vmem>> -> memref<8x128xf32, #tpu.memory_space<vmem>>
    %dma_start3A_465 = tpu.memref_slice %arg2[%multiple_of3A_459, %multiple_of3A_456] : memref<2048x32000xf32, #tpu.memory_space<hbm>> -> memref<8x128xf32, #tpu.memory_space<hbm>>
    %dma_start3A_466 = arith.constant 0 : i32
    %dma_start3A_467 = arith.constant 0 : i32
    %dma_start3A_468 = tpu.memref_slice %arg11[%dma_start3A_460, %dma_start3A_466, %dma_start3A_467] : memref<64x8x128xf32, #tpu.memory_space<vmem>> -> memref<1x8x128xf32, #tpu.memory_space<vmem>>
    %dma_start3A_469 = tpu.memref_squeeze %dma_start3A_468 : memref<1x8x128xf32, #tpu.memory_space<vmem>> -> memref<8x128xf32, #tpu.memory_space<vmem>>
    %dma_start3A_470 = tpu.memref_slice %arg2[%multiple_of3A_459, %multiple_of3A_456] : memref<2048x32000xf32, #tpu.memory_space<hbm>> -> memref<8x128xf32, #tpu.memory_space<hbm>>
    tpu.enqueue_dma source(%dma_start3A_470 : memref<8x128xf32, #tpu.memory_space<hbm>>) target(%dma_start3A_469 : memref<8x128xf32, #tpu.memory_space<vmem>>) target_semaphore(%arg14 : memref<!tpu.dma_semaphore, #tpu.memory_space<semaphore_mem>>)
    %get3A_471 = arith.constant 0 : index
    %get3A_472 = tpu.vector_load %arg6[%get3A_471] {strides = array<i32>} : memref<64xi32, #tpu.memory_space<vmem>>, vector<16xi32>,
    %eq3A_473 = arith.constant 14 : i32
    %eq3A_474 = vector.broadcast %eq3A_473 : i32 to vector<16xi32>
    %eq3A_475 = arith.cmpi eq, %iota3A_57, %eq3A_474 : vector<16xi32>
    %jit3A_476 = arith.constant 0 : i32
    %broadcast_in_dim3A_477 = vector.broadcast %jit3A_476 : i32 to vector<16xi32>
    %select_n3A_478 = arith.select %eq3A_475, %get3A_472, %broadcast_in_dim3A_477 : vector<16xi1>, vector<16xi32>
    %reduce_sum3A_479 = arith.constant true
    %reduce_sum3A_480 = vector.broadcast %reduce_sum3A_479 : i1 to vector<16xi1>
    %reduce_sum3A_481 = tpu.scan <sum>, %select_n3A_478 masked %reduce_sum3A_480 : vector<16xi32>, vector<16xi1> -> vector<16xi32>
    %reduce_sum3A_482 = vector.extract %reduce_sum3A_481[15] : i32 from vector<16xi32>
    %and3A_483 = arith.constant 127 : i32
    %and3A_484 = arith.andi %reduce_sum3A_482, %and3A_483 : i32
    %sub3A_485 = arith.subi %reduce_sum3A_482, %and3A_484 : i32
    %multiple_of3A_486 = tpu.assume_multiple %sub3A_485, 128 : i32
    %add3A_487 = arith.constant 8 : i32
    %add3A_488 = arith.addi %mul3A_2, %add3A_487 : i32
    %multiple_of3A_489 = tpu.assume_multiple %add3A_488, 8 : i32
    %dma_start3A_490 = arith.constant 14 : i32
    %dma_start3A_491 = arith.constant 0 : i32
    %dma_start3A_492 = arith.constant 0 : i32
    %dma_start3A_493 = tpu.memref_slice %arg11[%dma_start3A_490, %dma_start3A_491, %dma_start3A_492] : memref<64x8x128xf32, #tpu.memory_space<vmem>> -> memref<1x8x128xf32, #tpu.memory_space<vmem>>
    %dma_start3A_494 = tpu.memref_squeeze %dma_start3A_493 : memref<1x8x128xf32, #tpu.memory_space<vmem>> -> memref<8x128xf32, #tpu.memory_space<vmem>>
    %dma_start3A_495 = tpu.memref_slice %arg2[%multiple_of3A_489, %multiple_of3A_486] : memref<2048x32000xf32, #tpu.memory_space<hbm>> -> memref<8x128xf32, #tpu.memory_space<hbm>>
    %dma_start3A_496 = arith.constant 0 : i32
    %dma_start3A_497 = arith.constant 0 : i32
    %dma_start3A_498 = tpu.memref_slice %arg11[%dma_start3A_490, %dma_start3A_496, %dma_start3A_497] : memref<64x8x128xf32, #tpu.memory_space<vmem>> -> memref<1x8x128xf32, #tpu.memory_space<vmem>>
    %dma_start3A_499 = tpu.memref_squeeze %dma_start3A_498 : memref<1x8x128xf32, #tpu.memory_space<vmem>> -> memref<8x128xf32, #tpu.memory_space<vmem>>
    %dma_start3A_500 = tpu.memref_slice %arg2[%multiple_of3A_489, %multiple_of3A_486] : memref<2048x32000xf32, #tpu.memory_space<hbm>> -> memref<8x128xf32, #tpu.memory_space<hbm>>
    tpu.enqueue_dma source(%dma_start3A_500 : memref<8x128xf32, #tpu.memory_space<hbm>>) target(%dma_start3A_499 : memref<8x128xf32, #tpu.memory_space<vmem>>) target_semaphore(%arg14 : memref<!tpu.dma_semaphore, #tpu.memory_space<semaphore_mem>>)
    %get3A_501 = arith.constant 0 : index
    %get3A_502 = tpu.vector_load %arg6[%get3A_501] {strides = array<i32>} : memref<64xi32, #tpu.memory_space<vmem>>, vector<16xi32>,
    %eq3A_503 = arith.constant 15 : i32
    %eq3A_504 = vector.broadcast %eq3A_503 : i32 to vector<16xi32>
    %eq3A_505 = arith.cmpi eq, %iota3A_57, %eq3A_504 : vector<16xi32>
    %jit3A_506 = arith.constant 0 : i32
    %broadcast_in_dim3A_507 = vector.broadcast %jit3A_506 : i32 to vector<16xi32>
    %select_n3A_508 = arith.select %eq3A_505, %get3A_502, %broadcast_in_dim3A_507 : vector<16xi1>, vector<16xi32>
    %reduce_sum3A_509 = arith.constant true
    %reduce_sum3A_510 = vector.broadcast %reduce_sum3A_509 : i1 to vector<16xi1>
    %reduce_sum3A_511 = tpu.scan <sum>, %select_n3A_508 masked %reduce_sum3A_510 : vector<16xi32>, vector<16xi1> -> vector<16xi32>
    %reduce_sum3A_512 = vector.extract %reduce_sum3A_511[15] : i32 from vector<16xi32>
    %and3A_513 = arith.constant 127 : i32
    %and3A_514 = arith.andi %reduce_sum3A_512, %and3A_513 : i32
    %sub3A_515 = arith.subi %reduce_sum3A_512, %and3A_514 : i32
    %multiple_of3A_516 = tpu.assume_multiple %sub3A_515, 128 : i32
    %add3A_517 = arith.constant 8 : i32
    %add3A_518 = arith.addi %mul3A_2, %add3A_517 : i32
    %multiple_of3A_519 = tpu.assume_multiple %add3A_518, 8 : i32
    %dma_start3A_520 = arith.constant 15 : i32
    %dma_start3A_521 = arith.constant 0 : i32
    %dma_start3A_522 = arith.constant 0 : i32
    %dma_start3A_523 = tpu.memref_slice %arg11[%dma_start3A_520, %dma_start3A_521, %dma_start3A_522] : memref<64x8x128xf32, #tpu.memory_space<vmem>> -> memref<1x8x128xf32, #tpu.memory_space<vmem>>
    %dma_start3A_524 = tpu.memref_squeeze %dma_start3A_523 : memref<1x8x128xf32, #tpu.memory_space<vmem>> -> memref<8x128xf32, #tpu.memory_space<vmem>>
    %dma_start3A_525 = tpu.memref_slice %arg2[%multiple_of3A_519, %multiple_of3A_516] : memref<2048x32000xf32, #tpu.memory_space<hbm>> -> memref<8x128xf32, #tpu.memory_space<hbm>>
    %dma_start3A_526 = arith.constant 0 : i32
    %dma_start3A_527 = arith.constant 0 : i32
    %dma_start3A_528 = tpu.memref_slice %arg11[%dma_start3A_520, %dma_start3A_526, %dma_start3A_527] : memref<64x8x128xf32, #tpu.memory_space<vmem>> -> memref<1x8x128xf32, #tpu.memory_space<vmem>>
    %dma_start3A_529 = tpu.memref_squeeze %dma_start3A_528 : memref<1x8x128xf32, #tpu.memory_space<vmem>> -> memref<8x128xf32, #tpu.memory_space<vmem>>
    %dma_start3A_530 = tpu.memref_slice %arg2[%multiple_of3A_519, %multiple_of3A_516] : memref<2048x32000xf32, #tpu.memory_space<hbm>> -> memref<8x128xf32, #tpu.memory_space<hbm>>
    tpu.enqueue_dma source(%dma_start3A_530 : memref<8x128xf32, #tpu.memory_space<hbm>>) target(%dma_start3A_529 : memref<8x128xf32, #tpu.memory_space<vmem>>) target_semaphore(%arg14 : memref<!tpu.dma_semaphore, #tpu.memory_space<semaphore_mem>>)
    %get3A_531 = arith.constant 16 : index
    %get3A_532 = tpu.vector_load %arg6[%get3A_531] {strides = array<i32>} : memref<64xi32, #tpu.memory_space<vmem>>, vector<16xi32>,
    %eq3A_533 = arith.constant 0 : i32
    %eq3A_534 = vector.broadcast %eq3A_533 : i32 to vector<16xi32>
    %eq3A_535 = arith.cmpi eq, %iota3A_57, %eq3A_534 : vector<16xi32>
    %jit3A_536 = arith.constant 0 : i32
    %broadcast_in_dim3A_537 = vector.broadcast %jit3A_536 : i32 to vector<16xi32>
    %select_n3A_538 = arith.select %eq3A_535, %get3A_532, %broadcast_in_dim3A_537 : vector<16xi1>, vector<16xi32>
    %reduce_sum3A_539 = arith.constant true
    %reduce_sum3A_540 = vector.broadcast %reduce_sum3A_539 : i1 to vector<16xi1>
    %reduce_sum3A_541 = tpu.scan <sum>, %select_n3A_538 masked %reduce_sum3A_540 : vector<16xi32>, vector<16xi1> -> vector<16xi32>
    %reduce_sum3A_542 = vector.extract %reduce_sum3A_541[15] : i32 from vector<16xi32>
    %and3A_543 = arith.constant 127 : i32
    %and3A_544 = arith.andi %reduce_sum3A_542, %and3A_543 : i32
    %sub3A_545 = arith.subi %reduce_sum3A_542, %and3A_544 : i32
    %multiple_of3A_546 = tpu.assume_multiple %sub3A_545, 128 : i32
    %add3A_547 = arith.constant 16 : i32
    %add3A_548 = arith.addi %mul3A_2, %add3A_547 : i32
    %multiple_of3A_549 = tpu.assume_multiple %add3A_548, 8 : i32
    %dma_start3A_550 = arith.constant 16 : i32
    %dma_start3A_551 = arith.constant 0 : i32
    %dma_start3A_552 = arith.constant 0 : i32
    %dma_start3A_553 = tpu.memref_slice %arg11[%dma_start3A_550, %dma_start3A_551, %dma_start3A_552] : memref<64x8x128xf32, #tpu.memory_space<vmem>> -> memref<1x8x128xf32, #tpu.memory_space<vmem>>
    %dma_start3A_554 = tpu.memref_squeeze %dma_start3A_553 : memref<1x8x128xf32, #tpu.memory_space<vmem>> -> memref<8x128xf32, #tpu.memory_space<vmem>>
    %dma_start3A_555 = tpu.memref_slice %arg2[%multiple_of3A_549, %multiple_of3A_546] : memref<2048x32000xf32, #tpu.memory_space<hbm>> -> memref<8x128xf32, #tpu.memory_space<hbm>>
    %dma_start3A_556 = arith.constant 0 : i32
    %dma_start3A_557 = arith.constant 0 : i32
    %dma_start3A_558 = tpu.memref_slice %arg11[%dma_start3A_550, %dma_start3A_556, %dma_start3A_557] : memref<64x8x128xf32, #tpu.memory_space<vmem>> -> memref<1x8x128xf32, #tpu.memory_space<vmem>>
    %dma_start3A_559 = tpu.memref_squeeze %dma_start3A_558 : memref<1x8x128xf32, #tpu.memory_space<vmem>> -> memref<8x128xf32, #tpu.memory_space<vmem>>
    %dma_start3A_560 = tpu.memref_slice %arg2[%multiple_of3A_549, %multiple_of3A_546] : memref<2048x32000xf32, #tpu.memory_space<hbm>> -> memref<8x128xf32, #tpu.memory_space<hbm>>
    tpu.enqueue_dma source(%dma_start3A_560 : memref<8x128xf32, #tpu.memory_space<hbm>>) target(%dma_start3A_559 : memref<8x128xf32, #tpu.memory_space<vmem>>) target_semaphore(%arg14 : memref<!tpu.dma_semaphore, #tpu.memory_space<semaphore_mem>>)
    %get3A_561 = arith.constant 16 : index
    %get3A_562 = tpu.vector_load %arg6[%get3A_561] {strides = array<i32>} : memref<64xi32, #tpu.memory_space<vmem>>, vector<16xi32>,
    %eq3A_563 = arith.constant 1 : i32
    %eq3A_564 = vector.broadcast %eq3A_563 : i32 to vector<16xi32>
    %eq3A_565 = arith.cmpi eq, %iota3A_57, %eq3A_564 : vector<16xi32>
    %jit3A_566 = arith.constant 0 : i32
    %broadcast_in_dim3A_567 = vector.broadcast %jit3A_566 : i32 to vector<16xi32>
    %select_n3A_568 = arith.select %eq3A_565, %get3A_562, %broadcast_in_dim3A_567 : vector<16xi1>, vector<16xi32>
    %reduce_sum3A_569 = arith.constant true
    %reduce_sum3A_570 = vector.broadcast %reduce_sum3A_569 : i1 to vector<16xi1>
    %reduce_sum3A_571 = tpu.scan <sum>, %select_n3A_568 masked %reduce_sum3A_570 : vector<16xi32>, vector<16xi1> -> vector<16xi32>
    %reduce_sum3A_572 = vector.extract %reduce_sum3A_571[15] : i32 from vector<16xi32>
    %and3A_573 = arith.constant 127 : i32
    %and3A_574 = arith.andi %reduce_sum3A_572, %and3A_573 : i32
    %sub3A_575 = arith.subi %reduce_sum3A_572, %and3A_574 : i32
    %multiple_of3A_576 = tpu.assume_multiple %sub3A_575, 128 : i32
    %add3A_577 = arith.constant 16 : i32
    %add3A_578 = arith.addi %mul3A_2, %add3A_577 : i32
    %multiple_of3A_579 = tpu.assume_multiple %add3A_578, 8 : i32
    %dma_start3A_580 = arith.constant 17 : i32
    %dma_start3A_581 = arith.constant 0 : i32
    %dma_start3A_582 = arith.constant 0 : i32
    %dma_start3A_583 = tpu.memref_slice %arg11[%dma_start3A_580, %dma_start3A_581, %dma_start3A_582] : memref<64x8x128xf32, #tpu.memory_space<vmem>> -> memref<1x8x128xf32, #tpu.memory_space<vmem>>
    %dma_start3A_584 = tpu.memref_squeeze %dma_start3A_583 : memref<1x8x128xf32, #tpu.memory_space<vmem>> -> memref<8x128xf32, #tpu.memory_space<vmem>>
    %dma_start3A_585 = tpu.memref_slice %arg2[%multiple_of3A_579, %multiple_of3A_576] : memref<2048x32000xf32, #tpu.memory_space<hbm>> -> memref<8x128xf32, #tpu.memory_space<hbm>>
    %dma_start3A_586 = arith.constant 0 : i32
    %dma_start3A_587 = arith.constant 0 : i32
    %dma_start3A_588 = tpu.memref_slice %arg11[%dma_start3A_580, %dma_start3A_586, %dma_start3A_587] : memref<64x8x128xf32, #tpu.memory_space<vmem>> -> memref<1x8x128xf32, #tpu.memory_space<vmem>>
    %dma_start3A_589 = tpu.memref_squeeze %dma_start3A_588 : memref<1x8x128xf32, #tpu.memory_space<vmem>> -> memref<8x128xf32, #tpu.memory_space<vmem>>
    %dma_start3A_590 = tpu.memref_slice %arg2[%multiple_of3A_579, %multiple_of3A_576] : memref<2048x32000xf32, #tpu.memory_space<hbm>> -> memref<8x128xf32, #tpu.memory_space<hbm>>
    tpu.enqueue_dma source(%dma_start3A_590 : memref<8x128xf32, #tpu.memory_space<hbm>>) target(%dma_start3A_589 : memref<8x128xf32, #tpu.memory_space<vmem>>) target_semaphore(%arg14 : memref<!tpu.dma_semaphore, #tpu.memory_space<semaphore_mem>>)
    %get3A_591 = arith.constant 16 : index
    %get3A_592 = tpu.vector_load %arg6[%get3A_591] {strides = array<i32>} : memref<64xi32, #tpu.memory_space<vmem>>, vector<16xi32>,
    %eq3A_593 = arith.constant 2 : i32
    %eq3A_594 = vector.broadcast %eq3A_593 : i32 to vector<16xi32>
    %eq3A_595 = arith.cmpi eq, %iota3A_57, %eq3A_594 : vector<16xi32>
    %jit3A_596 = arith.constant 0 : i32
    %broadcast_in_dim3A_597 = vector.broadcast %jit3A_596 : i32 to vector<16xi32>
    %select_n3A_598 = arith.select %eq3A_595, %get3A_592, %broadcast_in_dim3A_597 : vector<16xi1>, vector<16xi32>
    %reduce_sum3A_599 = arith.constant true
    %reduce_sum3A_600 = vector.broadcast %reduce_sum3A_599 : i1 to vector<16xi1>
    %reduce_sum3A_601 = tpu.scan <sum>, %select_n3A_598 masked %reduce_sum3A_600 : vector<16xi32>, vector<16xi1> -> vector<16xi32>
    %reduce_sum3A_602 = vector.extract %reduce_sum3A_601[15] : i32 from vector<16xi32>
    %and3A_603 = arith.constant 127 : i32
    %and3A_604 = arith.andi %reduce_sum3A_602, %and3A_603 : i32
    %sub3A_605 = arith.subi %reduce_sum3A_602, %and3A_604 : i32
    %multiple_of3A_606 = tpu.assume_multiple %sub3A_605, 128 : i32
    %add3A_607 = arith.constant 16 : i32
    %add3A_608 = arith.addi %mul3A_2, %add3A_607 : i32
    %multiple_of3A_609 = tpu.assume_multiple %add3A_608, 8 : i32
    %dma_start3A_610 = arith.constant 18 : i32
    %dma_start3A_611 = arith.constant 0 : i32
    %dma_start3A_612 = arith.constant 0 : i32
    %dma_start3A_613 = tpu.memref_slice %arg11[%dma_start3A_610, %dma_start3A_611, %dma_start3A_612] : memref<64x8x128xf32, #tpu.memory_space<vmem>> -> memref<1x8x128xf32, #tpu.memory_space<vmem>>
    %dma_start3A_614 = tpu.memref_squeeze %dma_start3A_613 : memref<1x8x128xf32, #tpu.memory_space<vmem>> -> memref<8x128xf32, #tpu.memory_space<vmem>>
    %dma_start3A_615 = tpu.memref_slice %arg2[%multiple_of3A_609, %multiple_of3A_606] : memref<2048x32000xf32, #tpu.memory_space<hbm>> -> memref<8x128xf32, #tpu.memory_space<hbm>>
    %dma_start3A_616 = arith.constant 0 : i32
    %dma_start3A_617 = arith.constant 0 : i32
    %dma_start3A_618 = tpu.memref_slice %arg11[%dma_start3A_610, %dma_start3A_616, %dma_start3A_617] : memref<64x8x128xf32, #tpu.memory_space<vmem>> -> memref<1x8x128xf32, #tpu.memory_space<vmem>>
    %dma_start3A_619 = tpu.memref_squeeze %dma_start3A_618 : memref<1x8x128xf32, #tpu.memory_space<vmem>> -> memref<8x128xf32, #tpu.memory_space<vmem>>
    %dma_start3A_620 = tpu.memref_slice %arg2[%multiple_of3A_609, %multiple_of3A_606] : memref<2048x32000xf32, #tpu.memory_space<hbm>> -> memref<8x128xf32, #tpu.memory_space<hbm>>
    tpu.enqueue_dma source(%dma_start3A_620 : memref<8x128xf32, #tpu.memory_space<hbm>>) target(%dma_start3A_619 : memref<8x128xf32, #tpu.memory_space<vmem>>) target_semaphore(%arg14 : memref<!tpu.dma_semaphore, #tpu.memory_space<semaphore_mem>>)
    %get3A_621 = arith.constant 16 : index
    %get3A_622 = tpu.vector_load %arg6[%get3A_621] {strides = array<i32>} : memref<64xi32, #tpu.memory_space<vmem>>, vector<16xi32>,
    %eq3A_623 = arith.constant 3 : i32
    %eq3A_624 = vector.broadcast %eq3A_623 : i32 to vector<16xi32>
    %eq3A_625 = arith.cmpi eq, %iota3A_57, %eq3A_624 : vector<16xi32>
    %jit3A_626 = arith.constant 0 : i32
    %broadcast_in_dim3A_627 = vector.broadcast %jit3A_626 : i32 to vector<16xi32>
    %select_n3A_628 = arith.select %eq3A_625, %get3A_622, %broadcast_in_dim3A_627 : vector<16xi1>, vector<16xi32>
    %reduce_sum3A_629 = arith.constant true
    %reduce_sum3A_630 = vector.broadcast %reduce_sum3A_629 : i1 to vector<16xi1>
    %reduce_sum3A_631 = tpu.scan <sum>, %select_n3A_628 masked %reduce_sum3A_630 : vector<16xi32>, vector<16xi1> -> vector<16xi32>
    %reduce_sum3A_632 = vector.extract %reduce_sum3A_631[15] : i32 from vector<16xi32>
    %and3A_633 = arith.constant 127 : i32
    %and3A_634 = arith.andi %reduce_sum3A_632, %and3A_633 : i32
    %sub3A_635 = arith.subi %reduce_sum3A_632, %and3A_634 : i32
    %multiple_of3A_636 = tpu.assume_multiple %sub3A_635, 128 : i32
    %add3A_637 = arith.constant 16 : i32
    %add3A_638 = arith.addi %mul3A_2, %add3A_637 : i32
    %multiple_of3A_639 = tpu.assume_multiple %add3A_638, 8 : i32
    %dma_start3A_640 = arith.constant 19 : i32
    %dma_start3A_641 = arith.constant 0 : i32
    %dma_start3A_642 = arith.constant 0 : i32
    %dma_start3A_643 = tpu.memref_slice %arg11[%dma_start3A_640, %dma_start3A_641, %dma_start3A_642] : memref<64x8x128xf32, #tpu.memory_space<vmem>> -> memref<1x8x128xf32, #tpu.memory_space<vmem>>
    %dma_start3A_644 = tpu.memref_squeeze %dma_start3A_643 : memref<1x8x128xf32, #tpu.memory_space<vmem>> -> memref<8x128xf32, #tpu.memory_space<vmem>>
    %dma_start3A_645 = tpu.memref_slice %arg2[%multiple_of3A_639, %multiple_of3A_636] : memref<2048x32000xf32, #tpu.memory_space<hbm>> -> memref<8x128xf32, #tpu.memory_space<hbm>>
    %dma_start3A_646 = arith.constant 0 : i32
    %dma_start3A_647 = arith.constant 0 : i32
    %dma_start3A_648 = tpu.memref_slice %arg11[%dma_start3A_640, %dma_start3A_646, %dma_start3A_647] : memref<64x8x128xf32, #tpu.memory_space<vmem>> -> memref<1x8x128xf32, #tpu.memory_space<vmem>>
    %dma_start3A_649 = tpu.memref_squeeze %dma_start3A_648 : memref<1x8x128xf32, #tpu.memory_space<vmem>> -> memref<8x128xf32, #tpu.memory_space<vmem>>
    %dma_start3A_650 = tpu.memref_slice %arg2[%multiple_of3A_639, %multiple_of3A_636] : memref<2048x32000xf32, #tpu.memory_space<hbm>> -> memref<8x128xf32, #tpu.memory_space<hbm>>
    tpu.enqueue_dma source(%dma_start3A_650 : memref<8x128xf32, #tpu.memory_space<hbm>>) target(%dma_start3A_649 : memref<8x128xf32, #tpu.memory_space<vmem>>) target_semaphore(%arg14 : memref<!tpu.dma_semaphore, #tpu.memory_space<semaphore_mem>>)
    %get3A_651 = arith.constant 16 : index
    %get3A_652 = tpu.vector_load %arg6[%get3A_651] {strides = array<i32>} : memref<64xi32, #tpu.memory_space<vmem>>, vector<16xi32>,
    %eq3A_653 = arith.constant 4 : i32
    %eq3A_654 = vector.broadcast %eq3A_653 : i32 to vector<16xi32>
    %eq3A_655 = arith.cmpi eq, %iota3A_57, %eq3A_654 : vector<16xi32>
    %jit3A_656 = arith.constant 0 : i32
    %broadcast_in_dim3A_657 = vector.broadcast %jit3A_656 : i32 to vector<16xi32>
    %select_n3A_658 = arith.select %eq3A_655, %get3A_652, %broadcast_in_dim3A_657 : vector<16xi1>, vector<16xi32>
    %reduce_sum3A_659 = arith.constant true
    %reduce_sum3A_660 = vector.broadcast %reduce_sum3A_659 : i1 to vector<16xi1>
    %reduce_sum3A_661 = tpu.scan <sum>, %select_n3A_658 masked %reduce_sum3A_660 : vector<16xi32>, vector<16xi1> -> vector<16xi32>
    %reduce_sum3A_662 = vector.extract %reduce_sum3A_661[15] : i32 from vector<16xi32>
    %and3A_663 = arith.constant 127 : i32
    %and3A_664 = arith.andi %reduce_sum3A_662, %and3A_663 : i32
    %sub3A_665 = arith.subi %reduce_sum3A_662, %and3A_664 : i32
    %multiple_of3A_666 = tpu.assume_multiple %sub3A_665, 128 : i32
    %add3A_667 = arith.constant 16 : i32
    %add3A_668 = arith.addi %mul3A_2, %add3A_667 : i32
    %multiple_of3A_669 = tpu.assume_multiple %add3A_668, 8 : i32
    %dma_start3A_670 = arith.constant 20 : i32
    %dma_start3A_671 = arith.constant 0 : i32
    %dma_start3A_672 = arith.constant 0 : i32
    %dma_start3A_673 = tpu.memref_slice %arg11[%dma_start3A_670, %dma_start3A_671, %dma_start3A_672] : memref<64x8x128xf32, #tpu.memory_space<vmem>> -> memref<1x8x128xf32, #tpu.memory_space<vmem>>
    %dma_start3A_674 = tpu.memref_squeeze %dma_start3A_673 : memref<1x8x128xf32, #tpu.memory_space<vmem>> -> memref<8x128xf32, #tpu.memory_space<vmem>>
    %dma_start3A_675 = tpu.memref_slice %arg2[%multiple_of3A_669, %multiple_of3A_666] : memref<2048x32000xf32, #tpu.memory_space<hbm>> -> memref<8x128xf32, #tpu.memory_space<hbm>>
    %dma_start3A_676 = arith.constant 0 : i32
    %dma_start3A_677 = arith.constant 0 : i32
    %dma_start3A_678 = tpu.memref_slice %arg11[%dma_start3A_670, %dma_start3A_676, %dma_start3A_677] : memref<64x8x128xf32, #tpu.memory_space<vmem>> -> memref<1x8x128xf32, #tpu.memory_space<vmem>>
    %dma_start3A_679 = tpu.memref_squeeze %dma_start3A_678 : memref<1x8x128xf32, #tpu.memory_space<vmem>> -> memref<8x128xf32, #tpu.memory_space<vmem>>
    %dma_start3A_680 = tpu.memref_slice %arg2[%multiple_of3A_669, %multiple_of3A_666] : memref<2048x32000xf32, #tpu.memory_space<hbm>> -> memref<8x128xf32, #tpu.memory_space<hbm>>
    tpu.enqueue_dma source(%dma_start3A_680 : memref<8x128xf32, #tpu.memory_space<hbm>>) target(%dma_start3A_679 : memref<8x128xf32, #tpu.memory_space<vmem>>) target_semaphore(%arg14 : memref<!tpu.dma_semaphore, #tpu.memory_space<semaphore_mem>>)
    %get3A_681 = arith.constant 16 : index
    %get3A_682 = tpu.vector_load %arg6[%get3A_681] {strides = array<i32>} : memref<64xi32, #tpu.memory_space<vmem>>, vector<16xi32>,
    %eq3A_683 = arith.constant 5 : i32
    %eq3A_684 = vector.broadcast %eq3A_683 : i32 to vector<16xi32>
    %eq3A_685 = arith.cmpi eq, %iota3A_57, %eq3A_684 : vector<16xi32>
    %jit3A_686 = arith.constant 0 : i32
    %broadcast_in_dim3A_687 = vector.broadcast %jit3A_686 : i32 to vector<16xi32>
    %select_n3A_688 = arith.select %eq3A_685, %get3A_682, %broadcast_in_dim3A_687 : vector<16xi1>, vector<16xi32>
    %reduce_sum3A_689 = arith.constant true
    %reduce_sum3A_690 = vector.broadcast %reduce_sum3A_689 : i1 to vector<16xi1>
    %reduce_sum3A_691 = tpu.scan <sum>, %select_n3A_688 masked %reduce_sum3A_690 : vector<16xi32>, vector<16xi1> -> vector<16xi32>
    %reduce_sum3A_692 = vector.extract %reduce_sum3A_691[15] : i32 from vector<16xi32>
    %and3A_693 = arith.constant 127 : i32
    %and3A_694 = arith.andi %reduce_sum3A_692, %and3A_693 : i32
    %sub3A_695 = arith.subi %reduce_sum3A_692, %and3A_694 : i32
    %multiple_of3A_696 = tpu.assume_multiple %sub3A_695, 128 : i32
    %add3A_697 = arith.constant 16 : i32
    %add3A_698 = arith.addi %mul3A_2, %add3A_697 : i32
    %multiple_of3A_699 = tpu.assume_multiple %add3A_698, 8 : i32
    %dma_start3A_700 = arith.constant 21 : i32
    %dma_start3A_701 = arith.constant 0 : i32
    %dma_start3A_702 = arith.constant 0 : i32
    %dma_start3A_703 = tpu.memref_slice %arg11[%dma_start3A_700, %dma_start3A_701, %dma_start3A_702] : memref<64x8x128xf32, #tpu.memory_space<vmem>> -> memref<1x8x128xf32, #tpu.memory_space<vmem>>
    %dma_start3A_704 = tpu.memref_squeeze %dma_start3A_703 : memref<1x8x128xf32, #tpu.memory_space<vmem>> -> memref<8x128xf32, #tpu.memory_space<vmem>>
    %dma_start3A_705 = tpu.memref_slice %arg2[%multiple_of3A_699, %multiple_of3A_696] : memref<2048x32000xf32, #tpu.memory_space<hbm>> -> memref<8x128xf32, #tpu.memory_space<hbm>>
    %dma_start3A_706 = arith.constant 0 : i32
    %dma_start3A_707 = arith.constant 0 : i32
    %dma_start3A_708 = tpu.memref_slice %arg11[%dma_start3A_700, %dma_start3A_706, %dma_start3A_707] : memref<64x8x128xf32, #tpu.memory_space<vmem>> -> memref<1x8x128xf32, #tpu.memory_space<vmem>>
    %dma_start3A_709 = tpu.memref_squeeze %dma_start3A_708 : memref<1x8x128xf32, #tpu.memory_space<vmem>> -> memref<8x128xf32, #tpu.memory_space<vmem>>
    %dma_start3A_710 = tpu.memref_slice %arg2[%multiple_of3A_699, %multiple_of3A_696] : memref<2048x32000xf32, #tpu.memory_space<hbm>> -> memref<8x128xf32, #tpu.memory_space<hbm>>
    tpu.enqueue_dma source(%dma_start3A_710 : memref<8x128xf32, #tpu.memory_space<hbm>>) target(%dma_start3A_709 : memref<8x128xf32, #tpu.memory_space<vmem>>) target_semaphore(%arg14 : memref<!tpu.dma_semaphore, #tpu.memory_space<semaphore_mem>>)
    %get3A_711 = arith.constant 16 : index
    %get3A_712 = tpu.vector_load %arg6[%get3A_711] {strides = array<i32>} : memref<64xi32, #tpu.memory_space<vmem>>, vector<16xi32>,
    %eq3A_713 = arith.constant 6 : i32
    %eq3A_714 = vector.broadcast %eq3A_713 : i32 to vector<16xi32>
    %eq3A_715 = arith.cmpi eq, %iota3A_57, %eq3A_714 : vector<16xi32>
    %jit3A_716 = arith.constant 0 : i32
    %broadcast_in_dim3A_717 = vector.broadcast %jit3A_716 : i32 to vector<16xi32>
    %select_n3A_718 = arith.select %eq3A_715, %get3A_712, %broadcast_in_dim3A_717 : vector<16xi1>, vector<16xi32>
    %reduce_sum3A_719 = arith.constant true
    %reduce_sum3A_720 = vector.broadcast %reduce_sum3A_719 : i1 to vector<16xi1>
    %reduce_sum3A_721 = tpu.scan <sum>, %select_n3A_718 masked %reduce_sum3A_720 : vector<16xi32>, vector<16xi1> -> vector<16xi32>
    %reduce_sum3A_722 = vector.extract %reduce_sum3A_721[15] : i32 from vector<16xi32>
    %and3A_723 = arith.constant 127 : i32
    %and3A_724 = arith.andi %reduce_sum3A_722, %and3A_723 : i32
    %sub3A_725 = arith.subi %reduce_sum3A_722, %and3A_724 : i32
    %multiple_of3A_726 = tpu.assume_multiple %sub3A_725, 128 : i32
    %add3A_727 = arith.constant 16 : i32
    %add3A_728 = arith.addi %mul3A_2, %add3A_727 : i32
    %multiple_of3A_729 = tpu.assume_multiple %add3A_728, 8 : i32
    %dma_start3A_730 = arith.constant 22 : i32
    %dma_start3A_731 = arith.constant 0 : i32
    %dma_start3A_732 = arith.constant 0 : i32
    %dma_start3A_733 = tpu.memref_slice %arg11[%dma_start3A_730, %dma_start3A_731, %dma_start3A_732] : memref<64x8x128xf32, #tpu.memory_space<vmem>> -> memref<1x8x128xf32, #tpu.memory_space<vmem>>
    %dma_start3A_734 = tpu.memref_squeeze %dma_start3A_733 : memref<1x8x128xf32, #tpu.memory_space<vmem>> -> memref<8x128xf32, #tpu.memory_space<vmem>>
    %dma_start3A_735 = tpu.memref_slice %arg2[%multiple_of3A_729, %multiple_of3A_726] : memref<2048x32000xf32, #tpu.memory_space<hbm>> -> memref<8x128xf32, #tpu.memory_space<hbm>>
    %dma_start3A_736 = arith.constant 0 : i32
    %dma_start3A_737 = arith.constant 0 : i32
    %dma_start3A_738 = tpu.memref_slice %arg11[%dma_start3A_730, %dma_start3A_736, %dma_start3A_737] : memref<64x8x128xf32, #tpu.memory_space<vmem>> -> memref<1x8x128xf32, #tpu.memory_space<vmem>>
    %dma_start3A_739 = tpu.memref_squeeze %dma_start3A_738 : memref<1x8x128xf32, #tpu.memory_space<vmem>> -> memref<8x128xf32, #tpu.memory_space<vmem>>
    %dma_start3A_740 = tpu.memref_slice %arg2[%multiple_of3A_729, %multiple_of3A_726] : memref<2048x32000xf32, #tpu.memory_space<hbm>> -> memref<8x128xf32, #tpu.memory_space<hbm>>
    tpu.enqueue_dma source(%dma_start3A_740 : memref<8x128xf32, #tpu.memory_space<hbm>>) target(%dma_start3A_739 : memref<8x128xf32, #tpu.memory_space<vmem>>) target_semaphore(%arg14 : memref<!tpu.dma_semaphore, #tpu.memory_space<semaphore_mem>>)
    %get3A_741 = arith.constant 16 : index
    %get3A_742 = tpu.vector_load %arg6[%get3A_741] {strides = array<i32>} : memref<64xi32, #tpu.memory_space<vmem>>, vector<16xi32>,
    %eq3A_743 = arith.constant 7 : i32
    %eq3A_744 = vector.broadcast %eq3A_743 : i32 to vector<16xi32>
    %eq3A_745 = arith.cmpi eq, %iota3A_57, %eq3A_744 : vector<16xi32>
    %jit3A_746 = arith.constant 0 : i32
    %broadcast_in_dim3A_747 = vector.broadcast %jit3A_746 : i32 to vector<16xi32>
    %select_n3A_748 = arith.select %eq3A_745, %get3A_742, %broadcast_in_dim3A_747 : vector<16xi1>, vector<16xi32>
    %reduce_sum3A_749 = arith.constant true
    %reduce_sum3A_750 = vector.broadcast %reduce_sum3A_749 : i1 to vector<16xi1>
    %reduce_sum3A_751 = tpu.scan <sum>, %select_n3A_748 masked %reduce_sum3A_750 : vector<16xi32>, vector<16xi1> -> vector<16xi32>
    %reduce_sum3A_752 = vector.extract %reduce_sum3A_751[15] : i32 from vector<16xi32>
    %and3A_753 = arith.constant 127 : i32
    %and3A_754 = arith.andi %reduce_sum3A_752, %and3A_753 : i32
    %sub3A_755 = arith.subi %reduce_sum3A_752, %and3A_754 : i32
    %multiple_of3A_756 = tpu.assume_multiple %sub3A_755, 128 : i32
    %add3A_757 = arith.constant 16 : i32
    %add3A_758 = arith.addi %mul3A_2, %add3A_757 : i32
    %multiple_of3A_759 = tpu.assume_multiple %add3A_758, 8 : i32
    %dma_start3A_760 = arith.constant 23 : i32
    %dma_start3A_761 = arith.constant 0 : i32
    %dma_start3A_762 = arith.constant 0 : i32
    %dma_start3A_763 = tpu.memref_slice %arg11[%dma_start3A_760, %dma_start3A_761, %dma_start3A_762] : memref<64x8x128xf32, #tpu.memory_space<vmem>> -> memref<1x8x128xf32, #tpu.memory_space<vmem>>
    %dma_start3A_764 = tpu.memref_squeeze %dma_start3A_763 : memref<1x8x128xf32, #tpu.memory_space<vmem>> -> memref<8x128xf32, #tpu.memory_space<vmem>>
    %dma_start3A_765 = tpu.memref_slice %arg2[%multiple_of3A_759, %multiple_of3A_756] : memref<2048x32000xf32, #tpu.memory_space<hbm>> -> memref<8x128xf32, #tpu.memory_space<hbm>>
    %dma_start3A_766 = arith.constant 0 : i32
    %dma_start3A_767 = arith.constant 0 : i32
    %dma_start3A_768 = tpu.memref_slice %arg11[%dma_start3A_760, %dma_start3A_766, %dma_start3A_767] : memref<64x8x128xf32, #tpu.memory_space<vmem>> -> memref<1x8x128xf32, #tpu.memory_space<vmem>>
    %dma_start3A_769 = tpu.memref_squeeze %dma_start3A_768 : memref<1x8x128xf32, #tpu.memory_space<vmem>> -> memref<8x128xf32, #tpu.memory_space<vmem>>
    %dma_start3A_770 = tpu.memref_slice %arg2[%multiple_of3A_759, %multiple_of3A_756] : memref<2048x32000xf32, #tpu.memory_space<hbm>> -> memref<8x128xf32, #tpu.memory_space<hbm>>
    tpu.enqueue_dma source(%dma_start3A_770 : memref<8x128xf32, #tpu.memory_space<hbm>>) target(%dma_start3A_769 : memref<8x128xf32, #tpu.memory_space<vmem>>) target_semaphore(%arg14 : memref<!tpu.dma_semaphore, #tpu.memory_space<semaphore_mem>>)
    %get3A_771 = arith.constant 16 : index
    %get3A_772 = tpu.vector_load %arg6[%get3A_771] {strides = array<i32>} : memref<64xi32, #tpu.memory_space<vmem>>, vector<16xi32>,
    %eq3A_773 = arith.constant 8 : i32
    %eq3A_774 = vector.broadcast %eq3A_773 : i32 to vector<16xi32>
    %eq3A_775 = arith.cmpi eq, %iota3A_57, %eq3A_774 : vector<16xi32>
    %jit3A_776 = arith.constant 0 : i32
    %broadcast_in_dim3A_777 = vector.broadcast %jit3A_776 : i32 to vector<16xi32>
    %select_n3A_778 = arith.select %eq3A_775, %get3A_772, %broadcast_in_dim3A_777 : vector<16xi1>, vector<16xi32>
    %reduce_sum3A_779 = arith.constant true
    %reduce_sum3A_780 = vector.broadcast %reduce_sum3A_779 : i1 to vector<16xi1>
    %reduce_sum3A_781 = tpu.scan <sum>, %select_n3A_778 masked %reduce_sum3A_780 : vector<16xi32>, vector<16xi1> -> vector<16xi32>
    %reduce_sum3A_782 = vector.extract %reduce_sum3A_781[15] : i32 from vector<16xi32>
    %and3A_783 = arith.constant 127 : i32
    %and3A_784 = arith.andi %reduce_sum3A_782, %and3A_783 : i32
    %sub3A_785 = arith.subi %reduce_sum3A_782, %and3A_784 : i32
    %multiple_of3A_786 = tpu.assume_multiple %sub3A_785, 128 : i32
    %add3A_787 = arith.constant 24 : i32
    %add3A_788 = arith.addi %mul3A_2, %add3A_787 : i32
    %multiple_of3A_789 = tpu.assume_multiple %add3A_788, 8 : i32
    %dma_start3A_790 = arith.constant 24 : i32
    %dma_start3A_791 = arith.constant 0 : i32
    %dma_start3A_792 = arith.constant 0 : i32
    %dma_start3A_793 = tpu.memref_slice %arg11[%dma_start3A_790, %dma_start3A_791, %dma_start3A_792] : memref<64x8x128xf32, #tpu.memory_space<vmem>> -> memref<1x8x128xf32, #tpu.memory_space<vmem>>
    %dma_start3A_794 = tpu.memref_squeeze %dma_start3A_793 : memref<1x8x128xf32, #tpu.memory_space<vmem>> -> memref<8x128xf32, #tpu.memory_space<vmem>>
    %dma_start3A_795 = tpu.memref_slice %arg2[%multiple_of3A_789, %multiple_of3A_786] : memref<2048x32000xf32, #tpu.memory_space<hbm>> -> memref<8x128xf32, #tpu.memory_space<hbm>>
    %dma_start3A_796 = arith.constant 0 : i32
    %dma_start3A_797 = arith.constant 0 : i32
    %dma_start3A_798 = tpu.memref_slice %arg11[%dma_start3A_790, %dma_start3A_796, %dma_start3A_797] : memref<64x8x128xf32, #tpu.memory_space<vmem>> -> memref<1x8x128xf32, #tpu.memory_space<vmem>>
    %dma_start3A_799 = tpu.memref_squeeze %dma_start3A_798 : memref<1x8x128xf32, #tpu.memory_space<vmem>> -> memref<8x128xf32, #tpu.memory_space<vmem>>
    %dma_start3A_800 = tpu.memref_slice %arg2[%multiple_of3A_789, %multiple_of3A_786] : memref<2048x32000xf32, #tpu.memory_space<hbm>> -> memref<8x128xf32, #tpu.memory_space<hbm>>
    tpu.enqueue_dma source(%dma_start3A_800 : memref<8x128xf32, #tpu.memory_space<hbm>>) target(%dma_start3A_799 : memref<8x128xf32, #tpu.memory_space<vmem>>) target_semaphore(%arg14 : memref<!tpu.dma_semaphore, #tpu.memory_space<semaphore_mem>>)
    %get3A_801 = arith.constant 16 : index
    %get3A_802 = tpu.vector_load %arg6[%get3A_801] {strides = array<i32>} : memref<64xi32, #tpu.memory_space<vmem>>, vector<16xi32>,
    %eq3A_803 = arith.constant 9 : i32
    %eq3A_804 = vector.broadcast %eq3A_803 : i32 to vector<16xi32>
    %eq3A_805 = arith.cmpi eq, %iota3A_57, %eq3A_804 : vector<16xi32>
    %jit3A_806 = arith.constant 0 : i32
    %broadcast_in_dim3A_807 = vector.broadcast %jit3A_806 : i32 to vector<16xi32>
    %select_n3A_808 = arith.select %eq3A_805, %get3A_802, %broadcast_in_dim3A_807 : vector<16xi1>, vector<16xi32>
    %reduce_sum3A_809 = arith.constant true
    %reduce_sum3A_810 = vector.broadcast %reduce_sum3A_809 : i1 to vector<16xi1>
    %reduce_sum3A_811 = tpu.scan <sum>, %select_n3A_808 masked %reduce_sum3A_810 : vector<16xi32>, vector<16xi1> -> vector<16xi32>
    %reduce_sum3A_812 = vector.extract %reduce_sum3A_811[15] : i32 from vector<16xi32>
    %and3A_813 = arith.constant 127 : i32
    %and3A_814 = arith.andi %reduce_sum3A_812, %and3A_813 : i32
    %sub3A_815 = arith.subi %reduce_sum3A_812, %and3A_814 : i32
    %multiple_of3A_816 = tpu.assume_multiple %sub3A_815, 128 : i32
    %add3A_817 = arith.constant 24 : i32
    %add3A_818 = arith.addi %mul3A_2, %add3A_817 : i32
    %multiple_of3A_819 = tpu.assume_multiple %add3A_818, 8 : i32
    %dma_start3A_820 = arith.constant 25 : i32
    %dma_start3A_821 = arith.constant 0 : i32
    %dma_start3A_822 = arith.constant 0 : i32
    %dma_start3A_823 = tpu.memref_slice %arg11[%dma_start3A_820, %dma_start3A_821, %dma_start3A_822] : memref<64x8x128xf32, #tpu.memory_space<vmem>> -> memref<1x8x128xf32, #tpu.memory_space<vmem>>
    %dma_start3A_824 = tpu.memref_squeeze %dma_start3A_823 : memref<1x8x128xf32, #tpu.memory_space<vmem>> -> memref<8x128xf32, #tpu.memory_space<vmem>>
    %dma_start3A_825 = tpu.memref_slice %arg2[%multiple_of3A_819, %multiple_of3A_816] : memref<2048x32000xf32, #tpu.memory_space<hbm>> -> memref<8x128xf32, #tpu.memory_space<hbm>>
    %dma_start3A_826 = arith.constant 0 : i32
    %dma_start3A_827 = arith.constant 0 : i32
    %dma_start3A_828 = tpu.memref_slice %arg11[%dma_start3A_820, %dma_start3A_826, %dma_start3A_827] : memref<64x8x128xf32, #tpu.memory_space<vmem>> -> memref<1x8x128xf32, #tpu.memory_space<vmem>>
    %dma_start3A_829 = tpu.memref_squeeze %dma_start3A_828 : memref<1x8x128xf32, #tpu.memory_space<vmem>> -> memref<8x128xf32, #tpu.memory_space<vmem>>
    %dma_start3A_830 = tpu.memref_slice %arg2[%multiple_of3A_819, %multiple_of3A_816] : memref<2048x32000xf32, #tpu.memory_space<hbm>> -> memref<8x128xf32, #tpu.memory_space<hbm>>
    tpu.enqueue_dma source(%dma_start3A_830 : memref<8x128xf32, #tpu.memory_space<hbm>>) target(%dma_start3A_829 : memref<8x128xf32, #tpu.memory_space<vmem>>) target_semaphore(%arg14 : memref<!tpu.dma_semaphore, #tpu.memory_space<semaphore_mem>>)
    %get3A_831 = arith.constant 16 : index
    %get3A_832 = tpu.vector_load %arg6[%get3A_831] {strides = array<i32>} : memref<64xi32, #tpu.memory_space<vmem>>, vector<16xi32>,
    %eq3A_833 = arith.constant 10 : i32
    %eq3A_834 = vector.broadcast %eq3A_833 : i32 to vector<16xi32>
    %eq3A_835 = arith.cmpi eq, %iota3A_57, %eq3A_834 : vector<16xi32>
    %jit3A_836 = arith.constant 0 : i32
    %broadcast_in_dim3A_837 = vector.broadcast %jit3A_836 : i32 to vector<16xi32>
    %select_n3A_838 = arith.select %eq3A_835, %get3A_832, %broadcast_in_dim3A_837 : vector<16xi1>, vector<16xi32>
    %reduce_sum3A_839 = arith.constant true
    %reduce_sum3A_840 = vector.broadcast %reduce_sum3A_839 : i1 to vector<16xi1>
    %reduce_sum3A_841 = tpu.scan <sum>, %select_n3A_838 masked %reduce_sum3A_840 : vector<16xi32>, vector<16xi1> -> vector<16xi32>
    %reduce_sum3A_842 = vector.extract %reduce_sum3A_841[15] : i32 from vector<16xi32>
    %and3A_843 = arith.constant 127 : i32
    %and3A_844 = arith.andi %reduce_sum3A_842, %and3A_843 : i32
    %sub3A_845 = arith.subi %reduce_sum3A_842, %and3A_844 : i32
    %multiple_of3A_846 = tpu.assume_multiple %sub3A_845, 128 : i32
    %add3A_847 = arith.constant 24 : i32
    %add3A_848 = arith.addi %mul3A_2, %add3A_847 : i32
    %multiple_of3A_849 = tpu.assume_multiple %add3A_848, 8 : i32
    %dma_start3A_850 = arith.constant 26 : i32
    %dma_start3A_851 = arith.constant 0 : i32
    %dma_start3A_852 = arith.constant 0 : i32
    %dma_start3A_853 = tpu.memref_slice %arg11[%dma_start3A_850, %dma_start3A_851, %dma_start3A_852] : memref<64x8x128xf32, #tpu.memory_space<vmem>> -> memref<1x8x128xf32, #tpu.memory_space<vmem>>
    %dma_start3A_854 = tpu.memref_squeeze %dma_start3A_853 : memref<1x8x128xf32, #tpu.memory_space<vmem>> -> memref<8x128xf32, #tpu.memory_space<vmem>>
    %dma_start3A_855 = tpu.memref_slice %arg2[%multiple_of3A_849, %multiple_of3A_846] : memref<2048x32000xf32, #tpu.memory_space<hbm>> -> memref<8x128xf32, #tpu.memory_space<hbm>>
    %dma_start3A_856 = arith.constant 0 : i32
    %dma_start3A_857 = arith.constant 0 : i32
    %dma_start3A_858 = tpu.memref_slice %arg11[%dma_start3A_850, %dma_start3A_856, %dma_start3A_857] : memref<64x8x128xf32, #tpu.memory_space<vmem>> -> memref<1x8x128xf32, #tpu.memory_space<vmem>>
    %dma_start3A_859 = tpu.memref_squeeze %dma_start3A_858 : memref<1x8x128xf32, #tpu.memory_space<vmem>> -> memref<8x128xf32, #tpu.memory_space<vmem>>
    %dma_start3A_860 = tpu.memref_slice %arg2[%multiple_of3A_849, %multiple_of3A_846] : memref<2048x32000xf32, #tpu.memory_space<hbm>> -> memref<8x128xf32, #tpu.memory_space<hbm>>
    tpu.enqueue_dma source(%dma_start3A_860 : memref<8x128xf32, #tpu.memory_space<hbm>>) target(%dma_start3A_859 : memref<8x128xf32, #tpu.memory_space<vmem>>) target_semaphore(%arg14 : memref<!tpu.dma_semaphore, #tpu.memory_space<semaphore_mem>>)
    %get3A_861 = arith.constant 16 : index
    %get3A_862 = tpu.vector_load %arg6[%get3A_861] {strides = array<i32>} : memref<64xi32, #tpu.memory_space<vmem>>, vector<16xi32>,
    %eq3A_863 = arith.constant 11 : i32
    %eq3A_864 = vector.broadcast %eq3A_863 : i32 to vector<16xi32>
    %eq3A_865 = arith.cmpi eq, %iota3A_57, %eq3A_864 : vector<16xi32>
    %jit3A_866 = arith.constant 0 : i32
    %broadcast_in_dim3A_867 = vector.broadcast %jit3A_866 : i32 to vector<16xi32>
    %select_n3A_868 = arith.select %eq3A_865, %get3A_862, %broadcast_in_dim3A_867 : vector<16xi1>, vector<16xi32>
    %reduce_sum3A_869 = arith.constant true
    %reduce_sum3A_870 = vector.broadcast %reduce_sum3A_869 : i1 to vector<16xi1>
    %reduce_sum3A_871 = tpu.scan <sum>, %select_n3A_868 masked %reduce_sum3A_870 : vector<16xi32>, vector<16xi1> -> vector<16xi32>
    %reduce_sum3A_872 = vector.extract %reduce_sum3A_871[15] : i32 from vector<16xi32>
    %and3A_873 = arith.constant 127 : i32
    %and3A_874 = arith.andi %reduce_sum3A_872, %and3A_873 : i32
    %sub3A_875 = arith.subi %reduce_sum3A_872, %and3A_874 : i32
    %multiple_of3A_876 = tpu.assume_multiple %sub3A_875, 128 : i32
    %add3A_877 = arith.constant 24 : i32
    %add3A_878 = arith.addi %mul3A_2, %add3A_877 : i32
    %multiple_of3A_879 = tpu.assume_multiple %add3A_878, 8 : i32
    %dma_start3A_880 = arith.constant 27 : i32
    %dma_start3A_881 = arith.constant 0 : i32
    %dma_start3A_882 = arith.constant 0 : i32
    %dma_start3A_883 = tpu.memref_slice %arg11[%dma_start3A_880, %dma_start3A_881, %dma_start3A_882] : memref<64x8x128xf32, #tpu.memory_space<vmem>> -> memref<1x8x128xf32, #tpu.memory_space<vmem>>
    %dma_start3A_884 = tpu.memref_squeeze %dma_start3A_883 : memref<1x8x128xf32, #tpu.memory_space<vmem>> -> memref<8x128xf32, #tpu.memory_space<vmem>>
    %dma_start3A_885 = tpu.memref_slice %arg2[%multiple_of3A_879, %multiple_of3A_876] : memref<2048x32000xf32, #tpu.memory_space<hbm>> -> memref<8x128xf32, #tpu.memory_space<hbm>>
    %dma_start3A_886 = arith.constant 0 : i32
    %dma_start3A_887 = arith.constant 0 : i32
    %dma_start3A_888 = tpu.memref_slice %arg11[%dma_start3A_880, %dma_start3A_886, %dma_start3A_887] : memref<64x8x128xf32, #tpu.memory_space<vmem>> -> memref<1x8x128xf32, #tpu.memory_space<vmem>>
    %dma_start3A_889 = tpu.memref_squeeze %dma_start3A_888 : memref<1x8x128xf32, #tpu.memory_space<vmem>> -> memref<8x128xf32, #tpu.memory_space<vmem>>
    %dma_start3A_890 = tpu.memref_slice %arg2[%multiple_of3A_879, %multiple_of3A_876] : memref<2048x32000xf32, #tpu.memory_space<hbm>> -> memref<8x128xf32, #tpu.memory_space<hbm>>
    tpu.enqueue_dma source(%dma_start3A_890 : memref<8x128xf32, #tpu.memory_space<hbm>>) target(%dma_start3A_889 : memref<8x128xf32, #tpu.memory_space<vmem>>) target_semaphore(%arg14 : memref<!tpu.dma_semaphore, #tpu.memory_space<semaphore_mem>>)
    %get3A_891 = arith.constant 16 : index
    %get3A_892 = tpu.vector_load %arg6[%get3A_891] {strides = array<i32>} : memref<64xi32, #tpu.memory_space<vmem>>, vector<16xi32>,
    %eq3A_893 = arith.constant 12 : i32
    %eq3A_894 = vector.broadcast %eq3A_893 : i32 to vector<16xi32>
    %eq3A_895 = arith.cmpi eq, %iota3A_57, %eq3A_894 : vector<16xi32>
    %jit3A_896 = arith.constant 0 : i32
    %broadcast_in_dim3A_897 = vector.broadcast %jit3A_896 : i32 to vector<16xi32>
    %select_n3A_898 = arith.select %eq3A_895, %get3A_892, %broadcast_in_dim3A_897 : vector<16xi1>, vector<16xi32>
    %reduce_sum3A_899 = arith.constant true
    %reduce_sum3A_900 = vector.broadcast %reduce_sum3A_899 : i1 to vector<16xi1>
    %reduce_sum3A_901 = tpu.scan <sum>, %select_n3A_898 masked %reduce_sum3A_900 : vector<16xi32>, vector<16xi1> -> vector<16xi32>
    %reduce_sum3A_902 = vector.extract %reduce_sum3A_901[15] : i32 from vector<16xi32>
    %and3A_903 = arith.constant 127 : i32
    %and3A_904 = arith.andi %reduce_sum3A_902, %and3A_903 : i32
    %sub3A_905 = arith.subi %reduce_sum3A_902, %and3A_904 : i32
    %multiple_of3A_906 = tpu.assume_multiple %sub3A_905, 128 : i32
    %add3A_907 = arith.constant 24 : i32
    %add3A_908 = arith.addi %mul3A_2, %add3A_907 : i32
    %multiple_of3A_909 = tpu.assume_multiple %add3A_908, 8 : i32
    %dma_start3A_910 = arith.constant 28 : i32
    %dma_start3A_911 = arith.constant 0 : i32
    %dma_start3A_912 = arith.constant 0 : i32
    %dma_start3A_913 = tpu.memref_slice %arg11[%dma_start3A_910, %dma_start3A_911, %dma_start3A_912] : memref<64x8x128xf32, #tpu.memory_space<vmem>> -> memref<1x8x128xf32, #tpu.memory_space<vmem>>
    %dma_start3A_914 = tpu.memref_squeeze %dma_start3A_913 : memref<1x8x128xf32, #tpu.memory_space<vmem>> -> memref<8x128xf32, #tpu.memory_space<vmem>>
    %dma_start3A_915 = tpu.memref_slice %arg2[%multiple_of3A_909, %multiple_of3A_906] : memref<2048x32000xf32, #tpu.memory_space<hbm>> -> memref<8x128xf32, #tpu.memory_space<hbm>>
    %dma_start3A_916 = arith.constant 0 : i32
    %dma_start3A_917 = arith.constant 0 : i32
    %dma_start3A_918 = tpu.memref_slice %arg11[%dma_start3A_910, %dma_start3A_916, %dma_start3A_917] : memref<64x8x128xf32, #tpu.memory_space<vmem>> -> memref<1x8x128xf32, #tpu.memory_space<vmem>>
    %dma_start3A_919 = tpu.memref_squeeze %dma_start3A_918 : memref<1x8x128xf32, #tpu.memory_space<vmem>> -> memref<8x128xf32, #tpu.memory_space<vmem>>
    %dma_start3A_920 = tpu.memref_slice %arg2[%multiple_of3A_909, %multiple_of3A_906] : memref<2048x32000xf32, #tpu.memory_space<hbm>> -> memref<8x128xf32, #tpu.memory_space<hbm>>
    tpu.enqueue_dma source(%dma_start3A_920 : memref<8x128xf32, #tpu.memory_space<hbm>>) target(%dma_start3A_919 : memref<8x128xf32, #tpu.memory_space<vmem>>) target_semaphore(%arg14 : memref<!tpu.dma_semaphore, #tpu.memory_space<semaphore_mem>>)
    %get3A_921 = arith.constant 16 : index
    %get3A_922 = tpu.vector_load %arg6[%get3A_921] {strides = array<i32>} : memref<64xi32, #tpu.memory_space<vmem>>, vector<16xi32>,
    %eq3A_923 = arith.constant 13 : i32
    %eq3A_924 = vector.broadcast %eq3A_923 : i32 to vector<16xi32>
    %eq3A_925 = arith.cmpi eq, %iota3A_57, %eq3A_924 : vector<16xi32>
    %jit3A_926 = arith.constant 0 : i32
    %broadcast_in_dim3A_927 = vector.broadcast %jit3A_926 : i32 to vector<16xi32>
    %select_n3A_928 = arith.select %eq3A_925, %get3A_922, %broadcast_in_dim3A_927 : vector<16xi1>, vector<16xi32>
    %reduce_sum3A_929 = arith.constant true
    %reduce_sum3A_930 = vector.broadcast %reduce_sum3A_929 : i1 to vector<16xi1>
    %reduce_sum3A_931 = tpu.scan <sum>, %select_n3A_928 masked %reduce_sum3A_930 : vector<16xi32>, vector<16xi1> -> vector<16xi32>
    %reduce_sum3A_932 = vector.extract %reduce_sum3A_931[15] : i32 from vector<16xi32>
    %and3A_933 = arith.constant 127 : i32
    %and3A_934 = arith.andi %reduce_sum3A_932, %and3A_933 : i32
    %sub3A_935 = arith.subi %reduce_sum3A_932, %and3A_934 : i32
    %multiple_of3A_936 = tpu.assume_multiple %sub3A_935, 128 : i32
    %add3A_937 = arith.constant 24 : i32
    %add3A_938 = arith.addi %mul3A_2, %add3A_937 : i32
    %multiple_of3A_939 = tpu.assume_multiple %add3A_938, 8 : i32
    %dma_start3A_940 = arith.constant 29 : i32
    %dma_start3A_941 = arith.constant 0 : i32
    %dma_start3A_942 = arith.constant 0 : i32
    %dma_start3A_943 = tpu.memref_slice %arg11[%dma_start3A_940, %dma_start3A_941, %dma_start3A_942] : memref<64x8x128xf32, #tpu.memory_space<vmem>> -> memref<1x8x128xf32, #tpu.memory_space<vmem>>
    %dma_start3A_944 = tpu.memref_squeeze %dma_start3A_943 : memref<1x8x128xf32, #tpu.memory_space<vmem>> -> memref<8x128xf32, #tpu.memory_space<vmem>>
    %dma_start3A_945 = tpu.memref_slice %arg2[%multiple_of3A_939, %multiple_of3A_936] : memref<2048x32000xf32, #tpu.memory_space<hbm>> -> memref<8x128xf32, #tpu.memory_space<hbm>>
    %dma_start3A_946 = arith.constant 0 : i32
    %dma_start3A_947 = arith.constant 0 : i32
    %dma_start3A_948 = tpu.memref_slice %arg11[%dma_start3A_940, %dma_start3A_946, %dma_start3A_947] : memref<64x8x128xf32, #tpu.memory_space<vmem>> -> memref<1x8x128xf32, #tpu.memory_space<vmem>>
    %dma_start3A_949 = tpu.memref_squeeze %dma_start3A_948 : memref<1x8x128xf32, #tpu.memory_space<vmem>> -> memref<8x128xf32, #tpu.memory_space<vmem>>
    %dma_start3A_950 = tpu.memref_slice %arg2[%multiple_of3A_939, %multiple_of3A_936] : memref<2048x32000xf32, #tpu.memory_space<hbm>> -> memref<8x128xf32, #tpu.memory_space<hbm>>
    tpu.enqueue_dma source(%dma_start3A_950 : memref<8x128xf32, #tpu.memory_space<hbm>>) target(%dma_start3A_949 : memref<8x128xf32, #tpu.memory_space<vmem>>) target_semaphore(%arg14 : memref<!tpu.dma_semaphore, #tpu.memory_space<semaphore_mem>>)
    %get3A_951 = arith.constant 16 : index
    %get3A_952 = tpu.vector_load %arg6[%get3A_951] {strides = array<i32>} : memref<64xi32, #tpu.memory_space<vmem>>, vector<16xi32>,
    %eq3A_953 = arith.constant 14 : i32
    %eq3A_954 = vector.broadcast %eq3A_953 : i32 to vector<16xi32>
    %eq3A_955 = arith.cmpi eq, %iota3A_57, %eq3A_954 : vector<16xi32>
    %jit3A_956 = arith.constant 0 : i32
    %broadcast_in_dim3A_957 = vector.broadcast %jit3A_956 : i32 to vector<16xi32>
    %select_n3A_958 = arith.select %eq3A_955, %get3A_952, %broadcast_in_dim3A_957 : vector<16xi1>, vector<16xi32>
    %reduce_sum3A_959 = arith.constant true
    %reduce_sum3A_960 = vector.broadcast %reduce_sum3A_959 : i1 to vector<16xi1>
    %reduce_sum3A_961 = tpu.scan <sum>, %select_n3A_958 masked %reduce_sum3A_960 : vector<16xi32>, vector<16xi1> -> vector<16xi32>
    %reduce_sum3A_962 = vector.extract %reduce_sum3A_961[15] : i32 from vector<16xi32>
    %and3A_963 = arith.constant 127 : i32
    %and3A_964 = arith.andi %reduce_sum3A_962, %and3A_963 : i32
    %sub3A_965 = arith.subi %reduce_sum3A_962, %and3A_964 : i32
    %multiple_of3A_966 = tpu.assume_multiple %sub3A_965, 128 : i32
    %add3A_967 = arith.constant 24 : i32
    %add3A_968 = arith.addi %mul3A_2, %add3A_967 : i32
    %multiple_of3A_969 = tpu.assume_multiple %add3A_968, 8 : i32
    %dma_start3A_970 = arith.constant 30 : i32
    %dma_start3A_971 = arith.constant 0 : i32
    %dma_start3A_972 = arith.constant 0 : i32
    %dma_start3A_973 = tpu.memref_slice %arg11[%dma_start3A_970, %dma_start3A_971, %dma_start3A_972] : memref<64x8x128xf32, #tpu.memory_space<vmem>> -> memref<1x8x128xf32, #tpu.memory_space<vmem>>
    %dma_start3A_974 = tpu.memref_squeeze %dma_start3A_973 : memref<1x8x128xf32, #tpu.memory_space<vmem>> -> memref<8x128xf32, #tpu.memory_space<vmem>>
    %dma_start3A_975 = tpu.memref_slice %arg2[%multiple_of3A_969, %multiple_of3A_966] : memref<2048x32000xf32, #tpu.memory_space<hbm>> -> memref<8x128xf32, #tpu.memory_space<hbm>>
    %dma_start3A_976 = arith.constant 0 : i32
    %dma_start3A_977 = arith.constant 0 : i32
    %dma_start3A_978 = tpu.memref_slice %arg11[%dma_start3A_970, %dma_start3A_976, %dma_start3A_977] : memref<64x8x128xf32, #tpu.memory_space<vmem>> -> memref<1x8x128xf32, #tpu.memory_space<vmem>>
    %dma_start3A_979 = tpu.memref_squeeze %dma_start3A_978 : memref<1x8x128xf32, #tpu.memory_space<vmem>> -> memref<8x128xf32, #tpu.memory_space<vmem>>
    %dma_start3A_980 = tpu.memref_slice %arg2[%multiple_of3A_969, %multiple_of3A_966] : memref<2048x32000xf32, #tpu.memory_space<hbm>> -> memref<8x128xf32, #tpu.memory_space<hbm>>
    tpu.enqueue_dma source(%dma_start3A_980 : memref<8x128xf32, #tpu.memory_space<hbm>>) target(%dma_start3A_979 : memref<8x128xf32, #tpu.memory_space<vmem>>) target_semaphore(%arg14 : memref<!tpu.dma_semaphore, #tpu.memory_space<semaphore_mem>>)
    %get3A_981 = arith.constant 16 : index
    %get3A_982 = tpu.vector_load %arg6[%get3A_981] {strides = array<i32>} : memref<64xi32, #tpu.memory_space<vmem>>, vector<16xi32>,
    %eq3A_983 = arith.constant 15 : i32
    %eq3A_984 = vector.broadcast %eq3A_983 : i32 to vector<16xi32>
    %eq3A_985 = arith.cmpi eq, %iota3A_57, %eq3A_984 : vector<16xi32>
    %jit3A_986 = arith.constant 0 : i32
    %broadcast_in_dim3A_987 = vector.broadcast %jit3A_986 : i32 to vector<16xi32>
    %select_n3A_988 = arith.select %eq3A_985, %get3A_982, %broadcast_in_dim3A_987 : vector<16xi1>, vector<16xi32>
    %reduce_sum3A_989 = arith.constant true
    %reduce_sum3A_990 = vector.broadcast %reduce_sum3A_989 : i1 to vector<16xi1>
    %reduce_sum3A_991 = tpu.scan <sum>, %select_n3A_988 masked %reduce_sum3A_990 : vector<16xi32>, vector<16xi1> -> vector<16xi32>
    %reduce_sum3A_992 = vector.extract %reduce_sum3A_991[15] : i32 from vector<16xi32>
    %and3A_993 = arith.constant 127 : i32
    %and3A_994 = arith.andi %reduce_sum3A_992, %and3A_993 : i32
    %sub3A_995 = arith.subi %reduce_sum3A_992, %and3A_994 : i32
    %multiple_of3A_996 = tpu.assume_multiple %sub3A_995, 128 : i32
    %add3A_997 = arith.constant 24 : i32
    %add3A_998 = arith.addi %mul3A_2, %add3A_997 : i32
    %multiple_of3A_999 = tpu.assume_multiple %add3A_998, 8 : i32
    %dma_start3A_1000 = arith.constant 31 : i32
    %dma_start3A_1001 = arith.constant 0 : i32
    %dma_start3A_1002 = arith.constant 0 : i32
    %dma_start3A_1003 = tpu.memref_slice %arg11[%dma_start3A_1000, %dma_start3A_1001, %dma_start3A_1002] : memref<64x8x128xf32, #tpu.memory_space<vmem>> -> memref<1x8x128xf32, #tpu.memory_space<vmem>>
    %dma_start3A_1004 = tpu.memref_squeeze %dma_start3A_1003 : memref<1x8x128xf32, #tpu.memory_space<vmem>> -> memref<8x128xf32, #tpu.memory_space<vmem>>
    %dma_start3A_1005 = tpu.memref_slice %arg2[%multiple_of3A_999, %multiple_of3A_996] : memref<2048x32000xf32, #tpu.memory_space<hbm>> -> memref<8x128xf32, #tpu.memory_space<hbm>>
    %dma_start3A_1006 = arith.constant 0 : i32
    %dma_start3A_1007 = arith.constant 0 : i32
    %dma_start3A_1008 = tpu.memref_slice %arg11[%dma_start3A_1000, %dma_start3A_1006, %dma_start3A_1007] : memref<64x8x128xf32, #tpu.memory_space<vmem>> -> memref<1x8x128xf32, #tpu.memory_space<vmem>>
    %dma_start3A_1009 = tpu.memref_squeeze %dma_start3A_1008 : memref<1x8x128xf32, #tpu.memory_space<vmem>> -> memref<8x128xf32, #tpu.memory_space<vmem>>
    %dma_start3A_1010 = tpu.memref_slice %arg2[%multiple_of3A_999, %multiple_of3A_996] : memref<2048x32000xf32, #tpu.memory_space<hbm>> -> memref<8x128xf32, #tpu.memory_space<hbm>>
    tpu.enqueue_dma source(%dma_start3A_1010 : memref<8x128xf32, #tpu.memory_space<hbm>>) target(%dma_start3A_1009 : memref<8x128xf32, #tpu.memory_space<vmem>>) target_semaphore(%arg14 : memref<!tpu.dma_semaphore, #tpu.memory_space<semaphore_mem>>)
    %get3A_1011 = arith.constant 32 : index
    %get3A_1012 = tpu.vector_load %arg6[%get3A_1011] {strides = array<i32>} : memref<64xi32, #tpu.memory_space<vmem>>, vector<16xi32>,
    %eq3A_1013 = arith.constant 0 : i32
    %eq3A_1014 = vector.broadcast %eq3A_1013 : i32 to vector<16xi32>
    %eq3A_1015 = arith.cmpi eq, %iota3A_57, %eq3A_1014 : vector<16xi32>
    %jit3A_1016 = arith.constant 0 : i32
    %broadcast_in_dim3A_1017 = vector.broadcast %jit3A_1016 : i32 to vector<16xi32>
    %select_n3A_1018 = arith.select %eq3A_1015, %get3A_1012, %broadcast_in_dim3A_1017 : vector<16xi1>, vector<16xi32>
    %reduce_sum3A_1019 = arith.constant true
    %reduce_sum3A_1020 = vector.broadcast %reduce_sum3A_1019 : i1 to vector<16xi1>
    %reduce_sum3A_1021 = tpu.scan <sum>, %select_n3A_1018 masked %reduce_sum3A_1020 : vector<16xi32>, vector<16xi1> -> vector<16xi32>
    %reduce_sum3A_1022 = vector.extract %reduce_sum3A_1021[15] : i32 from vector<16xi32>
    %and3A_1023 = arith.constant 127 : i32
    %and3A_1024 = arith.andi %reduce_sum3A_1022, %and3A_1023 : i32
    %sub3A_1025 = arith.subi %reduce_sum3A_1022, %and3A_1024 : i32
    %multiple_of3A_1026 = tpu.assume_multiple %sub3A_1025, 128 : i32
    %add3A_1027 = arith.constant 32 : i32
    %add3A_1028 = arith.addi %mul3A_2, %add3A_1027 : i32
    %multiple_of3A_1029 = tpu.assume_multiple %add3A_1028, 8 : i32
    %dma_start3A_1030 = arith.constant 32 : i32
    %dma_start3A_1031 = arith.constant 0 : i32
    %dma_start3A_1032 = arith.constant 0 : i32
    %dma_start3A_1033 = tpu.memref_slice %arg11[%dma_start3A_1030, %dma_start3A_1031, %dma_start3A_1032] : memref<64x8x128xf32, #tpu.memory_space<vmem>> -> memref<1x8x128xf32, #tpu.memory_space<vmem>>
    %dma_start3A_1034 = tpu.memref_squeeze %dma_start3A_1033 : memref<1x8x128xf32, #tpu.memory_space<vmem>> -> memref<8x128xf32, #tpu.memory_space<vmem>>
    %dma_start3A_1035 = tpu.memref_slice %arg2[%multiple_of3A_1029, %multiple_of3A_1026] : memref<2048x32000xf32, #tpu.memory_space<hbm>> -> memref<8x128xf32, #tpu.memory_space<hbm>>
    %dma_start3A_1036 = arith.constant 0 : i32
    %dma_start3A_1037 = arith.constant 0 : i32
    %dma_start3A_1038 = tpu.memref_slice %arg11[%dma_start3A_1030, %dma_start3A_1036, %dma_start3A_1037] : memref<64x8x128xf32, #tpu.memory_space<vmem>> -> memref<1x8x128xf32, #tpu.memory_space<vmem>>
    %dma_start3A_1039 = tpu.memref_squeeze %dma_start3A_1038 : memref<1x8x128xf32, #tpu.memory_space<vmem>> -> memref<8x128xf32, #tpu.memory_space<vmem>>
    %dma_start3A_1040 = tpu.memref_slice %arg2[%multiple_of3A_1029, %multiple_of3A_1026] : memref<2048x32000xf32, #tpu.memory_space<hbm>> -> memref<8x128xf32, #tpu.memory_space<hbm>>
    tpu.enqueue_dma source(%dma_start3A_1040 : memref<8x128xf32, #tpu.memory_space<hbm>>) target(%dma_start3A_1039 : memref<8x128xf32, #tpu.memory_space<vmem>>) target_semaphore(%arg14 : memref<!tpu.dma_semaphore, #tpu.memory_space<semaphore_mem>>)
    %get3A_1041 = arith.constant 32 : index
    %get3A_1042 = tpu.vector_load %arg6[%get3A_1041] {strides = array<i32>} : memref<64xi32, #tpu.memory_space<vmem>>, vector<16xi32>,
    %eq3A_1043 = arith.constant 1 : i32
    %eq3A_1044 = vector.broadcast %eq3A_1043 : i32 to vector<16xi32>
    %eq3A_1045 = arith.cmpi eq, %iota3A_57, %eq3A_1044 : vector<16xi32>
    %jit3A_1046 = arith.constant 0 : i32
    %broadcast_in_dim3A_1047 = vector.broadcast %jit3A_1046 : i32 to vector<16xi32>
    %select_n3A_1048 = arith.select %eq3A_1045, %get3A_1042, %broadcast_in_dim3A_1047 : vector<16xi1>, vector<16xi32>
    %reduce_sum3A_1049 = arith.constant true
    %reduce_sum3A_1050 = vector.broadcast %reduce_sum3A_1049 : i1 to vector<16xi1>
    %reduce_sum3A_1051 = tpu.scan <sum>, %select_n3A_1048 masked %reduce_sum3A_1050 : vector<16xi32>, vector<16xi1> -> vector<16xi32>
    %reduce_sum3A_1052 = vector.extract %reduce_sum3A_1051[15] : i32 from vector<16xi32>
    %and3A_1053 = arith.constant 127 : i32
    %and3A_1054 = arith.andi %reduce_sum3A_1052, %and3A_1053 : i32
    %sub3A_1055 = arith.subi %reduce_sum3A_1052, %and3A_1054 : i32
    %multiple_of3A_1056 = tpu.assume_multiple %sub3A_1055, 128 : i32
    %add3A_1057 = arith.constant 32 : i32
    %add3A_1058 = arith.addi %mul3A_2, %add3A_1057 : i32
    %multiple_of3A_1059 = tpu.assume_multiple %add3A_1058, 8 : i32
    %dma_start3A_1060 = arith.constant 33 : i32
    %dma_start3A_1061 = arith.constant 0 : i32
    %dma_start3A_1062 = arith.constant 0 : i32
    %dma_start3A_1063 = tpu.memref_slice %arg11[%dma_start3A_1060, %dma_start3A_1061, %dma_start3A_1062] : memref<64x8x128xf32, #tpu.memory_space<vmem>> -> memref<1x8x128xf32, #tpu.memory_space<vmem>>
    %dma_start3A_1064 = tpu.memref_squeeze %dma_start3A_1063 : memref<1x8x128xf32, #tpu.memory_space<vmem>> -> memref<8x128xf32, #tpu.memory_space<vmem>>
    %dma_start3A_1065 = tpu.memref_slice %arg2[%multiple_of3A_1059, %multiple_of3A_1056] : memref<2048x32000xf32, #tpu.memory_space<hbm>> -> memref<8x128xf32, #tpu.memory_space<hbm>>
    %dma_start3A_1066 = arith.constant 0 : i32
    %dma_start3A_1067 = arith.constant 0 : i32
    %dma_start3A_1068 = tpu.memref_slice %arg11[%dma_start3A_1060, %dma_start3A_1066, %dma_start3A_1067] : memref<64x8x128xf32, #tpu.memory_space<vmem>> -> memref<1x8x128xf32, #tpu.memory_space<vmem>>
    %dma_start3A_1069 = tpu.memref_squeeze %dma_start3A_1068 : memref<1x8x128xf32, #tpu.memory_space<vmem>> -> memref<8x128xf32, #tpu.memory_space<vmem>>
    %dma_start3A_1070 = tpu.memref_slice %arg2[%multiple_of3A_1059, %multiple_of3A_1056] : memref<2048x32000xf32, #tpu.memory_space<hbm>> -> memref<8x128xf32, #tpu.memory_space<hbm>>
    tpu.enqueue_dma source(%dma_start3A_1070 : memref<8x128xf32, #tpu.memory_space<hbm>>) target(%dma_start3A_1069 : memref<8x128xf32, #tpu.memory_space<vmem>>) target_semaphore(%arg14 : memref<!tpu.dma_semaphore, #tpu.memory_space<semaphore_mem>>)
    %get3A_1071 = arith.constant 32 : index
    %get3A_1072 = tpu.vector_load %arg6[%get3A_1071] {strides = array<i32>} : memref<64xi32, #tpu.memory_space<vmem>>, vector<16xi32>,
    %eq3A_1073 = arith.constant 2 : i32
    %eq3A_1074 = vector.broadcast %eq3A_1073 : i32 to vector<16xi32>
    %eq3A_1075 = arith.cmpi eq, %iota3A_57, %eq3A_1074 : vector<16xi32>
    %jit3A_1076 = arith.constant 0 : i32
    %broadcast_in_dim3A_1077 = vector.broadcast %jit3A_1076 : i32 to vector<16xi32>
    %select_n3A_1078 = arith.select %eq3A_1075, %get3A_1072, %broadcast_in_dim3A_1077 : vector<16xi1>, vector<16xi32>
    %reduce_sum3A_1079 = arith.constant true
    %reduce_sum3A_1080 = vector.broadcast %reduce_sum3A_1079 : i1 to vector<16xi1>
    %reduce_sum3A_1081 = tpu.scan <sum>, %select_n3A_1078 masked %reduce_sum3A_1080 : vector<16xi32>, vector<16xi1> -> vector<16xi32>
    %reduce_sum3A_1082 = vector.extract %reduce_sum3A_1081[15] : i32 from vector<16xi32>
    %and3A_1083 = arith.constant 127 : i32
    %and3A_1084 = arith.andi %reduce_sum3A_1082, %and3A_1083 : i32
    %sub3A_1085 = arith.subi %reduce_sum3A_1082, %and3A_1084 : i32
    %multiple_of3A_1086 = tpu.assume_multiple %sub3A_1085, 128 : i32
    %add3A_1087 = arith.constant 32 : i32
    %add3A_1088 = arith.addi %mul3A_2, %add3A_1087 : i32
    %multiple_of3A_1089 = tpu.assume_multiple %add3A_1088, 8 : i32
    %dma_start3A_1090 = arith.constant 34 : i32
    %dma_start3A_1091 = arith.constant 0 : i32
    %dma_start3A_1092 = arith.constant 0 : i32
    %dma_start3A_1093 = tpu.memref_slice %arg11[%dma_start3A_1090, %dma_start3A_1091, %dma_start3A_1092] : memref<64x8x128xf32, #tpu.memory_space<vmem>> -> memref<1x8x128xf32, #tpu.memory_space<vmem>>
    %dma_start3A_1094 = tpu.memref_squeeze %dma_start3A_1093 : memref<1x8x128xf32, #tpu.memory_space<vmem>> -> memref<8x128xf32, #tpu.memory_space<vmem>>
    %dma_start3A_1095 = tpu.memref_slice %arg2[%multiple_of3A_1089, %multiple_of3A_1086] : memref<2048x32000xf32, #tpu.memory_space<hbm>> -> memref<8x128xf32, #tpu.memory_space<hbm>>
    %dma_start3A_1096 = arith.constant 0 : i32
    %dma_start3A_1097 = arith.constant 0 : i32
    %dma_start3A_1098 = tpu.memref_slice %arg11[%dma_start3A_1090, %dma_start3A_1096, %dma_start3A_1097] : memref<64x8x128xf32, #tpu.memory_space<vmem>> -> memref<1x8x128xf32, #tpu.memory_space<vmem>>
    %dma_start3A_1099 = tpu.memref_squeeze %dma_start3A_1098 : memref<1x8x128xf32, #tpu.memory_space<vmem>> -> memref<8x128xf32, #tpu.memory_space<vmem>>
    %dma_start3A_1100 = tpu.memref_slice %arg2[%multiple_of3A_1089, %multiple_of3A_1086] : memref<2048x32000xf32, #tpu.memory_space<hbm>> -> memref<8x128xf32, #tpu.memory_space<hbm>>
    tpu.enqueue_dma source(%dma_start3A_1100 : memref<8x128xf32, #tpu.memory_space<hbm>>) target(%dma_start3A_1099 : memref<8x128xf32, #tpu.memory_space<vmem>>) target_semaphore(%arg14 : memref<!tpu.dma_semaphore, #tpu.memory_space<semaphore_mem>>)
    %get3A_1101 = arith.constant 32 : index
    %get3A_1102 = tpu.vector_load %arg6[%get3A_1101] {strides = array<i32>} : memref<64xi32, #tpu.memory_space<vmem>>, vector<16xi32>,
    %eq3A_1103 = arith.constant 3 : i32
    %eq3A_1104 = vector.broadcast %eq3A_1103 : i32 to vector<16xi32>
    %eq3A_1105 = arith.cmpi eq, %iota3A_57, %eq3A_1104 : vector<16xi32>
    %jit3A_1106 = arith.constant 0 : i32
    %broadcast_in_dim3A_1107 = vector.broadcast %jit3A_1106 : i32 to vector<16xi32>
    %select_n3A_1108 = arith.select %eq3A_1105, %get3A_1102, %broadcast_in_dim3A_1107 : vector<16xi1>, vector<16xi32>
    %reduce_sum3A_1109 = arith.constant true
    %reduce_sum3A_1110 = vector.broadcast %reduce_sum3A_1109 : i1 to vector<16xi1>
    %reduce_sum3A_1111 = tpu.scan <sum>, %select_n3A_1108 masked %reduce_sum3A_1110 : vector<16xi32>, vector<16xi1> -> vector<16xi32>
    %reduce_sum3A_1112 = vector.extract %reduce_sum3A_1111[15] : i32 from vector<16xi32>
    %and3A_1113 = arith.constant 127 : i32
    %and3A_1114 = arith.andi %reduce_sum3A_1112, %and3A_1113 : i32
    %sub3A_1115 = arith.subi %reduce_sum3A_1112, %and3A_1114 : i32
    %multiple_of3A_1116 = tpu.assume_multiple %sub3A_1115, 128 : i32
    %add3A_1117 = arith.constant 32 : i32
    %add3A_1118 = arith.addi %mul3A_2, %add3A_1117 : i32
    %multiple_of3A_1119 = tpu.assume_multiple %add3A_1118, 8 : i32
    %dma_start3A_1120 = arith.constant 35 : i32
    %dma_start3A_1121 = arith.constant 0 : i32
    %dma_start3A_1122 = arith.constant 0 : i32
    %dma_start3A_1123 = tpu.memref_slice %arg11[%dma_start3A_1120, %dma_start3A_1121, %dma_start3A_1122] : memref<64x8x128xf32, #tpu.memory_space<vmem>> -> memref<1x8x128xf32, #tpu.memory_space<vmem>>
    %dma_start3A_1124 = tpu.memref_squeeze %dma_start3A_1123 : memref<1x8x128xf32, #tpu.memory_space<vmem>> -> memref<8x128xf32, #tpu.memory_space<vmem>>
    %dma_start3A_1125 = tpu.memref_slice %arg2[%multiple_of3A_1119, %multiple_of3A_1116] : memref<2048x32000xf32, #tpu.memory_space<hbm>> -> memref<8x128xf32, #tpu.memory_space<hbm>>
    %dma_start3A_1126 = arith.constant 0 : i32
    %dma_start3A_1127 = arith.constant 0 : i32
    %dma_start3A_1128 = tpu.memref_slice %arg11[%dma_start3A_1120, %dma_start3A_1126, %dma_start3A_1127] : memref<64x8x128xf32, #tpu.memory_space<vmem>> -> memref<1x8x128xf32, #tpu.memory_space<vmem>>
    %dma_start3A_1129 = tpu.memref_squeeze %dma_start3A_1128 : memref<1x8x128xf32, #tpu.memory_space<vmem>> -> memref<8x128xf32, #tpu.memory_space<vmem>>
    %dma_start3A_1130 = tpu.memref_slice %arg2[%multiple_of3A_1119, %multiple_of3A_1116] : memref<2048x32000xf32, #tpu.memory_space<hbm>> -> memref<8x128xf32, #tpu.memory_space<hbm>>
    tpu.enqueue_dma source(%dma_start3A_1130 : memref<8x128xf32, #tpu.memory_space<hbm>>) target(%dma_start3A_1129 : memref<8x128xf32, #tpu.memory_space<vmem>>) target_semaphore(%arg14 : memref<!tpu.dma_semaphore, #tpu.memory_space<semaphore_mem>>)
    %get3A_1131 = arith.constant 32 : index
    %get3A_1132 = tpu.vector_load %arg6[%get3A_1131] {strides = array<i32>} : memref<64xi32, #tpu.memory_space<vmem>>, vector<16xi32>,
    %eq3A_1133 = arith.constant 4 : i32
    %eq3A_1134 = vector.broadcast %eq3A_1133 : i32 to vector<16xi32>
    %eq3A_1135 = arith.cmpi eq, %iota3A_57, %eq3A_1134 : vector<16xi32>
    %jit3A_1136 = arith.constant 0 : i32
    %broadcast_in_dim3A_1137 = vector.broadcast %jit3A_1136 : i32 to vector<16xi32>
    %select_n3A_1138 = arith.select %eq3A_1135, %get3A_1132, %broadcast_in_dim3A_1137 : vector<16xi1>, vector<16xi32>
    %reduce_sum3A_1139 = arith.constant true
    %reduce_sum3A_1140 = vector.broadcast %reduce_sum3A_1139 : i1 to vector<16xi1>
    %reduce_sum3A_1141 = tpu.scan <sum>, %select_n3A_1138 masked %reduce_sum3A_1140 : vector<16xi32>, vector<16xi1> -> vector<16xi32>
    %reduce_sum3A_1142 = vector.extract %reduce_sum3A_1141[15] : i32 from vector<16xi32>
    %and3A_1143 = arith.constant 127 : i32
    %and3A_1144 = arith.andi %reduce_sum3A_1142, %and3A_1143 : i32
    %sub3A_1145 = arith.subi %reduce_sum3A_1142, %and3A_1144 : i32
    %multiple_of3A_1146 = tpu.assume_multiple %sub3A_1145, 128 : i32
    %add3A_1147 = arith.constant 32 : i32
    %add3A_1148 = arith.addi %mul3A_2, %add3A_1147 : i32
    %multiple_of3A_1149 = tpu.assume_multiple %add3A_1148, 8 : i32
    %dma_start3A_1150 = arith.constant 36 : i32
    %dma_start3A_1151 = arith.constant 0 : i32
    %dma_start3A_1152 = arith.constant 0 : i32
    %dma_start3A_1153 = tpu.memref_slice %arg11[%dma_start3A_1150, %dma_start3A_1151, %dma_start3A_1152] : memref<64x8x128xf32, #tpu.memory_space<vmem>> -> memref<1x8x128xf32, #tpu.memory_space<vmem>>
    %dma_start3A_1154 = tpu.memref_squeeze %dma_start3A_1153 : memref<1x8x128xf32, #tpu.memory_space<vmem>> -> memref<8x128xf32, #tpu.memory_space<vmem>>
    %dma_start3A_1155 = tpu.memref_slice %arg2[%multiple_of3A_1149, %multiple_of3A_1146] : memref<2048x32000xf32, #tpu.memory_space<hbm>> -> memref<8x128xf32, #tpu.memory_space<hbm>>
    %dma_start3A_1156 = arith.constant 0 : i32
    %dma_start3A_1157 = arith.constant 0 : i32
    %dma_start3A_1158 = tpu.memref_slice %arg11[%dma_start3A_1150, %dma_start3A_1156, %dma_start3A_1157] : memref<64x8x128xf32, #tpu.memory_space<vmem>> -> memref<1x8x128xf32, #tpu.memory_space<vmem>>
    %dma_start3A_1159 = tpu.memref_squeeze %dma_start3A_1158 : memref<1x8x128xf32, #tpu.memory_space<vmem>> -> memref<8x128xf32, #tpu.memory_space<vmem>>
    %dma_start3A_1160 = tpu.memref_slice %arg2[%multiple_of3A_1149, %multiple_of3A_1146] : memref<2048x32000xf32, #tpu.memory_space<hbm>> -> memref<8x128xf32, #tpu.memory_space<hbm>>
    tpu.enqueue_dma source(%dma_start3A_1160 : memref<8x128xf32, #tpu.memory_space<hbm>>) target(%dma_start3A_1159 : memref<8x128xf32, #tpu.memory_space<vmem>>) target_semaphore(%arg14 : memref<!tpu.dma_semaphore, #tpu.memory_space<semaphore_mem>>)
    %get3A_1161 = arith.constant 32 : index
    %get3A_1162 = tpu.vector_load %arg6[%get3A_1161] {strides = array<i32>} : memref<64xi32, #tpu.memory_space<vmem>>, vector<16xi32>,
    %eq3A_1163 = arith.constant 5 : i32
    %eq3A_1164 = vector.broadcast %eq3A_1163 : i32 to vector<16xi32>
    %eq3A_1165 = arith.cmpi eq, %iota3A_57, %eq3A_1164 : vector<16xi32>
    %jit3A_1166 = arith.constant 0 : i32
    %broadcast_in_dim3A_1167 = vector.broadcast %jit3A_1166 : i32 to vector<16xi32>
    %select_n3A_1168 = arith.select %eq3A_1165, %get3A_1162, %broadcast_in_dim3A_1167 : vector<16xi1>, vector<16xi32>
    %reduce_sum3A_1169 = arith.constant true
    %reduce_sum3A_1170 = vector.broadcast %reduce_sum3A_1169 : i1 to vector<16xi1>
    %reduce_sum3A_1171 = tpu.scan <sum>, %select_n3A_1168 masked %reduce_sum3A_1170 : vector<16xi32>, vector<16xi1> -> vector<16xi32>
    %reduce_sum3A_1172 = vector.extract %reduce_sum3A_1171[15] : i32 from vector<16xi32>
    %and3A_1173 = arith.constant 127 : i32
    %and3A_1174 = arith.andi %reduce_sum3A_1172, %and3A_1173 : i32
    %sub3A_1175 = arith.subi %reduce_sum3A_1172, %and3A_1174 : i32
    %multiple_of3A_1176 = tpu.assume_multiple %sub3A_1175, 128 : i32
    %add3A_1177 = arith.constant 32 : i32
    %add3A_1178 = arith.addi %mul3A_2, %add3A_1177 : i32
    %multiple_of3A_1179 = tpu.assume_multiple %add3A_1178, 8 : i32
    %dma_start3A_1180 = arith.constant 37 : i32
    %dma_start3A_1181 = arith.constant 0 : i32
    %dma_start3A_1182 = arith.constant 0 : i32
    %dma_start3A_1183 = tpu.memref_slice %arg11[%dma_start3A_1180, %dma_start3A_1181, %dma_start3A_1182] : memref<64x8x128xf32, #tpu.memory_space<vmem>> -> memref<1x8x128xf32, #tpu.memory_space<vmem>>
    %dma_start3A_1184 = tpu.memref_squeeze %dma_start3A_1183 : memref<1x8x128xf32, #tpu.memory_space<vmem>> -> memref<8x128xf32, #tpu.memory_space<vmem>>
    %dma_start3A_1185 = tpu.memref_slice %arg2[%multiple_of3A_1179, %multiple_of3A_1176] : memref<2048x32000xf32, #tpu.memory_space<hbm>> -> memref<8x128xf32, #tpu.memory_space<hbm>>
    %dma_start3A_1186 = arith.constant 0 : i32
    %dma_start3A_1187 = arith.constant 0 : i32
    %dma_start3A_1188 = tpu.memref_slice %arg11[%dma_start3A_1180, %dma_start3A_1186, %dma_start3A_1187] : memref<64x8x128xf32, #tpu.memory_space<vmem>> -> memref<1x8x128xf32, #tpu.memory_space<vmem>>
    %dma_start3A_1189 = tpu.memref_squeeze %dma_start3A_1188 : memref<1x8x128xf32, #tpu.memory_space<vmem>> -> memref<8x128xf32, #tpu.memory_space<vmem>>
    %dma_start3A_1190 = tpu.memref_slice %arg2[%multiple_of3A_1179, %multiple_of3A_1176] : memref<2048x32000xf32, #tpu.memory_space<hbm>> -> memref<8x128xf32, #tpu.memory_space<hbm>>
    tpu.enqueue_dma source(%dma_start3A_1190 : memref<8x128xf32, #tpu.memory_space<hbm>>) target(%dma_start3A_1189 : memref<8x128xf32, #tpu.memory_space<vmem>>) target_semaphore(%arg14 : memref<!tpu.dma_semaphore, #tpu.memory_space<semaphore_mem>>)
    %get3A_1191 = arith.constant 32 : index
    %get3A_1192 = tpu.vector_load %arg6[%get3A_1191] {strides = array<i32>} : memref<64xi32, #tpu.memory_space<vmem>>, vector<16xi32>,
    %eq3A_1193 = arith.constant 6 : i32
    %eq3A_1194 = vector.broadcast %eq3A_1193 : i32 to vector<16xi32>
    %eq3A_1195 = arith.cmpi eq, %iota3A_57, %eq3A_1194 : vector<16xi32>
    %jit3A_1196 = arith.constant 0 : i32
    %broadcast_in_dim3A_1197 = vector.broadcast %jit3A_1196 : i32 to vector<16xi32>
    %select_n3A_1198 = arith.select %eq3A_1195, %get3A_1192, %broadcast_in_dim3A_1197 : vector<16xi1>, vector<16xi32>
    %reduce_sum3A_1199 = arith.constant true
    %reduce_sum3A_1200 = vector.broadcast %reduce_sum3A_1199 : i1 to vector<16xi1>
    %reduce_sum3A_1201 = tpu.scan <sum>, %select_n3A_1198 masked %reduce_sum3A_1200 : vector<16xi32>, vector<16xi1> -> vector<16xi32>
    %reduce_sum3A_1202 = vector.extract %reduce_sum3A_1201[15] : i32 from vector<16xi32>
    %and3A_1203 = arith.constant 127 : i32
    %and3A_1204 = arith.andi %reduce_sum3A_1202, %and3A_1203 : i32
    %sub3A_1205 = arith.subi %reduce_sum3A_1202, %and3A_1204 : i32
    %multiple_of3A_1206 = tpu.assume_multiple %sub3A_1205, 128 : i32
    %add3A_1207 = arith.constant 32 : i32
    %add3A_1208 = arith.addi %mul3A_2, %add3A_1207 : i32
    %multiple_of3A_1209 = tpu.assume_multiple %add3A_1208, 8 : i32
    %dma_start3A_1210 = arith.constant 38 : i32
    %dma_start3A_1211 = arith.constant 0 : i32
    %dma_start3A_1212 = arith.constant 0 : i32
    %dma_start3A_1213 = tpu.memref_slice %arg11[%dma_start3A_1210, %dma_start3A_1211, %dma_start3A_1212] : memref<64x8x128xf32, #tpu.memory_space<vmem>> -> memref<1x8x128xf32, #tpu.memory_space<vmem>>
    %dma_start3A_1214 = tpu.memref_squeeze %dma_start3A_1213 : memref<1x8x128xf32, #tpu.memory_space<vmem>> -> memref<8x128xf32, #tpu.memory_space<vmem>>
    %dma_start3A_1215 = tpu.memref_slice %arg2[%multiple_of3A_1209, %multiple_of3A_1206] : memref<2048x32000xf32, #tpu.memory_space<hbm>> -> memref<8x128xf32, #tpu.memory_space<hbm>>
    %dma_start3A_1216 = arith.constant 0 : i32
    %dma_start3A_1217 = arith.constant 0 : i32
    %dma_start3A_1218 = tpu.memref_slice %arg11[%dma_start3A_1210, %dma_start3A_1216, %dma_start3A_1217] : memref<64x8x128xf32, #tpu.memory_space<vmem>> -> memref<1x8x128xf32, #tpu.memory_space<vmem>>
    %dma_start3A_1219 = tpu.memref_squeeze %dma_start3A_1218 : memref<1x8x128xf32, #tpu.memory_space<vmem>> -> memref<8x128xf32, #tpu.memory_space<vmem>>
    %dma_start3A_1220 = tpu.memref_slice %arg2[%multiple_of3A_1209, %multiple_of3A_1206] : memref<2048x32000xf32, #tpu.memory_space<hbm>> -> memref<8x128xf32, #tpu.memory_space<hbm>>
    tpu.enqueue_dma source(%dma_start3A_1220 : memref<8x128xf32, #tpu.memory_space<hbm>>) target(%dma_start3A_1219 : memref<8x128xf32, #tpu.memory_space<vmem>>) target_semaphore(%arg14 : memref<!tpu.dma_semaphore, #tpu.memory_space<semaphore_mem>>)
    %get3A_1221 = arith.constant 32 : index
    %get3A_1222 = tpu.vector_load %arg6[%get3A_1221] {strides = array<i32>} : memref<64xi32, #tpu.memory_space<vmem>>, vector<16xi32>,
    %eq3A_1223 = arith.constant 7 : i32
    %eq3A_1224 = vector.broadcast %eq3A_1223 : i32 to vector<16xi32>
    %eq3A_1225 = arith.cmpi eq, %iota3A_57, %eq3A_1224 : vector<16xi32>
    %jit3A_1226 = arith.constant 0 : i32
    %broadcast_in_dim3A_1227 = vector.broadcast %jit3A_1226 : i32 to vector<16xi32>
    %select_n3A_1228 = arith.select %eq3A_1225, %get3A_1222, %broadcast_in_dim3A_1227 : vector<16xi1>, vector<16xi32>
    %reduce_sum3A_1229 = arith.constant true
    %reduce_sum3A_1230 = vector.broadcast %reduce_sum3A_1229 : i1 to vector<16xi1>
    %reduce_sum3A_1231 = tpu.scan <sum>, %select_n3A_1228 masked %reduce_sum3A_1230 : vector<16xi32>, vector<16xi1> -> vector<16xi32>
    %reduce_sum3A_1232 = vector.extract %reduce_sum3A_1231[15] : i32 from vector<16xi32>
    %and3A_1233 = arith.constant 127 : i32
    %and3A_1234 = arith.andi %reduce_sum3A_1232, %and3A_1233 : i32
    %sub3A_1235 = arith.subi %reduce_sum3A_1232, %and3A_1234 : i32
    %multiple_of3A_1236 = tpu.assume_multiple %sub3A_1235, 128 : i32
    %add3A_1237 = arith.constant 32 : i32
    %add3A_1238 = arith.addi %mul3A_2, %add3A_1237 : i32
    %multiple_of3A_1239 = tpu.assume_multiple %add3A_1238, 8 : i32
    %dma_start3A_1240 = arith.constant 39 : i32
    %dma_start3A_1241 = arith.constant 0 : i32
    %dma_start3A_1242 = arith.constant 0 : i32
    %dma_start3A_1243 = tpu.memref_slice %arg11[%dma_start3A_1240, %dma_start3A_1241, %dma_start3A_1242] : memref<64x8x128xf32, #tpu.memory_space<vmem>> -> memref<1x8x128xf32, #tpu.memory_space<vmem>>
    %dma_start3A_1244 = tpu.memref_squeeze %dma_start3A_1243 : memref<1x8x128xf32, #tpu.memory_space<vmem>> -> memref<8x128xf32, #tpu.memory_space<vmem>>
    %dma_start3A_1245 = tpu.memref_slice %arg2[%multiple_of3A_1239, %multiple_of3A_1236] : memref<2048x32000xf32, #tpu.memory_space<hbm>> -> memref<8x128xf32, #tpu.memory_space<hbm>>
    %dma_start3A_1246 = arith.constant 0 : i32
    %dma_start3A_1247 = arith.constant 0 : i32
    %dma_start3A_1248 = tpu.memref_slice %arg11[%dma_start3A_1240, %dma_start3A_1246, %dma_start3A_1247] : memref<64x8x128xf32, #tpu.memory_space<vmem>> -> memref<1x8x128xf32, #tpu.memory_space<vmem>>
    %dma_start3A_1249 = tpu.memref_squeeze %dma_start3A_1248 : memref<1x8x128xf32, #tpu.memory_space<vmem>> -> memref<8x128xf32, #tpu.memory_space<vmem>>
    %dma_start3A_1250 = tpu.memref_slice %arg2[%multiple_of3A_1239, %multiple_of3A_1236] : memref<2048x32000xf32, #tpu.memory_space<hbm>> -> memref<8x128xf32, #tpu.memory_space<hbm>>
    tpu.enqueue_dma source(%dma_start3A_1250 : memref<8x128xf32, #tpu.memory_space<hbm>>) target(%dma_start3A_1249 : memref<8x128xf32, #tpu.memory_space<vmem>>) target_semaphore(%arg14 : memref<!tpu.dma_semaphore, #tpu.memory_space<semaphore_mem>>)
    %get3A_1251 = arith.constant 32 : index
    %get3A_1252 = tpu.vector_load %arg6[%get3A_1251] {strides = array<i32>} : memref<64xi32, #tpu.memory_space<vmem>>, vector<16xi32>,
    %eq3A_1253 = arith.constant 8 : i32
    %eq3A_1254 = vector.broadcast %eq3A_1253 : i32 to vector<16xi32>
    %eq3A_1255 = arith.cmpi eq, %iota3A_57, %eq3A_1254 : vector<16xi32>
    %jit3A_1256 = arith.constant 0 : i32
    %broadcast_in_dim3A_1257 = vector.broadcast %jit3A_1256 : i32 to vector<16xi32>
    %select_n3A_1258 = arith.select %eq3A_1255, %get3A_1252, %broadcast_in_dim3A_1257 : vector<16xi1>, vector<16xi32>
    %reduce_sum3A_1259 = arith.constant true
    %reduce_sum3A_1260 = vector.broadcast %reduce_sum3A_1259 : i1 to vector<16xi1>
    %reduce_sum3A_1261 = tpu.scan <sum>, %select_n3A_1258 masked %reduce_sum3A_1260 : vector<16xi32>, vector<16xi1> -> vector<16xi32>
    %reduce_sum3A_1262 = vector.extract %reduce_sum3A_1261[15] : i32 from vector<16xi32>
    %and3A_1263 = arith.constant 127 : i32
    %and3A_1264 = arith.andi %reduce_sum3A_1262, %and3A_1263 : i32
    %sub3A_1265 = arith.subi %reduce_sum3A_1262, %and3A_1264 : i32
    %multiple_of3A_1266 = tpu.assume_multiple %sub3A_1265, 128 : i32
    %add3A_1267 = arith.constant 40 : i32
    %add3A_1268 = arith.addi %mul3A_2, %add3A_1267 : i32
    %multiple_of3A_1269 = tpu.assume_multiple %add3A_1268, 8 : i32
    %dma_start3A_1270 = arith.constant 40 : i32
    %dma_start3A_1271 = arith.constant 0 : i32
    %dma_start3A_1272 = arith.constant 0 : i32
    %dma_start3A_1273 = tpu.memref_slice %arg11[%dma_start3A_1270, %dma_start3A_1271, %dma_start3A_1272] : memref<64x8x128xf32, #tpu.memory_space<vmem>> -> memref<1x8x128xf32, #tpu.memory_space<vmem>>
    %dma_start3A_1274 = tpu.memref_squeeze %dma_start3A_1273 : memref<1x8x128xf32, #tpu.memory_space<vmem>> -> memref<8x128xf32, #tpu.memory_space<vmem>>
    %dma_start3A_1275 = tpu.memref_slice %arg2[%multiple_of3A_1269, %multiple_of3A_1266] : memref<2048x32000xf32, #tpu.memory_space<hbm>> -> memref<8x128xf32, #tpu.memory_space<hbm>>
    %dma_start3A_1276 = arith.constant 0 : i32
    %dma_start3A_1277 = arith.constant 0 : i32
    %dma_start3A_1278 = tpu.memref_slice %arg11[%dma_start3A_1270, %dma_start3A_1276, %dma_start3A_1277] : memref<64x8x128xf32, #tpu.memory_space<vmem>> -> memref<1x8x128xf32, #tpu.memory_space<vmem>>
    %dma_start3A_1279 = tpu.memref_squeeze %dma_start3A_1278 : memref<1x8x128xf32, #tpu.memory_space<vmem>> -> memref<8x128xf32, #tpu.memory_space<vmem>>
    %dma_start3A_1280 = tpu.memref_slice %arg2[%multiple_of3A_1269, %multiple_of3A_1266] : memref<2048x32000xf32, #tpu.memory_space<hbm>> -> memref<8x128xf32, #tpu.memory_space<hbm>>
    tpu.enqueue_dma source(%dma_start3A_1280 : memref<8x128xf32, #tpu.memory_space<hbm>>) target(%dma_start3A_1279 : memref<8x128xf32, #tpu.memory_space<vmem>>) target_semaphore(%arg14 : memref<!tpu.dma_semaphore, #tpu.memory_space<semaphore_mem>>)
    %get3A_1281 = arith.constant 32 : index
    %get3A_1282 = tpu.vector_load %arg6[%get3A_1281] {strides = array<i32>} : memref<64xi32, #tpu.memory_space<vmem>>, vector<16xi32>,
    %eq3A_1283 = arith.constant 9 : i32
    %eq3A_1284 = vector.broadcast %eq3A_1283 : i32 to vector<16xi32>
    %eq3A_1285 = arith.cmpi eq, %iota3A_57, %eq3A_1284 : vector<16xi32>
    %jit3A_1286 = arith.constant 0 : i32
    %broadcast_in_dim3A_1287 = vector.broadcast %jit3A_1286 : i32 to vector<16xi32>
    %select_n3A_1288 = arith.select %eq3A_1285, %get3A_1282, %broadcast_in_dim3A_1287 : vector<16xi1>, vector<16xi32>
    %reduce_sum3A_1289 = arith.constant true
    %reduce_sum3A_1290 = vector.broadcast %reduce_sum3A_1289 : i1 to vector<16xi1>
    %reduce_sum3A_1291 = tpu.scan <sum>, %select_n3A_1288 masked %reduce_sum3A_1290 : vector<16xi32>, vector<16xi1> -> vector<16xi32>
    %reduce_sum3A_1292 = vector.extract %reduce_sum3A_1291[15] : i32 from vector<16xi32>
    %and3A_1293 = arith.constant 127 : i32
    %and3A_1294 = arith.andi %reduce_sum3A_1292, %and3A_1293 : i32
    %sub3A_1295 = arith.subi %reduce_sum3A_1292, %and3A_1294 : i32
    %multiple_of3A_1296 = tpu.assume_multiple %sub3A_1295, 128 : i32
    %add3A_1297 = arith.constant 40 : i32
    %add3A_1298 = arith.addi %mul3A_2, %add3A_1297 : i32
    %multiple_of3A_1299 = tpu.assume_multiple %add3A_1298, 8 : i32
    %dma_start3A_1300 = arith.constant 41 : i32
    %dma_start3A_1301 = arith.constant 0 : i32
    %dma_start3A_1302 = arith.constant 0 : i32
    %dma_start3A_1303 = tpu.memref_slice %arg11[%dma_start3A_1300, %dma_start3A_1301, %dma_start3A_1302] : memref<64x8x128xf32, #tpu.memory_space<vmem>> -> memref<1x8x128xf32, #tpu.memory_space<vmem>>
    %dma_start3A_1304 = tpu.memref_squeeze %dma_start3A_1303 : memref<1x8x128xf32, #tpu.memory_space<vmem>> -> memref<8x128xf32, #tpu.memory_space<vmem>>
    %dma_start3A_1305 = tpu.memref_slice %arg2[%multiple_of3A_1299, %multiple_of3A_1296] : memref<2048x32000xf32, #tpu.memory_space<hbm>> -> memref<8x128xf32, #tpu.memory_space<hbm>>
    %dma_start3A_1306 = arith.constant 0 : i32
    %dma_start3A_1307 = arith.constant 0 : i32
    %dma_start3A_1308 = tpu.memref_slice %arg11[%dma_start3A_1300, %dma_start3A_1306, %dma_start3A_1307] : memref<64x8x128xf32, #tpu.memory_space<vmem>> -> memref<1x8x128xf32, #tpu.memory_space<vmem>>
    %dma_start3A_1309 = tpu.memref_squeeze %dma_start3A_1308 : memref<1x8x128xf32, #tpu.memory_space<vmem>> -> memref<8x128xf32, #tpu.memory_space<vmem>>
    %dma_start3A_1310 = tpu.memref_slice %arg2[%multiple_of3A_1299, %multiple_of3A_1296] : memref<2048x32000xf32, #tpu.memory_space<hbm>> -> memref<8x128xf32, #tpu.memory_space<hbm>>
    tpu.enqueue_dma source(%dma_start3A_1310 : memref<8x128xf32, #tpu.memory_space<hbm>>) target(%dma_start3A_1309 : memref<8x128xf32, #tpu.memory_space<vmem>>) target_semaphore(%arg14 : memref<!tpu.dma_semaphore, #tpu.memory_space<semaphore_mem>>)
    %get3A_1311 = arith.constant 32 : index
    %get3A_1312 = tpu.vector_load %arg6[%get3A_1311] {strides = array<i32>} : memref<64xi32, #tpu.memory_space<vmem>>, vector<16xi32>,
    %eq3A_1313 = arith.constant 10 : i32
    %eq3A_1314 = vector.broadcast %eq3A_1313 : i32 to vector<16xi32>
    %eq3A_1315 = arith.cmpi eq, %iota3A_57, %eq3A_1314 : vector<16xi32>
    %jit3A_1316 = arith.constant 0 : i32
    %broadcast_in_dim3A_1317 = vector.broadcast %jit3A_1316 : i32 to vector<16xi32>
    %select_n3A_1318 = arith.select %eq3A_1315, %get3A_1312, %broadcast_in_dim3A_1317 : vector<16xi1>, vector<16xi32>
    %reduce_sum3A_1319 = arith.constant true
    %reduce_sum3A_1320 = vector.broadcast %reduce_sum3A_1319 : i1 to vector<16xi1>
    %reduce_sum3A_1321 = tpu.scan <sum>, %select_n3A_1318 masked %reduce_sum3A_1320 : vector<16xi32>, vector<16xi1> -> vector<16xi32>
    %reduce_sum3A_1322 = vector.extract %reduce_sum3A_1321[15] : i32 from vector<16xi32>
    %and3A_1323 = arith.constant 127 : i32
    %and3A_1324 = arith.andi %reduce_sum3A_1322, %and3A_1323 : i32
    %sub3A_1325 = arith.subi %reduce_sum3A_1322, %and3A_1324 : i32
    %multiple_of3A_1326 = tpu.assume_multiple %sub3A_1325, 128 : i32
    %add3A_1327 = arith.constant 40 : i32
    %add3A_1328 = arith.addi %mul3A_2, %add3A_1327 : i32
    %multiple_of3A_1329 = tpu.assume_multiple %add3A_1328, 8 : i32
    %dma_start3A_1330 = arith.constant 42 : i32
    %dma_start3A_1331 = arith.constant 0 : i32
    %dma_start3A_1332 = arith.constant 0 : i32
    %dma_start3A_1333 = tpu.memref_slice %arg11[%dma_start3A_1330, %dma_start3A_1331, %dma_start3A_1332] : memref<64x8x128xf32, #tpu.memory_space<vmem>> -> memref<1x8x128xf32, #tpu.memory_space<vmem>>
    %dma_start3A_1334 = tpu.memref_squeeze %dma_start3A_1333 : memref<1x8x128xf32, #tpu.memory_space<vmem>> -> memref<8x128xf32, #tpu.memory_space<vmem>>
    %dma_start3A_1335 = tpu.memref_slice %arg2[%multiple_of3A_1329, %multiple_of3A_1326] : memref<2048x32000xf32, #tpu.memory_space<hbm>> -> memref<8x128xf32, #tpu.memory_space<hbm>>
    %dma_start3A_1336 = arith.constant 0 : i32
    %dma_start3A_1337 = arith.constant 0 : i32
    %dma_start3A_1338 = tpu.memref_slice %arg11[%dma_start3A_1330, %dma_start3A_1336, %dma_start3A_1337] : memref<64x8x128xf32, #tpu.memory_space<vmem>> -> memref<1x8x128xf32, #tpu.memory_space<vmem>>
    %dma_start3A_1339 = tpu.memref_squeeze %dma_start3A_1338 : memref<1x8x128xf32, #tpu.memory_space<vmem>> -> memref<8x128xf32, #tpu.memory_space<vmem>>
    %dma_start3A_1340 = tpu.memref_slice %arg2[%multiple_of3A_1329, %multiple_of3A_1326] : memref<2048x32000xf32, #tpu.memory_space<hbm>> -> memref<8x128xf32, #tpu.memory_space<hbm>>
    tpu.enqueue_dma source(%dma_start3A_1340 : memref<8x128xf32, #tpu.memory_space<hbm>>) target(%dma_start3A_1339 : memref<8x128xf32, #tpu.memory_space<vmem>>) target_semaphore(%arg14 : memref<!tpu.dma_semaphore, #tpu.memory_space<semaphore_mem>>)
    %get3A_1341 = arith.constant 32 : index
    %get3A_1342 = tpu.vector_load %arg6[%get3A_1341] {strides = array<i32>} : memref<64xi32, #tpu.memory_space<vmem>>, vector<16xi32>,
    %eq3A_1343 = arith.constant 11 : i32
    %eq3A_1344 = vector.broadcast %eq3A_1343 : i32 to vector<16xi32>
    %eq3A_1345 = arith.cmpi eq, %iota3A_57, %eq3A_1344 : vector<16xi32>
    %jit3A_1346 = arith.constant 0 : i32
    %broadcast_in_dim3A_1347 = vector.broadcast %jit3A_1346 : i32 to vector<16xi32>
    %select_n3A_1348 = arith.select %eq3A_1345, %get3A_1342, %broadcast_in_dim3A_1347 : vector<16xi1>, vector<16xi32>
    %reduce_sum3A_1349 = arith.constant true
    %reduce_sum3A_1350 = vector.broadcast %reduce_sum3A_1349 : i1 to vector<16xi1>
    %reduce_sum3A_1351 = tpu.scan <sum>, %select_n3A_1348 masked %reduce_sum3A_1350 : vector<16xi32>, vector<16xi1> -> vector<16xi32>
    %reduce_sum3A_1352 = vector.extract %reduce_sum3A_1351[15] : i32 from vector<16xi32>
    %and3A_1353 = arith.constant 127 : i32
    %and3A_1354 = arith.andi %reduce_sum3A_1352, %and3A_1353 : i32
    %sub3A_1355 = arith.subi %reduce_sum3A_1352, %and3A_1354 : i32
    %multiple_of3A_1356 = tpu.assume_multiple %sub3A_1355, 128 : i32
    %add3A_1357 = arith.constant 40 : i32
    %add3A_1358 = arith.addi %mul3A_2, %add3A_1357 : i32
    %multiple_of3A_1359 = tpu.assume_multiple %add3A_1358, 8 : i32
    %dma_start3A_1360 = arith.constant 43 : i32
    %dma_start3A_1361 = arith.constant 0 : i32
    %dma_start3A_1362 = arith.constant 0 : i32
    %dma_start3A_1363 = tpu.memref_slice %arg11[%dma_start3A_1360, %dma_start3A_1361, %dma_start3A_1362] : memref<64x8x128xf32, #tpu.memory_space<vmem>> -> memref<1x8x128xf32, #tpu.memory_space<vmem>>
    %dma_start3A_1364 = tpu.memref_squeeze %dma_start3A_1363 : memref<1x8x128xf32, #tpu.memory_space<vmem>> -> memref<8x128xf32, #tpu.memory_space<vmem>>
    %dma_start3A_1365 = tpu.memref_slice %arg2[%multiple_of3A_1359, %multiple_of3A_1356] : memref<2048x32000xf32, #tpu.memory_space<hbm>> -> memref<8x128xf32, #tpu.memory_space<hbm>>
    %dma_start3A_1366 = arith.constant 0 : i32
    %dma_start3A_1367 = arith.constant 0 : i32
    %dma_start3A_1368 = tpu.memref_slice %arg11[%dma_start3A_1360, %dma_start3A_1366, %dma_start3A_1367] : memref<64x8x128xf32, #tpu.memory_space<vmem>> -> memref<1x8x128xf32, #tpu.memory_space<vmem>>
    %dma_start3A_1369 = tpu.memref_squeeze %dma_start3A_1368 : memref<1x8x128xf32, #tpu.memory_space<vmem>> -> memref<8x128xf32, #tpu.memory_space<vmem>>
    %dma_start3A_1370 = tpu.memref_slice %arg2[%multiple_of3A_1359, %multiple_of3A_1356] : memref<2048x32000xf32, #tpu.memory_space<hbm>> -> memref<8x128xf32, #tpu.memory_space<hbm>>
    tpu.enqueue_dma source(%dma_start3A_1370 : memref<8x128xf32, #tpu.memory_space<hbm>>) target(%dma_start3A_1369 : memref<8x128xf32, #tpu.memory_space<vmem>>) target_semaphore(%arg14 : memref<!tpu.dma_semaphore, #tpu.memory_space<semaphore_mem>>)
    %get3A_1371 = arith.constant 32 : index
    %get3A_1372 = tpu.vector_load %arg6[%get3A_1371] {strides = array<i32>} : memref<64xi32, #tpu.memory_space<vmem>>, vector<16xi32>,
    %eq3A_1373 = arith.constant 12 : i32
    %eq3A_1374 = vector.broadcast %eq3A_1373 : i32 to vector<16xi32>
    %eq3A_1375 = arith.cmpi eq, %iota3A_57, %eq3A_1374 : vector<16xi32>
    %jit3A_1376 = arith.constant 0 : i32
    %broadcast_in_dim3A_1377 = vector.broadcast %jit3A_1376 : i32 to vector<16xi32>
    %select_n3A_1378 = arith.select %eq3A_1375, %get3A_1372, %broadcast_in_dim3A_1377 : vector<16xi1>, vector<16xi32>
    %reduce_sum3A_1379 = arith.constant true
    %reduce_sum3A_1380 = vector.broadcast %reduce_sum3A_1379 : i1 to vector<16xi1>
    %reduce_sum3A_1381 = tpu.scan <sum>, %select_n3A_1378 masked %reduce_sum3A_1380 : vector<16xi32>, vector<16xi1> -> vector<16xi32>
    %reduce_sum3A_1382 = vector.extract %reduce_sum3A_1381[15] : i32 from vector<16xi32>
    %and3A_1383 = arith.constant 127 : i32
    %and3A_1384 = arith.andi %reduce_sum3A_1382, %and3A_1383 : i32
    %sub3A_1385 = arith.subi %reduce_sum3A_1382, %and3A_1384 : i32
    %multiple_of3A_1386 = tpu.assume_multiple %sub3A_1385, 128 : i32
    %add3A_1387 = arith.constant 40 : i32
    %add3A_1388 = arith.addi %mul3A_2, %add3A_1387 : i32
    %multiple_of3A_1389 = tpu.assume_multiple %add3A_1388, 8 : i32
    %dma_start3A_1390 = arith.constant 44 : i32
    %dma_start3A_1391 = arith.constant 0 : i32
    %dma_start3A_1392 = arith.constant 0 : i32
    %dma_start3A_1393 = tpu.memref_slice %arg11[%dma_start3A_1390, %dma_start3A_1391, %dma_start3A_1392] : memref<64x8x128xf32, #tpu.memory_space<vmem>> -> memref<1x8x128xf32, #tpu.memory_space<vmem>>
    %dma_start3A_1394 = tpu.memref_squeeze %dma_start3A_1393 : memref<1x8x128xf32, #tpu.memory_space<vmem>> -> memref<8x128xf32, #tpu.memory_space<vmem>>
    %dma_start3A_1395 = tpu.memref_slice %arg2[%multiple_of3A_1389, %multiple_of3A_1386] : memref<2048x32000xf32, #tpu.memory_space<hbm>> -> memref<8x128xf32, #tpu.memory_space<hbm>>
    %dma_start3A_1396 = arith.constant 0 : i32
    %dma_start3A_1397 = arith.constant 0 : i32
    %dma_start3A_1398 = tpu.memref_slice %arg11[%dma_start3A_1390, %dma_start3A_1396, %dma_start3A_1397] : memref<64x8x128xf32, #tpu.memory_space<vmem>> -> memref<1x8x128xf32, #tpu.memory_space<vmem>>
    %dma_start3A_1399 = tpu.memref_squeeze %dma_start3A_1398 : memref<1x8x128xf32, #tpu.memory_space<vmem>> -> memref<8x128xf32, #tpu.memory_space<vmem>>
    %dma_start3A_1400 = tpu.memref_slice %arg2[%multiple_of3A_1389, %multiple_of3A_1386] : memref<2048x32000xf32, #tpu.memory_space<hbm>> -> memref<8x128xf32, #tpu.memory_space<hbm>>
    tpu.enqueue_dma source(%dma_start3A_1400 : memref<8x128xf32, #tpu.memory_space<hbm>>) target(%dma_start3A_1399 : memref<8x128xf32, #tpu.memory_space<vmem>>) target_semaphore(%arg14 : memref<!tpu.dma_semaphore, #tpu.memory_space<semaphore_mem>>)
    %get3A_1401 = arith.constant 32 : index
    %get3A_1402 = tpu.vector_load %arg6[%get3A_1401] {strides = array<i32>} : memref<64xi32, #tpu.memory_space<vmem>>, vector<16xi32>,
    %eq3A_1403 = arith.constant 13 : i32
    %eq3A_1404 = vector.broadcast %eq3A_1403 : i32 to vector<16xi32>
    %eq3A_1405 = arith.cmpi eq, %iota3A_57, %eq3A_1404 : vector<16xi32>
    %jit3A_1406 = arith.constant 0 : i32
    %broadcast_in_dim3A_1407 = vector.broadcast %jit3A_1406 : i32 to vector<16xi32>
    %select_n3A_1408 = arith.select %eq3A_1405, %get3A_1402, %broadcast_in_dim3A_1407 : vector<16xi1>, vector<16xi32>
    %reduce_sum3A_1409 = arith.constant true
    %reduce_sum3A_1410 = vector.broadcast %reduce_sum3A_1409 : i1 to vector<16xi1>
    %reduce_sum3A_1411 = tpu.scan <sum>, %select_n3A_1408 masked %reduce_sum3A_1410 : vector<16xi32>, vector<16xi1> -> vector<16xi32>
    %reduce_sum3A_1412 = vector.extract %reduce_sum3A_1411[15] : i32 from vector<16xi32>
    %and3A_1413 = arith.constant 127 : i32
    %and3A_1414 = arith.andi %reduce_sum3A_1412, %and3A_1413 : i32
    %sub3A_1415 = arith.subi %reduce_sum3A_1412, %and3A_1414 : i32
    %multiple_of3A_1416 = tpu.assume_multiple %sub3A_1415, 128 : i32
    %add3A_1417 = arith.constant 40 : i32
    %add3A_1418 = arith.addi %mul3A_2, %add3A_1417 : i32
    %multiple_of3A_1419 = tpu.assume_multiple %add3A_1418, 8 : i32
    %dma_start3A_1420 = arith.constant 45 : i32
    %dma_start3A_1421 = arith.constant 0 : i32
    %dma_start3A_1422 = arith.constant 0 : i32
    %dma_start3A_1423 = tpu.memref_slice %arg11[%dma_start3A_1420, %dma_start3A_1421, %dma_start3A_1422] : memref<64x8x128xf32, #tpu.memory_space<vmem>> -> memref<1x8x128xf32, #tpu.memory_space<vmem>>
    %dma_start3A_1424 = tpu.memref_squeeze %dma_start3A_1423 : memref<1x8x128xf32, #tpu.memory_space<vmem>> -> memref<8x128xf32, #tpu.memory_space<vmem>>
    %dma_start3A_1425 = tpu.memref_slice %arg2[%multiple_of3A_1419, %multiple_of3A_1416] : memref<2048x32000xf32, #tpu.memory_space<hbm>> -> memref<8x128xf32, #tpu.memory_space<hbm>>
    %dma_start3A_1426 = arith.constant 0 : i32
    %dma_start3A_1427 = arith.constant 0 : i32
    %dma_start3A_1428 = tpu.memref_slice %arg11[%dma_start3A_1420, %dma_start3A_1426, %dma_start3A_1427] : memref<64x8x128xf32, #tpu.memory_space<vmem>> -> memref<1x8x128xf32, #tpu.memory_space<vmem>>
    %dma_start3A_1429 = tpu.memref_squeeze %dma_start3A_1428 : memref<1x8x128xf32, #tpu.memory_space<vmem>> -> memref<8x128xf32, #tpu.memory_space<vmem>>
    %dma_start3A_1430 = tpu.memref_slice %arg2[%multiple_of3A_1419, %multiple_of3A_1416] : memref<2048x32000xf32, #tpu.memory_space<hbm>> -> memref<8x128xf32, #tpu.memory_space<hbm>>
    tpu.enqueue_dma source(%dma_start3A_1430 : memref<8x128xf32, #tpu.memory_space<hbm>>) target(%dma_start3A_1429 : memref<8x128xf32, #tpu.memory_space<vmem>>) target_semaphore(%arg14 : memref<!tpu.dma_semaphore, #tpu.memory_space<semaphore_mem>>)
    %get3A_1431 = arith.constant 32 : index
    %get3A_1432 = tpu.vector_load %arg6[%get3A_1431] {strides = array<i32>} : memref<64xi32, #tpu.memory_space<vmem>>, vector<16xi32>,
    %eq3A_1433 = arith.constant 14 : i32
    %eq3A_1434 = vector.broadcast %eq3A_1433 : i32 to vector<16xi32>
    %eq3A_1435 = arith.cmpi eq, %iota3A_57, %eq3A_1434 : vector<16xi32>
    %jit3A_1436 = arith.constant 0 : i32
    %broadcast_in_dim3A_1437 = vector.broadcast %jit3A_1436 : i32 to vector<16xi32>
    %select_n3A_1438 = arith.select %eq3A_1435, %get3A_1432, %broadcast_in_dim3A_1437 : vector<16xi1>, vector<16xi32>
    %reduce_sum3A_1439 = arith.constant true
    %reduce_sum3A_1440 = vector.broadcast %reduce_sum3A_1439 : i1 to vector<16xi1>
    %reduce_sum3A_1441 = tpu.scan <sum>, %select_n3A_1438 masked %reduce_sum3A_1440 : vector<16xi32>, vector<16xi1> -> vector<16xi32>
    %reduce_sum3A_1442 = vector.extract %reduce_sum3A_1441[15] : i32 from vector<16xi32>
    %and3A_1443 = arith.constant 127 : i32
    %and3A_1444 = arith.andi %reduce_sum3A_1442, %and3A_1443 : i32
    %sub3A_1445 = arith.subi %reduce_sum3A_1442, %and3A_1444 : i32
    %multiple_of3A_1446 = tpu.assume_multiple %sub3A_1445, 128 : i32
    %add3A_1447 = arith.constant 40 : i32
    %add3A_1448 = arith.addi %mul3A_2, %add3A_1447 : i32
    %multiple_of3A_1449 = tpu.assume_multiple %add3A_1448, 8 : i32
    %dma_start3A_1450 = arith.constant 46 : i32
    %dma_start3A_1451 = arith.constant 0 : i32
    %dma_start3A_1452 = arith.constant 0 : i32
    %dma_start3A_1453 = tpu.memref_slice %arg11[%dma_start3A_1450, %dma_start3A_1451, %dma_start3A_1452] : memref<64x8x128xf32, #tpu.memory_space<vmem>> -> memref<1x8x128xf32, #tpu.memory_space<vmem>>
    %dma_start3A_1454 = tpu.memref_squeeze %dma_start3A_1453 : memref<1x8x128xf32, #tpu.memory_space<vmem>> -> memref<8x128xf32, #tpu.memory_space<vmem>>
    %dma_start3A_1455 = tpu.memref_slice %arg2[%multiple_of3A_1449, %multiple_of3A_1446] : memref<2048x32000xf32, #tpu.memory_space<hbm>> -> memref<8x128xf32, #tpu.memory_space<hbm>>
    %dma_start3A_1456 = arith.constant 0 : i32
    %dma_start3A_1457 = arith.constant 0 : i32
    %dma_start3A_1458 = tpu.memref_slice %arg11[%dma_start3A_1450, %dma_start3A_1456, %dma_start3A_1457] : memref<64x8x128xf32, #tpu.memory_space<vmem>> -> memref<1x8x128xf32, #tpu.memory_space<vmem>>
    %dma_start3A_1459 = tpu.memref_squeeze %dma_start3A_1458 : memref<1x8x128xf32, #tpu.memory_space<vmem>> -> memref<8x128xf32, #tpu.memory_space<vmem>>
    %dma_start3A_1460 = tpu.memref_slice %arg2[%multiple_of3A_1449, %multiple_of3A_1446] : memref<2048x32000xf32, #tpu.memory_space<hbm>> -> memref<8x128xf32, #tpu.memory_space<hbm>>
    tpu.enqueue_dma source(%dma_start3A_1460 : memref<8x128xf32, #tpu.memory_space<hbm>>) target(%dma_start3A_1459 : memref<8x128xf32, #tpu.memory_space<vmem>>) target_semaphore(%arg14 : memref<!tpu.dma_semaphore, #tpu.memory_space<semaphore_mem>>)
    %get3A_1461 = arith.constant 32 : index
    %get3A_1462 = tpu.vector_load %arg6[%get3A_1461] {strides = array<i32>} : memref<64xi32, #tpu.memory_space<vmem>>, vector<16xi32>,
    %eq3A_1463 = arith.constant 15 : i32
    %eq3A_1464 = vector.broadcast %eq3A_1463 : i32 to vector<16xi32>
    %eq3A_1465 = arith.cmpi eq, %iota3A_57, %eq3A_1464 : vector<16xi32>
    %jit3A_1466 = arith.constant 0 : i32
    %broadcast_in_dim3A_1467 = vector.broadcast %jit3A_1466 : i32 to vector<16xi32>
    %select_n3A_1468 = arith.select %eq3A_1465, %get3A_1462, %broadcast_in_dim3A_1467 : vector<16xi1>, vector<16xi32>
    %reduce_sum3A_1469 = arith.constant true
    %reduce_sum3A_1470 = vector.broadcast %reduce_sum3A_1469 : i1 to vector<16xi1>
    %reduce_sum3A_1471 = tpu.scan <sum>, %select_n3A_1468 masked %reduce_sum3A_1470 : vector<16xi32>, vector<16xi1> -> vector<16xi32>
    %reduce_sum3A_1472 = vector.extract %reduce_sum3A_1471[15] : i32 from vector<16xi32>
    %and3A_1473 = arith.constant 127 : i32
    %and3A_1474 = arith.andi %reduce_sum3A_1472, %and3A_1473 : i32
    %sub3A_1475 = arith.subi %reduce_sum3A_1472, %and3A_1474 : i32
    %multiple_of3A_1476 = tpu.assume_multiple %sub3A_1475, 128 : i32
    %add3A_1477 = arith.constant 40 : i32
    %add3A_1478 = arith.addi %mul3A_2, %add3A_1477 : i32
    %multiple_of3A_1479 = tpu.assume_multiple %add3A_1478, 8 : i32
    %dma_start3A_1480 = arith.constant 47 : i32
    %dma_start3A_1481 = arith.constant 0 : i32
    %dma_start3A_1482 = arith.constant 0 : i32
    %dma_start3A_1483 = tpu.memref_slice %arg11[%dma_start3A_1480, %dma_start3A_1481, %dma_start3A_1482] : memref<64x8x128xf32, #tpu.memory_space<vmem>> -> memref<1x8x128xf32, #tpu.memory_space<vmem>>
    %dma_start3A_1484 = tpu.memref_squeeze %dma_start3A_1483 : memref<1x8x128xf32, #tpu.memory_space<vmem>> -> memref<8x128xf32, #tpu.memory_space<vmem>>
    %dma_start3A_1485 = tpu.memref_slice %arg2[%multiple_of3A_1479, %multiple_of3A_1476] : memref<2048x32000xf32, #tpu.memory_space<hbm>> -> memref<8x128xf32, #tpu.memory_space<hbm>>
    %dma_start3A_1486 = arith.constant 0 : i32
    %dma_start3A_1487 = arith.constant 0 : i32
    %dma_start3A_1488 = tpu.memref_slice %arg11[%dma_start3A_1480, %dma_start3A_1486, %dma_start3A_1487] : memref<64x8x128xf32, #tpu.memory_space<vmem>> -> memref<1x8x128xf32, #tpu.memory_space<vmem>>
    %dma_start3A_1489 = tpu.memref_squeeze %dma_start3A_1488 : memref<1x8x128xf32, #tpu.memory_space<vmem>> -> memref<8x128xf32, #tpu.memory_space<vmem>>
    %dma_start3A_1490 = tpu.memref_slice %arg2[%multiple_of3A_1479, %multiple_of3A_1476] : memref<2048x32000xf32, #tpu.memory_space<hbm>> -> memref<8x128xf32, #tpu.memory_space<hbm>>
    tpu.enqueue_dma source(%dma_start3A_1490 : memref<8x128xf32, #tpu.memory_space<hbm>>) target(%dma_start3A_1489 : memref<8x128xf32, #tpu.memory_space<vmem>>) target_semaphore(%arg14 : memref<!tpu.dma_semaphore, #tpu.memory_space<semaphore_mem>>)
    %get3A_1491 = arith.constant 48 : index
    %get3A_1492 = tpu.vector_load %arg6[%get3A_1491] {strides = array<i32>} : memref<64xi32, #tpu.memory_space<vmem>>, vector<16xi32>,
    %eq3A_1493 = arith.constant 0 : i32
    %eq3A_1494 = vector.broadcast %eq3A_1493 : i32 to vector<16xi32>
    %eq3A_1495 = arith.cmpi eq, %iota3A_57, %eq3A_1494 : vector<16xi32>
    %jit3A_1496 = arith.constant 0 : i32
    %broadcast_in_dim3A_1497 = vector.broadcast %jit3A_1496 : i32 to vector<16xi32>
    %select_n3A_1498 = arith.select %eq3A_1495, %get3A_1492, %broadcast_in_dim3A_1497 : vector<16xi1>, vector<16xi32>
    %reduce_sum3A_1499 = arith.constant true
    %reduce_sum3A_1500 = vector.broadcast %reduce_sum3A_1499 : i1 to vector<16xi1>
    %reduce_sum3A_1501 = tpu.scan <sum>, %select_n3A_1498 masked %reduce_sum3A_1500 : vector<16xi32>, vector<16xi1> -> vector<16xi32>
    %reduce_sum3A_1502 = vector.extract %reduce_sum3A_1501[15] : i32 from vector<16xi32>
    %and3A_1503 = arith.constant 127 : i32
    %and3A_1504 = arith.andi %reduce_sum3A_1502, %and3A_1503 : i32
    %sub3A_1505 = arith.subi %reduce_sum3A_1502, %and3A_1504 : i32
    %multiple_of3A_1506 = tpu.assume_multiple %sub3A_1505, 128 : i32
    %add3A_1507 = arith.constant 48 : i32
    %add3A_1508 = arith.addi %mul3A_2, %add3A_1507 : i32
    %multiple_of3A_1509 = tpu.assume_multiple %add3A_1508, 8 : i32
    %dma_start3A_1510 = arith.constant 48 : i32
    %dma_start3A_1511 = arith.constant 0 : i32
    %dma_start3A_1512 = arith.constant 0 : i32
    %dma_start3A_1513 = tpu.memref_slice %arg11[%dma_start3A_1510, %dma_start3A_1511, %dma_start3A_1512] : memref<64x8x128xf32, #tpu.memory_space<vmem>> -> memref<1x8x128xf32, #tpu.memory_space<vmem>>
    %dma_start3A_1514 = tpu.memref_squeeze %dma_start3A_1513 : memref<1x8x128xf32, #tpu.memory_space<vmem>> -> memref<8x128xf32, #tpu.memory_space<vmem>>
    %dma_start3A_1515 = tpu.memref_slice %arg2[%multiple_of3A_1509, %multiple_of3A_1506] : memref<2048x32000xf32, #tpu.memory_space<hbm>> -> memref<8x128xf32, #tpu.memory_space<hbm>>
    %dma_start3A_1516 = arith.constant 0 : i32
    %dma_start3A_1517 = arith.constant 0 : i32
    %dma_start3A_1518 = tpu.memref_slice %arg11[%dma_start3A_1510, %dma_start3A_1516, %dma_start3A_1517] : memref<64x8x128xf32, #tpu.memory_space<vmem>> -> memref<1x8x128xf32, #tpu.memory_space<vmem>>
    %dma_start3A_1519 = tpu.memref_squeeze %dma_start3A_1518 : memref<1x8x128xf32, #tpu.memory_space<vmem>> -> memref<8x128xf32, #tpu.memory_space<vmem>>
    %dma_start3A_1520 = tpu.memref_slice %arg2[%multiple_of3A_1509, %multiple_of3A_1506] : memref<2048x32000xf32, #tpu.memory_space<hbm>> -> memref<8x128xf32, #tpu.memory_space<hbm>>
    tpu.enqueue_dma source(%dma_start3A_1520 : memref<8x128xf32, #tpu.memory_space<hbm>>) target(%dma_start3A_1519 : memref<8x128xf32, #tpu.memory_space<vmem>>) target_semaphore(%arg14 : memref<!tpu.dma_semaphore, #tpu.memory_space<semaphore_mem>>)
    %get3A_1521 = arith.constant 48 : index
    %get3A_1522 = tpu.vector_load %arg6[%get3A_1521] {strides = array<i32>} : memref<64xi32, #tpu.memory_space<vmem>>, vector<16xi32>,
    %eq3A_1523 = arith.constant 1 : i32
    %eq3A_1524 = vector.broadcast %eq3A_1523 : i32 to vector<16xi32>
    %eq3A_1525 = arith.cmpi eq, %iota3A_57, %eq3A_1524 : vector<16xi32>
    %jit3A_1526 = arith.constant 0 : i32
    %broadcast_in_dim3A_1527 = vector.broadcast %jit3A_1526 : i32 to vector<16xi32>
    %select_n3A_1528 = arith.select %eq3A_1525, %get3A_1522, %broadcast_in_dim3A_1527 : vector<16xi1>, vector<16xi32>
    %reduce_sum3A_1529 = arith.constant true
    %reduce_sum3A_1530 = vector.broadcast %reduce_sum3A_1529 : i1 to vector<16xi1>
    %reduce_sum3A_1531 = tpu.scan <sum>, %select_n3A_1528 masked %reduce_sum3A_1530 : vector<16xi32>, vector<16xi1> -> vector<16xi32>
    %reduce_sum3A_1532 = vector.extract %reduce_sum3A_1531[15] : i32 from vector<16xi32>
    %and3A_1533 = arith.constant 127 : i32
    %and3A_1534 = arith.andi %reduce_sum3A_1532, %and3A_1533 : i32
    %sub3A_1535 = arith.subi %reduce_sum3A_1532, %and3A_1534 : i32
    %multiple_of3A_1536 = tpu.assume_multiple %sub3A_1535, 128 : i32
    %add3A_1537 = arith.constant 48 : i32
    %add3A_1538 = arith.addi %mul3A_2, %add3A_1537 : i32
    %multiple_of3A_1539 = tpu.assume_multiple %add3A_1538, 8 : i32
    %dma_start3A_1540 = arith.constant 49 : i32
    %dma_start3A_1541 = arith.constant 0 : i32
    %dma_start3A_1542 = arith.constant 0 : i32
    %dma_start3A_1543 = tpu.memref_slice %arg11[%dma_start3A_1540, %dma_start3A_1541, %dma_start3A_1542] : memref<64x8x128xf32, #tpu.memory_space<vmem>> -> memref<1x8x128xf32, #tpu.memory_space<vmem>>
    %dma_start3A_1544 = tpu.memref_squeeze %dma_start3A_1543 : memref<1x8x128xf32, #tpu.memory_space<vmem>> -> memref<8x128xf32, #tpu.memory_space<vmem>>
    %dma_start3A_1545 = tpu.memref_slice %arg2[%multiple_of3A_1539, %multiple_of3A_1536] : memref<2048x32000xf32, #tpu.memory_space<hbm>> -> memref<8x128xf32, #tpu.memory_space<hbm>>
    %dma_start3A_1546 = arith.constant 0 : i32
    %dma_start3A_1547 = arith.constant 0 : i32
    %dma_start3A_1548 = tpu.memref_slice %arg11[%dma_start3A_1540, %dma_start3A_1546, %dma_start3A_1547] : memref<64x8x128xf32, #tpu.memory_space<vmem>> -> memref<1x8x128xf32, #tpu.memory_space<vmem>>
    %dma_start3A_1549 = tpu.memref_squeeze %dma_start3A_1548 : memref<1x8x128xf32, #tpu.memory_space<vmem>> -> memref<8x128xf32, #tpu.memory_space<vmem>>
    %dma_start3A_1550 = tpu.memref_slice %arg2[%multiple_of3A_1539, %multiple_of3A_1536] : memref<2048x32000xf32, #tpu.memory_space<hbm>> -> memref<8x128xf32, #tpu.memory_space<hbm>>
    tpu.enqueue_dma source(%dma_start3A_1550 : memref<8x128xf32, #tpu.memory_space<hbm>>) target(%dma_start3A_1549 : memref<8x128xf32, #tpu.memory_space<vmem>>) target_semaphore(%arg14 : memref<!tpu.dma_semaphore, #tpu.memory_space<semaphore_mem>>)
    %get3A_1551 = arith.constant 48 : index
    %get3A_1552 = tpu.vector_load %arg6[%get3A_1551] {strides = array<i32>} : memref<64xi32, #tpu.memory_space<vmem>>, vector<16xi32>,
    %eq3A_1553 = arith.constant 2 : i32
    %eq3A_1554 = vector.broadcast %eq3A_1553 : i32 to vector<16xi32>
    %eq3A_1555 = arith.cmpi eq, %iota3A_57, %eq3A_1554 : vector<16xi32>
    %jit3A_1556 = arith.constant 0 : i32
    %broadcast_in_dim3A_1557 = vector.broadcast %jit3A_1556 : i32 to vector<16xi32>
    %select_n3A_1558 = arith.select %eq3A_1555, %get3A_1552, %broadcast_in_dim3A_1557 : vector<16xi1>, vector<16xi32>
    %reduce_sum3A_1559 = arith.constant true
    %reduce_sum3A_1560 = vector.broadcast %reduce_sum3A_1559 : i1 to vector<16xi1>
    %reduce_sum3A_1561 = tpu.scan <sum>, %select_n3A_1558 masked %reduce_sum3A_1560 : vector<16xi32>, vector<16xi1> -> vector<16xi32>
    %reduce_sum3A_1562 = vector.extract %reduce_sum3A_1561[15] : i32 from vector<16xi32>
    %and3A_1563 = arith.constant 127 : i32
    %and3A_1564 = arith.andi %reduce_sum3A_1562, %and3A_1563 : i32
    %sub3A_1565 = arith.subi %reduce_sum3A_1562, %and3A_1564 : i32
    %multiple_of3A_1566 = tpu.assume_multiple %sub3A_1565, 128 : i32
    %add3A_1567 = arith.constant 48 : i32
    %add3A_1568 = arith.addi %mul3A_2, %add3A_1567 : i32
    %multiple_of3A_1569 = tpu.assume_multiple %add3A_1568, 8 : i32
    %dma_start3A_1570 = arith.constant 50 : i32
    %dma_start3A_1571 = arith.constant 0 : i32
    %dma_start3A_1572 = arith.constant 0 : i32
    %dma_start3A_1573 = tpu.memref_slice %arg11[%dma_start3A_1570, %dma_start3A_1571, %dma_start3A_1572] : memref<64x8x128xf32, #tpu.memory_space<vmem>> -> memref<1x8x128xf32, #tpu.memory_space<vmem>>
    %dma_start3A_1574 = tpu.memref_squeeze %dma_start3A_1573 : memref<1x8x128xf32, #tpu.memory_space<vmem>> -> memref<8x128xf32, #tpu.memory_space<vmem>>
    %dma_start3A_1575 = tpu.memref_slice %arg2[%multiple_of3A_1569, %multiple_of3A_1566] : memref<2048x32000xf32, #tpu.memory_space<hbm>> -> memref<8x128xf32, #tpu.memory_space<hbm>>
    %dma_start3A_1576 = arith.constant 0 : i32
    %dma_start3A_1577 = arith.constant 0 : i32
    %dma_start3A_1578 = tpu.memref_slice %arg11[%dma_start3A_1570, %dma_start3A_1576, %dma_start3A_1577] : memref<64x8x128xf32, #tpu.memory_space<vmem>> -> memref<1x8x128xf32, #tpu.memory_space<vmem>>
    %dma_start3A_1579 = tpu.memref_squeeze %dma_start3A_1578 : memref<1x8x128xf32, #tpu.memory_space<vmem>> -> memref<8x128xf32, #tpu.memory_space<vmem>>
    %dma_start3A_1580 = tpu.memref_slice %arg2[%multiple_of3A_1569, %multiple_of3A_1566] : memref<2048x32000xf32, #tpu.memory_space<hbm>> -> memref<8x128xf32, #tpu.memory_space<hbm>>
    tpu.enqueue_dma source(%dma_start3A_1580 : memref<8x128xf32, #tpu.memory_space<hbm>>) target(%dma_start3A_1579 : memref<8x128xf32, #tpu.memory_space<vmem>>) target_semaphore(%arg14 : memref<!tpu.dma_semaphore, #tpu.memory_space<semaphore_mem>>)
    %get3A_1581 = arith.constant 48 : index
    %get3A_1582 = tpu.vector_load %arg6[%get3A_1581] {strides = array<i32>} : memref<64xi32, #tpu.memory_space<vmem>>, vector<16xi32>,
    %eq3A_1583 = arith.constant 3 : i32
    %eq3A_1584 = vector.broadcast %eq3A_1583 : i32 to vector<16xi32>
    %eq3A_1585 = arith.cmpi eq, %iota3A_57, %eq3A_1584 : vector<16xi32>
    %jit3A_1586 = arith.constant 0 : i32
    %broadcast_in_dim3A_1587 = vector.broadcast %jit3A_1586 : i32 to vector<16xi32>
    %select_n3A_1588 = arith.select %eq3A_1585, %get3A_1582, %broadcast_in_dim3A_1587 : vector<16xi1>, vector<16xi32>
    %reduce_sum3A_1589 = arith.constant true
    %reduce_sum3A_1590 = vector.broadcast %reduce_sum3A_1589 : i1 to vector<16xi1>
    %reduce_sum3A_1591 = tpu.scan <sum>, %select_n3A_1588 masked %reduce_sum3A_1590 : vector<16xi32>, vector<16xi1> -> vector<16xi32>
    %reduce_sum3A_1592 = vector.extract %reduce_sum3A_1591[15] : i32 from vector<16xi32>
    %and3A_1593 = arith.constant 127 : i32
    %and3A_1594 = arith.andi %reduce_sum3A_1592, %and3A_1593 : i32
    %sub3A_1595 = arith.subi %reduce_sum3A_1592, %and3A_1594 : i32
    %multiple_of3A_1596 = tpu.assume_multiple %sub3A_1595, 128 : i32
    %add3A_1597 = arith.constant 48 : i32
    %add3A_1598 = arith.addi %mul3A_2, %add3A_1597 : i32
    %multiple_of3A_1599 = tpu.assume_multiple %add3A_1598, 8 : i32
    %dma_start3A_1600 = arith.constant 51 : i32
    %dma_start3A_1601 = arith.constant 0 : i32
    %dma_start3A_1602 = arith.constant 0 : i32
    %dma_start3A_1603 = tpu.memref_slice %arg11[%dma_start3A_1600, %dma_start3A_1601, %dma_start3A_1602] : memref<64x8x128xf32, #tpu.memory_space<vmem>> -> memref<1x8x128xf32, #tpu.memory_space<vmem>>
    %dma_start3A_1604 = tpu.memref_squeeze %dma_start3A_1603 : memref<1x8x128xf32, #tpu.memory_space<vmem>> -> memref<8x128xf32, #tpu.memory_space<vmem>>
    %dma_start3A_1605 = tpu.memref_slice %arg2[%multiple_of3A_1599, %multiple_of3A_1596] : memref<2048x32000xf32, #tpu.memory_space<hbm>> -> memref<8x128xf32, #tpu.memory_space<hbm>>
    %dma_start3A_1606 = arith.constant 0 : i32
    %dma_start3A_1607 = arith.constant 0 : i32
    %dma_start3A_1608 = tpu.memref_slice %arg11[%dma_start3A_1600, %dma_start3A_1606, %dma_start3A_1607] : memref<64x8x128xf32, #tpu.memory_space<vmem>> -> memref<1x8x128xf32, #tpu.memory_space<vmem>>
    %dma_start3A_1609 = tpu.memref_squeeze %dma_start3A_1608 : memref<1x8x128xf32, #tpu.memory_space<vmem>> -> memref<8x128xf32, #tpu.memory_space<vmem>>
    %dma_start3A_1610 = tpu.memref_slice %arg2[%multiple_of3A_1599, %multiple_of3A_1596] : memref<2048x32000xf32, #tpu.memory_space<hbm>> -> memref<8x128xf32, #tpu.memory_space<hbm>>
    tpu.enqueue_dma source(%dma_start3A_1610 : memref<8x128xf32, #tpu.memory_space<hbm>>) target(%dma_start3A_1609 : memref<8x128xf32, #tpu.memory_space<vmem>>) target_semaphore(%arg14 : memref<!tpu.dma_semaphore, #tpu.memory_space<semaphore_mem>>)
    %get3A_1611 = arith.constant 48 : index
    %get3A_1612 = tpu.vector_load %arg6[%get3A_1611] {strides = array<i32>} : memref<64xi32, #tpu.memory_space<vmem>>, vector<16xi32>,
    %eq3A_1613 = arith.constant 4 : i32
    %eq3A_1614 = vector.broadcast %eq3A_1613 : i32 to vector<16xi32>
    %eq3A_1615 = arith.cmpi eq, %iota3A_57, %eq3A_1614 : vector<16xi32>
    %jit3A_1616 = arith.constant 0 : i32
    %broadcast_in_dim3A_1617 = vector.broadcast %jit3A_1616 : i32 to vector<16xi32>
    %select_n3A_1618 = arith.select %eq3A_1615, %get3A_1612, %broadcast_in_dim3A_1617 : vector<16xi1>, vector<16xi32>
    %reduce_sum3A_1619 = arith.constant true
    %reduce_sum3A_1620 = vector.broadcast %reduce_sum3A_1619 : i1 to vector<16xi1>
    %reduce_sum3A_1621 = tpu.scan <sum>, %select_n3A_1618 masked %reduce_sum3A_1620 : vector<16xi32>, vector<16xi1> -> vector<16xi32>
    %reduce_sum3A_1622 = vector.extract %reduce_sum3A_1621[15] : i32 from vector<16xi32>
    %and3A_1623 = arith.constant 127 : i32
    %and3A_1624 = arith.andi %reduce_sum3A_1622, %and3A_1623 : i32
    %sub3A_1625 = arith.subi %reduce_sum3A_1622, %and3A_1624 : i32
    %multiple_of3A_1626 = tpu.assume_multiple %sub3A_1625, 128 : i32
    %add3A_1627 = arith.constant 48 : i32
    %add3A_1628 = arith.addi %mul3A_2, %add3A_1627 : i32
    %multiple_of3A_1629 = tpu.assume_multiple %add3A_1628, 8 : i32
    %dma_start3A_1630 = arith.constant 52 : i32
    %dma_start3A_1631 = arith.constant 0 : i32
    %dma_start3A_1632 = arith.constant 0 : i32
    %dma_start3A_1633 = tpu.memref_slice %arg11[%dma_start3A_1630, %dma_start3A_1631, %dma_start3A_1632] : memref<64x8x128xf32, #tpu.memory_space<vmem>> -> memref<1x8x128xf32, #tpu.memory_space<vmem>>
    %dma_start3A_1634 = tpu.memref_squeeze %dma_start3A_1633 : memref<1x8x128xf32, #tpu.memory_space<vmem>> -> memref<8x128xf32, #tpu.memory_space<vmem>>
    %dma_start3A_1635 = tpu.memref_slice %arg2[%multiple_of3A_1629, %multiple_of3A_1626] : memref<2048x32000xf32, #tpu.memory_space<hbm>> -> memref<8x128xf32, #tpu.memory_space<hbm>>
    %dma_start3A_1636 = arith.constant 0 : i32
    %dma_start3A_1637 = arith.constant 0 : i32
    %dma_start3A_1638 = tpu.memref_slice %arg11[%dma_start3A_1630, %dma_start3A_1636, %dma_start3A_1637] : memref<64x8x128xf32, #tpu.memory_space<vmem>> -> memref<1x8x128xf32, #tpu.memory_space<vmem>>
    %dma_start3A_1639 = tpu.memref_squeeze %dma_start3A_1638 : memref<1x8x128xf32, #tpu.memory_space<vmem>> -> memref<8x128xf32, #tpu.memory_space<vmem>>
    %dma_start3A_1640 = tpu.memref_slice %arg2[%multiple_of3A_1629, %multiple_of3A_1626] : memref<2048x32000xf32, #tpu.memory_space<hbm>> -> memref<8x128xf32, #tpu.memory_space<hbm>>
    tpu.enqueue_dma source(%dma_start3A_1640 : memref<8x128xf32, #tpu.memory_space<hbm>>) target(%dma_start3A_1639 : memref<8x128xf32, #tpu.memory_space<vmem>>) target_semaphore(%arg14 : memref<!tpu.dma_semaphore, #tpu.memory_space<semaphore_mem>>)
    %get3A_1641 = arith.constant 48 : index
    %get3A_1642 = tpu.vector_load %arg6[%get3A_1641] {strides = array<i32>} : memref<64xi32, #tpu.memory_space<vmem>>, vector<16xi32>,
    %eq3A_1643 = arith.constant 5 : i32
    %eq3A_1644 = vector.broadcast %eq3A_1643 : i32 to vector<16xi32>
    %eq3A_1645 = arith.cmpi eq, %iota3A_57, %eq3A_1644 : vector<16xi32>
    %jit3A_1646 = arith.constant 0 : i32
    %broadcast_in_dim3A_1647 = vector.broadcast %jit3A_1646 : i32 to vector<16xi32>
    %select_n3A_1648 = arith.select %eq3A_1645, %get3A_1642, %broadcast_in_dim3A_1647 : vector<16xi1>, vector<16xi32>
    %reduce_sum3A_1649 = arith.constant true
    %reduce_sum3A_1650 = vector.broadcast %reduce_sum3A_1649 : i1 to vector<16xi1>
    %reduce_sum3A_1651 = tpu.scan <sum>, %select_n3A_1648 masked %reduce_sum3A_1650 : vector<16xi32>, vector<16xi1> -> vector<16xi32>
    %reduce_sum3A_1652 = vector.extract %reduce_sum3A_1651[15] : i32 from vector<16xi32>
    %and3A_1653 = arith.constant 127 : i32
    %and3A_1654 = arith.andi %reduce_sum3A_1652, %and3A_1653 : i32
    %sub3A_1655 = arith.subi %reduce_sum3A_1652, %and3A_1654 : i32
    %multiple_of3A_1656 = tpu.assume_multiple %sub3A_1655, 128 : i32
    %add3A_1657 = arith.constant 48 : i32
    %add3A_1658 = arith.addi %mul3A_2, %add3A_1657 : i32
    %multiple_of3A_1659 = tpu.assume_multiple %add3A_1658, 8 : i32
    %dma_start3A_1660 = arith.constant 53 : i32
    %dma_start3A_1661 = arith.constant 0 : i32
    %dma_start3A_1662 = arith.constant 0 : i32
    %dma_start3A_1663 = tpu.memref_slice %arg11[%dma_start3A_1660, %dma_start3A_1661, %dma_start3A_1662] : memref<64x8x128xf32, #tpu.memory_space<vmem>> -> memref<1x8x128xf32, #tpu.memory_space<vmem>>
    %dma_start3A_1664 = tpu.memref_squeeze %dma_start3A_1663 : memref<1x8x128xf32, #tpu.memory_space<vmem>> -> memref<8x128xf32, #tpu.memory_space<vmem>>
    %dma_start3A_1665 = tpu.memref_slice %arg2[%multiple_of3A_1659, %multiple_of3A_1656] : memref<2048x32000xf32, #tpu.memory_space<hbm>> -> memref<8x128xf32, #tpu.memory_space<hbm>>
    %dma_start3A_1666 = arith.constant 0 : i32
    %dma_start3A_1667 = arith.constant 0 : i32
    %dma_start3A_1668 = tpu.memref_slice %arg11[%dma_start3A_1660, %dma_start3A_1666, %dma_start3A_1667] : memref<64x8x128xf32, #tpu.memory_space<vmem>> -> memref<1x8x128xf32, #tpu.memory_space<vmem>>
    %dma_start3A_1669 = tpu.memref_squeeze %dma_start3A_1668 : memref<1x8x128xf32, #tpu.memory_space<vmem>> -> memref<8x128xf32, #tpu.memory_space<vmem>>
    %dma_start3A_1670 = tpu.memref_slice %arg2[%multiple_of3A_1659, %multiple_of3A_1656] : memref<2048x32000xf32, #tpu.memory_space<hbm>> -> memref<8x128xf32, #tpu.memory_space<hbm>>
    tpu.enqueue_dma source(%dma_start3A_1670 : memref<8x128xf32, #tpu.memory_space<hbm>>) target(%dma_start3A_1669 : memref<8x128xf32, #tpu.memory_space<vmem>>) target_semaphore(%arg14 : memref<!tpu.dma_semaphore, #tpu.memory_space<semaphore_mem>>)
    %get3A_1671 = arith.constant 48 : index
    %get3A_1672 = tpu.vector_load %arg6[%get3A_1671] {strides = array<i32>} : memref<64xi32, #tpu.memory_space<vmem>>, vector<16xi32>,
    %eq3A_1673 = arith.constant 6 : i32
    %eq3A_1674 = vector.broadcast %eq3A_1673 : i32 to vector<16xi32>
    %eq3A_1675 = arith.cmpi eq, %iota3A_57, %eq3A_1674 : vector<16xi32>
    %jit3A_1676 = arith.constant 0 : i32
    %broadcast_in_dim3A_1677 = vector.broadcast %jit3A_1676 : i32 to vector<16xi32>
    %select_n3A_1678 = arith.select %eq3A_1675, %get3A_1672, %broadcast_in_dim3A_1677 : vector<16xi1>, vector<16xi32>
    %reduce_sum3A_1679 = arith.constant true
    %reduce_sum3A_1680 = vector.broadcast %reduce_sum3A_1679 : i1 to vector<16xi1>
    %reduce_sum3A_1681 = tpu.scan <sum>, %select_n3A_1678 masked %reduce_sum3A_1680 : vector<16xi32>, vector<16xi1> -> vector<16xi32>
    %reduce_sum3A_1682 = vector.extract %reduce_sum3A_1681[15] : i32 from vector<16xi32>
    %and3A_1683 = arith.constant 127 : i32
    %and3A_1684 = arith.andi %reduce_sum3A_1682, %and3A_1683 : i32
    %sub3A_1685 = arith.subi %reduce_sum3A_1682, %and3A_1684 : i32
    %multiple_of3A_1686 = tpu.assume_multiple %sub3A_1685, 128 : i32
    %add3A_1687 = arith.constant 48 : i32
    %add3A_1688 = arith.addi %mul3A_2, %add3A_1687 : i32
    %multiple_of3A_1689 = tpu.assume_multiple %add3A_1688, 8 : i32
    %dma_start3A_1690 = arith.constant 54 : i32
    %dma_start3A_1691 = arith.constant 0 : i32
    %dma_start3A_1692 = arith.constant 0 : i32
    %dma_start3A_1693 = tpu.memref_slice %arg11[%dma_start3A_1690, %dma_start3A_1691, %dma_start3A_1692] : memref<64x8x128xf32, #tpu.memory_space<vmem>> -> memref<1x8x128xf32, #tpu.memory_space<vmem>>
    %dma_start3A_1694 = tpu.memref_squeeze %dma_start3A_1693 : memref<1x8x128xf32, #tpu.memory_space<vmem>> -> memref<8x128xf32, #tpu.memory_space<vmem>>
    %dma_start3A_1695 = tpu.memref_slice %arg2[%multiple_of3A_1689, %multiple_of3A_1686] : memref<2048x32000xf32, #tpu.memory_space<hbm>> -> memref<8x128xf32, #tpu.memory_space<hbm>>
    %dma_start3A_1696 = arith.constant 0 : i32
    %dma_start3A_1697 = arith.constant 0 : i32
    %dma_start3A_1698 = tpu.memref_slice %arg11[%dma_start3A_1690, %dma_start3A_1696, %dma_start3A_1697] : memref<64x8x128xf32, #tpu.memory_space<vmem>> -> memref<1x8x128xf32, #tpu.memory_space<vmem>>
    %dma_start3A_1699 = tpu.memref_squeeze %dma_start3A_1698 : memref<1x8x128xf32, #tpu.memory_space<vmem>> -> memref<8x128xf32, #tpu.memory_space<vmem>>
    %dma_start3A_1700 = tpu.memref_slice %arg2[%multiple_of3A_1689, %multiple_of3A_1686] : memref<2048x32000xf32, #tpu.memory_space<hbm>> -> memref<8x128xf32, #tpu.memory_space<hbm>>
    tpu.enqueue_dma source(%dma_start3A_1700 : memref<8x128xf32, #tpu.memory_space<hbm>>) target(%dma_start3A_1699 : memref<8x128xf32, #tpu.memory_space<vmem>>) target_semaphore(%arg14 : memref<!tpu.dma_semaphore, #tpu.memory_space<semaphore_mem>>)
    %get3A_1701 = arith.constant 48 : index
    %get3A_1702 = tpu.vector_load %arg6[%get3A_1701] {strides = array<i32>} : memref<64xi32, #tpu.memory_space<vmem>>, vector<16xi32>,
    %eq3A_1703 = arith.constant 7 : i32
    %eq3A_1704 = vector.broadcast %eq3A_1703 : i32 to vector<16xi32>
    %eq3A_1705 = arith.cmpi eq, %iota3A_57, %eq3A_1704 : vector<16xi32>
    %jit3A_1706 = arith.constant 0 : i32
    %broadcast_in_dim3A_1707 = vector.broadcast %jit3A_1706 : i32 to vector<16xi32>
    %select_n3A_1708 = arith.select %eq3A_1705, %get3A_1702, %broadcast_in_dim3A_1707 : vector<16xi1>, vector<16xi32>
    %reduce_sum3A_1709 = arith.constant true
    %reduce_sum3A_1710 = vector.broadcast %reduce_sum3A_1709 : i1 to vector<16xi1>
    %reduce_sum3A_1711 = tpu.scan <sum>, %select_n3A_1708 masked %reduce_sum3A_1710 : vector<16xi32>, vector<16xi1> -> vector<16xi32>
    %reduce_sum3A_1712 = vector.extract %reduce_sum3A_1711[15] : i32 from vector<16xi32>
    %and3A_1713 = arith.constant 127 : i32
    %and3A_1714 = arith.andi %reduce_sum3A_1712, %and3A_1713 : i32
    %sub3A_1715 = arith.subi %reduce_sum3A_1712, %and3A_1714 : i32
    %multiple_of3A_1716 = tpu.assume_multiple %sub3A_1715, 128 : i32
    %add3A_1717 = arith.constant 48 : i32
    %add3A_1718 = arith.addi %mul3A_2, %add3A_1717 : i32
    %multiple_of3A_1719 = tpu.assume_multiple %add3A_1718, 8 : i32
    %dma_start3A_1720 = arith.constant 55 : i32
    %dma_start3A_1721 = arith.constant 0 : i32
    %dma_start3A_1722 = arith.constant 0 : i32
    %dma_start3A_1723 = tpu.memref_slice %arg11[%dma_start3A_1720, %dma_start3A_1721, %dma_start3A_1722] : memref<64x8x128xf32, #tpu.memory_space<vmem>> -> memref<1x8x128xf32, #tpu.memory_space<vmem>>
    %dma_start3A_1724 = tpu.memref_squeeze %dma_start3A_1723 : memref<1x8x128xf32, #tpu.memory_space<vmem>> -> memref<8x128xf32, #tpu.memory_space<vmem>>
    %dma_start3A_1725 = tpu.memref_slice %arg2[%multiple_of3A_1719, %multiple_of3A_1716] : memref<2048x32000xf32, #tpu.memory_space<hbm>> -> memref<8x128xf32, #tpu.memory_space<hbm>>
    %dma_start3A_1726 = arith.constant 0 : i32
    %dma_start3A_1727 = arith.constant 0 : i32
    %dma_start3A_1728 = tpu.memref_slice %arg11[%dma_start3A_1720, %dma_start3A_1726, %dma_start3A_1727] : memref<64x8x128xf32, #tpu.memory_space<vmem>> -> memref<1x8x128xf32, #tpu.memory_space<vmem>>
    %dma_start3A_1729 = tpu.memref_squeeze %dma_start3A_1728 : memref<1x8x128xf32, #tpu.memory_space<vmem>> -> memref<8x128xf32, #tpu.memory_space<vmem>>
    %dma_start3A_1730 = tpu.memref_slice %arg2[%multiple_of3A_1719, %multiple_of3A_1716] : memref<2048x32000xf32, #tpu.memory_space<hbm>> -> memref<8x128xf32, #tpu.memory_space<hbm>>
    tpu.enqueue_dma source(%dma_start3A_1730 : memref<8x128xf32, #tpu.memory_space<hbm>>) target(%dma_start3A_1729 : memref<8x128xf32, #tpu.memory_space<vmem>>) target_semaphore(%arg14 : memref<!tpu.dma_semaphore, #tpu.memory_space<semaphore_mem>>)
    %get3A_1731 = arith.constant 48 : index
    %get3A_1732 = tpu.vector_load %arg6[%get3A_1731] {strides = array<i32>} : memref<64xi32, #tpu.memory_space<vmem>>, vector<16xi32>,
    %eq3A_1733 = arith.constant 8 : i32
    %eq3A_1734 = vector.broadcast %eq3A_1733 : i32 to vector<16xi32>
    %eq3A_1735 = arith.cmpi eq, %iota3A_57, %eq3A_1734 : vector<16xi32>
    %jit3A_1736 = arith.constant 0 : i32
    %broadcast_in_dim3A_1737 = vector.broadcast %jit3A_1736 : i32 to vector<16xi32>
    %select_n3A_1738 = arith.select %eq3A_1735, %get3A_1732, %broadcast_in_dim3A_1737 : vector<16xi1>, vector<16xi32>
    %reduce_sum3A_1739 = arith.constant true
    %reduce_sum3A_1740 = vector.broadcast %reduce_sum3A_1739 : i1 to vector<16xi1>
    %reduce_sum3A_1741 = tpu.scan <sum>, %select_n3A_1738 masked %reduce_sum3A_1740 : vector<16xi32>, vector<16xi1> -> vector<16xi32>
    %reduce_sum3A_1742 = vector.extract %reduce_sum3A_1741[15] : i32 from vector<16xi32>
    %and3A_1743 = arith.constant 127 : i32
    %and3A_1744 = arith.andi %reduce_sum3A_1742, %and3A_1743 : i32
    %sub3A_1745 = arith.subi %reduce_sum3A_1742, %and3A_1744 : i32
    %multiple_of3A_1746 = tpu.assume_multiple %sub3A_1745, 128 : i32
    %add3A_1747 = arith.constant 56 : i32
    %add3A_1748 = arith.addi %mul3A_2, %add3A_1747 : i32
    %multiple_of3A_1749 = tpu.assume_multiple %add3A_1748, 8 : i32
    %dma_start3A_1750 = arith.constant 56 : i32
    %dma_start3A_1751 = arith.constant 0 : i32
    %dma_start3A_1752 = arith.constant 0 : i32
    %dma_start3A_1753 = tpu.memref_slice %arg11[%dma_start3A_1750, %dma_start3A_1751, %dma_start3A_1752] : memref<64x8x128xf32, #tpu.memory_space<vmem>> -> memref<1x8x128xf32, #tpu.memory_space<vmem>>
    %dma_start3A_1754 = tpu.memref_squeeze %dma_start3A_1753 : memref<1x8x128xf32, #tpu.memory_space<vmem>> -> memref<8x128xf32, #tpu.memory_space<vmem>>
    %dma_start3A_1755 = tpu.memref_slice %arg2[%multiple_of3A_1749, %multiple_of3A_1746] : memref<2048x32000xf32, #tpu.memory_space<hbm>> -> memref<8x128xf32, #tpu.memory_space<hbm>>
    %dma_start3A_1756 = arith.constant 0 : i32
    %dma_start3A_1757 = arith.constant 0 : i32
    %dma_start3A_1758 = tpu.memref_slice %arg11[%dma_start3A_1750, %dma_start3A_1756, %dma_start3A_1757] : memref<64x8x128xf32, #tpu.memory_space<vmem>> -> memref<1x8x128xf32, #tpu.memory_space<vmem>>
    %dma_start3A_1759 = tpu.memref_squeeze %dma_start3A_1758 : memref<1x8x128xf32, #tpu.memory_space<vmem>> -> memref<8x128xf32, #tpu.memory_space<vmem>>
    %dma_start3A_1760 = tpu.memref_slice %arg2[%multiple_of3A_1749, %multiple_of3A_1746] : memref<2048x32000xf32, #tpu.memory_space<hbm>> -> memref<8x128xf32, #tpu.memory_space<hbm>>
    tpu.enqueue_dma source(%dma_start3A_1760 : memref<8x128xf32, #tpu.memory_space<hbm>>) target(%dma_start3A_1759 : memref<8x128xf32, #tpu.memory_space<vmem>>) target_semaphore(%arg14 : memref<!tpu.dma_semaphore, #tpu.memory_space<semaphore_mem>>)
    %get3A_1761 = arith.constant 48 : index
    %get3A_1762 = tpu.vector_load %arg6[%get3A_1761] {strides = array<i32>} : memref<64xi32, #tpu.memory_space<vmem>>, vector<16xi32>,
    %eq3A_1763 = arith.constant 9 : i32
    %eq3A_1764 = vector.broadcast %eq3A_1763 : i32 to vector<16xi32>
    %eq3A_1765 = arith.cmpi eq, %iota3A_57, %eq3A_1764 : vector<16xi32>
    %jit3A_1766 = arith.constant 0 : i32
    %broadcast_in_dim3A_1767 = vector.broadcast %jit3A_1766 : i32 to vector<16xi32>
    %select_n3A_1768 = arith.select %eq3A_1765, %get3A_1762, %broadcast_in_dim3A_1767 : vector<16xi1>, vector<16xi32>
    %reduce_sum3A_1769 = arith.constant true
    %reduce_sum3A_1770 = vector.broadcast %reduce_sum3A_1769 : i1 to vector<16xi1>
    %reduce_sum3A_1771 = tpu.scan <sum>, %select_n3A_1768 masked %reduce_sum3A_1770 : vector<16xi32>, vector<16xi1> -> vector<16xi32>
    %reduce_sum3A_1772 = vector.extract %reduce_sum3A_1771[15] : i32 from vector<16xi32>
    %and3A_1773 = arith.constant 127 : i32
    %and3A_1774 = arith.andi %reduce_sum3A_1772, %and3A_1773 : i32
    %sub3A_1775 = arith.subi %reduce_sum3A_1772, %and3A_1774 : i32
    %multiple_of3A_1776 = tpu.assume_multiple %sub3A_1775, 128 : i32
    %add3A_1777 = arith.constant 56 : i32
    %add3A_1778 = arith.addi %mul3A_2, %add3A_1777 : i32
    %multiple_of3A_1779 = tpu.assume_multiple %add3A_1778, 8 : i32
    %dma_start3A_1780 = arith.constant 57 : i32
    %dma_start3A_1781 = arith.constant 0 : i32
    %dma_start3A_1782 = arith.constant 0 : i32
    %dma_start3A_1783 = tpu.memref_slice %arg11[%dma_start3A_1780, %dma_start3A_1781, %dma_start3A_1782] : memref<64x8x128xf32, #tpu.memory_space<vmem>> -> memref<1x8x128xf32, #tpu.memory_space<vmem>>
    %dma_start3A_1784 = tpu.memref_squeeze %dma_start3A_1783 : memref<1x8x128xf32, #tpu.memory_space<vmem>> -> memref<8x128xf32, #tpu.memory_space<vmem>>
    %dma_start3A_1785 = tpu.memref_slice %arg2[%multiple_of3A_1779, %multiple_of3A_1776] : memref<2048x32000xf32, #tpu.memory_space<hbm>> -> memref<8x128xf32, #tpu.memory_space<hbm>>
    %dma_start3A_1786 = arith.constant 0 : i32
    %dma_start3A_1787 = arith.constant 0 : i32
    %dma_start3A_1788 = tpu.memref_slice %arg11[%dma_start3A_1780, %dma_start3A_1786, %dma_start3A_1787] : memref<64x8x128xf32, #tpu.memory_space<vmem>> -> memref<1x8x128xf32, #tpu.memory_space<vmem>>
    %dma_start3A_1789 = tpu.memref_squeeze %dma_start3A_1788 : memref<1x8x128xf32, #tpu.memory_space<vmem>> -> memref<8x128xf32, #tpu.memory_space<vmem>>
    %dma_start3A_1790 = tpu.memref_slice %arg2[%multiple_of3A_1779, %multiple_of3A_1776] : memref<2048x32000xf32, #tpu.memory_space<hbm>> -> memref<8x128xf32, #tpu.memory_space<hbm>>
    tpu.enqueue_dma source(%dma_start3A_1790 : memref<8x128xf32, #tpu.memory_space<hbm>>) target(%dma_start3A_1789 : memref<8x128xf32, #tpu.memory_space<vmem>>) target_semaphore(%arg14 : memref<!tpu.dma_semaphore, #tpu.memory_space<semaphore_mem>>)
    %get3A_1791 = arith.constant 48 : index
    %get3A_1792 = tpu.vector_load %arg6[%get3A_1791] {strides = array<i32>} : memref<64xi32, #tpu.memory_space<vmem>>, vector<16xi32>,
    %eq3A_1793 = arith.constant 10 : i32
    %eq3A_1794 = vector.broadcast %eq3A_1793 : i32 to vector<16xi32>
    %eq3A_1795 = arith.cmpi eq, %iota3A_57, %eq3A_1794 : vector<16xi32>
    %jit3A_1796 = arith.constant 0 : i32
    %broadcast_in_dim3A_1797 = vector.broadcast %jit3A_1796 : i32 to vector<16xi32>
    %select_n3A_1798 = arith.select %eq3A_1795, %get3A_1792, %broadcast_in_dim3A_1797 : vector<16xi1>, vector<16xi32>
    %reduce_sum3A_1799 = arith.constant true
    %reduce_sum3A_1800 = vector.broadcast %reduce_sum3A_1799 : i1 to vector<16xi1>
    %reduce_sum3A_1801 = tpu.scan <sum>, %select_n3A_1798 masked %reduce_sum3A_1800 : vector<16xi32>, vector<16xi1> -> vector<16xi32>
    %reduce_sum3A_1802 = vector.extract %reduce_sum3A_1801[15] : i32 from vector<16xi32>
    %and3A_1803 = arith.constant 127 : i32
    %and3A_1804 = arith.andi %reduce_sum3A_1802, %and3A_1803 : i32
    %sub3A_1805 = arith.subi %reduce_sum3A_1802, %and3A_1804 : i32
    %multiple_of3A_1806 = tpu.assume_multiple %sub3A_1805, 128 : i32
    %add3A_1807 = arith.constant 56 : i32
    %add3A_1808 = arith.addi %mul3A_2, %add3A_1807 : i32
    %multiple_of3A_1809 = tpu.assume_multiple %add3A_1808, 8 : i32
    %dma_start3A_1810 = arith.constant 58 : i32
    %dma_start3A_1811 = arith.constant 0 : i32
    %dma_start3A_1812 = arith.constant 0 : i32
    %dma_start3A_1813 = tpu.memref_slice %arg11[%dma_start3A_1810, %dma_start3A_1811, %dma_start3A_1812] : memref<64x8x128xf32, #tpu.memory_space<vmem>> -> memref<1x8x128xf32, #tpu.memory_space<vmem>>
    %dma_start3A_1814 = tpu.memref_squeeze %dma_start3A_1813 : memref<1x8x128xf32, #tpu.memory_space<vmem>> -> memref<8x128xf32, #tpu.memory_space<vmem>>
    %dma_start3A_1815 = tpu.memref_slice %arg2[%multiple_of3A_1809, %multiple_of3A_1806] : memref<2048x32000xf32, #tpu.memory_space<hbm>> -> memref<8x128xf32, #tpu.memory_space<hbm>>
    %dma_start3A_1816 = arith.constant 0 : i32
    %dma_start3A_1817 = arith.constant 0 : i32
    %dma_start3A_1818 = tpu.memref_slice %arg11[%dma_start3A_1810, %dma_start3A_1816, %dma_start3A_1817] : memref<64x8x128xf32, #tpu.memory_space<vmem>> -> memref<1x8x128xf32, #tpu.memory_space<vmem>>
    %dma_start3A_1819 = tpu.memref_squeeze %dma_start3A_1818 : memref<1x8x128xf32, #tpu.memory_space<vmem>> -> memref<8x128xf32, #tpu.memory_space<vmem>>
    %dma_start3A_1820 = tpu.memref_slice %arg2[%multiple_of3A_1809, %multiple_of3A_1806] : memref<2048x32000xf32, #tpu.memory_space<hbm>> -> memref<8x128xf32, #tpu.memory_space<hbm>>
    tpu.enqueue_dma source(%dma_start3A_1820 : memref<8x128xf32, #tpu.memory_space<hbm>>) target(%dma_start3A_1819 : memref<8x128xf32, #tpu.memory_space<vmem>>) target_semaphore(%arg14 : memref<!tpu.dma_semaphore, #tpu.memory_space<semaphore_mem>>)
    %get3A_1821 = arith.constant 48 : index
    %get3A_1822 = tpu.vector_load %arg6[%get3A_1821] {strides = array<i32>} : memref<64xi32, #tpu.memory_space<vmem>>, vector<16xi32>,
    %eq3A_1823 = arith.constant 11 : i32
    %eq3A_1824 = vector.broadcast %eq3A_1823 : i32 to vector<16xi32>
    %eq3A_1825 = arith.cmpi eq, %iota3A_57, %eq3A_1824 : vector<16xi32>
    %jit3A_1826 = arith.constant 0 : i32
    %broadcast_in_dim3A_1827 = vector.broadcast %jit3A_1826 : i32 to vector<16xi32>
    %select_n3A_1828 = arith.select %eq3A_1825, %get3A_1822, %broadcast_in_dim3A_1827 : vector<16xi1>, vector<16xi32>
    %reduce_sum3A_1829 = arith.constant true
    %reduce_sum3A_1830 = vector.broadcast %reduce_sum3A_1829 : i1 to vector<16xi1>
    %reduce_sum3A_1831 = tpu.scan <sum>, %select_n3A_1828 masked %reduce_sum3A_1830 : vector<16xi32>, vector<16xi1> -> vector<16xi32>
    %reduce_sum3A_1832 = vector.extract %reduce_sum3A_1831[15] : i32 from vector<16xi32>
    %and3A_1833 = arith.constant 127 : i32
    %and3A_1834 = arith.andi %reduce_sum3A_1832, %and3A_1833 : i32
    %sub3A_1835 = arith.subi %reduce_sum3A_1832, %and3A_1834 : i32
    %multiple_of3A_1836 = tpu.assume_multiple %sub3A_1835, 128 : i32
    %add3A_1837 = arith.constant 56 : i32
    %add3A_1838 = arith.addi %mul3A_2, %add3A_1837 : i32
    %multiple_of3A_1839 = tpu.assume_multiple %add3A_1838, 8 : i32
    %dma_start3A_1840 = arith.constant 59 : i32
    %dma_start3A_1841 = arith.constant 0 : i32
    %dma_start3A_1842 = arith.constant 0 : i32
    %dma_start3A_1843 = tpu.memref_slice %arg11[%dma_start3A_1840, %dma_start3A_1841, %dma_start3A_1842] : memref<64x8x128xf32, #tpu.memory_space<vmem>> -> memref<1x8x128xf32, #tpu.memory_space<vmem>>
    %dma_start3A_1844 = tpu.memref_squeeze %dma_start3A_1843 : memref<1x8x128xf32, #tpu.memory_space<vmem>> -> memref<8x128xf32, #tpu.memory_space<vmem>>
    %dma_start3A_1845 = tpu.memref_slice %arg2[%multiple_of3A_1839, %multiple_of3A_1836] : memref<2048x32000xf32, #tpu.memory_space<hbm>> -> memref<8x128xf32, #tpu.memory_space<hbm>>
    %dma_start3A_1846 = arith.constant 0 : i32
    %dma_start3A_1847 = arith.constant 0 : i32
    %dma_start3A_1848 = tpu.memref_slice %arg11[%dma_start3A_1840, %dma_start3A_1846, %dma_start3A_1847] : memref<64x8x128xf32, #tpu.memory_space<vmem>> -> memref<1x8x128xf32, #tpu.memory_space<vmem>>
    %dma_start3A_1849 = tpu.memref_squeeze %dma_start3A_1848 : memref<1x8x128xf32, #tpu.memory_space<vmem>> -> memref<8x128xf32, #tpu.memory_space<vmem>>
    %dma_start3A_1850 = tpu.memref_slice %arg2[%multiple_of3A_1839, %multiple_of3A_1836] : memref<2048x32000xf32, #tpu.memory_space<hbm>> -> memref<8x128xf32, #tpu.memory_space<hbm>>
    tpu.enqueue_dma source(%dma_start3A_1850 : memref<8x128xf32, #tpu.memory_space<hbm>>) target(%dma_start3A_1849 : memref<8x128xf32, #tpu.memory_space<vmem>>) target_semaphore(%arg14 : memref<!tpu.dma_semaphore, #tpu.memory_space<semaphore_mem>>)
    %get3A_1851 = arith.constant 48 : index
    %get3A_1852 = tpu.vector_load %arg6[%get3A_1851] {strides = array<i32>} : memref<64xi32, #tpu.memory_space<vmem>>, vector<16xi32>,
    %eq3A_1853 = arith.constant 12 : i32
    %eq3A_1854 = vector.broadcast %eq3A_1853 : i32 to vector<16xi32>
    %eq3A_1855 = arith.cmpi eq, %iota3A_57, %eq3A_1854 : vector<16xi32>
    %jit3A_1856 = arith.constant 0 : i32
    %broadcast_in_dim3A_1857 = vector.broadcast %jit3A_1856 : i32 to vector<16xi32>
    %select_n3A_1858 = arith.select %eq3A_1855, %get3A_1852, %broadcast_in_dim3A_1857 : vector<16xi1>, vector<16xi32>
    %reduce_sum3A_1859 = arith.constant true
    %reduce_sum3A_1860 = vector.broadcast %reduce_sum3A_1859 : i1 to vector<16xi1>
    %reduce_sum3A_1861 = tpu.scan <sum>, %select_n3A_1858 masked %reduce_sum3A_1860 : vector<16xi32>, vector<16xi1> -> vector<16xi32>
    %reduce_sum3A_1862 = vector.extract %reduce_sum3A_1861[15] : i32 from vector<16xi32>
    %and3A_1863 = arith.constant 127 : i32
    %and3A_1864 = arith.andi %reduce_sum3A_1862, %and3A_1863 : i32
    %sub3A_1865 = arith.subi %reduce_sum3A_1862, %and3A_1864 : i32
    %multiple_of3A_1866 = tpu.assume_multiple %sub3A_1865, 128 : i32
    %add3A_1867 = arith.constant 56 : i32
    %add3A_1868 = arith.addi %mul3A_2, %add3A_1867 : i32
    %multiple_of3A_1869 = tpu.assume_multiple %add3A_1868, 8 : i32
    %dma_start3A_1870 = arith.constant 60 : i32
    %dma_start3A_1871 = arith.constant 0 : i32
    %dma_start3A_1872 = arith.constant 0 : i32
    %dma_start3A_1873 = tpu.memref_slice %arg11[%dma_start3A_1870, %dma_start3A_1871, %dma_start3A_1872] : memref<64x8x128xf32, #tpu.memory_space<vmem>> -> memref<1x8x128xf32, #tpu.memory_space<vmem>>
    %dma_start3A_1874 = tpu.memref_squeeze %dma_start3A_1873 : memref<1x8x128xf32, #tpu.memory_space<vmem>> -> memref<8x128xf32, #tpu.memory_space<vmem>>
    %dma_start3A_1875 = tpu.memref_slice %arg2[%multiple_of3A_1869, %multiple_of3A_1866] : memref<2048x32000xf32, #tpu.memory_space<hbm>> -> memref<8x128xf32, #tpu.memory_space<hbm>>
    %dma_start3A_1876 = arith.constant 0 : i32
    %dma_start3A_1877 = arith.constant 0 : i32
    %dma_start3A_1878 = tpu.memref_slice %arg11[%dma_start3A_1870, %dma_start3A_1876, %dma_start3A_1877] : memref<64x8x128xf32, #tpu.memory_space<vmem>> -> memref<1x8x128xf32, #tpu.memory_space<vmem>>
    %dma_start3A_1879 = tpu.memref_squeeze %dma_start3A_1878 : memref<1x8x128xf32, #tpu.memory_space<vmem>> -> memref<8x128xf32, #tpu.memory_space<vmem>>
    %dma_start3A_1880 = tpu.memref_slice %arg2[%multiple_of3A_1869, %multiple_of3A_1866] : memref<2048x32000xf32, #tpu.memory_space<hbm>> -> memref<8x128xf32, #tpu.memory_space<hbm>>
    tpu.enqueue_dma source(%dma_start3A_1880 : memref<8x128xf32, #tpu.memory_space<hbm>>) target(%dma_start3A_1879 : memref<8x128xf32, #tpu.memory_space<vmem>>) target_semaphore(%arg14 : memref<!tpu.dma_semaphore, #tpu.memory_space<semaphore_mem>>)
    %get3A_1881 = arith.constant 48 : index
    %get3A_1882 = tpu.vector_load %arg6[%get3A_1881] {strides = array<i32>} : memref<64xi32, #tpu.memory_space<vmem>>, vector<16xi32>,
    %eq3A_1883 = arith.constant 13 : i32
    %eq3A_1884 = vector.broadcast %eq3A_1883 : i32 to vector<16xi32>
    %eq3A_1885 = arith.cmpi eq, %iota3A_57, %eq3A_1884 : vector<16xi32>
    %jit3A_1886 = arith.constant 0 : i32
    %broadcast_in_dim3A_1887 = vector.broadcast %jit3A_1886 : i32 to vector<16xi32>
    %select_n3A_1888 = arith.select %eq3A_1885, %get3A_1882, %broadcast_in_dim3A_1887 : vector<16xi1>, vector<16xi32>
    %reduce_sum3A_1889 = arith.constant true
    %reduce_sum3A_1890 = vector.broadcast %reduce_sum3A_1889 : i1 to vector<16xi1>
    %reduce_sum3A_1891 = tpu.scan <sum>, %select_n3A_1888 masked %reduce_sum3A_1890 : vector<16xi32>, vector<16xi1> -> vector<16xi32>
    %reduce_sum3A_1892 = vector.extract %reduce_sum3A_1891[15] : i32 from vector<16xi32>
    %and3A_1893 = arith.constant 127 : i32
    %and3A_1894 = arith.andi %reduce_sum3A_1892, %and3A_1893 : i32
    %sub3A_1895 = arith.subi %reduce_sum3A_1892, %and3A_1894 : i32
    %multiple_of3A_1896 = tpu.assume_multiple %sub3A_1895, 128 : i32
    %add3A_1897 = arith.constant 56 : i32
    %add3A_1898 = arith.addi %mul3A_2, %add3A_1897 : i32
    %multiple_of3A_1899 = tpu.assume_multiple %add3A_1898, 8 : i32
    %dma_start3A_1900 = arith.constant 61 : i32
    %dma_start3A_1901 = arith.constant 0 : i32
    %dma_start3A_1902 = arith.constant 0 : i32
    %dma_start3A_1903 = tpu.memref_slice %arg11[%dma_start3A_1900, %dma_start3A_1901, %dma_start3A_1902] : memref<64x8x128xf32, #tpu.memory_space<vmem>> -> memref<1x8x128xf32, #tpu.memory_space<vmem>>
    %dma_start3A_1904 = tpu.memref_squeeze %dma_start3A_1903 : memref<1x8x128xf32, #tpu.memory_space<vmem>> -> memref<8x128xf32, #tpu.memory_space<vmem>>
    %dma_start3A_1905 = tpu.memref_slice %arg2[%multiple_of3A_1899, %multiple_of3A_1896] : memref<2048x32000xf32, #tpu.memory_space<hbm>> -> memref<8x128xf32, #tpu.memory_space<hbm>>
    %dma_start3A_1906 = arith.constant 0 : i32
    %dma_start3A_1907 = arith.constant 0 : i32
    %dma_start3A_1908 = tpu.memref_slice %arg11[%dma_start3A_1900, %dma_start3A_1906, %dma_start3A_1907] : memref<64x8x128xf32, #tpu.memory_space<vmem>> -> memref<1x8x128xf32, #tpu.memory_space<vmem>>
    %dma_start3A_1909 = tpu.memref_squeeze %dma_start3A_1908 : memref<1x8x128xf32, #tpu.memory_space<vmem>> -> memref<8x128xf32, #tpu.memory_space<vmem>>
    %dma_start3A_1910 = tpu.memref_slice %arg2[%multiple_of3A_1899, %multiple_of3A_1896] : memref<2048x32000xf32, #tpu.memory_space<hbm>> -> memref<8x128xf32, #tpu.memory_space<hbm>>
    tpu.enqueue_dma source(%dma_start3A_1910 : memref<8x128xf32, #tpu.memory_space<hbm>>) target(%dma_start3A_1909 : memref<8x128xf32, #tpu.memory_space<vmem>>) target_semaphore(%arg14 : memref<!tpu.dma_semaphore, #tpu.memory_space<semaphore_mem>>)
    %get3A_1911 = arith.constant 48 : index
    %get3A_1912 = tpu.vector_load %arg6[%get3A_1911] {strides = array<i32>} : memref<64xi32, #tpu.memory_space<vmem>>, vector<16xi32>,
    %eq3A_1913 = arith.constant 14 : i32
    %eq3A_1914 = vector.broadcast %eq3A_1913 : i32 to vector<16xi32>
    %eq3A_1915 = arith.cmpi eq, %iota3A_57, %eq3A_1914 : vector<16xi32>
    %jit3A_1916 = arith.constant 0 : i32
    %broadcast_in_dim3A_1917 = vector.broadcast %jit3A_1916 : i32 to vector<16xi32>
    %select_n3A_1918 = arith.select %eq3A_1915, %get3A_1912, %broadcast_in_dim3A_1917 : vector<16xi1>, vector<16xi32>
    %reduce_sum3A_1919 = arith.constant true
    %reduce_sum3A_1920 = vector.broadcast %reduce_sum3A_1919 : i1 to vector<16xi1>
    %reduce_sum3A_1921 = tpu.scan <sum>, %select_n3A_1918 masked %reduce_sum3A_1920 : vector<16xi32>, vector<16xi1> -> vector<16xi32>
    %reduce_sum3A_1922 = vector.extract %reduce_sum3A_1921[15] : i32 from vector<16xi32>
    %and3A_1923 = arith.constant 127 : i32
    %and3A_1924 = arith.andi %reduce_sum3A_1922, %and3A_1923 : i32
    %sub3A_1925 = arith.subi %reduce_sum3A_1922, %and3A_1924 : i32
    %multiple_of3A_1926 = tpu.assume_multiple %sub3A_1925, 128 : i32
    %add3A_1927 = arith.constant 56 : i32
    %add3A_1928 = arith.addi %mul3A_2, %add3A_1927 : i32
    %multiple_of3A_1929 = tpu.assume_multiple %add3A_1928, 8 : i32
    %dma_start3A_1930 = arith.constant 62 : i32
    %dma_start3A_1931 = arith.constant 0 : i32
    %dma_start3A_1932 = arith.constant 0 : i32
    %dma_start3A_1933 = tpu.memref_slice %arg11[%dma_start3A_1930, %dma_start3A_1931, %dma_start3A_1932] : memref<64x8x128xf32, #tpu.memory_space<vmem>> -> memref<1x8x128xf32, #tpu.memory_space<vmem>>
    %dma_start3A_1934 = tpu.memref_squeeze %dma_start3A_1933 : memref<1x8x128xf32, #tpu.memory_space<vmem>> -> memref<8x128xf32, #tpu.memory_space<vmem>>
    %dma_start3A_1935 = tpu.memref_slice %arg2[%multiple_of3A_1929, %multiple_of3A_1926] : memref<2048x32000xf32, #tpu.memory_space<hbm>> -> memref<8x128xf32, #tpu.memory_space<hbm>>
    %dma_start3A_1936 = arith.constant 0 : i32
    %dma_start3A_1937 = arith.constant 0 : i32
    %dma_start3A_1938 = tpu.memref_slice %arg11[%dma_start3A_1930, %dma_start3A_1936, %dma_start3A_1937] : memref<64x8x128xf32, #tpu.memory_space<vmem>> -> memref<1x8x128xf32, #tpu.memory_space<vmem>>
    %dma_start3A_1939 = tpu.memref_squeeze %dma_start3A_1938 : memref<1x8x128xf32, #tpu.memory_space<vmem>> -> memref<8x128xf32, #tpu.memory_space<vmem>>
    %dma_start3A_1940 = tpu.memref_slice %arg2[%multiple_of3A_1929, %multiple_of3A_1926] : memref<2048x32000xf32, #tpu.memory_space<hbm>> -> memref<8x128xf32, #tpu.memory_space<hbm>>
    tpu.enqueue_dma source(%dma_start3A_1940 : memref<8x128xf32, #tpu.memory_space<hbm>>) target(%dma_start3A_1939 : memref<8x128xf32, #tpu.memory_space<vmem>>) target_semaphore(%arg14 : memref<!tpu.dma_semaphore, #tpu.memory_space<semaphore_mem>>)
    %get3A_1941 = arith.constant 48 : index
    %get3A_1942 = tpu.vector_load %arg6[%get3A_1941] {strides = array<i32>} : memref<64xi32, #tpu.memory_space<vmem>>, vector<16xi32>,
    %eq3A_1943 = arith.constant 15 : i32
    %eq3A_1944 = vector.broadcast %eq3A_1943 : i32 to vector<16xi32>
    %eq3A_1945 = arith.cmpi eq, %iota3A_57, %eq3A_1944 : vector<16xi32>
    %jit3A_1946 = arith.constant 0 : i32
    %broadcast_in_dim3A_1947 = vector.broadcast %jit3A_1946 : i32 to vector<16xi32>
    %select_n3A_1948 = arith.select %eq3A_1945, %get3A_1942, %broadcast_in_dim3A_1947 : vector<16xi1>, vector<16xi32>
    %reduce_sum3A_1949 = arith.constant true
    %reduce_sum3A_1950 = vector.broadcast %reduce_sum3A_1949 : i1 to vector<16xi1>
    %reduce_sum3A_1951 = tpu.scan <sum>, %select_n3A_1948 masked %reduce_sum3A_1950 : vector<16xi32>, vector<16xi1> -> vector<16xi32>
    %reduce_sum3A_1952 = vector.extract %reduce_sum3A_1951[15] : i32 from vector<16xi32>
    %and3A_1953 = arith.constant 127 : i32
    %and3A_1954 = arith.andi %reduce_sum3A_1952, %and3A_1953 : i32
    %sub3A_1955 = arith.subi %reduce_sum3A_1952, %and3A_1954 : i32
    %multiple_of3A_1956 = tpu.assume_multiple %sub3A_1955, 128 : i32
    %add3A_1957 = arith.constant 56 : i32
    %add3A_1958 = arith.addi %mul3A_2, %add3A_1957 : i32
    %multiple_of3A_1959 = tpu.assume_multiple %add3A_1958, 8 : i32
    %dma_start3A_1960 = arith.constant 63 : i32
    %dma_start3A_1961 = arith.constant 0 : i32
    %dma_start3A_1962 = arith.constant 0 : i32
    %dma_start3A_1963 = tpu.memref_slice %arg11[%dma_start3A_1960, %dma_start3A_1961, %dma_start3A_1962] : memref<64x8x128xf32, #tpu.memory_space<vmem>> -> memref<1x8x128xf32, #tpu.memory_space<vmem>>
    %dma_start3A_1964 = tpu.memref_squeeze %dma_start3A_1963 : memref<1x8x128xf32, #tpu.memory_space<vmem>> -> memref<8x128xf32, #tpu.memory_space<vmem>>
    %dma_start3A_1965 = tpu.memref_slice %arg2[%multiple_of3A_1959, %multiple_of3A_1956] : memref<2048x32000xf32, #tpu.memory_space<hbm>> -> memref<8x128xf32, #tpu.memory_space<hbm>>
    %dma_start3A_1966 = arith.constant 0 : i32
    %dma_start3A_1967 = arith.constant 0 : i32
    %dma_start3A_1968 = tpu.memref_slice %arg11[%dma_start3A_1960, %dma_start3A_1966, %dma_start3A_1967] : memref<64x8x128xf32, #tpu.memory_space<vmem>> -> memref<1x8x128xf32, #tpu.memory_space<vmem>>
    %dma_start3A_1969 = tpu.memref_squeeze %dma_start3A_1968 : memref<1x8x128xf32, #tpu.memory_space<vmem>> -> memref<8x128xf32, #tpu.memory_space<vmem>>
    %dma_start3A_1970 = tpu.memref_slice %arg2[%multiple_of3A_1959, %multiple_of3A_1956] : memref<2048x32000xf32, #tpu.memory_space<hbm>> -> memref<8x128xf32, #tpu.memory_space<hbm>>
    tpu.enqueue_dma source(%dma_start3A_1970 : memref<8x128xf32, #tpu.memory_space<hbm>>) target(%dma_start3A_1969 : memref<8x128xf32, #tpu.memory_space<vmem>>) target_semaphore(%arg14 : memref<!tpu.dma_semaphore, #tpu.memory_space<semaphore_mem>>)
    %dma_wait3A = arith.constant 0 : i32
    %dma_wait3A_1971 = arith.constant 0 : i32
    %dma_wait3A_1972 = tpu.memref_slice %arg2[%dma_wait3A, %dma_wait3A_1971] : memref<2048x32000xf32, #tpu.memory_space<hbm>> -> memref<2048x128xf32, #tpu.memory_space<hbm>>
    tpu.wait_indirect_dma semaphore(%arg13 : memref<!tpu.dma_semaphore, #tpu.memory_space<semaphore_mem>>) src(%dma_wait3A_1972 : memref<2048x128xf32, #tpu.memory_space<hbm>>) dst(%arg10 : memref<64x128xf32, #tpu.memory_space<vmem>>)
    %dma_wait3A_1973 = arith.constant 0 : i32
    %dma_wait3A_1974 = arith.constant 0 : i32
    %dma_wait3A_1975 = arith.constant 0 : i32
    %dma_wait3A_1976 = tpu.memref_slice %arg11[%dma_wait3A_1973, %dma_wait3A_1974, %dma_wait3A_1975] : memref<64x8x128xf32, #tpu.memory_space<vmem>> -> memref<1x8x128xf32, #tpu.memory_space<vmem>>
    %dma_wait3A_1977 = tpu.memref_squeeze %dma_wait3A_1976 : memref<1x8x128xf32, #tpu.memory_space<vmem>> -> memref<8x128xf32, #tpu.memory_space<vmem>>
    %dma_wait3A_1978 = tpu.memref_slice %arg2[%multiple_of3A_69, %multiple_of3A] : memref<2048x32000xf32, #tpu.memory_space<hbm>> -> memref<8x128xf32, #tpu.memory_space<hbm>>
    %dma_wait3A_1979 = arith.constant 0 : i32
    %dma_wait3A_1980 = arith.constant 0 : i32
    %dma_wait3A_1981 = tpu.memref_slice %arg11[%dma_wait3A_1973, %dma_wait3A_1979, %dma_wait3A_1980] : memref<64x8x128xf32, #tpu.memory_space<vmem>> -> memref<1x8x128xf32, #tpu.memory_space<vmem>>
    %dma_wait3A_1982 = tpu.memref_squeeze %dma_wait3A_1981 : memref<1x8x128xf32, #tpu.memory_space<vmem>> -> memref<8x128xf32, #tpu.memory_space<vmem>>
    %dma_wait3A_1983 = tpu.memref_slice %arg2[%multiple_of3A_69, %multiple_of3A] : memref<2048x32000xf32, #tpu.memory_space<hbm>> -> memref<8x128xf32, #tpu.memory_space<hbm>>
    tpu.wait_dma2 semaphore(%arg14 : memref<!tpu.dma_semaphore, #tpu.memory_space<semaphore_mem>>) src(%dma_wait3A_1983 : memref<8x128xf32, #tpu.memory_space<hbm>>) dst(%dma_wait3A_1982 : memref<8x128xf32, #tpu.memory_space<vmem>>)
    %dma_wait3A_1984 = arith.constant 1 : i32
    %dma_wait3A_1985 = arith.constant 0 : i32
    %dma_wait3A_1986 = arith.constant 0 : i32
    %dma_wait3A_1987 = tpu.memref_slice %arg11[%dma_wait3A_1984, %dma_wait3A_1985, %dma_wait3A_1986] : memref<64x8x128xf32, #tpu.memory_space<vmem>> -> memref<1x8x128xf32, #tpu.memory_space<vmem>>
    %dma_wait3A_1988 = tpu.memref_squeeze %dma_wait3A_1987 : memref<1x8x128xf32, #tpu.memory_space<vmem>> -> memref<8x128xf32, #tpu.memory_space<vmem>>
    %dma_wait3A_1989 = tpu.memref_slice %arg2[%multiple_of3A_99, %multiple_of3A_96] : memref<2048x32000xf32, #tpu.memory_space<hbm>> -> memref<8x128xf32, #tpu.memory_space<hbm>>
    %dma_wait3A_1990 = arith.constant 0 : i32
    %dma_wait3A_1991 = arith.constant 0 : i32
    %dma_wait3A_1992 = tpu.memref_slice %arg11[%dma_wait3A_1984, %dma_wait3A_1990, %dma_wait3A_1991] : memref<64x8x128xf32, #tpu.memory_space<vmem>> -> memref<1x8x128xf32, #tpu.memory_space<vmem>>
    %dma_wait3A_1993 = tpu.memref_squeeze %dma_wait3A_1992 : memref<1x8x128xf32, #tpu.memory_space<vmem>> -> memref<8x128xf32, #tpu.memory_space<vmem>>
    %dma_wait3A_1994 = tpu.memref_slice %arg2[%multiple_of3A_99, %multiple_of3A_96] : memref<2048x32000xf32, #tpu.memory_space<hbm>> -> memref<8x128xf32, #tpu.memory_space<hbm>>
    tpu.wait_dma2 semaphore(%arg14 : memref<!tpu.dma_semaphore, #tpu.memory_space<semaphore_mem>>) src(%dma_wait3A_1994 : memref<8x128xf32, #tpu.memory_space<hbm>>) dst(%dma_wait3A_1993 : memref<8x128xf32, #tpu.memory_space<vmem>>)
    %dma_wait3A_1995 = arith.constant 2 : i32
    %dma_wait3A_1996 = arith.constant 0 : i32
    %dma_wait3A_1997 = arith.constant 0 : i32
    %dma_wait3A_1998 = tpu.memref_slice %arg11[%dma_wait3A_1995, %dma_wait3A_1996, %dma_wait3A_1997] : memref<64x8x128xf32, #tpu.memory_space<vmem>> -> memref<1x8x128xf32, #tpu.memory_space<vmem>>
    %dma_wait3A_1999 = tpu.memref_squeeze %dma_wait3A_1998 : memref<1x8x128xf32, #tpu.memory_space<vmem>> -> memref<8x128xf32, #tpu.memory_space<vmem>>
    %dma_wait3A_2000 = tpu.memref_slice %arg2[%multiple_of3A_129, %multiple_of3A_126] : memref<2048x32000xf32, #tpu.memory_space<hbm>> -> memref<8x128xf32, #tpu.memory_space<hbm>>
    %dma_wait3A_2001 = arith.constant 0 : i32
    %dma_wait3A_2002 = arith.constant 0 : i32
    %dma_wait3A_2003 = tpu.memref_slice %arg11[%dma_wait3A_1995, %dma_wait3A_2001, %dma_wait3A_2002] : memref<64x8x128xf32, #tpu.memory_space<vmem>> -> memref<1x8x128xf32, #tpu.memory_space<vmem>>
    %dma_wait3A_2004 = tpu.memref_squeeze %dma_wait3A_2003 : memref<1x8x128xf32, #tpu.memory_space<vmem>> -> memref<8x128xf32, #tpu.memory_space<vmem>>
    %dma_wait3A_2005 = tpu.memref_slice %arg2[%multiple_of3A_129, %multiple_of3A_126] : memref<2048x32000xf32, #tpu.memory_space<hbm>> -> memref<8x128xf32, #tpu.memory_space<hbm>>
    tpu.wait_dma2 semaphore(%arg14 : memref<!tpu.dma_semaphore, #tpu.memory_space<semaphore_mem>>) src(%dma_wait3A_2005 : memref<8x128xf32, #tpu.memory_space<hbm>>) dst(%dma_wait3A_2004 : memref<8x128xf32, #tpu.memory_space<vmem>>)
    %dma_wait3A_2006 = arith.constant 3 : i32
    %dma_wait3A_2007 = arith.constant 0 : i32
    %dma_wait3A_2008 = arith.constant 0 : i32
    %dma_wait3A_2009 = tpu.memref_slice %arg11[%dma_wait3A_2006, %dma_wait3A_2007, %dma_wait3A_2008] : memref<64x8x128xf32, #tpu.memory_space<vmem>> -> memref<1x8x128xf32, #tpu.memory_space<vmem>>
    %dma_wait3A_2010 = tpu.memref_squeeze %dma_wait3A_2009 : memref<1x8x128xf32, #tpu.memory_space<vmem>> -> memref<8x128xf32, #tpu.memory_space<vmem>>
    %dma_wait3A_2011 = tpu.memref_slice %arg2[%multiple_of3A_159, %multiple_of3A_156] : memref<2048x32000xf32, #tpu.memory_space<hbm>> -> memref<8x128xf32, #tpu.memory_space<hbm>>
    %dma_wait3A_2012 = arith.constant 0 : i32
    %dma_wait3A_2013 = arith.constant 0 : i32
    %dma_wait3A_2014 = tpu.memref_slice %arg11[%dma_wait3A_2006, %dma_wait3A_2012, %dma_wait3A_2013] : memref<64x8x128xf32, #tpu.memory_space<vmem>> -> memref<1x8x128xf32, #tpu.memory_space<vmem>>
    %dma_wait3A_2015 = tpu.memref_squeeze %dma_wait3A_2014 : memref<1x8x128xf32, #tpu.memory_space<vmem>> -> memref<8x128xf32, #tpu.memory_space<vmem>>
    %dma_wait3A_2016 = tpu.memref_slice %arg2[%multiple_of3A_159, %multiple_of3A_156] : memref<2048x32000xf32, #tpu.memory_space<hbm>> -> memref<8x128xf32, #tpu.memory_space<hbm>>
    tpu.wait_dma2 semaphore(%arg14 : memref<!tpu.dma_semaphore, #tpu.memory_space<semaphore_mem>>) src(%dma_wait3A_2016 : memref<8x128xf32, #tpu.memory_space<hbm>>) dst(%dma_wait3A_2015 : memref<8x128xf32, #tpu.memory_space<vmem>>)
    %dma_wait3A_2017 = arith.constant 4 : i32
    %dma_wait3A_2018 = arith.constant 0 : i32
    %dma_wait3A_2019 = arith.constant 0 : i32
    %dma_wait3A_2020 = tpu.memref_slice %arg11[%dma_wait3A_2017, %dma_wait3A_2018, %dma_wait3A_2019] : memref<64x8x128xf32, #tpu.memory_space<vmem>> -> memref<1x8x128xf32, #tpu.memory_space<vmem>>
    %dma_wait3A_2021 = tpu.memref_squeeze %dma_wait3A_2020 : memref<1x8x128xf32, #tpu.memory_space<vmem>> -> memref<8x128xf32, #tpu.memory_space<vmem>>
    %dma_wait3A_2022 = tpu.memref_slice %arg2[%multiple_of3A_189, %multiple_of3A_186] : memref<2048x32000xf32, #tpu.memory_space<hbm>> -> memref<8x128xf32, #tpu.memory_space<hbm>>
    %dma_wait3A_2023 = arith.constant 0 : i32
    %dma_wait3A_2024 = arith.constant 0 : i32
    %dma_wait3A_2025 = tpu.memref_slice %arg11[%dma_wait3A_2017, %dma_wait3A_2023, %dma_wait3A_2024] : memref<64x8x128xf32, #tpu.memory_space<vmem>> -> memref<1x8x128xf32, #tpu.memory_space<vmem>>
    %dma_wait3A_2026 = tpu.memref_squeeze %dma_wait3A_2025 : memref<1x8x128xf32, #tpu.memory_space<vmem>> -> memref<8x128xf32, #tpu.memory_space<vmem>>
    %dma_wait3A_2027 = tpu.memref_slice %arg2[%multiple_of3A_189, %multiple_of3A_186] : memref<2048x32000xf32, #tpu.memory_space<hbm>> -> memref<8x128xf32, #tpu.memory_space<hbm>>
    tpu.wait_dma2 semaphore(%arg14 : memref<!tpu.dma_semaphore, #tpu.memory_space<semaphore_mem>>) src(%dma_wait3A_2027 : memref<8x128xf32, #tpu.memory_space<hbm>>) dst(%dma_wait3A_2026 : memref<8x128xf32, #tpu.memory_space<vmem>>)
    %dma_wait3A_2028 = arith.constant 5 : i32
    %dma_wait3A_2029 = arith.constant 0 : i32
    %dma_wait3A_2030 = arith.constant 0 : i32
    %dma_wait3A_2031 = tpu.memref_slice %arg11[%dma_wait3A_2028, %dma_wait3A_2029, %dma_wait3A_2030] : memref<64x8x128xf32, #tpu.memory_space<vmem>> -> memref<1x8x128xf32, #tpu.memory_space<vmem>>
    %dma_wait3A_2032 = tpu.memref_squeeze %dma_wait3A_2031 : memref<1x8x128xf32, #tpu.memory_space<vmem>> -> memref<8x128xf32, #tpu.memory_space<vmem>>
    %dma_wait3A_2033 = tpu.memref_slice %arg2[%multiple_of3A_219, %multiple_of3A_216] : memref<2048x32000xf32, #tpu.memory_space<hbm>> -> memref<8x128xf32, #tpu.memory_space<hbm>>
    %dma_wait3A_2034 = arith.constant 0 : i32
    %dma_wait3A_2035 = arith.constant 0 : i32
    %dma_wait3A_2036 = tpu.memref_slice %arg11[%dma_wait3A_2028, %dma_wait3A_2034, %dma_wait3A_2035] : memref<64x8x128xf32, #tpu.memory_space<vmem>> -> memref<1x8x128xf32, #tpu.memory_space<vmem>>
    %dma_wait3A_2037 = tpu.memref_squeeze %dma_wait3A_2036 : memref<1x8x128xf32, #tpu.memory_space<vmem>> -> memref<8x128xf32, #tpu.memory_space<vmem>>
    %dma_wait3A_2038 = tpu.memref_slice %arg2[%multiple_of3A_219, %multiple_of3A_216] : memref<2048x32000xf32, #tpu.memory_space<hbm>> -> memref<8x128xf32, #tpu.memory_space<hbm>>
    tpu.wait_dma2 semaphore(%arg14 : memref<!tpu.dma_semaphore, #tpu.memory_space<semaphore_mem>>) src(%dma_wait3A_2038 : memref<8x128xf32, #tpu.memory_space<hbm>>) dst(%dma_wait3A_2037 : memref<8x128xf32, #tpu.memory_space<vmem>>)
    %dma_wait3A_2039 = arith.constant 6 : i32
    %dma_wait3A_2040 = arith.constant 0 : i32
    %dma_wait3A_2041 = arith.constant 0 : i32
    %dma_wait3A_2042 = tpu.memref_slice %arg11[%dma_wait3A_2039, %dma_wait3A_2040, %dma_wait3A_2041] : memref<64x8x128xf32, #tpu.memory_space<vmem>> -> memref<1x8x128xf32, #tpu.memory_space<vmem>>
    %dma_wait3A_2043 = tpu.memref_squeeze %dma_wait3A_2042 : memref<1x8x128xf32, #tpu.memory_space<vmem>> -> memref<8x128xf32, #tpu.memory_space<vmem>>
    %dma_wait3A_2044 = tpu.memref_slice %arg2[%multiple_of3A_249, %multiple_of3A_246] : memref<2048x32000xf32, #tpu.memory_space<hbm>> -> memref<8x128xf32, #tpu.memory_space<hbm>>
    %dma_wait3A_2045 = arith.constant 0 : i32
    %dma_wait3A_2046 = arith.constant 0 : i32
    %dma_wait3A_2047 = tpu.memref_slice %arg11[%dma_wait3A_2039, %dma_wait3A_2045, %dma_wait3A_2046] : memref<64x8x128xf32, #tpu.memory_space<vmem>> -> memref<1x8x128xf32, #tpu.memory_space<vmem>>
    %dma_wait3A_2048 = tpu.memref_squeeze %dma_wait3A_2047 : memref<1x8x128xf32, #tpu.memory_space<vmem>> -> memref<8x128xf32, #tpu.memory_space<vmem>>
    %dma_wait3A_2049 = tpu.memref_slice %arg2[%multiple_of3A_249, %multiple_of3A_246] : memref<2048x32000xf32, #tpu.memory_space<hbm>> -> memref<8x128xf32, #tpu.memory_space<hbm>>
    tpu.wait_dma2 semaphore(%arg14 : memref<!tpu.dma_semaphore, #tpu.memory_space<semaphore_mem>>) src(%dma_wait3A_2049 : memref<8x128xf32, #tpu.memory_space<hbm>>) dst(%dma_wait3A_2048 : memref<8x128xf32, #tpu.memory_space<vmem>>)
    %dma_wait3A_2050 = arith.constant 7 : i32
    %dma_wait3A_2051 = arith.constant 0 : i32
    %dma_wait3A_2052 = arith.constant 0 : i32
    %dma_wait3A_2053 = tpu.memref_slice %arg11[%dma_wait3A_2050, %dma_wait3A_2051, %dma_wait3A_2052] : memref<64x8x128xf32, #tpu.memory_space<vmem>> -> memref<1x8x128xf32, #tpu.memory_space<vmem>>
    %dma_wait3A_2054 = tpu.memref_squeeze %dma_wait3A_2053 : memref<1x8x128xf32, #tpu.memory_space<vmem>> -> memref<8x128xf32, #tpu.memory_space<vmem>>
    %dma_wait3A_2055 = tpu.memref_slice %arg2[%multiple_of3A_279, %multiple_of3A_276] : memref<2048x32000xf32, #tpu.memory_space<hbm>> -> memref<8x128xf32, #tpu.memory_space<hbm>>
    %dma_wait3A_2056 = arith.constant 0 : i32
    %dma_wait3A_2057 = arith.constant 0 : i32
    %dma_wait3A_2058 = tpu.memref_slice %arg11[%dma_wait3A_2050, %dma_wait3A_2056, %dma_wait3A_2057] : memref<64x8x128xf32, #tpu.memory_space<vmem>> -> memref<1x8x128xf32, #tpu.memory_space<vmem>>
    %dma_wait3A_2059 = tpu.memref_squeeze %dma_wait3A_2058 : memref<1x8x128xf32, #tpu.memory_space<vmem>> -> memref<8x128xf32, #tpu.memory_space<vmem>>
    %dma_wait3A_2060 = tpu.memref_slice %arg2[%multiple_of3A_279, %multiple_of3A_276] : memref<2048x32000xf32, #tpu.memory_space<hbm>> -> memref<8x128xf32, #tpu.memory_space<hbm>>
    tpu.wait_dma2 semaphore(%arg14 : memref<!tpu.dma_semaphore, #tpu.memory_space<semaphore_mem>>) src(%dma_wait3A_2060 : memref<8x128xf32, #tpu.memory_space<hbm>>) dst(%dma_wait3A_2059 : memref<8x128xf32, #tpu.memory_space<vmem>>)
    %dma_wait3A_2061 = arith.constant 8 : i32
    %dma_wait3A_2062 = arith.constant 0 : i32
    %dma_wait3A_2063 = arith.constant 0 : i32
    %dma_wait3A_2064 = tpu.memref_slice %arg11[%dma_wait3A_2061, %dma_wait3A_2062, %dma_wait3A_2063] : memref<64x8x128xf32, #tpu.memory_space<vmem>> -> memref<1x8x128xf32, #tpu.memory_space<vmem>>
    %dma_wait3A_2065 = tpu.memref_squeeze %dma_wait3A_2064 : memref<1x8x128xf32, #tpu.memory_space<vmem>> -> memref<8x128xf32, #tpu.memory_space<vmem>>
    %dma_wait3A_2066 = tpu.memref_slice %arg2[%multiple_of3A_309, %multiple_of3A_306] : memref<2048x32000xf32, #tpu.memory_space<hbm>> -> memref<8x128xf32, #tpu.memory_space<hbm>>
    %dma_wait3A_2067 = arith.constant 0 : i32
    %dma_wait3A_2068 = arith.constant 0 : i32
    %dma_wait3A_2069 = tpu.memref_slice %arg11[%dma_wait3A_2061, %dma_wait3A_2067, %dma_wait3A_2068] : memref<64x8x128xf32, #tpu.memory_space<vmem>> -> memref<1x8x128xf32, #tpu.memory_space<vmem>>
    %dma_wait3A_2070 = tpu.memref_squeeze %dma_wait3A_2069 : memref<1x8x128xf32, #tpu.memory_space<vmem>> -> memref<8x128xf32, #tpu.memory_space<vmem>>
    %dma_wait3A_2071 = tpu.memref_slice %arg2[%multiple_of3A_309, %multiple_of3A_306] : memref<2048x32000xf32, #tpu.memory_space<hbm>> -> memref<8x128xf32, #tpu.memory_space<hbm>>
    tpu.wait_dma2 semaphore(%arg14 : memref<!tpu.dma_semaphore, #tpu.memory_space<semaphore_mem>>) src(%dma_wait3A_2071 : memref<8x128xf32, #tpu.memory_space<hbm>>) dst(%dma_wait3A_2070 : memref<8x128xf32, #tpu.memory_space<vmem>>)
    %dma_wait3A_2072 = arith.constant 9 : i32
    %dma_wait3A_2073 = arith.constant 0 : i32
    %dma_wait3A_2074 = arith.constant 0 : i32
    %dma_wait3A_2075 = tpu.memref_slice %arg11[%dma_wait3A_2072, %dma_wait3A_2073, %dma_wait3A_2074] : memref<64x8x128xf32, #tpu.memory_space<vmem>> -> memref<1x8x128xf32, #tpu.memory_space<vmem>>
    %dma_wait3A_2076 = tpu.memref_squeeze %dma_wait3A_2075 : memref<1x8x128xf32, #tpu.memory_space<vmem>> -> memref<8x128xf32, #tpu.memory_space<vmem>>
    %dma_wait3A_2077 = tpu.memref_slice %arg2[%multiple_of3A_339, %multiple_of3A_336] : memref<2048x32000xf32, #tpu.memory_space<hbm>> -> memref<8x128xf32, #tpu.memory_space<hbm>>
    %dma_wait3A_2078 = arith.constant 0 : i32
    %dma_wait3A_2079 = arith.constant 0 : i32
    %dma_wait3A_2080 = tpu.memref_slice %arg11[%dma_wait3A_2072, %dma_wait3A_2078, %dma_wait3A_2079] : memref<64x8x128xf32, #tpu.memory_space<vmem>> -> memref<1x8x128xf32, #tpu.memory_space<vmem>>
    %dma_wait3A_2081 = tpu.memref_squeeze %dma_wait3A_2080 : memref<1x8x128xf32, #tpu.memory_space<vmem>> -> memref<8x128xf32, #tpu.memory_space<vmem>>
    %dma_wait3A_2082 = tpu.memref_slice %arg2[%multiple_of3A_339, %multiple_of3A_336] : memref<2048x32000xf32, #tpu.memory_space<hbm>> -> memref<8x128xf32, #tpu.memory_space<hbm>>
    tpu.wait_dma2 semaphore(%arg14 : memref<!tpu.dma_semaphore, #tpu.memory_space<semaphore_mem>>) src(%dma_wait3A_2082 : memref<8x128xf32, #tpu.memory_space<hbm>>) dst(%dma_wait3A_2081 : memref<8x128xf32, #tpu.memory_space<vmem>>)
    %dma_wait3A_2083 = arith.constant 10 : i32
    %dma_wait3A_2084 = arith.constant 0 : i32
    %dma_wait3A_2085 = arith.constant 0 : i32
    %dma_wait3A_2086 = tpu.memref_slice %arg11[%dma_wait3A_2083, %dma_wait3A_2084, %dma_wait3A_2085] : memref<64x8x128xf32, #tpu.memory_space<vmem>> -> memref<1x8x128xf32, #tpu.memory_space<vmem>>
    %dma_wait3A_2087 = tpu.memref_squeeze %dma_wait3A_2086 : memref<1x8x128xf32, #tpu.memory_space<vmem>> -> memref<8x128xf32, #tpu.memory_space<vmem>>
    %dma_wait3A_2088 = tpu.memref_slice %arg2[%multiple_of3A_369, %multiple_of3A_366] : memref<2048x32000xf32, #tpu.memory_space<hbm>> -> memref<8x128xf32, #tpu.memory_space<hbm>>
    %dma_wait3A_2089 = arith.constant 0 : i32
    %dma_wait3A_2090 = arith.constant 0 : i32
    %dma_wait3A_2091 = tpu.memref_slice %arg11[%dma_wait3A_2083, %dma_wait3A_2089, %dma_wait3A_2090] : memref<64x8x128xf32, #tpu.memory_space<vmem>> -> memref<1x8x128xf32, #tpu.memory_space<vmem>>
    %dma_wait3A_2092 = tpu.memref_squeeze %dma_wait3A_2091 : memref<1x8x128xf32, #tpu.memory_space<vmem>> -> memref<8x128xf32, #tpu.memory_space<vmem>>
    %dma_wait3A_2093 = tpu.memref_slice %arg2[%multiple_of3A_369, %multiple_of3A_366] : memref<2048x32000xf32, #tpu.memory_space<hbm>> -> memref<8x128xf32, #tpu.memory_space<hbm>>
    tpu.wait_dma2 semaphore(%arg14 : memref<!tpu.dma_semaphore, #tpu.memory_space<semaphore_mem>>) src(%dma_wait3A_2093 : memref<8x128xf32, #tpu.memory_space<hbm>>) dst(%dma_wait3A_2092 : memref<8x128xf32, #tpu.memory_space<vmem>>)
    %dma_wait3A_2094 = arith.constant 11 : i32
    %dma_wait3A_2095 = arith.constant 0 : i32
    %dma_wait3A_2096 = arith.constant 0 : i32
    %dma_wait3A_2097 = tpu.memref_slice %arg11[%dma_wait3A_2094, %dma_wait3A_2095, %dma_wait3A_2096] : memref<64x8x128xf32, #tpu.memory_space<vmem>> -> memref<1x8x128xf32, #tpu.memory_space<vmem>>
    %dma_wait3A_2098 = tpu.memref_squeeze %dma_wait3A_2097 : memref<1x8x128xf32, #tpu.memory_space<vmem>> -> memref<8x128xf32, #tpu.memory_space<vmem>>
    %dma_wait3A_2099 = tpu.memref_slice %arg2[%multiple_of3A_399, %multiple_of3A_396] : memref<2048x32000xf32, #tpu.memory_space<hbm>> -> memref<8x128xf32, #tpu.memory_space<hbm>>
    %dma_wait3A_2100 = arith.constant 0 : i32
    %dma_wait3A_2101 = arith.constant 0 : i32
    %dma_wait3A_2102 = tpu.memref_slice %arg11[%dma_wait3A_2094, %dma_wait3A_2100, %dma_wait3A_2101] : memref<64x8x128xf32, #tpu.memory_space<vmem>> -> memref<1x8x128xf32, #tpu.memory_space<vmem>>
    %dma_wait3A_2103 = tpu.memref_squeeze %dma_wait3A_2102 : memref<1x8x128xf32, #tpu.memory_space<vmem>> -> memref<8x128xf32, #tpu.memory_space<vmem>>
    %dma_wait3A_2104 = tpu.memref_slice %arg2[%multiple_of3A_399, %multiple_of3A_396] : memref<2048x32000xf32, #tpu.memory_space<hbm>> -> memref<8x128xf32, #tpu.memory_space<hbm>>
    tpu.wait_dma2 semaphore(%arg14 : memref<!tpu.dma_semaphore, #tpu.memory_space<semaphore_mem>>) src(%dma_wait3A_2104 : memref<8x128xf32, #tpu.memory_space<hbm>>) dst(%dma_wait3A_2103 : memref<8x128xf32, #tpu.memory_space<vmem>>)
    %dma_wait3A_2105 = arith.constant 12 : i32
    %dma_wait3A_2106 = arith.constant 0 : i32
    %dma_wait3A_2107 = arith.constant 0 : i32
    %dma_wait3A_2108 = tpu.memref_slice %arg11[%dma_wait3A_2105, %dma_wait3A_2106, %dma_wait3A_2107] : memref<64x8x128xf32, #tpu.memory_space<vmem>> -> memref<1x8x128xf32, #tpu.memory_space<vmem>>
    %dma_wait3A_2109 = tpu.memref_squeeze %dma_wait3A_2108 : memref<1x8x128xf32, #tpu.memory_space<vmem>> -> memref<8x128xf32, #tpu.memory_space<vmem>>
    %dma_wait3A_2110 = tpu.memref_slice %arg2[%multiple_of3A_429, %multiple_of3A_426] : memref<2048x32000xf32, #tpu.memory_space<hbm>> -> memref<8x128xf32, #tpu.memory_space<hbm>>
    %dma_wait3A_2111 = arith.constant 0 : i32
    %dma_wait3A_2112 = arith.constant 0 : i32
    %dma_wait3A_2113 = tpu.memref_slice %arg11[%dma_wait3A_2105, %dma_wait3A_2111, %dma_wait3A_2112] : memref<64x8x128xf32, #tpu.memory_space<vmem>> -> memref<1x8x128xf32, #tpu.memory_space<vmem>>
    %dma_wait3A_2114 = tpu.memref_squeeze %dma_wait3A_2113 : memref<1x8x128xf32, #tpu.memory_space<vmem>> -> memref<8x128xf32, #tpu.memory_space<vmem>>
    %dma_wait3A_2115 = tpu.memref_slice %arg2[%multiple_of3A_429, %multiple_of3A_426] : memref<2048x32000xf32, #tpu.memory_space<hbm>> -> memref<8x128xf32, #tpu.memory_space<hbm>>
    tpu.wait_dma2 semaphore(%arg14 : memref<!tpu.dma_semaphore, #tpu.memory_space<semaphore_mem>>) src(%dma_wait3A_2115 : memref<8x128xf32, #tpu.memory_space<hbm>>) dst(%dma_wait3A_2114 : memref<8x128xf32, #tpu.memory_space<vmem>>)
    %dma_wait3A_2116 = arith.constant 13 : i32
    %dma_wait3A_2117 = arith.constant 0 : i32
    %dma_wait3A_2118 = arith.constant 0 : i32
    %dma_wait3A_2119 = tpu.memref_slice %arg11[%dma_wait3A_2116, %dma_wait3A_2117, %dma_wait3A_2118] : memref<64x8x128xf32, #tpu.memory_space<vmem>> -> memref<1x8x128xf32, #tpu.memory_space<vmem>>
    %dma_wait3A_2120 = tpu.memref_squeeze %dma_wait3A_2119 : memref<1x8x128xf32, #tpu.memory_space<vmem>> -> memref<8x128xf32, #tpu.memory_space<vmem>>
    %dma_wait3A_2121 = tpu.memref_slice %arg2[%multiple_of3A_459, %multiple_of3A_456] : memref<2048x32000xf32, #tpu.memory_space<hbm>> -> memref<8x128xf32, #tpu.memory_space<hbm>>
    %dma_wait3A_2122 = arith.constant 0 : i32
    %dma_wait3A_2123 = arith.constant 0 : i32
    %dma_wait3A_2124 = tpu.memref_slice %arg11[%dma_wait3A_2116, %dma_wait3A_2122, %dma_wait3A_2123] : memref<64x8x128xf32, #tpu.memory_space<vmem>> -> memref<1x8x128xf32, #tpu.memory_space<vmem>>
    %dma_wait3A_2125 = tpu.memref_squeeze %dma_wait3A_2124 : memref<1x8x128xf32, #tpu.memory_space<vmem>> -> memref<8x128xf32, #tpu.memory_space<vmem>>
    %dma_wait3A_2126 = tpu.memref_slice %arg2[%multiple_of3A_459, %multiple_of3A_456] : memref<2048x32000xf32, #tpu.memory_space<hbm>> -> memref<8x128xf32, #tpu.memory_space<hbm>>
    tpu.wait_dma2 semaphore(%arg14 : memref<!tpu.dma_semaphore, #tpu.memory_space<semaphore_mem>>) src(%dma_wait3A_2126 : memref<8x128xf32, #tpu.memory_space<hbm>>) dst(%dma_wait3A_2125 : memref<8x128xf32, #tpu.memory_space<vmem>>)
    %dma_wait3A_2127 = arith.constant 14 : i32
    %dma_wait3A_2128 = arith.constant 0 : i32
    %dma_wait3A_2129 = arith.constant 0 : i32
    %dma_wait3A_2130 = tpu.memref_slice %arg11[%dma_wait3A_2127, %dma_wait3A_2128, %dma_wait3A_2129] : memref<64x8x128xf32, #tpu.memory_space<vmem>> -> memref<1x8x128xf32, #tpu.memory_space<vmem>>
    %dma_wait3A_2131 = tpu.memref_squeeze %dma_wait3A_2130 : memref<1x8x128xf32, #tpu.memory_space<vmem>> -> memref<8x128xf32, #tpu.memory_space<vmem>>
    %dma_wait3A_2132 = tpu.memref_slice %arg2[%multiple_of3A_489, %multiple_of3A_486] : memref<2048x32000xf32, #tpu.memory_space<hbm>> -> memref<8x128xf32, #tpu.memory_space<hbm>>
    %dma_wait3A_2133 = arith.constant 0 : i32
    %dma_wait3A_2134 = arith.constant 0 : i32
    %dma_wait3A_2135 = tpu.memref_slice %arg11[%dma_wait3A_2127, %dma_wait3A_2133, %dma_wait3A_2134] : memref<64x8x128xf32, #tpu.memory_space<vmem>> -> memref<1x8x128xf32, #tpu.memory_space<vmem>>
    %dma_wait3A_2136 = tpu.memref_squeeze %dma_wait3A_2135 : memref<1x8x128xf32, #tpu.memory_space<vmem>> -> memref<8x128xf32, #tpu.memory_space<vmem>>
    %dma_wait3A_2137 = tpu.memref_slice %arg2[%multiple_of3A_489, %multiple_of3A_486] : memref<2048x32000xf32, #tpu.memory_space<hbm>> -> memref<8x128xf32, #tpu.memory_space<hbm>>
    tpu.wait_dma2 semaphore(%arg14 : memref<!tpu.dma_semaphore, #tpu.memory_space<semaphore_mem>>) src(%dma_wait3A_2137 : memref<8x128xf32, #tpu.memory_space<hbm>>) dst(%dma_wait3A_2136 : memref<8x128xf32, #tpu.memory_space<vmem>>)
    %dma_wait3A_2138 = arith.constant 15 : i32
    %dma_wait3A_2139 = arith.constant 0 : i32
    %dma_wait3A_2140 = arith.constant 0 : i32
    %dma_wait3A_2141 = tpu.memref_slice %arg11[%dma_wait3A_2138, %dma_wait3A_2139, %dma_wait3A_2140] : memref<64x8x128xf32, #tpu.memory_space<vmem>> -> memref<1x8x128xf32, #tpu.memory_space<vmem>>
    %dma_wait3A_2142 = tpu.memref_squeeze %dma_wait3A_2141 : memref<1x8x128xf32, #tpu.memory_space<vmem>> -> memref<8x128xf32, #tpu.memory_space<vmem>>
    %dma_wait3A_2143 = tpu.memref_slice %arg2[%multiple_of3A_519, %multiple_of3A_516] : memref<2048x32000xf32, #tpu.memory_space<hbm>> -> memref<8x128xf32, #tpu.memory_space<hbm>>
    %dma_wait3A_2144 = arith.constant 0 : i32
    %dma_wait3A_2145 = arith.constant 0 : i32
    %dma_wait3A_2146 = tpu.memref_slice %arg11[%dma_wait3A_2138, %dma_wait3A_2144, %dma_wait3A_2145] : memref<64x8x128xf32, #tpu.memory_space<vmem>> -> memref<1x8x128xf32, #tpu.memory_space<vmem>>
    %dma_wait3A_2147 = tpu.memref_squeeze %dma_wait3A_2146 : memref<1x8x128xf32, #tpu.memory_space<vmem>> -> memref<8x128xf32, #tpu.memory_space<vmem>>
    %dma_wait3A_2148 = tpu.memref_slice %arg2[%multiple_of3A_519, %multiple_of3A_516] : memref<2048x32000xf32, #tpu.memory_space<hbm>> -> memref<8x128xf32, #tpu.memory_space<hbm>>
    tpu.wait_dma2 semaphore(%arg14 : memref<!tpu.dma_semaphore, #tpu.memory_space<semaphore_mem>>) src(%dma_wait3A_2148 : memref<8x128xf32, #tpu.memory_space<hbm>>) dst(%dma_wait3A_2147 : memref<8x128xf32, #tpu.memory_space<vmem>>)
    %dma_wait3A_2149 = arith.constant 16 : i32
    %dma_wait3A_2150 = arith.constant 0 : i32
    %dma_wait3A_2151 = arith.constant 0 : i32
    %dma_wait3A_2152 = tpu.memref_slice %arg11[%dma_wait3A_2149, %dma_wait3A_2150, %dma_wait3A_2151] : memref<64x8x128xf32, #tpu.memory_space<vmem>> -> memref<1x8x128xf32, #tpu.memory_space<vmem>>
    %dma_wait3A_2153 = tpu.memref_squeeze %dma_wait3A_2152 : memref<1x8x128xf32, #tpu.memory_space<vmem>> -> memref<8x128xf32, #tpu.memory_space<vmem>>
    %dma_wait3A_2154 = tpu.memref_slice %arg2[%multiple_of3A_549, %multiple_of3A_546] : memref<2048x32000xf32, #tpu.memory_space<hbm>> -> memref<8x128xf32, #tpu.memory_space<hbm>>
    %dma_wait3A_2155 = arith.constant 0 : i32
    %dma_wait3A_2156 = arith.constant 0 : i32
    %dma_wait3A_2157 = tpu.memref_slice %arg11[%dma_wait3A_2149, %dma_wait3A_2155, %dma_wait3A_2156] : memref<64x8x128xf32, #tpu.memory_space<vmem>> -> memref<1x8x128xf32, #tpu.memory_space<vmem>>
    %dma_wait3A_2158 = tpu.memref_squeeze %dma_wait3A_2157 : memref<1x8x128xf32, #tpu.memory_space<vmem>> -> memref<8x128xf32, #tpu.memory_space<vmem>>
    %dma_wait3A_2159 = tpu.memref_slice %arg2[%multiple_of3A_549, %multiple_of3A_546] : memref<2048x32000xf32, #tpu.memory_space<hbm>> -> memref<8x128xf32, #tpu.memory_space<hbm>>
    tpu.wait_dma2 semaphore(%arg14 : memref<!tpu.dma_semaphore, #tpu.memory_space<semaphore_mem>>) src(%dma_wait3A_2159 : memref<8x128xf32, #tpu.memory_space<hbm>>) dst(%dma_wait3A_2158 : memref<8x128xf32, #tpu.memory_space<vmem>>)
    %dma_wait3A_2160 = arith.constant 17 : i32
    %dma_wait3A_2161 = arith.constant 0 : i32
    %dma_wait3A_2162 = arith.constant 0 : i32
    %dma_wait3A_2163 = tpu.memref_slice %arg11[%dma_wait3A_2160, %dma_wait3A_2161, %dma_wait3A_2162] : memref<64x8x128xf32, #tpu.memory_space<vmem>> -> memref<1x8x128xf32, #tpu.memory_space<vmem>>
    %dma_wait3A_2164 = tpu.memref_squeeze %dma_wait3A_2163 : memref<1x8x128xf32, #tpu.memory_space<vmem>> -> memref<8x128xf32, #tpu.memory_space<vmem>>
    %dma_wait3A_2165 = tpu.memref_slice %arg2[%multiple_of3A_579, %multiple_of3A_576] : memref<2048x32000xf32, #tpu.memory_space<hbm>> -> memref<8x128xf32, #tpu.memory_space<hbm>>
    %dma_wait3A_2166 = arith.constant 0 : i32
    %dma_wait3A_2167 = arith.constant 0 : i32
    %dma_wait3A_2168 = tpu.memref_slice %arg11[%dma_wait3A_2160, %dma_wait3A_2166, %dma_wait3A_2167] : memref<64x8x128xf32, #tpu.memory_space<vmem>> -> memref<1x8x128xf32, #tpu.memory_space<vmem>>
    %dma_wait3A_2169 = tpu.memref_squeeze %dma_wait3A_2168 : memref<1x8x128xf32, #tpu.memory_space<vmem>> -> memref<8x128xf32, #tpu.memory_space<vmem>>
    %dma_wait3A_2170 = tpu.memref_slice %arg2[%multiple_of3A_579, %multiple_of3A_576] : memref<2048x32000xf32, #tpu.memory_space<hbm>> -> memref<8x128xf32, #tpu.memory_space<hbm>>
    tpu.wait_dma2 semaphore(%arg14 : memref<!tpu.dma_semaphore, #tpu.memory_space<semaphore_mem>>) src(%dma_wait3A_2170 : memref<8x128xf32, #tpu.memory_space<hbm>>) dst(%dma_wait3A_2169 : memref<8x128xf32, #tpu.memory_space<vmem>>)
    %dma_wait3A_2171 = arith.constant 18 : i32
    %dma_wait3A_2172 = arith.constant 0 : i32
    %dma_wait3A_2173 = arith.constant 0 : i32
    %dma_wait3A_2174 = tpu.memref_slice %arg11[%dma_wait3A_2171, %dma_wait3A_2172, %dma_wait3A_2173] : memref<64x8x128xf32, #tpu.memory_space<vmem>> -> memref<1x8x128xf32, #tpu.memory_space<vmem>>
    %dma_wait3A_2175 = tpu.memref_squeeze %dma_wait3A_2174 : memref<1x8x128xf32, #tpu.memory_space<vmem>> -> memref<8x128xf32, #tpu.memory_space<vmem>>
    %dma_wait3A_2176 = tpu.memref_slice %arg2[%multiple_of3A_609, %multiple_of3A_606] : memref<2048x32000xf32, #tpu.memory_space<hbm>> -> memref<8x128xf32, #tpu.memory_space<hbm>>
    %dma_wait3A_2177 = arith.constant 0 : i32
    %dma_wait3A_2178 = arith.constant 0 : i32
    %dma_wait3A_2179 = tpu.memref_slice %arg11[%dma_wait3A_2171, %dma_wait3A_2177, %dma_wait3A_2178] : memref<64x8x128xf32, #tpu.memory_space<vmem>> -> memref<1x8x128xf32, #tpu.memory_space<vmem>>
    %dma_wait3A_2180 = tpu.memref_squeeze %dma_wait3A_2179 : memref<1x8x128xf32, #tpu.memory_space<vmem>> -> memref<8x128xf32, #tpu.memory_space<vmem>>
    %dma_wait3A_2181 = tpu.memref_slice %arg2[%multiple_of3A_609, %multiple_of3A_606] : memref<2048x32000xf32, #tpu.memory_space<hbm>> -> memref<8x128xf32, #tpu.memory_space<hbm>>
    tpu.wait_dma2 semaphore(%arg14 : memref<!tpu.dma_semaphore, #tpu.memory_space<semaphore_mem>>) src(%dma_wait3A_2181 : memref<8x128xf32, #tpu.memory_space<hbm>>) dst(%dma_wait3A_2180 : memref<8x128xf32, #tpu.memory_space<vmem>>)
    %dma_wait3A_2182 = arith.constant 19 : i32
    %dma_wait3A_2183 = arith.constant 0 : i32
    %dma_wait3A_2184 = arith.constant 0 : i32
    %dma_wait3A_2185 = tpu.memref_slice %arg11[%dma_wait3A_2182, %dma_wait3A_2183, %dma_wait3A_2184] : memref<64x8x128xf32, #tpu.memory_space<vmem>> -> memref<1x8x128xf32, #tpu.memory_space<vmem>>
    %dma_wait3A_2186 = tpu.memref_squeeze %dma_wait3A_2185 : memref<1x8x128xf32, #tpu.memory_space<vmem>> -> memref<8x128xf32, #tpu.memory_space<vmem>>
    %dma_wait3A_2187 = tpu.memref_slice %arg2[%multiple_of3A_639, %multiple_of3A_636] : memref<2048x32000xf32, #tpu.memory_space<hbm>> -> memref<8x128xf32, #tpu.memory_space<hbm>>
    %dma_wait3A_2188 = arith.constant 0 : i32
    %dma_wait3A_2189 = arith.constant 0 : i32
    %dma_wait3A_2190 = tpu.memref_slice %arg11[%dma_wait3A_2182, %dma_wait3A_2188, %dma_wait3A_2189] : memref<64x8x128xf32, #tpu.memory_space<vmem>> -> memref<1x8x128xf32, #tpu.memory_space<vmem>>
    %dma_wait3A_2191 = tpu.memref_squeeze %dma_wait3A_2190 : memref<1x8x128xf32, #tpu.memory_space<vmem>> -> memref<8x128xf32, #tpu.memory_space<vmem>>
    %dma_wait3A_2192 = tpu.memref_slice %arg2[%multiple_of3A_639, %multiple_of3A_636] : memref<2048x32000xf32, #tpu.memory_space<hbm>> -> memref<8x128xf32, #tpu.memory_space<hbm>>
    tpu.wait_dma2 semaphore(%arg14 : memref<!tpu.dma_semaphore, #tpu.memory_space<semaphore_mem>>) src(%dma_wait3A_2192 : memref<8x128xf32, #tpu.memory_space<hbm>>) dst(%dma_wait3A_2191 : memref<8x128xf32, #tpu.memory_space<vmem>>)
    %dma_wait3A_2193 = arith.constant 20 : i32
    %dma_wait3A_2194 = arith.constant 0 : i32
    %dma_wait3A_2195 = arith.constant 0 : i32
    %dma_wait3A_2196 = tpu.memref_slice %arg11[%dma_wait3A_2193, %dma_wait3A_2194, %dma_wait3A_2195] : memref<64x8x128xf32, #tpu.memory_space<vmem>> -> memref<1x8x128xf32, #tpu.memory_space<vmem>>
    %dma_wait3A_2197 = tpu.memref_squeeze %dma_wait3A_2196 : memref<1x8x128xf32, #tpu.memory_space<vmem>> -> memref<8x128xf32, #tpu.memory_space<vmem>>
    %dma_wait3A_2198 = tpu.memref_slice %arg2[%multiple_of3A_669, %multiple_of3A_666] : memref<2048x32000xf32, #tpu.memory_space<hbm>> -> memref<8x128xf32, #tpu.memory_space<hbm>>
    %dma_wait3A_2199 = arith.constant 0 : i32
    %dma_wait3A_2200 = arith.constant 0 : i32
    %dma_wait3A_2201 = tpu.memref_slice %arg11[%dma_wait3A_2193, %dma_wait3A_2199, %dma_wait3A_2200] : memref<64x8x128xf32, #tpu.memory_space<vmem>> -> memref<1x8x128xf32, #tpu.memory_space<vmem>>
    %dma_wait3A_2202 = tpu.memref_squeeze %dma_wait3A_2201 : memref<1x8x128xf32, #tpu.memory_space<vmem>> -> memref<8x128xf32, #tpu.memory_space<vmem>>
    %dma_wait3A_2203 = tpu.memref_slice %arg2[%multiple_of3A_669, %multiple_of3A_666] : memref<2048x32000xf32, #tpu.memory_space<hbm>> -> memref<8x128xf32, #tpu.memory_space<hbm>>
    tpu.wait_dma2 semaphore(%arg14 : memref<!tpu.dma_semaphore, #tpu.memory_space<semaphore_mem>>) src(%dma_wait3A_2203 : memref<8x128xf32, #tpu.memory_space<hbm>>) dst(%dma_wait3A_2202 : memref<8x128xf32, #tpu.memory_space<vmem>>)
    %dma_wait3A_2204 = arith.constant 21 : i32
    %dma_wait3A_2205 = arith.constant 0 : i32
    %dma_wait3A_2206 = arith.constant 0 : i32
    %dma_wait3A_2207 = tpu.memref_slice %arg11[%dma_wait3A_2204, %dma_wait3A_2205, %dma_wait3A_2206] : memref<64x8x128xf32, #tpu.memory_space<vmem>> -> memref<1x8x128xf32, #tpu.memory_space<vmem>>
    %dma_wait3A_2208 = tpu.memref_squeeze %dma_wait3A_2207 : memref<1x8x128xf32, #tpu.memory_space<vmem>> -> memref<8x128xf32, #tpu.memory_space<vmem>>
    %dma_wait3A_2209 = tpu.memref_slice %arg2[%multiple_of3A_699, %multiple_of3A_696] : memref<2048x32000xf32, #tpu.memory_space<hbm>> -> memref<8x128xf32, #tpu.memory_space<hbm>>
    %dma_wait3A_2210 = arith.constant 0 : i32
    %dma_wait3A_2211 = arith.constant 0 : i32
    %dma_wait3A_2212 = tpu.memref_slice %arg11[%dma_wait3A_2204, %dma_wait3A_2210, %dma_wait3A_2211] : memref<64x8x128xf32, #tpu.memory_space<vmem>> -> memref<1x8x128xf32, #tpu.memory_space<vmem>>
    %dma_wait3A_2213 = tpu.memref_squeeze %dma_wait3A_2212 : memref<1x8x128xf32, #tpu.memory_space<vmem>> -> memref<8x128xf32, #tpu.memory_space<vmem>>
    %dma_wait3A_2214 = tpu.memref_slice %arg2[%multiple_of3A_699, %multiple_of3A_696] : memref<2048x32000xf32, #tpu.memory_space<hbm>> -> memref<8x128xf32, #tpu.memory_space<hbm>>
    tpu.wait_dma2 semaphore(%arg14 : memref<!tpu.dma_semaphore, #tpu.memory_space<semaphore_mem>>) src(%dma_wait3A_2214 : memref<8x128xf32, #tpu.memory_space<hbm>>) dst(%dma_wait3A_2213 : memref<8x128xf32, #tpu.memory_space<vmem>>)
    %dma_wait3A_2215 = arith.constant 22 : i32
    %dma_wait3A_2216 = arith.constant 0 : i32
    %dma_wait3A_2217 = arith.constant 0 : i32
    %dma_wait3A_2218 = tpu.memref_slice %arg11[%dma_wait3A_2215, %dma_wait3A_2216, %dma_wait3A_2217] : memref<64x8x128xf32, #tpu.memory_space<vmem>> -> memref<1x8x128xf32, #tpu.memory_space<vmem>>
    %dma_wait3A_2219 = tpu.memref_squeeze %dma_wait3A_2218 : memref<1x8x128xf32, #tpu.memory_space<vmem>> -> memref<8x128xf32, #tpu.memory_space<vmem>>
    %dma_wait3A_2220 = tpu.memref_slice %arg2[%multiple_of3A_729, %multiple_of3A_726] : memref<2048x32000xf32, #tpu.memory_space<hbm>> -> memref<8x128xf32, #tpu.memory_space<hbm>>
    %dma_wait3A_2221 = arith.constant 0 : i32
    %dma_wait3A_2222 = arith.constant 0 : i32
    %dma_wait3A_2223 = tpu.memref_slice %arg11[%dma_wait3A_2215, %dma_wait3A_2221, %dma_wait3A_2222] : memref<64x8x128xf32, #tpu.memory_space<vmem>> -> memref<1x8x128xf32, #tpu.memory_space<vmem>>
    %dma_wait3A_2224 = tpu.memref_squeeze %dma_wait3A_2223 : memref<1x8x128xf32, #tpu.memory_space<vmem>> -> memref<8x128xf32, #tpu.memory_space<vmem>>
    %dma_wait3A_2225 = tpu.memref_slice %arg2[%multiple_of3A_729, %multiple_of3A_726] : memref<2048x32000xf32, #tpu.memory_space<hbm>> -> memref<8x128xf32, #tpu.memory_space<hbm>>
    tpu.wait_dma2 semaphore(%arg14 : memref<!tpu.dma_semaphore, #tpu.memory_space<semaphore_mem>>) src(%dma_wait3A_2225 : memref<8x128xf32, #tpu.memory_space<hbm>>) dst(%dma_wait3A_2224 : memref<8x128xf32, #tpu.memory_space<vmem>>)
    %dma_wait3A_2226 = arith.constant 23 : i32
    %dma_wait3A_2227 = arith.constant 0 : i32
    %dma_wait3A_2228 = arith.constant 0 : i32
    %dma_wait3A_2229 = tpu.memref_slice %arg11[%dma_wait3A_2226, %dma_wait3A_2227, %dma_wait3A_2228] : memref<64x8x128xf32, #tpu.memory_space<vmem>> -> memref<1x8x128xf32, #tpu.memory_space<vmem>>
    %dma_wait3A_2230 = tpu.memref_squeeze %dma_wait3A_2229 : memref<1x8x128xf32, #tpu.memory_space<vmem>> -> memref<8x128xf32, #tpu.memory_space<vmem>>
    %dma_wait3A_2231 = tpu.memref_slice %arg2[%multiple_of3A_759, %multiple_of3A_756] : memref<2048x32000xf32, #tpu.memory_space<hbm>> -> memref<8x128xf32, #tpu.memory_space<hbm>>
    %dma_wait3A_2232 = arith.constant 0 : i32
    %dma_wait3A_2233 = arith.constant 0 : i32
    %dma_wait3A_2234 = tpu.memref_slice %arg11[%dma_wait3A_2226, %dma_wait3A_2232, %dma_wait3A_2233] : memref<64x8x128xf32, #tpu.memory_space<vmem>> -> memref<1x8x128xf32, #tpu.memory_space<vmem>>
    %dma_wait3A_2235 = tpu.memref_squeeze %dma_wait3A_2234 : memref<1x8x128xf32, #tpu.memory_space<vmem>> -> memref<8x128xf32, #tpu.memory_space<vmem>>
    %dma_wait3A_2236 = tpu.memref_slice %arg2[%multiple_of3A_759, %multiple_of3A_756] : memref<2048x32000xf32, #tpu.memory_space<hbm>> -> memref<8x128xf32, #tpu.memory_space<hbm>>
    tpu.wait_dma2 semaphore(%arg14 : memref<!tpu.dma_semaphore, #tpu.memory_space<semaphore_mem>>) src(%dma_wait3A_2236 : memref<8x128xf32, #tpu.memory_space<hbm>>) dst(%dma_wait3A_2235 : memref<8x128xf32, #tpu.memory_space<vmem>>)
    %dma_wait3A_2237 = arith.constant 24 : i32
    %dma_wait3A_2238 = arith.constant 0 : i32
    %dma_wait3A_2239 = arith.constant 0 : i32
    %dma_wait3A_2240 = tpu.memref_slice %arg11[%dma_wait3A_2237, %dma_wait3A_2238, %dma_wait3A_2239] : memref<64x8x128xf32, #tpu.memory_space<vmem>> -> memref<1x8x128xf32, #tpu.memory_space<vmem>>
    %dma_wait3A_2241 = tpu.memref_squeeze %dma_wait3A_2240 : memref<1x8x128xf32, #tpu.memory_space<vmem>> -> memref<8x128xf32, #tpu.memory_space<vmem>>
    %dma_wait3A_2242 = tpu.memref_slice %arg2[%multiple_of3A_789, %multiple_of3A_786] : memref<2048x32000xf32, #tpu.memory_space<hbm>> -> memref<8x128xf32, #tpu.memory_space<hbm>>
    %dma_wait3A_2243 = arith.constant 0 : i32
    %dma_wait3A_2244 = arith.constant 0 : i32
    %dma_wait3A_2245 = tpu.memref_slice %arg11[%dma_wait3A_2237, %dma_wait3A_2243, %dma_wait3A_2244] : memref<64x8x128xf32, #tpu.memory_space<vmem>> -> memref<1x8x128xf32, #tpu.memory_space<vmem>>
    %dma_wait3A_2246 = tpu.memref_squeeze %dma_wait3A_2245 : memref<1x8x128xf32, #tpu.memory_space<vmem>> -> memref<8x128xf32, #tpu.memory_space<vmem>>
    %dma_wait3A_2247 = tpu.memref_slice %arg2[%multiple_of3A_789, %multiple_of3A_786] : memref<2048x32000xf32, #tpu.memory_space<hbm>> -> memref<8x128xf32, #tpu.memory_space<hbm>>
    tpu.wait_dma2 semaphore(%arg14 : memref<!tpu.dma_semaphore, #tpu.memory_space<semaphore_mem>>) src(%dma_wait3A_2247 : memref<8x128xf32, #tpu.memory_space<hbm>>) dst(%dma_wait3A_2246 : memref<8x128xf32, #tpu.memory_space<vmem>>)
    %dma_wait3A_2248 = arith.constant 25 : i32
    %dma_wait3A_2249 = arith.constant 0 : i32
    %dma_wait3A_2250 = arith.constant 0 : i32
    %dma_wait3A_2251 = tpu.memref_slice %arg11[%dma_wait3A_2248, %dma_wait3A_2249, %dma_wait3A_2250] : memref<64x8x128xf32, #tpu.memory_space<vmem>> -> memref<1x8x128xf32, #tpu.memory_space<vmem>>
    %dma_wait3A_2252 = tpu.memref_squeeze %dma_wait3A_2251 : memref<1x8x128xf32, #tpu.memory_space<vmem>> -> memref<8x128xf32, #tpu.memory_space<vmem>>
    %dma_wait3A_2253 = tpu.memref_slice %arg2[%multiple_of3A_819, %multiple_of3A_816] : memref<2048x32000xf32, #tpu.memory_space<hbm>> -> memref<8x128xf32, #tpu.memory_space<hbm>>
    %dma_wait3A_2254 = arith.constant 0 : i32
    %dma_wait3A_2255 = arith.constant 0 : i32
    %dma_wait3A_2256 = tpu.memref_slice %arg11[%dma_wait3A_2248, %dma_wait3A_2254, %dma_wait3A_2255] : memref<64x8x128xf32, #tpu.memory_space<vmem>> -> memref<1x8x128xf32, #tpu.memory_space<vmem>>
    %dma_wait3A_2257 = tpu.memref_squeeze %dma_wait3A_2256 : memref<1x8x128xf32, #tpu.memory_space<vmem>> -> memref<8x128xf32, #tpu.memory_space<vmem>>
    %dma_wait3A_2258 = tpu.memref_slice %arg2[%multiple_of3A_819, %multiple_of3A_816] : memref<2048x32000xf32, #tpu.memory_space<hbm>> -> memref<8x128xf32, #tpu.memory_space<hbm>>
    tpu.wait_dma2 semaphore(%arg14 : memref<!tpu.dma_semaphore, #tpu.memory_space<semaphore_mem>>) src(%dma_wait3A_2258 : memref<8x128xf32, #tpu.memory_space<hbm>>) dst(%dma_wait3A_2257 : memref<8x128xf32, #tpu.memory_space<vmem>>)
    %dma_wait3A_2259 = arith.constant 26 : i32
    %dma_wait3A_2260 = arith.constant 0 : i32
    %dma_wait3A_2261 = arith.constant 0 : i32
    %dma_wait3A_2262 = tpu.memref_slice %arg11[%dma_wait3A_2259, %dma_wait3A_2260, %dma_wait3A_2261] : memref<64x8x128xf32, #tpu.memory_space<vmem>> -> memref<1x8x128xf32, #tpu.memory_space<vmem>>
    %dma_wait3A_2263 = tpu.memref_squeeze %dma_wait3A_2262 : memref<1x8x128xf32, #tpu.memory_space<vmem>> -> memref<8x128xf32, #tpu.memory_space<vmem>>
    %dma_wait3A_2264 = tpu.memref_slice %arg2[%multiple_of3A_849, %multiple_of3A_846] : memref<2048x32000xf32, #tpu.memory_space<hbm>> -> memref<8x128xf32, #tpu.memory_space<hbm>>
    %dma_wait3A_2265 = arith.constant 0 : i32
    %dma_wait3A_2266 = arith.constant 0 : i32
    %dma_wait3A_2267 = tpu.memref_slice %arg11[%dma_wait3A_2259, %dma_wait3A_2265, %dma_wait3A_2266] : memref<64x8x128xf32, #tpu.memory_space<vmem>> -> memref<1x8x128xf32, #tpu.memory_space<vmem>>
    %dma_wait3A_2268 = tpu.memref_squeeze %dma_wait3A_2267 : memref<1x8x128xf32, #tpu.memory_space<vmem>> -> memref<8x128xf32, #tpu.memory_space<vmem>>
    %dma_wait3A_2269 = tpu.memref_slice %arg2[%multiple_of3A_849, %multiple_of3A_846] : memref<2048x32000xf32, #tpu.memory_space<hbm>> -> memref<8x128xf32, #tpu.memory_space<hbm>>
    tpu.wait_dma2 semaphore(%arg14 : memref<!tpu.dma_semaphore, #tpu.memory_space<semaphore_mem>>) src(%dma_wait3A_2269 : memref<8x128xf32, #tpu.memory_space<hbm>>) dst(%dma_wait3A_2268 : memref<8x128xf32, #tpu.memory_space<vmem>>)
    %dma_wait3A_2270 = arith.constant 27 : i32
    %dma_wait3A_2271 = arith.constant 0 : i32
    %dma_wait3A_2272 = arith.constant 0 : i32
    %dma_wait3A_2273 = tpu.memref_slice %arg11[%dma_wait3A_2270, %dma_wait3A_2271, %dma_wait3A_2272] : memref<64x8x128xf32, #tpu.memory_space<vmem>> -> memref<1x8x128xf32, #tpu.memory_space<vmem>>
    %dma_wait3A_2274 = tpu.memref_squeeze %dma_wait3A_2273 : memref<1x8x128xf32, #tpu.memory_space<vmem>> -> memref<8x128xf32, #tpu.memory_space<vmem>>
    %dma_wait3A_2275 = tpu.memref_slice %arg2[%multiple_of3A_879, %multiple_of3A_876] : memref<2048x32000xf32, #tpu.memory_space<hbm>> -> memref<8x128xf32, #tpu.memory_space<hbm>>
    %dma_wait3A_2276 = arith.constant 0 : i32
    %dma_wait3A_2277 = arith.constant 0 : i32
    %dma_wait3A_2278 = tpu.memref_slice %arg11[%dma_wait3A_2270, %dma_wait3A_2276, %dma_wait3A_2277] : memref<64x8x128xf32, #tpu.memory_space<vmem>> -> memref<1x8x128xf32, #tpu.memory_space<vmem>>
    %dma_wait3A_2279 = tpu.memref_squeeze %dma_wait3A_2278 : memref<1x8x128xf32, #tpu.memory_space<vmem>> -> memref<8x128xf32, #tpu.memory_space<vmem>>
    %dma_wait3A_2280 = tpu.memref_slice %arg2[%multiple_of3A_879, %multiple_of3A_876] : memref<2048x32000xf32, #tpu.memory_space<hbm>> -> memref<8x128xf32, #tpu.memory_space<hbm>>
    tpu.wait_dma2 semaphore(%arg14 : memref<!tpu.dma_semaphore, #tpu.memory_space<semaphore_mem>>) src(%dma_wait3A_2280 : memref<8x128xf32, #tpu.memory_space<hbm>>) dst(%dma_wait3A_2279 : memref<8x128xf32, #tpu.memory_space<vmem>>)
    %dma_wait3A_2281 = arith.constant 28 : i32
    %dma_wait3A_2282 = arith.constant 0 : i32
    %dma_wait3A_2283 = arith.constant 0 : i32
    %dma_wait3A_2284 = tpu.memref_slice %arg11[%dma_wait3A_2281, %dma_wait3A_2282, %dma_wait3A_2283] : memref<64x8x128xf32, #tpu.memory_space<vmem>> -> memref<1x8x128xf32, #tpu.memory_space<vmem>>
    %dma_wait3A_2285 = tpu.memref_squeeze %dma_wait3A_2284 : memref<1x8x128xf32, #tpu.memory_space<vmem>> -> memref<8x128xf32, #tpu.memory_space<vmem>>
    %dma_wait3A_2286 = tpu.memref_slice %arg2[%multiple_of3A_909, %multiple_of3A_906] : memref<2048x32000xf32, #tpu.memory_space<hbm>> -> memref<8x128xf32, #tpu.memory_space<hbm>>
    %dma_wait3A_2287 = arith.constant 0 : i32
    %dma_wait3A_2288 = arith.constant 0 : i32
    %dma_wait3A_2289 = tpu.memref_slice %arg11[%dma_wait3A_2281, %dma_wait3A_2287, %dma_wait3A_2288] : memref<64x8x128xf32, #tpu.memory_space<vmem>> -> memref<1x8x128xf32, #tpu.memory_space<vmem>>
    %dma_wait3A_2290 = tpu.memref_squeeze %dma_wait3A_2289 : memref<1x8x128xf32, #tpu.memory_space<vmem>> -> memref<8x128xf32, #tpu.memory_space<vmem>>
    %dma_wait3A_2291 = tpu.memref_slice %arg2[%multiple_of3A_909, %multiple_of3A_906] : memref<2048x32000xf32, #tpu.memory_space<hbm>> -> memref<8x128xf32, #tpu.memory_space<hbm>>
    tpu.wait_dma2 semaphore(%arg14 : memref<!tpu.dma_semaphore, #tpu.memory_space<semaphore_mem>>) src(%dma_wait3A_2291 : memref<8x128xf32, #tpu.memory_space<hbm>>) dst(%dma_wait3A_2290 : memref<8x128xf32, #tpu.memory_space<vmem>>)
    %dma_wait3A_2292 = arith.constant 29 : i32
    %dma_wait3A_2293 = arith.constant 0 : i32
    %dma_wait3A_2294 = arith.constant 0 : i32
    %dma_wait3A_2295 = tpu.memref_slice %arg11[%dma_wait3A_2292, %dma_wait3A_2293, %dma_wait3A_2294] : memref<64x8x128xf32, #tpu.memory_space<vmem>> -> memref<1x8x128xf32, #tpu.memory_space<vmem>>
    %dma_wait3A_2296 = tpu.memref_squeeze %dma_wait3A_2295 : memref<1x8x128xf32, #tpu.memory_space<vmem>> -> memref<8x128xf32, #tpu.memory_space<vmem>>
    %dma_wait3A_2297 = tpu.memref_slice %arg2[%multiple_of3A_939, %multiple_of3A_936] : memref<2048x32000xf32, #tpu.memory_space<hbm>> -> memref<8x128xf32, #tpu.memory_space<hbm>>
    %dma_wait3A_2298 = arith.constant 0 : i32
    %dma_wait3A_2299 = arith.constant 0 : i32
    %dma_wait3A_2300 = tpu.memref_slice %arg11[%dma_wait3A_2292, %dma_wait3A_2298, %dma_wait3A_2299] : memref<64x8x128xf32, #tpu.memory_space<vmem>> -> memref<1x8x128xf32, #tpu.memory_space<vmem>>
    %dma_wait3A_2301 = tpu.memref_squeeze %dma_wait3A_2300 : memref<1x8x128xf32, #tpu.memory_space<vmem>> -> memref<8x128xf32, #tpu.memory_space<vmem>>
    %dma_wait3A_2302 = tpu.memref_slice %arg2[%multiple_of3A_939, %multiple_of3A_936] : memref<2048x32000xf32, #tpu.memory_space<hbm>> -> memref<8x128xf32, #tpu.memory_space<hbm>>
    tpu.wait_dma2 semaphore(%arg14 : memref<!tpu.dma_semaphore, #tpu.memory_space<semaphore_mem>>) src(%dma_wait3A_2302 : memref<8x128xf32, #tpu.memory_space<hbm>>) dst(%dma_wait3A_2301 : memref<8x128xf32, #tpu.memory_space<vmem>>)
    %dma_wait3A_2303 = arith.constant 30 : i32
    %dma_wait3A_2304 = arith.constant 0 : i32
    %dma_wait3A_2305 = arith.constant 0 : i32
    %dma_wait3A_2306 = tpu.memref_slice %arg11[%dma_wait3A_2303, %dma_wait3A_2304, %dma_wait3A_2305] : memref<64x8x128xf32, #tpu.memory_space<vmem>> -> memref<1x8x128xf32, #tpu.memory_space<vmem>>
    %dma_wait3A_2307 = tpu.memref_squeeze %dma_wait3A_2306 : memref<1x8x128xf32, #tpu.memory_space<vmem>> -> memref<8x128xf32, #tpu.memory_space<vmem>>
    %dma_wait3A_2308 = tpu.memref_slice %arg2[%multiple_of3A_969, %multiple_of3A_966] : memref<2048x32000xf32, #tpu.memory_space<hbm>> -> memref<8x128xf32, #tpu.memory_space<hbm>>
    %dma_wait3A_2309 = arith.constant 0 : i32
    %dma_wait3A_2310 = arith.constant 0 : i32
    %dma_wait3A_2311 = tpu.memref_slice %arg11[%dma_wait3A_2303, %dma_wait3A_2309, %dma_wait3A_2310] : memref<64x8x128xf32, #tpu.memory_space<vmem>> -> memref<1x8x128xf32, #tpu.memory_space<vmem>>
    %dma_wait3A_2312 = tpu.memref_squeeze %dma_wait3A_2311 : memref<1x8x128xf32, #tpu.memory_space<vmem>> -> memref<8x128xf32, #tpu.memory_space<vmem>>
    %dma_wait3A_2313 = tpu.memref_slice %arg2[%multiple_of3A_969, %multiple_of3A_966] : memref<2048x32000xf32, #tpu.memory_space<hbm>> -> memref<8x128xf32, #tpu.memory_space<hbm>>
    tpu.wait_dma2 semaphore(%arg14 : memref<!tpu.dma_semaphore, #tpu.memory_space<semaphore_mem>>) src(%dma_wait3A_2313 : memref<8x128xf32, #tpu.memory_space<hbm>>) dst(%dma_wait3A_2312 : memref<8x128xf32, #tpu.memory_space<vmem>>)
    %dma_wait3A_2314 = arith.constant 31 : i32
    %dma_wait3A_2315 = arith.constant 0 : i32
    %dma_wait3A_2316 = arith.constant 0 : i32
    %dma_wait3A_2317 = tpu.memref_slice %arg11[%dma_wait3A_2314, %dma_wait3A_2315, %dma_wait3A_2316] : memref<64x8x128xf32, #tpu.memory_space<vmem>> -> memref<1x8x128xf32, #tpu.memory_space<vmem>>
    %dma_wait3A_2318 = tpu.memref_squeeze %dma_wait3A_2317 : memref<1x8x128xf32, #tpu.memory_space<vmem>> -> memref<8x128xf32, #tpu.memory_space<vmem>>
    %dma_wait3A_2319 = tpu.memref_slice %arg2[%multiple_of3A_999, %multiple_of3A_996] : memref<2048x32000xf32, #tpu.memory_space<hbm>> -> memref<8x128xf32, #tpu.memory_space<hbm>>
    %dma_wait3A_2320 = arith.constant 0 : i32
    %dma_wait3A_2321 = arith.constant 0 : i32
    %dma_wait3A_2322 = tpu.memref_slice %arg11[%dma_wait3A_2314, %dma_wait3A_2320, %dma_wait3A_2321] : memref<64x8x128xf32, #tpu.memory_space<vmem>> -> memref<1x8x128xf32, #tpu.memory_space<vmem>>
    %dma_wait3A_2323 = tpu.memref_squeeze %dma_wait3A_2322 : memref<1x8x128xf32, #tpu.memory_space<vmem>> -> memref<8x128xf32, #tpu.memory_space<vmem>>
    %dma_wait3A_2324 = tpu.memref_slice %arg2[%multiple_of3A_999, %multiple_of3A_996] : memref<2048x32000xf32, #tpu.memory_space<hbm>> -> memref<8x128xf32, #tpu.memory_space<hbm>>
    tpu.wait_dma2 semaphore(%arg14 : memref<!tpu.dma_semaphore, #tpu.memory_space<semaphore_mem>>) src(%dma_wait3A_2324 : memref<8x128xf32, #tpu.memory_space<hbm>>) dst(%dma_wait3A_2323 : memref<8x128xf32, #tpu.memory_space<vmem>>)
    %dma_wait3A_2325 = arith.constant 32 : i32
    %dma_wait3A_2326 = arith.constant 0 : i32
    %dma_wait3A_2327 = arith.constant 0 : i32
    %dma_wait3A_2328 = tpu.memref_slice %arg11[%dma_wait3A_2325, %dma_wait3A_2326, %dma_wait3A_2327] : memref<64x8x128xf32, #tpu.memory_space<vmem>> -> memref<1x8x128xf32, #tpu.memory_space<vmem>>
    %dma_wait3A_2329 = tpu.memref_squeeze %dma_wait3A_2328 : memref<1x8x128xf32, #tpu.memory_space<vmem>> -> memref<8x128xf32, #tpu.memory_space<vmem>>
    %dma_wait3A_2330 = tpu.memref_slice %arg2[%multiple_of3A_1029, %multiple_of3A_1026] : memref<2048x32000xf32, #tpu.memory_space<hbm>> -> memref<8x128xf32, #tpu.memory_space<hbm>>
    %dma_wait3A_2331 = arith.constant 0 : i32
    %dma_wait3A_2332 = arith.constant 0 : i32
    %dma_wait3A_2333 = tpu.memref_slice %arg11[%dma_wait3A_2325, %dma_wait3A_2331, %dma_wait3A_2332] : memref<64x8x128xf32, #tpu.memory_space<vmem>> -> memref<1x8x128xf32, #tpu.memory_space<vmem>>
    %dma_wait3A_2334 = tpu.memref_squeeze %dma_wait3A_2333 : memref<1x8x128xf32, #tpu.memory_space<vmem>> -> memref<8x128xf32, #tpu.memory_space<vmem>>
    %dma_wait3A_2335 = tpu.memref_slice %arg2[%multiple_of3A_1029, %multiple_of3A_1026] : memref<2048x32000xf32, #tpu.memory_space<hbm>> -> memref<8x128xf32, #tpu.memory_space<hbm>>
    tpu.wait_dma2 semaphore(%arg14 : memref<!tpu.dma_semaphore, #tpu.memory_space<semaphore_mem>>) src(%dma_wait3A_2335 : memref<8x128xf32, #tpu.memory_space<hbm>>) dst(%dma_wait3A_2334 : memref<8x128xf32, #tpu.memory_space<vmem>>)
    %dma_wait3A_2336 = arith.constant 33 : i32
    %dma_wait3A_2337 = arith.constant 0 : i32
    %dma_wait3A_2338 = arith.constant 0 : i32
    %dma_wait3A_2339 = tpu.memref_slice %arg11[%dma_wait3A_2336, %dma_wait3A_2337, %dma_wait3A_2338] : memref<64x8x128xf32, #tpu.memory_space<vmem>> -> memref<1x8x128xf32, #tpu.memory_space<vmem>>
    %dma_wait3A_2340 = tpu.memref_squeeze %dma_wait3A_2339 : memref<1x8x128xf32, #tpu.memory_space<vmem>> -> memref<8x128xf32, #tpu.memory_space<vmem>>
    %dma_wait3A_2341 = tpu.memref_slice %arg2[%multiple_of3A_1059, %multiple_of3A_1056] : memref<2048x32000xf32, #tpu.memory_space<hbm>> -> memref<8x128xf32, #tpu.memory_space<hbm>>
    %dma_wait3A_2342 = arith.constant 0 : i32
    %dma_wait3A_2343 = arith.constant 0 : i32
    %dma_wait3A_2344 = tpu.memref_slice %arg11[%dma_wait3A_2336, %dma_wait3A_2342, %dma_wait3A_2343] : memref<64x8x128xf32, #tpu.memory_space<vmem>> -> memref<1x8x128xf32, #tpu.memory_space<vmem>>
    %dma_wait3A_2345 = tpu.memref_squeeze %dma_wait3A_2344 : memref<1x8x128xf32, #tpu.memory_space<vmem>> -> memref<8x128xf32, #tpu.memory_space<vmem>>
    %dma_wait3A_2346 = tpu.memref_slice %arg2[%multiple_of3A_1059, %multiple_of3A_1056] : memref<2048x32000xf32, #tpu.memory_space<hbm>> -> memref<8x128xf32, #tpu.memory_space<hbm>>
    tpu.wait_dma2 semaphore(%arg14 : memref<!tpu.dma_semaphore, #tpu.memory_space<semaphore_mem>>) src(%dma_wait3A_2346 : memref<8x128xf32, #tpu.memory_space<hbm>>) dst(%dma_wait3A_2345 : memref<8x128xf32, #tpu.memory_space<vmem>>)
    %dma_wait3A_2347 = arith.constant 34 : i32
    %dma_wait3A_2348 = arith.constant 0 : i32
    %dma_wait3A_2349 = arith.constant 0 : i32
    %dma_wait3A_2350 = tpu.memref_slice %arg11[%dma_wait3A_2347, %dma_wait3A_2348, %dma_wait3A_2349] : memref<64x8x128xf32, #tpu.memory_space<vmem>> -> memref<1x8x128xf32, #tpu.memory_space<vmem>>
    %dma_wait3A_2351 = tpu.memref_squeeze %dma_wait3A_2350 : memref<1x8x128xf32, #tpu.memory_space<vmem>> -> memref<8x128xf32, #tpu.memory_space<vmem>>
    %dma_wait3A_2352 = tpu.memref_slice %arg2[%multiple_of3A_1089, %multiple_of3A_1086] : memref<2048x32000xf32, #tpu.memory_space<hbm>> -> memref<8x128xf32, #tpu.memory_space<hbm>>
    %dma_wait3A_2353 = arith.constant 0 : i32
    %dma_wait3A_2354 = arith.constant 0 : i32
    %dma_wait3A_2355 = tpu.memref_slice %arg11[%dma_wait3A_2347, %dma_wait3A_2353, %dma_wait3A_2354] : memref<64x8x128xf32, #tpu.memory_space<vmem>> -> memref<1x8x128xf32, #tpu.memory_space<vmem>>
    %dma_wait3A_2356 = tpu.memref_squeeze %dma_wait3A_2355 : memref<1x8x128xf32, #tpu.memory_space<vmem>> -> memref<8x128xf32, #tpu.memory_space<vmem>>
    %dma_wait3A_2357 = tpu.memref_slice %arg2[%multiple_of3A_1089, %multiple_of3A_1086] : memref<2048x32000xf32, #tpu.memory_space<hbm>> -> memref<8x128xf32, #tpu.memory_space<hbm>>
    tpu.wait_dma2 semaphore(%arg14 : memref<!tpu.dma_semaphore, #tpu.memory_space<semaphore_mem>>) src(%dma_wait3A_2357 : memref<8x128xf32, #tpu.memory_space<hbm>>) dst(%dma_wait3A_2356 : memref<8x128xf32, #tpu.memory_space<vmem>>)
    %dma_wait3A_2358 = arith.constant 35 : i32
    %dma_wait3A_2359 = arith.constant 0 : i32
    %dma_wait3A_2360 = arith.constant 0 : i32
    %dma_wait3A_2361 = tpu.memref_slice %arg11[%dma_wait3A_2358, %dma_wait3A_2359, %dma_wait3A_2360] : memref<64x8x128xf32, #tpu.memory_space<vmem>> -> memref<1x8x128xf32, #tpu.memory_space<vmem>>
    %dma_wait3A_2362 = tpu.memref_squeeze %dma_wait3A_2361 : memref<1x8x128xf32, #tpu.memory_space<vmem>> -> memref<8x128xf32, #tpu.memory_space<vmem>>
    %dma_wait3A_2363 = tpu.memref_slice %arg2[%multiple_of3A_1119, %multiple_of3A_1116] : memref<2048x32000xf32, #tpu.memory_space<hbm>> -> memref<8x128xf32, #tpu.memory_space<hbm>>
    %dma_wait3A_2364 = arith.constant 0 : i32
    %dma_wait3A_2365 = arith.constant 0 : i32
    %dma_wait3A_2366 = tpu.memref_slice %arg11[%dma_wait3A_2358, %dma_wait3A_2364, %dma_wait3A_2365] : memref<64x8x128xf32, #tpu.memory_space<vmem>> -> memref<1x8x128xf32, #tpu.memory_space<vmem>>
    %dma_wait3A_2367 = tpu.memref_squeeze %dma_wait3A_2366 : memref<1x8x128xf32, #tpu.memory_space<vmem>> -> memref<8x128xf32, #tpu.memory_space<vmem>>
    %dma_wait3A_2368 = tpu.memref_slice %arg2[%multiple_of3A_1119, %multiple_of3A_1116] : memref<2048x32000xf32, #tpu.memory_space<hbm>> -> memref<8x128xf32, #tpu.memory_space<hbm>>
    tpu.wait_dma2 semaphore(%arg14 : memref<!tpu.dma_semaphore, #tpu.memory_space<semaphore_mem>>) src(%dma_wait3A_2368 : memref<8x128xf32, #tpu.memory_space<hbm>>) dst(%dma_wait3A_2367 : memref<8x128xf32, #tpu.memory_space<vmem>>)
    %dma_wait3A_2369 = arith.constant 36 : i32
    %dma_wait3A_2370 = arith.constant 0 : i32
    %dma_wait3A_2371 = arith.constant 0 : i32
    %dma_wait3A_2372 = tpu.memref_slice %arg11[%dma_wait3A_2369, %dma_wait3A_2370, %dma_wait3A_2371] : memref<64x8x128xf32, #tpu.memory_space<vmem>> -> memref<1x8x128xf32, #tpu.memory_space<vmem>>
    %dma_wait3A_2373 = tpu.memref_squeeze %dma_wait3A_2372 : memref<1x8x128xf32, #tpu.memory_space<vmem>> -> memref<8x128xf32, #tpu.memory_space<vmem>>
    %dma_wait3A_2374 = tpu.memref_slice %arg2[%multiple_of3A_1149, %multiple_of3A_1146] : memref<2048x32000xf32, #tpu.memory_space<hbm>> -> memref<8x128xf32, #tpu.memory_space<hbm>>
    %dma_wait3A_2375 = arith.constant 0 : i32
    %dma_wait3A_2376 = arith.constant 0 : i32
    %dma_wait3A_2377 = tpu.memref_slice %arg11[%dma_wait3A_2369, %dma_wait3A_2375, %dma_wait3A_2376] : memref<64x8x128xf32, #tpu.memory_space<vmem>> -> memref<1x8x128xf32, #tpu.memory_space<vmem>>
    %dma_wait3A_2378 = tpu.memref_squeeze %dma_wait3A_2377 : memref<1x8x128xf32, #tpu.memory_space<vmem>> -> memref<8x128xf32, #tpu.memory_space<vmem>>
    %dma_wait3A_2379 = tpu.memref_slice %arg2[%multiple_of3A_1149, %multiple_of3A_1146] : memref<2048x32000xf32, #tpu.memory_space<hbm>> -> memref<8x128xf32, #tpu.memory_space<hbm>>
    tpu.wait_dma2 semaphore(%arg14 : memref<!tpu.dma_semaphore, #tpu.memory_space<semaphore_mem>>) src(%dma_wait3A_2379 : memref<8x128xf32, #tpu.memory_space<hbm>>) dst(%dma_wait3A_2378 : memref<8x128xf32, #tpu.memory_space<vmem>>)
    %dma_wait3A_2380 = arith.constant 37 : i32
    %dma_wait3A_2381 = arith.constant 0 : i32
    %dma_wait3A_2382 = arith.constant 0 : i32
    %dma_wait3A_2383 = tpu.memref_slice %arg11[%dma_wait3A_2380, %dma_wait3A_2381, %dma_wait3A_2382] : memref<64x8x128xf32, #tpu.memory_space<vmem>> -> memref<1x8x128xf32, #tpu.memory_space<vmem>>
    %dma_wait3A_2384 = tpu.memref_squeeze %dma_wait3A_2383 : memref<1x8x128xf32, #tpu.memory_space<vmem>> -> memref<8x128xf32, #tpu.memory_space<vmem>>
    %dma_wait3A_2385 = tpu.memref_slice %arg2[%multiple_of3A_1179, %multiple_of3A_1176] : memref<2048x32000xf32, #tpu.memory_space<hbm>> -> memref<8x128xf32, #tpu.memory_space<hbm>>
    %dma_wait3A_2386 = arith.constant 0 : i32
    %dma_wait3A_2387 = arith.constant 0 : i32
    %dma_wait3A_2388 = tpu.memref_slice %arg11[%dma_wait3A_2380, %dma_wait3A_2386, %dma_wait3A_2387] : memref<64x8x128xf32, #tpu.memory_space<vmem>> -> memref<1x8x128xf32, #tpu.memory_space<vmem>>
    %dma_wait3A_2389 = tpu.memref_squeeze %dma_wait3A_2388 : memref<1x8x128xf32, #tpu.memory_space<vmem>> -> memref<8x128xf32, #tpu.memory_space<vmem>>
    %dma_wait3A_2390 = tpu.memref_slice %arg2[%multiple_of3A_1179, %multiple_of3A_1176] : memref<2048x32000xf32, #tpu.memory_space<hbm>> -> memref<8x128xf32, #tpu.memory_space<hbm>>
    tpu.wait_dma2 semaphore(%arg14 : memref<!tpu.dma_semaphore, #tpu.memory_space<semaphore_mem>>) src(%dma_wait3A_2390 : memref<8x128xf32, #tpu.memory_space<hbm>>) dst(%dma_wait3A_2389 : memref<8x128xf32, #tpu.memory_space<vmem>>)
    %dma_wait3A_2391 = arith.constant 38 : i32
    %dma_wait3A_2392 = arith.constant 0 : i32
    %dma_wait3A_2393 = arith.constant 0 : i32
    %dma_wait3A_2394 = tpu.memref_slice %arg11[%dma_wait3A_2391, %dma_wait3A_2392, %dma_wait3A_2393] : memref<64x8x128xf32, #tpu.memory_space<vmem>> -> memref<1x8x128xf32, #tpu.memory_space<vmem>>
    %dma_wait3A_2395 = tpu.memref_squeeze %dma_wait3A_2394 : memref<1x8x128xf32, #tpu.memory_space<vmem>> -> memref<8x128xf32, #tpu.memory_space<vmem>>
    %dma_wait3A_2396 = tpu.memref_slice %arg2[%multiple_of3A_1209, %multiple_of3A_1206] : memref<2048x32000xf32, #tpu.memory_space<hbm>> -> memref<8x128xf32, #tpu.memory_space<hbm>>
    %dma_wait3A_2397 = arith.constant 0 : i32
    %dma_wait3A_2398 = arith.constant 0 : i32
    %dma_wait3A_2399 = tpu.memref_slice %arg11[%dma_wait3A_2391, %dma_wait3A_2397, %dma_wait3A_2398] : memref<64x8x128xf32, #tpu.memory_space<vmem>> -> memref<1x8x128xf32, #tpu.memory_space<vmem>>
    %dma_wait3A_2400 = tpu.memref_squeeze %dma_wait3A_2399 : memref<1x8x128xf32, #tpu.memory_space<vmem>> -> memref<8x128xf32, #tpu.memory_space<vmem>>
    %dma_wait3A_2401 = tpu.memref_slice %arg2[%multiple_of3A_1209, %multiple_of3A_1206] : memref<2048x32000xf32, #tpu.memory_space<hbm>> -> memref<8x128xf32, #tpu.memory_space<hbm>>
    tpu.wait_dma2 semaphore(%arg14 : memref<!tpu.dma_semaphore, #tpu.memory_space<semaphore_mem>>) src(%dma_wait3A_2401 : memref<8x128xf32, #tpu.memory_space<hbm>>) dst(%dma_wait3A_2400 : memref<8x128xf32, #tpu.memory_space<vmem>>)
    %dma_wait3A_2402 = arith.constant 39 : i32
    %dma_wait3A_2403 = arith.constant 0 : i32
    %dma_wait3A_2404 = arith.constant 0 : i32
    %dma_wait3A_2405 = tpu.memref_slice %arg11[%dma_wait3A_2402, %dma_wait3A_2403, %dma_wait3A_2404] : memref<64x8x128xf32, #tpu.memory_space<vmem>> -> memref<1x8x128xf32, #tpu.memory_space<vmem>>
    %dma_wait3A_2406 = tpu.memref_squeeze %dma_wait3A_2405 : memref<1x8x128xf32, #tpu.memory_space<vmem>> -> memref<8x128xf32, #tpu.memory_space<vmem>>
    %dma_wait3A_2407 = tpu.memref_slice %arg2[%multiple_of3A_1239, %multiple_of3A_1236] : memref<2048x32000xf32, #tpu.memory_space<hbm>> -> memref<8x128xf32, #tpu.memory_space<hbm>>
    %dma_wait3A_2408 = arith.constant 0 : i32
    %dma_wait3A_2409 = arith.constant 0 : i32
    %dma_wait3A_2410 = tpu.memref_slice %arg11[%dma_wait3A_2402, %dma_wait3A_2408, %dma_wait3A_2409] : memref<64x8x128xf32, #tpu.memory_space<vmem>> -> memref<1x8x128xf32, #tpu.memory_space<vmem>>
    %dma_wait3A_2411 = tpu.memref_squeeze %dma_wait3A_2410 : memref<1x8x128xf32, #tpu.memory_space<vmem>> -> memref<8x128xf32, #tpu.memory_space<vmem>>
    %dma_wait3A_2412 = tpu.memref_slice %arg2[%multiple_of3A_1239, %multiple_of3A_1236] : memref<2048x32000xf32, #tpu.memory_space<hbm>> -> memref<8x128xf32, #tpu.memory_space<hbm>>
    tpu.wait_dma2 semaphore(%arg14 : memref<!tpu.dma_semaphore, #tpu.memory_space<semaphore_mem>>) src(%dma_wait3A_2412 : memref<8x128xf32, #tpu.memory_space<hbm>>) dst(%dma_wait3A_2411 : memref<8x128xf32, #tpu.memory_space<vmem>>)
    %dma_wait3A_2413 = arith.constant 40 : i32
    %dma_wait3A_2414 = arith.constant 0 : i32
    %dma_wait3A_2415 = arith.constant 0 : i32
    %dma_wait3A_2416 = tpu.memref_slice %arg11[%dma_wait3A_2413, %dma_wait3A_2414, %dma_wait3A_2415] : memref<64x8x128xf32, #tpu.memory_space<vmem>> -> memref<1x8x128xf32, #tpu.memory_space<vmem>>
    %dma_wait3A_2417 = tpu.memref_squeeze %dma_wait3A_2416 : memref<1x8x128xf32, #tpu.memory_space<vmem>> -> memref<8x128xf32, #tpu.memory_space<vmem>>
    %dma_wait3A_2418 = tpu.memref_slice %arg2[%multiple_of3A_1269, %multiple_of3A_1266] : memref<2048x32000xf32, #tpu.memory_space<hbm>> -> memref<8x128xf32, #tpu.memory_space<hbm>>
    %dma_wait3A_2419 = arith.constant 0 : i32
    %dma_wait3A_2420 = arith.constant 0 : i32
    %dma_wait3A_2421 = tpu.memref_slice %arg11[%dma_wait3A_2413, %dma_wait3A_2419, %dma_wait3A_2420] : memref<64x8x128xf32, #tpu.memory_space<vmem>> -> memref<1x8x128xf32, #tpu.memory_space<vmem>>
    %dma_wait3A_2422 = tpu.memref_squeeze %dma_wait3A_2421 : memref<1x8x128xf32, #tpu.memory_space<vmem>> -> memref<8x128xf32, #tpu.memory_space<vmem>>
    %dma_wait3A_2423 = tpu.memref_slice %arg2[%multiple_of3A_1269, %multiple_of3A_1266] : memref<2048x32000xf32, #tpu.memory_space<hbm>> -> memref<8x128xf32, #tpu.memory_space<hbm>>
    tpu.wait_dma2 semaphore(%arg14 : memref<!tpu.dma_semaphore, #tpu.memory_space<semaphore_mem>>) src(%dma_wait3A_2423 : memref<8x128xf32, #tpu.memory_space<hbm>>) dst(%dma_wait3A_2422 : memref<8x128xf32, #tpu.memory_space<vmem>>)
    %dma_wait3A_2424 = arith.constant 41 : i32
    %dma_wait3A_2425 = arith.constant 0 : i32
    %dma_wait3A_2426 = arith.constant 0 : i32
    %dma_wait3A_2427 = tpu.memref_slice %arg11[%dma_wait3A_2424, %dma_wait3A_2425, %dma_wait3A_2426] : memref<64x8x128xf32, #tpu.memory_space<vmem>> -> memref<1x8x128xf32, #tpu.memory_space<vmem>>
    %dma_wait3A_2428 = tpu.memref_squeeze %dma_wait3A_2427 : memref<1x8x128xf32, #tpu.memory_space<vmem>> -> memref<8x128xf32, #tpu.memory_space<vmem>>
    %dma_wait3A_2429 = tpu.memref_slice %arg2[%multiple_of3A_1299, %multiple_of3A_1296] : memref<2048x32000xf32, #tpu.memory_space<hbm>> -> memref<8x128xf32, #tpu.memory_space<hbm>>
    %dma_wait3A_2430 = arith.constant 0 : i32
    %dma_wait3A_2431 = arith.constant 0 : i32
    %dma_wait3A_2432 = tpu.memref_slice %arg11[%dma_wait3A_2424, %dma_wait3A_2430, %dma_wait3A_2431] : memref<64x8x128xf32, #tpu.memory_space<vmem>> -> memref<1x8x128xf32, #tpu.memory_space<vmem>>
    %dma_wait3A_2433 = tpu.memref_squeeze %dma_wait3A_2432 : memref<1x8x128xf32, #tpu.memory_space<vmem>> -> memref<8x128xf32, #tpu.memory_space<vmem>>
    %dma_wait3A_2434 = tpu.memref_slice %arg2[%multiple_of3A_1299, %multiple_of3A_1296] : memref<2048x32000xf32, #tpu.memory_space<hbm>> -> memref<8x128xf32, #tpu.memory_space<hbm>>
    tpu.wait_dma2 semaphore(%arg14 : memref<!tpu.dma_semaphore, #tpu.memory_space<semaphore_mem>>) src(%dma_wait3A_2434 : memref<8x128xf32, #tpu.memory_space<hbm>>) dst(%dma_wait3A_2433 : memref<8x128xf32, #tpu.memory_space<vmem>>)
    %dma_wait3A_2435 = arith.constant 42 : i32
    %dma_wait3A_2436 = arith.constant 0 : i32
    %dma_wait3A_2437 = arith.constant 0 : i32
    %dma_wait3A_2438 = tpu.memref_slice %arg11[%dma_wait3A_2435, %dma_wait3A_2436, %dma_wait3A_2437] : memref<64x8x128xf32, #tpu.memory_space<vmem>> -> memref<1x8x128xf32, #tpu.memory_space<vmem>>
    %dma_wait3A_2439 = tpu.memref_squeeze %dma_wait3A_2438 : memref<1x8x128xf32, #tpu.memory_space<vmem>> -> memref<8x128xf32, #tpu.memory_space<vmem>>
    %dma_wait3A_2440 = tpu.memref_slice %arg2[%multiple_of3A_1329, %multiple_of3A_1326] : memref<2048x32000xf32, #tpu.memory_space<hbm>> -> memref<8x128xf32, #tpu.memory_space<hbm>>
    %dma_wait3A_2441 = arith.constant 0 : i32
    %dma_wait3A_2442 = arith.constant 0 : i32
    %dma_wait3A_2443 = tpu.memref_slice %arg11[%dma_wait3A_2435, %dma_wait3A_2441, %dma_wait3A_2442] : memref<64x8x128xf32, #tpu.memory_space<vmem>> -> memref<1x8x128xf32, #tpu.memory_space<vmem>>
    %dma_wait3A_2444 = tpu.memref_squeeze %dma_wait3A_2443 : memref<1x8x128xf32, #tpu.memory_space<vmem>> -> memref<8x128xf32, #tpu.memory_space<vmem>>
    %dma_wait3A_2445 = tpu.memref_slice %arg2[%multiple_of3A_1329, %multiple_of3A_1326] : memref<2048x32000xf32, #tpu.memory_space<hbm>> -> memref<8x128xf32, #tpu.memory_space<hbm>>
    tpu.wait_dma2 semaphore(%arg14 : memref<!tpu.dma_semaphore, #tpu.memory_space<semaphore_mem>>) src(%dma_wait3A_2445 : memref<8x128xf32, #tpu.memory_space<hbm>>) dst(%dma_wait3A_2444 : memref<8x128xf32, #tpu.memory_space<vmem>>)
    %dma_wait3A_2446 = arith.constant 43 : i32
    %dma_wait3A_2447 = arith.constant 0 : i32
    %dma_wait3A_2448 = arith.constant 0 : i32
    %dma_wait3A_2449 = tpu.memref_slice %arg11[%dma_wait3A_2446, %dma_wait3A_2447, %dma_wait3A_2448] : memref<64x8x128xf32, #tpu.memory_space<vmem>> -> memref<1x8x128xf32, #tpu.memory_space<vmem>>
    %dma_wait3A_2450 = tpu.memref_squeeze %dma_wait3A_2449 : memref<1x8x128xf32, #tpu.memory_space<vmem>> -> memref<8x128xf32, #tpu.memory_space<vmem>>
    %dma_wait3A_2451 = tpu.memref_slice %arg2[%multiple_of3A_1359, %multiple_of3A_1356] : memref<2048x32000xf32, #tpu.memory_space<hbm>> -> memref<8x128xf32, #tpu.memory_space<hbm>>
    %dma_wait3A_2452 = arith.constant 0 : i32
    %dma_wait3A_2453 = arith.constant 0 : i32
    %dma_wait3A_2454 = tpu.memref_slice %arg11[%dma_wait3A_2446, %dma_wait3A_2452, %dma_wait3A_2453] : memref<64x8x128xf32, #tpu.memory_space<vmem>> -> memref<1x8x128xf32, #tpu.memory_space<vmem>>
    %dma_wait3A_2455 = tpu.memref_squeeze %dma_wait3A_2454 : memref<1x8x128xf32, #tpu.memory_space<vmem>> -> memref<8x128xf32, #tpu.memory_space<vmem>>
    %dma_wait3A_2456 = tpu.memref_slice %arg2[%multiple_of3A_1359, %multiple_of3A_1356] : memref<2048x32000xf32, #tpu.memory_space<hbm>> -> memref<8x128xf32, #tpu.memory_space<hbm>>
    tpu.wait_dma2 semaphore(%arg14 : memref<!tpu.dma_semaphore, #tpu.memory_space<semaphore_mem>>) src(%dma_wait3A_2456 : memref<8x128xf32, #tpu.memory_space<hbm>>) dst(%dma_wait3A_2455 : memref<8x128xf32, #tpu.memory_space<vmem>>)
    %dma_wait3A_2457 = arith.constant 44 : i32
    %dma_wait3A_2458 = arith.constant 0 : i32
    %dma_wait3A_2459 = arith.constant 0 : i32
    %dma_wait3A_2460 = tpu.memref_slice %arg11[%dma_wait3A_2457, %dma_wait3A_2458, %dma_wait3A_2459] : memref<64x8x128xf32, #tpu.memory_space<vmem>> -> memref<1x8x128xf32, #tpu.memory_space<vmem>>
    %dma_wait3A_2461 = tpu.memref_squeeze %dma_wait3A_2460 : memref<1x8x128xf32, #tpu.memory_space<vmem>> -> memref<8x128xf32, #tpu.memory_space<vmem>>
    %dma_wait3A_2462 = tpu.memref_slice %arg2[%multiple_of3A_1389, %multiple_of3A_1386] : memref<2048x32000xf32, #tpu.memory_space<hbm>> -> memref<8x128xf32, #tpu.memory_space<hbm>>
    %dma_wait3A_2463 = arith.constant 0 : i32
    %dma_wait3A_2464 = arith.constant 0 : i32
    %dma_wait3A_2465 = tpu.memref_slice %arg11[%dma_wait3A_2457, %dma_wait3A_2463, %dma_wait3A_2464] : memref<64x8x128xf32, #tpu.memory_space<vmem>> -> memref<1x8x128xf32, #tpu.memory_space<vmem>>
    %dma_wait3A_2466 = tpu.memref_squeeze %dma_wait3A_2465 : memref<1x8x128xf32, #tpu.memory_space<vmem>> -> memref<8x128xf32, #tpu.memory_space<vmem>>
    %dma_wait3A_2467 = tpu.memref_slice %arg2[%multiple_of3A_1389, %multiple_of3A_1386] : memref<2048x32000xf32, #tpu.memory_space<hbm>> -> memref<8x128xf32, #tpu.memory_space<hbm>>
    tpu.wait_dma2 semaphore(%arg14 : memref<!tpu.dma_semaphore, #tpu.memory_space<semaphore_mem>>) src(%dma_wait3A_2467 : memref<8x128xf32, #tpu.memory_space<hbm>>) dst(%dma_wait3A_2466 : memref<8x128xf32, #tpu.memory_space<vmem>>)
    %dma_wait3A_2468 = arith.constant 45 : i32
    %dma_wait3A_2469 = arith.constant 0 : i32
    %dma_wait3A_2470 = arith.constant 0 : i32
    %dma_wait3A_2471 = tpu.memref_slice %arg11[%dma_wait3A_2468, %dma_wait3A_2469, %dma_wait3A_2470] : memref<64x8x128xf32, #tpu.memory_space<vmem>> -> memref<1x8x128xf32, #tpu.memory_space<vmem>>
    %dma_wait3A_2472 = tpu.memref_squeeze %dma_wait3A_2471 : memref<1x8x128xf32, #tpu.memory_space<vmem>> -> memref<8x128xf32, #tpu.memory_space<vmem>>
    %dma_wait3A_2473 = tpu.memref_slice %arg2[%multiple_of3A_1419, %multiple_of3A_1416] : memref<2048x32000xf32, #tpu.memory_space<hbm>> -> memref<8x128xf32, #tpu.memory_space<hbm>>
    %dma_wait3A_2474 = arith.constant 0 : i32
    %dma_wait3A_2475 = arith.constant 0 : i32
    %dma_wait3A_2476 = tpu.memref_slice %arg11[%dma_wait3A_2468, %dma_wait3A_2474, %dma_wait3A_2475] : memref<64x8x128xf32, #tpu.memory_space<vmem>> -> memref<1x8x128xf32, #tpu.memory_space<vmem>>
    %dma_wait3A_2477 = tpu.memref_squeeze %dma_wait3A_2476 : memref<1x8x128xf32, #tpu.memory_space<vmem>> -> memref<8x128xf32, #tpu.memory_space<vmem>>
    %dma_wait3A_2478 = tpu.memref_slice %arg2[%multiple_of3A_1419, %multiple_of3A_1416] : memref<2048x32000xf32, #tpu.memory_space<hbm>> -> memref<8x128xf32, #tpu.memory_space<hbm>>
    tpu.wait_dma2 semaphore(%arg14 : memref<!tpu.dma_semaphore, #tpu.memory_space<semaphore_mem>>) src(%dma_wait3A_2478 : memref<8x128xf32, #tpu.memory_space<hbm>>) dst(%dma_wait3A_2477 : memref<8x128xf32, #tpu.memory_space<vmem>>)
    %dma_wait3A_2479 = arith.constant 46 : i32
    %dma_wait3A_2480 = arith.constant 0 : i32
    %dma_wait3A_2481 = arith.constant 0 : i32
    %dma_wait3A_2482 = tpu.memref_slice %arg11[%dma_wait3A_2479, %dma_wait3A_2480, %dma_wait3A_2481] : memref<64x8x128xf32, #tpu.memory_space<vmem>> -> memref<1x8x128xf32, #tpu.memory_space<vmem>>
    %dma_wait3A_2483 = tpu.memref_squeeze %dma_wait3A_2482 : memref<1x8x128xf32, #tpu.memory_space<vmem>> -> memref<8x128xf32, #tpu.memory_space<vmem>>
    %dma_wait3A_2484 = tpu.memref_slice %arg2[%multiple_of3A_1449, %multiple_of3A_1446] : memref<2048x32000xf32, #tpu.memory_space<hbm>> -> memref<8x128xf32, #tpu.memory_space<hbm>>
    %dma_wait3A_2485 = arith.constant 0 : i32
    %dma_wait3A_2486 = arith.constant 0 : i32
    %dma_wait3A_2487 = tpu.memref_slice %arg11[%dma_wait3A_2479, %dma_wait3A_2485, %dma_wait3A_2486] : memref<64x8x128xf32, #tpu.memory_space<vmem>> -> memref<1x8x128xf32, #tpu.memory_space<vmem>>
    %dma_wait3A_2488 = tpu.memref_squeeze %dma_wait3A_2487 : memref<1x8x128xf32, #tpu.memory_space<vmem>> -> memref<8x128xf32, #tpu.memory_space<vmem>>
    %dma_wait3A_2489 = tpu.memref_slice %arg2[%multiple_of3A_1449, %multiple_of3A_1446] : memref<2048x32000xf32, #tpu.memory_space<hbm>> -> memref<8x128xf32, #tpu.memory_space<hbm>>
    tpu.wait_dma2 semaphore(%arg14 : memref<!tpu.dma_semaphore, #tpu.memory_space<semaphore_mem>>) src(%dma_wait3A_2489 : memref<8x128xf32, #tpu.memory_space<hbm>>) dst(%dma_wait3A_2488 : memref<8x128xf32, #tpu.memory_space<vmem>>)
    %dma_wait3A_2490 = arith.constant 47 : i32
    %dma_wait3A_2491 = arith.constant 0 : i32
    %dma_wait3A_2492 = arith.constant 0 : i32
    %dma_wait3A_2493 = tpu.memref_slice %arg11[%dma_wait3A_2490, %dma_wait3A_2491, %dma_wait3A_2492] : memref<64x8x128xf32, #tpu.memory_space<vmem>> -> memref<1x8x128xf32, #tpu.memory_space<vmem>>
    %dma_wait3A_2494 = tpu.memref_squeeze %dma_wait3A_2493 : memref<1x8x128xf32, #tpu.memory_space<vmem>> -> memref<8x128xf32, #tpu.memory_space<vmem>>
    %dma_wait3A_2495 = tpu.memref_slice %arg2[%multiple_of3A_1479, %multiple_of3A_1476] : memref<2048x32000xf32, #tpu.memory_space<hbm>> -> memref<8x128xf32, #tpu.memory_space<hbm>>
    %dma_wait3A_2496 = arith.constant 0 : i32
    %dma_wait3A_2497 = arith.constant 0 : i32
    %dma_wait3A_2498 = tpu.memref_slice %arg11[%dma_wait3A_2490, %dma_wait3A_2496, %dma_wait3A_2497] : memref<64x8x128xf32, #tpu.memory_space<vmem>> -> memref<1x8x128xf32, #tpu.memory_space<vmem>>
    %dma_wait3A_2499 = tpu.memref_squeeze %dma_wait3A_2498 : memref<1x8x128xf32, #tpu.memory_space<vmem>> -> memref<8x128xf32, #tpu.memory_space<vmem>>
    %dma_wait3A_2500 = tpu.memref_slice %arg2[%multiple_of3A_1479, %multiple_of3A_1476] : memref<2048x32000xf32, #tpu.memory_space<hbm>> -> memref<8x128xf32, #tpu.memory_space<hbm>>
    tpu.wait_dma2 semaphore(%arg14 : memref<!tpu.dma_semaphore, #tpu.memory_space<semaphore_mem>>) src(%dma_wait3A_2500 : memref<8x128xf32, #tpu.memory_space<hbm>>) dst(%dma_wait3A_2499 : memref<8x128xf32, #tpu.memory_space<vmem>>)
    %dma_wait3A_2501 = arith.constant 48 : i32
    %dma_wait3A_2502 = arith.constant 0 : i32
    %dma_wait3A_2503 = arith.constant 0 : i32
    %dma_wait3A_2504 = tpu.memref_slice %arg11[%dma_wait3A_2501, %dma_wait3A_2502, %dma_wait3A_2503] : memref<64x8x128xf32, #tpu.memory_space<vmem>> -> memref<1x8x128xf32, #tpu.memory_space<vmem>>
    %dma_wait3A_2505 = tpu.memref_squeeze %dma_wait3A_2504 : memref<1x8x128xf32, #tpu.memory_space<vmem>> -> memref<8x128xf32, #tpu.memory_space<vmem>>
    %dma_wait3A_2506 = tpu.memref_slice %arg2[%multiple_of3A_1509, %multiple_of3A_1506] : memref<2048x32000xf32, #tpu.memory_space<hbm>> -> memref<8x128xf32, #tpu.memory_space<hbm>>
    %dma_wait3A_2507 = arith.constant 0 : i32
    %dma_wait3A_2508 = arith.constant 0 : i32
    %dma_wait3A_2509 = tpu.memref_slice %arg11[%dma_wait3A_2501, %dma_wait3A_2507, %dma_wait3A_2508] : memref<64x8x128xf32, #tpu.memory_space<vmem>> -> memref<1x8x128xf32, #tpu.memory_space<vmem>>
    %dma_wait3A_2510 = tpu.memref_squeeze %dma_wait3A_2509 : memref<1x8x128xf32, #tpu.memory_space<vmem>> -> memref<8x128xf32, #tpu.memory_space<vmem>>
    %dma_wait3A_2511 = tpu.memref_slice %arg2[%multiple_of3A_1509, %multiple_of3A_1506] : memref<2048x32000xf32, #tpu.memory_space<hbm>> -> memref<8x128xf32, #tpu.memory_space<hbm>>
    tpu.wait_dma2 semaphore(%arg14 : memref<!tpu.dma_semaphore, #tpu.memory_space<semaphore_mem>>) src(%dma_wait3A_2511 : memref<8x128xf32, #tpu.memory_space<hbm>>) dst(%dma_wait3A_2510 : memref<8x128xf32, #tpu.memory_space<vmem>>)
    %dma_wait3A_2512 = arith.constant 49 : i32
    %dma_wait3A_2513 = arith.constant 0 : i32
    %dma_wait3A_2514 = arith.constant 0 : i32
    %dma_wait3A_2515 = tpu.memref_slice %arg11[%dma_wait3A_2512, %dma_wait3A_2513, %dma_wait3A_2514] : memref<64x8x128xf32, #tpu.memory_space<vmem>> -> memref<1x8x128xf32, #tpu.memory_space<vmem>>
    %dma_wait3A_2516 = tpu.memref_squeeze %dma_wait3A_2515 : memref<1x8x128xf32, #tpu.memory_space<vmem>> -> memref<8x128xf32, #tpu.memory_space<vmem>>
    %dma_wait3A_2517 = tpu.memref_slice %arg2[%multiple_of3A_1539, %multiple_of3A_1536] : memref<2048x32000xf32, #tpu.memory_space<hbm>> -> memref<8x128xf32, #tpu.memory_space<hbm>>
    %dma_wait3A_2518 = arith.constant 0 : i32
    %dma_wait3A_2519 = arith.constant 0 : i32
    %dma_wait3A_2520 = tpu.memref_slice %arg11[%dma_wait3A_2512, %dma_wait3A_2518, %dma_wait3A_2519] : memref<64x8x128xf32, #tpu.memory_space<vmem>> -> memref<1x8x128xf32, #tpu.memory_space<vmem>>
    %dma_wait3A_2521 = tpu.memref_squeeze %dma_wait3A_2520 : memref<1x8x128xf32, #tpu.memory_space<vmem>> -> memref<8x128xf32, #tpu.memory_space<vmem>>
    %dma_wait3A_2522 = tpu.memref_slice %arg2[%multiple_of3A_1539, %multiple_of3A_1536] : memref<2048x32000xf32, #tpu.memory_space<hbm>> -> memref<8x128xf32, #tpu.memory_space<hbm>>
    tpu.wait_dma2 semaphore(%arg14 : memref<!tpu.dma_semaphore, #tpu.memory_space<semaphore_mem>>) src(%dma_wait3A_2522 : memref<8x128xf32, #tpu.memory_space<hbm>>) dst(%dma_wait3A_2521 : memref<8x128xf32, #tpu.memory_space<vmem>>)
    %dma_wait3A_2523 = arith.constant 50 : i32
    %dma_wait3A_2524 = arith.constant 0 : i32
    %dma_wait3A_2525 = arith.constant 0 : i32
    %dma_wait3A_2526 = tpu.memref_slice %arg11[%dma_wait3A_2523, %dma_wait3A_2524, %dma_wait3A_2525] : memref<64x8x128xf32, #tpu.memory_space<vmem>> -> memref<1x8x128xf32, #tpu.memory_space<vmem>>
    %dma_wait3A_2527 = tpu.memref_squeeze %dma_wait3A_2526 : memref<1x8x128xf32, #tpu.memory_space<vmem>> -> memref<8x128xf32, #tpu.memory_space<vmem>>
    %dma_wait3A_2528 = tpu.memref_slice %arg2[%multiple_of3A_1569, %multiple_of3A_1566] : memref<2048x32000xf32, #tpu.memory_space<hbm>> -> memref<8x128xf32, #tpu.memory_space<hbm>>
    %dma_wait3A_2529 = arith.constant 0 : i32
    %dma_wait3A_2530 = arith.constant 0 : i32
    %dma_wait3A_2531 = tpu.memref_slice %arg11[%dma_wait3A_2523, %dma_wait3A_2529, %dma_wait3A_2530] : memref<64x8x128xf32, #tpu.memory_space<vmem>> -> memref<1x8x128xf32, #tpu.memory_space<vmem>>
    %dma_wait3A_2532 = tpu.memref_squeeze %dma_wait3A_2531 : memref<1x8x128xf32, #tpu.memory_space<vmem>> -> memref<8x128xf32, #tpu.memory_space<vmem>>
    %dma_wait3A_2533 = tpu.memref_slice %arg2[%multiple_of3A_1569, %multiple_of3A_1566] : memref<2048x32000xf32, #tpu.memory_space<hbm>> -> memref<8x128xf32, #tpu.memory_space<hbm>>
    tpu.wait_dma2 semaphore(%arg14 : memref<!tpu.dma_semaphore, #tpu.memory_space<semaphore_mem>>) src(%dma_wait3A_2533 : memref<8x128xf32, #tpu.memory_space<hbm>>) dst(%dma_wait3A_2532 : memref<8x128xf32, #tpu.memory_space<vmem>>)
    %dma_wait3A_2534 = arith.constant 51 : i32
    %dma_wait3A_2535 = arith.constant 0 : i32
    %dma_wait3A_2536 = arith.constant 0 : i32
    %dma_wait3A_2537 = tpu.memref_slice %arg11[%dma_wait3A_2534, %dma_wait3A_2535, %dma_wait3A_2536] : memref<64x8x128xf32, #tpu.memory_space<vmem>> -> memref<1x8x128xf32, #tpu.memory_space<vmem>>
    %dma_wait3A_2538 = tpu.memref_squeeze %dma_wait3A_2537 : memref<1x8x128xf32, #tpu.memory_space<vmem>> -> memref<8x128xf32, #tpu.memory_space<vmem>>
    %dma_wait3A_2539 = tpu.memref_slice %arg2[%multiple_of3A_1599, %multiple_of3A_1596] : memref<2048x32000xf32, #tpu.memory_space<hbm>> -> memref<8x128xf32, #tpu.memory_space<hbm>>
    %dma_wait3A_2540 = arith.constant 0 : i32
    %dma_wait3A_2541 = arith.constant 0 : i32
    %dma_wait3A_2542 = tpu.memref_slice %arg11[%dma_wait3A_2534, %dma_wait3A_2540, %dma_wait3A_2541] : memref<64x8x128xf32, #tpu.memory_space<vmem>> -> memref<1x8x128xf32, #tpu.memory_space<vmem>>
    %dma_wait3A_2543 = tpu.memref_squeeze %dma_wait3A_2542 : memref<1x8x128xf32, #tpu.memory_space<vmem>> -> memref<8x128xf32, #tpu.memory_space<vmem>>
    %dma_wait3A_2544 = tpu.memref_slice %arg2[%multiple_of3A_1599, %multiple_of3A_1596] : memref<2048x32000xf32, #tpu.memory_space<hbm>> -> memref<8x128xf32, #tpu.memory_space<hbm>>
    tpu.wait_dma2 semaphore(%arg14 : memref<!tpu.dma_semaphore, #tpu.memory_space<semaphore_mem>>) src(%dma_wait3A_2544 : memref<8x128xf32, #tpu.memory_space<hbm>>) dst(%dma_wait3A_2543 : memref<8x128xf32, #tpu.memory_space<vmem>>)
    %dma_wait3A_2545 = arith.constant 52 : i32
    %dma_wait3A_2546 = arith.constant 0 : i32
    %dma_wait3A_2547 = arith.constant 0 : i32
    %dma_wait3A_2548 = tpu.memref_slice %arg11[%dma_wait3A_2545, %dma_wait3A_2546, %dma_wait3A_2547] : memref<64x8x128xf32, #tpu.memory_space<vmem>> -> memref<1x8x128xf32, #tpu.memory_space<vmem>>
    %dma_wait3A_2549 = tpu.memref_squeeze %dma_wait3A_2548 : memref<1x8x128xf32, #tpu.memory_space<vmem>> -> memref<8x128xf32, #tpu.memory_space<vmem>>
    %dma_wait3A_2550 = tpu.memref_slice %arg2[%multiple_of3A_1629, %multiple_of3A_1626] : memref<2048x32000xf32, #tpu.memory_space<hbm>> -> memref<8x128xf32, #tpu.memory_space<hbm>>
    %dma_wait3A_2551 = arith.constant 0 : i32
    %dma_wait3A_2552 = arith.constant 0 : i32
    %dma_wait3A_2553 = tpu.memref_slice %arg11[%dma_wait3A_2545, %dma_wait3A_2551, %dma_wait3A_2552] : memref<64x8x128xf32, #tpu.memory_space<vmem>> -> memref<1x8x128xf32, #tpu.memory_space<vmem>>
    %dma_wait3A_2554 = tpu.memref_squeeze %dma_wait3A_2553 : memref<1x8x128xf32, #tpu.memory_space<vmem>> -> memref<8x128xf32, #tpu.memory_space<vmem>>
    %dma_wait3A_2555 = tpu.memref_slice %arg2[%multiple_of3A_1629, %multiple_of3A_1626] : memref<2048x32000xf32, #tpu.memory_space<hbm>> -> memref<8x128xf32, #tpu.memory_space<hbm>>
    tpu.wait_dma2 semaphore(%arg14 : memref<!tpu.dma_semaphore, #tpu.memory_space<semaphore_mem>>) src(%dma_wait3A_2555 : memref<8x128xf32, #tpu.memory_space<hbm>>) dst(%dma_wait3A_2554 : memref<8x128xf32, #tpu.memory_space<vmem>>)
    %dma_wait3A_2556 = arith.constant 53 : i32
    %dma_wait3A_2557 = arith.constant 0 : i32
    %dma_wait3A_2558 = arith.constant 0 : i32
    %dma_wait3A_2559 = tpu.memref_slice %arg11[%dma_wait3A_2556, %dma_wait3A_2557, %dma_wait3A_2558] : memref<64x8x128xf32, #tpu.memory_space<vmem>> -> memref<1x8x128xf32, #tpu.memory_space<vmem>>
    %dma_wait3A_2560 = tpu.memref_squeeze %dma_wait3A_2559 : memref<1x8x128xf32, #tpu.memory_space<vmem>> -> memref<8x128xf32, #tpu.memory_space<vmem>>
    %dma_wait3A_2561 = tpu.memref_slice %arg2[%multiple_of3A_1659, %multiple_of3A_1656] : memref<2048x32000xf32, #tpu.memory_space<hbm>> -> memref<8x128xf32, #tpu.memory_space<hbm>>
    %dma_wait3A_2562 = arith.constant 0 : i32
    %dma_wait3A_2563 = arith.constant 0 : i32
    %dma_wait3A_2564 = tpu.memref_slice %arg11[%dma_wait3A_2556, %dma_wait3A_2562, %dma_wait3A_2563] : memref<64x8x128xf32, #tpu.memory_space<vmem>> -> memref<1x8x128xf32, #tpu.memory_space<vmem>>
    %dma_wait3A_2565 = tpu.memref_squeeze %dma_wait3A_2564 : memref<1x8x128xf32, #tpu.memory_space<vmem>> -> memref<8x128xf32, #tpu.memory_space<vmem>>
    %dma_wait3A_2566 = tpu.memref_slice %arg2[%multiple_of3A_1659, %multiple_of3A_1656] : memref<2048x32000xf32, #tpu.memory_space<hbm>> -> memref<8x128xf32, #tpu.memory_space<hbm>>
    tpu.wait_dma2 semaphore(%arg14 : memref<!tpu.dma_semaphore, #tpu.memory_space<semaphore_mem>>) src(%dma_wait3A_2566 : memref<8x128xf32, #tpu.memory_space<hbm>>) dst(%dma_wait3A_2565 : memref<8x128xf32, #tpu.memory_space<vmem>>)
    %dma_wait3A_2567 = arith.constant 54 : i32
    %dma_wait3A_2568 = arith.constant 0 : i32
    %dma_wait3A_2569 = arith.constant 0 : i32
    %dma_wait3A_2570 = tpu.memref_slice %arg11[%dma_wait3A_2567, %dma_wait3A_2568, %dma_wait3A_2569] : memref<64x8x128xf32, #tpu.memory_space<vmem>> -> memref<1x8x128xf32, #tpu.memory_space<vmem>>
    %dma_wait3A_2571 = tpu.memref_squeeze %dma_wait3A_2570 : memref<1x8x128xf32, #tpu.memory_space<vmem>> -> memref<8x128xf32, #tpu.memory_space<vmem>>
    %dma_wait3A_2572 = tpu.memref_slice %arg2[%multiple_of3A_1689, %multiple_of3A_1686] : memref<2048x32000xf32, #tpu.memory_space<hbm>> -> memref<8x128xf32, #tpu.memory_space<hbm>>
    %dma_wait3A_2573 = arith.constant 0 : i32
    %dma_wait3A_2574 = arith.constant 0 : i32
    %dma_wait3A_2575 = tpu.memref_slice %arg11[%dma_wait3A_2567, %dma_wait3A_2573, %dma_wait3A_2574] : memref<64x8x128xf32, #tpu.memory_space<vmem>> -> memref<1x8x128xf32, #tpu.memory_space<vmem>>
    %dma_wait3A_2576 = tpu.memref_squeeze %dma_wait3A_2575 : memref<1x8x128xf32, #tpu.memory_space<vmem>> -> memref<8x128xf32, #tpu.memory_space<vmem>>
    %dma_wait3A_2577 = tpu.memref_slice %arg2[%multiple_of3A_1689, %multiple_of3A_1686] : memref<2048x32000xf32, #tpu.memory_space<hbm>> -> memref<8x128xf32, #tpu.memory_space<hbm>>
    tpu.wait_dma2 semaphore(%arg14 : memref<!tpu.dma_semaphore, #tpu.memory_space<semaphore_mem>>) src(%dma_wait3A_2577 : memref<8x128xf32, #tpu.memory_space<hbm>>) dst(%dma_wait3A_2576 : memref<8x128xf32, #tpu.memory_space<vmem>>)
    %dma_wait3A_2578 = arith.constant 55 : i32
    %dma_wait3A_2579 = arith.constant 0 : i32
    %dma_wait3A_2580 = arith.constant 0 : i32
    %dma_wait3A_2581 = tpu.memref_slice %arg11[%dma_wait3A_2578, %dma_wait3A_2579, %dma_wait3A_2580] : memref<64x8x128xf32, #tpu.memory_space<vmem>> -> memref<1x8x128xf32, #tpu.memory_space<vmem>>
    %dma_wait3A_2582 = tpu.memref_squeeze %dma_wait3A_2581 : memref<1x8x128xf32, #tpu.memory_space<vmem>> -> memref<8x128xf32, #tpu.memory_space<vmem>>
    %dma_wait3A_2583 = tpu.memref_slice %arg2[%multiple_of3A_1719, %multiple_of3A_1716] : memref<2048x32000xf32, #tpu.memory_space<hbm>> -> memref<8x128xf32, #tpu.memory_space<hbm>>
    %dma_wait3A_2584 = arith.constant 0 : i32
    %dma_wait3A_2585 = arith.constant 0 : i32
    %dma_wait3A_2586 = tpu.memref_slice %arg11[%dma_wait3A_2578, %dma_wait3A_2584, %dma_wait3A_2585] : memref<64x8x128xf32, #tpu.memory_space<vmem>> -> memref<1x8x128xf32, #tpu.memory_space<vmem>>
    %dma_wait3A_2587 = tpu.memref_squeeze %dma_wait3A_2586 : memref<1x8x128xf32, #tpu.memory_space<vmem>> -> memref<8x128xf32, #tpu.memory_space<vmem>>
    %dma_wait3A_2588 = tpu.memref_slice %arg2[%multiple_of3A_1719, %multiple_of3A_1716] : memref<2048x32000xf32, #tpu.memory_space<hbm>> -> memref<8x128xf32, #tpu.memory_space<hbm>>
    tpu.wait_dma2 semaphore(%arg14 : memref<!tpu.dma_semaphore, #tpu.memory_space<semaphore_mem>>) src(%dma_wait3A_2588 : memref<8x128xf32, #tpu.memory_space<hbm>>) dst(%dma_wait3A_2587 : memref<8x128xf32, #tpu.memory_space<vmem>>)
    %dma_wait3A_2589 = arith.constant 56 : i32
    %dma_wait3A_2590 = arith.constant 0 : i32
    %dma_wait3A_2591 = arith.constant 0 : i32
    %dma_wait3A_2592 = tpu.memref_slice %arg11[%dma_wait3A_2589, %dma_wait3A_2590, %dma_wait3A_2591] : memref<64x8x128xf32, #tpu.memory_space<vmem>> -> memref<1x8x128xf32, #tpu.memory_space<vmem>>
    %dma_wait3A_2593 = tpu.memref_squeeze %dma_wait3A_2592 : memref<1x8x128xf32, #tpu.memory_space<vmem>> -> memref<8x128xf32, #tpu.memory_space<vmem>>
    %dma_wait3A_2594 = tpu.memref_slice %arg2[%multiple_of3A_1749, %multiple_of3A_1746] : memref<2048x32000xf32, #tpu.memory_space<hbm>> -> memref<8x128xf32, #tpu.memory_space<hbm>>
    %dma_wait3A_2595 = arith.constant 0 : i32
    %dma_wait3A_2596 = arith.constant 0 : i32
    %dma_wait3A_2597 = tpu.memref_slice %arg11[%dma_wait3A_2589, %dma_wait3A_2595, %dma_wait3A_2596] : memref<64x8x128xf32, #tpu.memory_space<vmem>> -> memref<1x8x128xf32, #tpu.memory_space<vmem>>
    %dma_wait3A_2598 = tpu.memref_squeeze %dma_wait3A_2597 : memref<1x8x128xf32, #tpu.memory_space<vmem>> -> memref<8x128xf32, #tpu.memory_space<vmem>>
    %dma_wait3A_2599 = tpu.memref_slice %arg2[%multiple_of3A_1749, %multiple_of3A_1746] : memref<2048x32000xf32, #tpu.memory_space<hbm>> -> memref<8x128xf32, #tpu.memory_space<hbm>>
    tpu.wait_dma2 semaphore(%arg14 : memref<!tpu.dma_semaphore, #tpu.memory_space<semaphore_mem>>) src(%dma_wait3A_2599 : memref<8x128xf32, #tpu.memory_space<hbm>>) dst(%dma_wait3A_2598 : memref<8x128xf32, #tpu.memory_space<vmem>>)
    %dma_wait3A_2600 = arith.constant 57 : i32
    %dma_wait3A_2601 = arith.constant 0 : i32
    %dma_wait3A_2602 = arith.constant 0 : i32
    %dma_wait3A_2603 = tpu.memref_slice %arg11[%dma_wait3A_2600, %dma_wait3A_2601, %dma_wait3A_2602] : memref<64x8x128xf32, #tpu.memory_space<vmem>> -> memref<1x8x128xf32, #tpu.memory_space<vmem>>
    %dma_wait3A_2604 = tpu.memref_squeeze %dma_wait3A_2603 : memref<1x8x128xf32, #tpu.memory_space<vmem>> -> memref<8x128xf32, #tpu.memory_space<vmem>>
    %dma_wait3A_2605 = tpu.memref_slice %arg2[%multiple_of3A_1779, %multiple_of3A_1776] : memref<2048x32000xf32, #tpu.memory_space<hbm>> -> memref<8x128xf32, #tpu.memory_space<hbm>>
    %dma_wait3A_2606 = arith.constant 0 : i32
    %dma_wait3A_2607 = arith.constant 0 : i32
    %dma_wait3A_2608 = tpu.memref_slice %arg11[%dma_wait3A_2600, %dma_wait3A_2606, %dma_wait3A_2607] : memref<64x8x128xf32, #tpu.memory_space<vmem>> -> memref<1x8x128xf32, #tpu.memory_space<vmem>>
    %dma_wait3A_2609 = tpu.memref_squeeze %dma_wait3A_2608 : memref<1x8x128xf32, #tpu.memory_space<vmem>> -> memref<8x128xf32, #tpu.memory_space<vmem>>
    %dma_wait3A_2610 = tpu.memref_slice %arg2[%multiple_of3A_1779, %multiple_of3A_1776] : memref<2048x32000xf32, #tpu.memory_space<hbm>> -> memref<8x128xf32, #tpu.memory_space<hbm>>
    tpu.wait_dma2 semaphore(%arg14 : memref<!tpu.dma_semaphore, #tpu.memory_space<semaphore_mem>>) src(%dma_wait3A_2610 : memref<8x128xf32, #tpu.memory_space<hbm>>) dst(%dma_wait3A_2609 : memref<8x128xf32, #tpu.memory_space<vmem>>)
    %dma_wait3A_2611 = arith.constant 58 : i32
    %dma_wait3A_2612 = arith.constant 0 : i32
    %dma_wait3A_2613 = arith.constant 0 : i32
    %dma_wait3A_2614 = tpu.memref_slice %arg11[%dma_wait3A_2611, %dma_wait3A_2612, %dma_wait3A_2613] : memref<64x8x128xf32, #tpu.memory_space<vmem>> -> memref<1x8x128xf32, #tpu.memory_space<vmem>>
    %dma_wait3A_2615 = tpu.memref_squeeze %dma_wait3A_2614 : memref<1x8x128xf32, #tpu.memory_space<vmem>> -> memref<8x128xf32, #tpu.memory_space<vmem>>
    %dma_wait3A_2616 = tpu.memref_slice %arg2[%multiple_of3A_1809, %multiple_of3A_1806] : memref<2048x32000xf32, #tpu.memory_space<hbm>> -> memref<8x128xf32, #tpu.memory_space<hbm>>
    %dma_wait3A_2617 = arith.constant 0 : i32
    %dma_wait3A_2618 = arith.constant 0 : i32
    %dma_wait3A_2619 = tpu.memref_slice %arg11[%dma_wait3A_2611, %dma_wait3A_2617, %dma_wait3A_2618] : memref<64x8x128xf32, #tpu.memory_space<vmem>> -> memref<1x8x128xf32, #tpu.memory_space<vmem>>
    %dma_wait3A_2620 = tpu.memref_squeeze %dma_wait3A_2619 : memref<1x8x128xf32, #tpu.memory_space<vmem>> -> memref<8x128xf32, #tpu.memory_space<vmem>>
    %dma_wait3A_2621 = tpu.memref_slice %arg2[%multiple_of3A_1809, %multiple_of3A_1806] : memref<2048x32000xf32, #tpu.memory_space<hbm>> -> memref<8x128xf32, #tpu.memory_space<hbm>>
    tpu.wait_dma2 semaphore(%arg14 : memref<!tpu.dma_semaphore, #tpu.memory_space<semaphore_mem>>) src(%dma_wait3A_2621 : memref<8x128xf32, #tpu.memory_space<hbm>>) dst(%dma_wait3A_2620 : memref<8x128xf32, #tpu.memory_space<vmem>>)
    %dma_wait3A_2622 = arith.constant 59 : i32
    %dma_wait3A_2623 = arith.constant 0 : i32
    %dma_wait3A_2624 = arith.constant 0 : i32
    %dma_wait3A_2625 = tpu.memref_slice %arg11[%dma_wait3A_2622, %dma_wait3A_2623, %dma_wait3A_2624] : memref<64x8x128xf32, #tpu.memory_space<vmem>> -> memref<1x8x128xf32, #tpu.memory_space<vmem>>
    %dma_wait3A_2626 = tpu.memref_squeeze %dma_wait3A_2625 : memref<1x8x128xf32, #tpu.memory_space<vmem>> -> memref<8x128xf32, #tpu.memory_space<vmem>>
    %dma_wait3A_2627 = tpu.memref_slice %arg2[%multiple_of3A_1839, %multiple_of3A_1836] : memref<2048x32000xf32, #tpu.memory_space<hbm>> -> memref<8x128xf32, #tpu.memory_space<hbm>>
    %dma_wait3A_2628 = arith.constant 0 : i32
    %dma_wait3A_2629 = arith.constant 0 : i32
    %dma_wait3A_2630 = tpu.memref_slice %arg11[%dma_wait3A_2622, %dma_wait3A_2628, %dma_wait3A_2629] : memref<64x8x128xf32, #tpu.memory_space<vmem>> -> memref<1x8x128xf32, #tpu.memory_space<vmem>>
    %dma_wait3A_2631 = tpu.memref_squeeze %dma_wait3A_2630 : memref<1x8x128xf32, #tpu.memory_space<vmem>> -> memref<8x128xf32, #tpu.memory_space<vmem>>
    %dma_wait3A_2632 = tpu.memref_slice %arg2[%multiple_of3A_1839, %multiple_of3A_1836] : memref<2048x32000xf32, #tpu.memory_space<hbm>> -> memref<8x128xf32, #tpu.memory_space<hbm>>
    tpu.wait_dma2 semaphore(%arg14 : memref<!tpu.dma_semaphore, #tpu.memory_space<semaphore_mem>>) src(%dma_wait3A_2632 : memref<8x128xf32, #tpu.memory_space<hbm>>) dst(%dma_wait3A_2631 : memref<8x128xf32, #tpu.memory_space<vmem>>)
    %dma_wait3A_2633 = arith.constant 60 : i32
    %dma_wait3A_2634 = arith.constant 0 : i32
    %dma_wait3A_2635 = arith.constant 0 : i32
    %dma_wait3A_2636 = tpu.memref_slice %arg11[%dma_wait3A_2633, %dma_wait3A_2634, %dma_wait3A_2635] : memref<64x8x128xf32, #tpu.memory_space<vmem>> -> memref<1x8x128xf32, #tpu.memory_space<vmem>>
    %dma_wait3A_2637 = tpu.memref_squeeze %dma_wait3A_2636 : memref<1x8x128xf32, #tpu.memory_space<vmem>> -> memref<8x128xf32, #tpu.memory_space<vmem>>
    %dma_wait3A_2638 = tpu.memref_slice %arg2[%multiple_of3A_1869, %multiple_of3A_1866] : memref<2048x32000xf32, #tpu.memory_space<hbm>> -> memref<8x128xf32, #tpu.memory_space<hbm>>
    %dma_wait3A_2639 = arith.constant 0 : i32
    %dma_wait3A_2640 = arith.constant 0 : i32
    %dma_wait3A_2641 = tpu.memref_slice %arg11[%dma_wait3A_2633, %dma_wait3A_2639, %dma_wait3A_2640] : memref<64x8x128xf32, #tpu.memory_space<vmem>> -> memref<1x8x128xf32, #tpu.memory_space<vmem>>
    %dma_wait3A_2642 = tpu.memref_squeeze %dma_wait3A_2641 : memref<1x8x128xf32, #tpu.memory_space<vmem>> -> memref<8x128xf32, #tpu.memory_space<vmem>>
    %dma_wait3A_2643 = tpu.memref_slice %arg2[%multiple_of3A_1869, %multiple_of3A_1866] : memref<2048x32000xf32, #tpu.memory_space<hbm>> -> memref<8x128xf32, #tpu.memory_space<hbm>>
    tpu.wait_dma2 semaphore(%arg14 : memref<!tpu.dma_semaphore, #tpu.memory_space<semaphore_mem>>) src(%dma_wait3A_2643 : memref<8x128xf32, #tpu.memory_space<hbm>>) dst(%dma_wait3A_2642 : memref<8x128xf32, #tpu.memory_space<vmem>>)
    %dma_wait3A_2644 = arith.constant 61 : i32
    %dma_wait3A_2645 = arith.constant 0 : i32
    %dma_wait3A_2646 = arith.constant 0 : i32
    %dma_wait3A_2647 = tpu.memref_slice %arg11[%dma_wait3A_2644, %dma_wait3A_2645, %dma_wait3A_2646] : memref<64x8x128xf32, #tpu.memory_space<vmem>> -> memref<1x8x128xf32, #tpu.memory_space<vmem>>
    %dma_wait3A_2648 = tpu.memref_squeeze %dma_wait3A_2647 : memref<1x8x128xf32, #tpu.memory_space<vmem>> -> memref<8x128xf32, #tpu.memory_space<vmem>>
    %dma_wait3A_2649 = tpu.memref_slice %arg2[%multiple_of3A_1899, %multiple_of3A_1896] : memref<2048x32000xf32, #tpu.memory_space<hbm>> -> memref<8x128xf32, #tpu.memory_space<hbm>>
    %dma_wait3A_2650 = arith.constant 0 : i32
    %dma_wait3A_2651 = arith.constant 0 : i32
    %dma_wait3A_2652 = tpu.memref_slice %arg11[%dma_wait3A_2644, %dma_wait3A_2650, %dma_wait3A_2651] : memref<64x8x128xf32, #tpu.memory_space<vmem>> -> memref<1x8x128xf32, #tpu.memory_space<vmem>>
    %dma_wait3A_2653 = tpu.memref_squeeze %dma_wait3A_2652 : memref<1x8x128xf32, #tpu.memory_space<vmem>> -> memref<8x128xf32, #tpu.memory_space<vmem>>
    %dma_wait3A_2654 = tpu.memref_slice %arg2[%multiple_of3A_1899, %multiple_of3A_1896] : memref<2048x32000xf32, #tpu.memory_space<hbm>> -> memref<8x128xf32, #tpu.memory_space<hbm>>
    tpu.wait_dma2 semaphore(%arg14 : memref<!tpu.dma_semaphore, #tpu.memory_space<semaphore_mem>>) src(%dma_wait3A_2654 : memref<8x128xf32, #tpu.memory_space<hbm>>) dst(%dma_wait3A_2653 : memref<8x128xf32, #tpu.memory_space<vmem>>)
    %dma_wait3A_2655 = arith.constant 62 : i32
    %dma_wait3A_2656 = arith.constant 0 : i32
    %dma_wait3A_2657 = arith.constant 0 : i32
    %dma_wait3A_2658 = tpu.memref_slice %arg11[%dma_wait3A_2655, %dma_wait3A_2656, %dma_wait3A_2657] : memref<64x8x128xf32, #tpu.memory_space<vmem>> -> memref<1x8x128xf32, #tpu.memory_space<vmem>>
    %dma_wait3A_2659 = tpu.memref_squeeze %dma_wait3A_2658 : memref<1x8x128xf32, #tpu.memory_space<vmem>> -> memref<8x128xf32, #tpu.memory_space<vmem>>
    %dma_wait3A_2660 = tpu.memref_slice %arg2[%multiple_of3A_1929, %multiple_of3A_1926] : memref<2048x32000xf32, #tpu.memory_space<hbm>> -> memref<8x128xf32, #tpu.memory_space<hbm>>
    %dma_wait3A_2661 = arith.constant 0 : i32
    %dma_wait3A_2662 = arith.constant 0 : i32
    %dma_wait3A_2663 = tpu.memref_slice %arg11[%dma_wait3A_2655, %dma_wait3A_2661, %dma_wait3A_2662] : memref<64x8x128xf32, #tpu.memory_space<vmem>> -> memref<1x8x128xf32, #tpu.memory_space<vmem>>
    %dma_wait3A_2664 = tpu.memref_squeeze %dma_wait3A_2663 : memref<1x8x128xf32, #tpu.memory_space<vmem>> -> memref<8x128xf32, #tpu.memory_space<vmem>>
    %dma_wait3A_2665 = tpu.memref_slice %arg2[%multiple_of3A_1929, %multiple_of3A_1926] : memref<2048x32000xf32, #tpu.memory_space<hbm>> -> memref<8x128xf32, #tpu.memory_space<hbm>>
    tpu.wait_dma2 semaphore(%arg14 : memref<!tpu.dma_semaphore, #tpu.memory_space<semaphore_mem>>) src(%dma_wait3A_2665 : memref<8x128xf32, #tpu.memory_space<hbm>>) dst(%dma_wait3A_2664 : memref<8x128xf32, #tpu.memory_space<vmem>>)
    %dma_wait3A_2666 = arith.constant 63 : i32
    %dma_wait3A_2667 = arith.constant 0 : i32
    %dma_wait3A_2668 = arith.constant 0 : i32
    %dma_wait3A_2669 = tpu.memref_slice %arg11[%dma_wait3A_2666, %dma_wait3A_2667, %dma_wait3A_2668] : memref<64x8x128xf32, #tpu.memory_space<vmem>> -> memref<1x8x128xf32, #tpu.memory_space<vmem>>
    %dma_wait3A_2670 = tpu.memref_squeeze %dma_wait3A_2669 : memref<1x8x128xf32, #tpu.memory_space<vmem>> -> memref<8x128xf32, #tpu.memory_space<vmem>>
    %dma_wait3A_2671 = tpu.memref_slice %arg2[%multiple_of3A_1959, %multiple_of3A_1956] : memref<2048x32000xf32, #tpu.memory_space<hbm>> -> memref<8x128xf32, #tpu.memory_space<hbm>>
    %dma_wait3A_2672 = arith.constant 0 : i32
    %dma_wait3A_2673 = arith.constant 0 : i32
    %dma_wait3A_2674 = tpu.memref_slice %arg11[%dma_wait3A_2666, %dma_wait3A_2672, %dma_wait3A_2673] : memref<64x8x128xf32, #tpu.memory_space<vmem>> -> memref<1x8x128xf32, #tpu.memory_space<vmem>>
    %dma_wait3A_2675 = tpu.memref_squeeze %dma_wait3A_2674 : memref<1x8x128xf32, #tpu.memory_space<vmem>> -> memref<8x128xf32, #tpu.memory_space<vmem>>
    %dma_wait3A_2676 = tpu.memref_slice %arg2[%multiple_of3A_1959, %multiple_of3A_1956] : memref<2048x32000xf32, #tpu.memory_space<hbm>> -> memref<8x128xf32, #tpu.memory_space<hbm>>
    tpu.wait_dma2 semaphore(%arg14 : memref<!tpu.dma_semaphore, #tpu.memory_space<semaphore_mem>>) src(%dma_wait3A_2676 : memref<8x128xf32, #tpu.memory_space<hbm>>) dst(%dma_wait3A_2675 : memref<8x128xf32, #tpu.memory_space<vmem>>)
    %and3A_2677 = arith.constant 0 : i32
    %and3A_2678 = vector.broadcast %and3A_2677 : i32 to vector<16xi32>
    %and3A_2679 = arith.andi %iota3A_57, %and3A_2678 : vector<16xi32>
    %add3A_2680 = arith.constant 0 : i32
    %add3A_2681 = vector.broadcast %add3A_2680 : i32 to vector<16xi32>
    %add3A_2682 = arith.addi %add3A_2681, %iota3A_57 : vector<16xi32>
    %and3A_2683 = arith.constant 7 : i32
    %and3A_2684 = vector.broadcast %and3A_2683 : i32 to vector<16xi32>
    %and3A_2685 = arith.andi %add3A_2682, %and3A_2684 : vector<16xi32>
    %get3A_2686 = arith.constant 0 : index
    %get3A_2687 = tpu.vector_load %arg9[%get3A_2686] {strides = array<i32>} : memref<64xi32, #tpu.memory_space<vmem>>, vector<16xi32>,
    %get3A_2688 = arith.constant 0 : index
    %get3A_2689 = tpu.vector_load %arg6[%get3A_2688] {strides = array<i32>} : memref<64xi32, #tpu.memory_space<vmem>>, vector<16xi32>,
    %get3A_2690 = arith.constant 0 : index
    %get3A_2691 = tpu.vector_load %arg7[%get3A_2690] {strides = array<i32>} : memref<64xf32, #tpu.memory_space<vmem>>, vector<16xf32>,
    %gather3A = tpu.vector_load_idx %arg11[%add3A_2682, %and3A_2685, %get3A_2687] : memref<64x8x128xf32, #tpu.memory_space<vmem>>[vector<16xi32>, vector<16xi32>, vector<16xi32>], vector<16xf32>,
    %gather3A_2692 = tpu.vector_load_idx %arg10[%add3A_2682, %and3A_2679] : memref<64x128xf32, #tpu.memory_space<vmem>>[vector<16xi32>, vector<16xi32>], vector<16xf32>,
    %mul3A_2693 = arith.constant 3.12519524E-6 : f32
    %mul3A_2694 = vector.broadcast %mul3A_2693 : f32 to vector<16xf32>
    %mul3A_2695 = arith.mulf %mul3A_2694, %gather3A_2692 : vector<16xf32>
    %add3A_2696 = arith.constant -1.3624258 : f32
    %add3A_2697 = vector.broadcast %add3A_2696 : f32 to vector<16xf32>
    %add3A_2698 = arith.addf %add3A_2697, %mul3A_2695 : vector<16xf32>
    %mul3A_2699 = arith.constant -0.899996876 : f32
    %mul3A_2700 = vector.broadcast %mul3A_2699 : f32 to vector<16xf32>
    %mul3A_2701 = arith.mulf %mul3A_2700, %gather3A : vector<16xf32>
    %add3A_2702 = arith.addf %add3A_2698, %mul3A_2701 : vector<16xf32>
    %mul3A_2703 = arith.constant -0.899996876 : f32
    %mul3A_2704 = vector.broadcast %mul3A_2703 : f32 to vector<16xf32>
    %mul3A_2705 = arith.mulf %mul3A_2704, %gather3A_2692 : vector<16xf32>
    %add3A_2706 = arith.constant -1.3624655 : f32
    %add3A_2707 = vector.broadcast %add3A_2706 : f32 to vector<16xf32>
    %add3A_2708 = arith.addf %add3A_2707, %mul3A_2705 : vector<16xf32>
    %eq3A_2709 = arith.constant 0 : i32
    %eq3A_2710 = vector.broadcast %eq3A_2709 : i32 to vector<16xi32>
    %eq3A_2711 = arith.cmpi eq, %get3A_2689, %eq3A_2710 : vector<16xi32>
    %select_n3A_2712 = arith.select %eq3A_2711, %add3A_2708, %add3A_2702 : vector<16xi1>, vector<16xf32>
    %mul3A_2713 = arith.constant 3.12519524E-6 : f32
    %mul3A_2714 = vector.broadcast %mul3A_2713 : f32 to vector<16xf32>
    %mul3A_2715 = arith.mulf %mul3A_2714, %get3A_2691 : vector<16xf32>
    %sub3A_2716 = arith.subf %select_n3A_2712, %mul3A_2715 : vector<16xf32>
    %swap3A_2717 = arith.constant 0 : index
    %swap3A_2718 = tpu.vector_load %arg12[%swap3A_2717] {strides = array<i32>} : memref<64xf32, #tpu.memory_space<vmem>>, vector<16xf32>,
    tpu.vector_store %arg12[%swap3A_2717], %sub3A_2716 {strides = array<i32>} : memref<64xf32, #tpu.memory_space<vmem>>, vector<16xf32>,
    %add3A_2719 = arith.constant 16 : i32
    %add3A_2720 = vector.broadcast %add3A_2719 : i32 to vector<16xi32>
    %add3A_2721 = arith.addi %add3A_2720, %iota3A_57 : vector<16xi32>
    %and3A_2722 = arith.constant 7 : i32
    %and3A_2723 = vector.broadcast %and3A_2722 : i32 to vector<16xi32>
    %and3A_2724 = arith.andi %add3A_2721, %and3A_2723 : vector<16xi32>
    %get3A_2725 = arith.constant 16 : index
    %get3A_2726 = tpu.vector_load %arg9[%get3A_2725] {strides = array<i32>} : memref<64xi32, #tpu.memory_space<vmem>>, vector<16xi32>,
    %get3A_2727 = arith.constant 16 : index
    %get3A_2728 = tpu.vector_load %arg6[%get3A_2727] {strides = array<i32>} : memref<64xi32, #tpu.memory_space<vmem>>, vector<16xi32>,
    %get3A_2729 = arith.constant 16 : index
    %get3A_2730 = tpu.vector_load %arg7[%get3A_2729] {strides = array<i32>} : memref<64xf32, #tpu.memory_space<vmem>>, vector<16xf32>,
    %gather3A_2731 = tpu.vector_load_idx %arg11[%add3A_2721, %and3A_2724, %get3A_2726] : memref<64x8x128xf32, #tpu.memory_space<vmem>>[vector<16xi32>, vector<16xi32>, vector<16xi32>], vector<16xf32>,
    %gather3A_2732 = tpu.vector_load_idx %arg10[%add3A_2721, %and3A_2679] : memref<64x128xf32, #tpu.memory_space<vmem>>[vector<16xi32>, vector<16xi32>], vector<16xf32>,
    %mul3A_2733 = arith.constant 3.12519524E-6 : f32
    %mul3A_2734 = vector.broadcast %mul3A_2733 : f32 to vector<16xf32>
    %mul3A_2735 = arith.mulf %mul3A_2734, %gather3A_2732 : vector<16xf32>
    %add3A_2736 = arith.constant -1.3624258 : f32
    %add3A_2737 = vector.broadcast %add3A_2736 : f32 to vector<16xf32>
    %add3A_2738 = arith.addf %add3A_2737, %mul3A_2735 : vector<16xf32>
    %mul3A_2739 = arith.constant -0.899996876 : f32
    %mul3A_2740 = vector.broadcast %mul3A_2739 : f32 to vector<16xf32>
    %mul3A_2741 = arith.mulf %mul3A_2740, %gather3A_2731 : vector<16xf32>
    %add3A_2742 = arith.addf %add3A_2738, %mul3A_2741 : vector<16xf32>
    %mul3A_2743 = arith.constant -0.899996876 : f32
    %mul3A_2744 = vector.broadcast %mul3A_2743 : f32 to vector<16xf32>
    %mul3A_2745 = arith.mulf %mul3A_2744, %gather3A_2732 : vector<16xf32>
    %add3A_2746 = arith.constant -1.3624655 : f32
    %add3A_2747 = vector.broadcast %add3A_2746 : f32 to vector<16xf32>
    %add3A_2748 = arith.addf %add3A_2747, %mul3A_2745 : vector<16xf32>
    %eq3A_2749 = arith.constant 0 : i32
    %eq3A_2750 = vector.broadcast %eq3A_2749 : i32 to vector<16xi32>
    %eq3A_2751 = arith.cmpi eq, %get3A_2728, %eq3A_2750 : vector<16xi32>
    %select_n3A_2752 = arith.select %eq3A_2751, %add3A_2748, %add3A_2742 : vector<16xi1>, vector<16xf32>
    %mul3A_2753 = arith.constant 3.12519524E-6 : f32
    %mul3A_2754 = vector.broadcast %mul3A_2753 : f32 to vector<16xf32>
    %mul3A_2755 = arith.mulf %mul3A_2754, %get3A_2730 : vector<16xf32>
    %sub3A_2756 = arith.subf %select_n3A_2752, %mul3A_2755 : vector<16xf32>
    %swap3A_2757 = arith.constant 16 : index
    %swap3A_2758 = tpu.vector_load %arg12[%swap3A_2757] {strides = array<i32>} : memref<64xf32, #tpu.memory_space<vmem>>, vector<16xf32>,
    tpu.vector_store %arg12[%swap3A_2757], %sub3A_2756 {strides = array<i32>} : memref<64xf32, #tpu.memory_space<vmem>>, vector<16xf32>,
    %add3A_2759 = arith.constant 32 : i32
    %add3A_2760 = vector.broadcast %add3A_2759 : i32 to vector<16xi32>
    %add3A_2761 = arith.addi %add3A_2760, %iota3A_57 : vector<16xi32>
    %and3A_2762 = arith.constant 7 : i32
    %and3A_2763 = vector.broadcast %and3A_2762 : i32 to vector<16xi32>
    %and3A_2764 = arith.andi %add3A_2761, %and3A_2763 : vector<16xi32>
    %get3A_2765 = arith.constant 32 : index
    %get3A_2766 = tpu.vector_load %arg9[%get3A_2765] {strides = array<i32>} : memref<64xi32, #tpu.memory_space<vmem>>, vector<16xi32>,
    %get3A_2767 = arith.constant 32 : index
    %get3A_2768 = tpu.vector_load %arg6[%get3A_2767] {strides = array<i32>} : memref<64xi32, #tpu.memory_space<vmem>>, vector<16xi32>,
    %get3A_2769 = arith.constant 32 : index
    %get3A_2770 = tpu.vector_load %arg7[%get3A_2769] {strides = array<i32>} : memref<64xf32, #tpu.memory_space<vmem>>, vector<16xf32>,
    %gather3A_2771 = tpu.vector_load_idx %arg11[%add3A_2761, %and3A_2764, %get3A_2766] : memref<64x8x128xf32, #tpu.memory_space<vmem>>[vector<16xi32>, vector<16xi32>, vector<16xi32>], vector<16xf32>,
    %gather3A_2772 = tpu.vector_load_idx %arg10[%add3A_2761, %and3A_2679] : memref<64x128xf32, #tpu.memory_space<vmem>>[vector<16xi32>, vector<16xi32>], vector<16xf32>,
    %mul3A_2773 = arith.constant 3.12519524E-6 : f32
    %mul3A_2774 = vector.broadcast %mul3A_2773 : f32 to vector<16xf32>
    %mul3A_2775 = arith.mulf %mul3A_2774, %gather3A_2772 : vector<16xf32>
    %add3A_2776 = arith.constant -1.3624258 : f32
    %add3A_2777 = vector.broadcast %add3A_2776 : f32 to vector<16xf32>
    %add3A_2778 = arith.addf %add3A_2777, %mul3A_2775 : vector<16xf32>
    %mul3A_2779 = arith.constant -0.899996876 : f32
    %mul3A_2780 = vector.broadcast %mul3A_2779 : f32 to vector<16xf32>
    %mul3A_2781 = arith.mulf %mul3A_2780, %gather3A_2771 : vector<16xf32>
    %add3A_2782 = arith.addf %add3A_2778, %mul3A_2781 : vector<16xf32>
    %mul3A_2783 = arith.constant -0.899996876 : f32
    %mul3A_2784 = vector.broadcast %mul3A_2783 : f32 to vector<16xf32>
    %mul3A_2785 = arith.mulf %mul3A_2784, %gather3A_2772 : vector<16xf32>
    %add3A_2786 = arith.constant -1.3624655 : f32
    %add3A_2787 = vector.broadcast %add3A_2786 : f32 to vector<16xf32>
    %add3A_2788 = arith.addf %add3A_2787, %mul3A_2785 : vector<16xf32>
    %eq3A_2789 = arith.constant 0 : i32
    %eq3A_2790 = vector.broadcast %eq3A_2789 : i32 to vector<16xi32>
    %eq3A_2791 = arith.cmpi eq, %get3A_2768, %eq3A_2790 : vector<16xi32>
    %select_n3A_2792 = arith.select %eq3A_2791, %add3A_2788, %add3A_2782 : vector<16xi1>, vector<16xf32>
    %mul3A_2793 = arith.constant 3.12519524E-6 : f32
    %mul3A_2794 = vector.broadcast %mul3A_2793 : f32 to vector<16xf32>
    %mul3A_2795 = arith.mulf %mul3A_2794, %get3A_2770 : vector<16xf32>
    %sub3A_2796 = arith.subf %select_n3A_2792, %mul3A_2795 : vector<16xf32>
    %swap3A_2797 = arith.constant 32 : index
    %swap3A_2798 = tpu.vector_load %arg12[%swap3A_2797] {strides = array<i32>} : memref<64xf32, #tpu.memory_space<vmem>>, vector<16xf32>,
    tpu.vector_store %arg12[%swap3A_2797], %sub3A_2796 {strides = array<i32>} : memref<64xf32, #tpu.memory_space<vmem>>, vector<16xf32>,
    %add3A_2799 = arith.constant 48 : i32
    %add3A_2800 = vector.broadcast %add3A_2799 : i32 to vector<16xi32>
    %add3A_2801 = arith.addi %add3A_2800, %iota3A_57 : vector<16xi32>
    %and3A_2802 = arith.constant 7 : i32
    %and3A_2803 = vector.broadcast %and3A_2802 : i32 to vector<16xi32>
    %and3A_2804 = arith.andi %add3A_2801, %and3A_2803 : vector<16xi32>
    %get3A_2805 = arith.constant 48 : index
    %get3A_2806 = tpu.vector_load %arg9[%get3A_2805] {strides = array<i32>} : memref<64xi32, #tpu.memory_space<vmem>>, vector<16xi32>,
    %get3A_2807 = arith.constant 48 : index
    %get3A_2808 = tpu.vector_load %arg6[%get3A_2807] {strides = array<i32>} : memref<64xi32, #tpu.memory_space<vmem>>, vector<16xi32>,
    %get3A_2809 = arith.constant 48 : index
    %get3A_2810 = tpu.vector_load %arg7[%get3A_2809] {strides = array<i32>} : memref<64xf32, #tpu.memory_space<vmem>>, vector<16xf32>,
    %gather3A_2811 = tpu.vector_load_idx %arg11[%add3A_2801, %and3A_2804, %get3A_2806] : memref<64x8x128xf32, #tpu.memory_space<vmem>>[vector<16xi32>, vector<16xi32>, vector<16xi32>], vector<16xf32>,
    %gather3A_2812 = tpu.vector_load_idx %arg10[%add3A_2801, %and3A_2679] : memref<64x128xf32, #tpu.memory_space<vmem>>[vector<16xi32>, vector<16xi32>], vector<16xf32>,
    %mul3A_2813 = arith.constant 3.12519524E-6 : f32
    %mul3A_2814 = vector.broadcast %mul3A_2813 : f32 to vector<16xf32>
    %mul3A_2815 = arith.mulf %mul3A_2814, %gather3A_2812 : vector<16xf32>
    %add3A_2816 = arith.constant -1.3624258 : f32
    %add3A_2817 = vector.broadcast %add3A_2816 : f32 to vector<16xf32>
    %add3A_2818 = arith.addf %add3A_2817, %mul3A_2815 : vector<16xf32>
    %mul3A_2819 = arith.constant -0.899996876 : f32
    %mul3A_2820 = vector.broadcast %mul3A_2819 : f32 to vector<16xf32>
    %mul3A_2821 = arith.mulf %mul3A_2820, %gather3A_2811 : vector<16xf32>
    %add3A_2822 = arith.addf %add3A_2818, %mul3A_2821 : vector<16xf32>
    %mul3A_2823 = arith.constant -0.899996876 : f32
    %mul3A_2824 = vector.broadcast %mul3A_2823 : f32 to vector<16xf32>
    %mul3A_2825 = arith.mulf %mul3A_2824, %gather3A_2812 : vector<16xf32>
    %add3A_2826 = arith.constant -1.3624655 : f32
    %add3A_2827 = vector.broadcast %add3A_2826 : f32 to vector<16xf32>
    %add3A_2828 = arith.addf %add3A_2827, %mul3A_2825 : vector<16xf32>
    %eq3A_2829 = arith.constant 0 : i32
    %eq3A_2830 = vector.broadcast %eq3A_2829 : i32 to vector<16xi32>
    %eq3A_2831 = arith.cmpi eq, %get3A_2808, %eq3A_2830 : vector<16xi32>
    %select_n3A_2832 = arith.select %eq3A_2831, %add3A_2828, %add3A_2822 : vector<16xi1>, vector<16xf32>
    %mul3A_2833 = arith.constant 3.12519524E-6 : f32
    %mul3A_2834 = vector.broadcast %mul3A_2833 : f32 to vector<16xf32>
    %mul3A_2835 = arith.mulf %mul3A_2834, %get3A_2810 : vector<16xf32>
    %sub3A_2836 = arith.subf %select_n3A_2832, %mul3A_2835 : vector<16xf32>
    %swap3A_2837 = arith.constant 48 : index
    %swap3A_2838 = tpu.vector_load %arg12[%swap3A_2837] {strides = array<i32>} : memref<64xf32, #tpu.memory_space<vmem>>, vector<16xf32>,
    tpu.vector_store %arg12[%swap3A_2837], %sub3A_2836 {strides = array<i32>} : memref<64xf32, #tpu.memory_space<vmem>>, vector<16xf32>,
    "tpu.region"() ({
      %run_scoped3A = tpu.sem_alloc : memref<!tpu.dma_semaphore, #tpu.memory_space<semaphore_mem>>
      %dma_start3A_2839 = tpu.memref_slice %arg5[%mul3A_2] : memref<2048xf32, #tpu.memory_space<hbm>> -> memref<64xf32, #tpu.memory_space<hbm>>
      %dma_start3A_2840 = tpu.memref_slice %arg5[%mul3A_2] : memref<2048xf32, #tpu.memory_space<hbm>> -> memref<64xf32, #tpu.memory_space<hbm>>
      tpu.enqueue_dma source(%arg12 : memref<64xf32, #tpu.memory_space<vmem>>) target(%dma_start3A_2840 : memref<64xf32, #tpu.memory_space<hbm>>) target_semaphore(%run_scoped3A : memref<!tpu.dma_semaphore, #tpu.memory_space<semaphore_mem>>)
      %dma_wait3A_2841 = tpu.memref_slice %arg5[%mul3A_2] : memref<2048xf32, #tpu.memory_space<hbm>> -> memref<64xf32, #tpu.memory_space<hbm>>
      %dma_wait3A_2842 = tpu.memref_slice %arg5[%mul3A_2] : memref<2048xf32, #tpu.memory_space<hbm>> -> memref<64xf32, #tpu.memory_space<hbm>>
      tpu.wait_dma2 semaphore(%run_scoped3A : memref<!tpu.dma_semaphore, #tpu.memory_space<semaphore_mem>>) src(%arg12 : memref<64xf32, #tpu.memory_space<vmem>>) dst(%dma_wait3A_2842 : memref<64xf32, #tpu.memory_space<hbm>>)
      tpu.yield
    }) : () -> ()
    return
  }
}

module attributes {stable_mosaic.version = 14 : i64} {
  func.func @_tc_rowsum_body(%arg0: i32, %arg1: memref<128x32000xf32, #tpu.memory_space<vmem>>, %arg2: memref<128x1xf32, #tpu.memory_space<vmem>>) attributes {dimension_semantics = [#tpu.dimension_semantics<arbitrary>], iteration_bounds = array<i64: 16>, scalar_prefetch = 0 : i64, scratch_operands = 0 : i64, tpu.core_type = #tpu.core_type<tc>, window_params = [{transform_indices = @transform_0, window_bounds = array<i64: 128, 32000>}, {transform_indices = @transform_1, window_bounds = array<i64: 128, 1>}]} {
    %get3A = arith.constant 0 : index
    %get3A_0 = arith.constant 0 : index
    %get3A_1 = vector.load %arg1[%get3A, %get3A_0] : memref<128x32000xf32, #tpu.memory_space<vmem>>, vector<128x32000xf32>
    %reduce_sum3A = arith.constant dense<0.000000e+00> : vector<128xf32>
    %reduce_sum3A_2 = vector.multi_reduction <add>, %get3A_1, %reduce_sum3A [1] : vector<128x32000xf32> to vector<128xf32>
    %broadcast_in_dim3A = vector.shape_cast %reduce_sum3A_2 : vector<128xf32> to vector<128x1xf32>
    %swap3A = arith.constant 0 : index
    %swap3A_3 = arith.constant 0 : index
    %swap3A_4 = vector.load %arg2[%swap3A, %swap3A_3] : memref<128x1xf32, #tpu.memory_space<vmem>>, vector<128x1xf32>
    tpu.vector_store %arg2[%swap3A, %swap3A_3], %broadcast_in_dim3A {strides = array<i32>} : memref<128x1xf32, #tpu.memory_space<vmem>>, vector<128x1xf32>,
    return
  }
  func.func @transform_0(%arg0: i32) -> (i32, i32) {
    %c0_i32 = arith.constant 0 : i32
    %c0_i32_0 = arith.constant 0 : i32
    return %arg0, %c0_i32 : i32, i32
  }
  func.func @transform_1(%arg0: i32) -> (i32, i32) {
    %c0_i32 = arith.constant 0 : i32
    %c0_i32_0 = arith.constant 0 : i32
    return %arg0, %c0_i32 : i32, i32
  }
}

</mosaic_0001>

<sc_bundles>
// kernel: kernel.4.cloned.1.call-start
scs
__scs_entry_jumppad:
0x0: {  	(pc) =	sbr.rel $0x88, $3  }
0x1: {  	(tag) =	ssettag $0x0;
	lr =	simm.s32 $0x1  }
0x2: {  	[smem:$0x3F9F] =	sst lr;
	_ =	strace $0xD0000000  }
0x3: {  	_ = 	snop  }
0x4: {  	_ = 	snop  }
0x5: {  	_ = 	snop  }
0x6: {  	_ = 	snop  }
0x7: {  	_ = 	snop  }
__scs_overlays_trampoline_lowered:
0x8: {  	[smem:$0x3FAE] =	sst s0  }
0x9: {  	[smem:$0x3FAF] =	sst s1  }
0xa: {  	[smem:$0x3FB0] =	sst s2  }
0xb: {  	[smem:$0x3FB1] =	sst s3  }
0xc: {  	[smem:$0x3FB2] =	sst s4  }
0xd: {  	[smem:$0x3FB3] =	sst s5  }
0xe: {  	[smem:$0x3FB4] =	sst s6  }
0xf: {  	[smem:$0x3FB5] =	sst s7  }
0x10: {  	[smem:$0x3FB6] =	sst s8  }
0x11: {  	[smem:$0x3FB7] =	sst s9;
	s0 =	simm.s32 @!p0 $0x0  }
0x12: {  	s1 =	sld [smem:$0x3F9D];
	s0 =	simm.s32 @p0 $0x1  }
0x13: {  	[smem:$0x3FB8] =	sst s0;
	s0 =	simm.s32 @!p1 $0x0  }
0x14: {  	s2 =	sld [smem:$0x3F9C];
	s0 =	simm.s32 @p1 $0x1  }
0x15: {  	[smem:$0x3FB9] =	sst s0;
	s0 =	simm.s32 @!p2 $0x0  }
0x16: {  	s3 =	sld [smem:$0x3FDB];
	s0 =	simm.s32 @p2 $0x1  }
0x17: {  	s4 =	simm.s32 $0x1BF5;
	[smem:$0x3FBB] =	sst s0  }
0x18: {  	s0 =	sld [smem:$0x3F9E];
	_ =	swait.ge [sflag:s4], $0x0  }
0x19: {  	s7 =	sld [smem:$0x3F9F]  }
0x1a: {  	s8 =	sadd.s32 $0xFFFFE003, lr  }
0x1b: {  	s9 =	sadd.s32 $0xFFFFFEF7, lr;
	s5 =	simm.s32 $0xFFFFFFFF;
	p2 =	slt.u32 s8, $0xFFFFF086  }
0x1c: {  	p1 =	slt.u32 s9, $0xF7A;
	s5 =	simm.s32 @!p2 $0x0  }
0x1d: {  	s5 =	simm.s32 @p1 $0x1;
	p0 =	seq.s32 s7, s2  }
0x1e: {  	s7 =	smul.u32 @!p0 $0xF7A, s2;
	p2 =	seq.s32 @!p0 s5, $0x0  }
0x1f: {  	s9 =	smul.u32 $0xF7A, s1;
	s8 =	simm.s32 @!p0 $0x1BF5;
	p2 =	por !p2, p0  }
0x20: {  	[sflag:s8] =	ssyncset.s32 @!p0 $0xFFFFF086;
	s6 =	sadd.s32 @!p0 s3, s7;
	s7 =	simm.s32 @!p0 $0x108  }
0x21: {  	s3 =	sadd.s32 s3, s9;
	s6 =	sadd.s32 @!p0 $0x88, s6;
	s7 =	simm.s32 @p2 $0x1082  }
0x22: {  	[simem:s7], [sflag:s8] =	dma.local @!p0 [hbm:s6], $0xF7A  }
0x23: {  	s9 =	sor.u32 $0xD0000000, s2;
	s6 =	simm.s32 $0x108;
	_ =	swait.ge @!p0 [sflag:s8], $0x0  }
0x24: {  	s3 =	sadd.s32 $0x88, s3;
	s6 =	simm.s32 @!p1 $0x1082;
	[sflag:s4] =	ssyncset.s32 $0xFFFFF086  }
0x25: {  	[simem:s6], [sflag:s4] =	dma.local [hbm:s3], $0xF7A  }
0x26: {  	[smem:$0x3F9F] =	sst s1;
	(tag) =	ssettag s2;
	_ =	strace s9  }
0x27: {  	s1 =	sld [smem:$0x3FAF]  }
0x28: {  	s2 =	sld [smem:$0x3FB0]  }
0x29: {  	s4 =	sld [smem:$0x3FB2]  }
0x2a: {  	p0 =	seq.s32 s5, $0x0;
	s5 =	sld [smem:$0x3FB3]  }
0x2b: {  	s6 =	sld [smem:$0x3FB4]  }
0x2c: {  	s7 =	sld [smem:$0x3FB5]  }
0x2d: {  	s3 =	simm.s32 $0x108;
	s8 =	sld [smem:$0x3FB6]  }
0x2e: {  	s3 =	simm.s32 @!p0 $0x1082;
	s9 =	sld [smem:$0x3FB7]  }
0x2f: {  	lr =	sadd.s32 s0, s3;
	s0 =	sld [smem:$0x3FAE]  }
0x30: {  	s3 =	sld [smem:$0x3FB1]  }
0x31: {  	[smem:$0x3FBA] =	sst s10  }
0x32: {  	s10 =	sld [smem:$0x3FB8];
	_ =	sdelay $0x3  }
0x33: {  	p0 =	seq.s32 s10, $0x1;
	s10 =	sld [smem:$0x3FBA];
	_ =	sdelay $0x3  }
0x34: {  	[smem:$0x3FBA] =	sst s10  }
0x35: {  	s10 =	sld [smem:$0x3FB9];
	_ =	sdelay $0x3  }
0x36: {  	p1 =	seq.s32 s10, $0x1;
	s10 =	sld [smem:$0x3FBA];
	_ =	sdelay $0x3  }
0x37: {  	[smem:$0x3FBA] =	sst s10  }
0x38: {  	s10 =	sld [smem:$0x3FBB]  }
0x39: {  	_ = 	snop;
	(pc) =	sbr.ind lr, $3  }
0x3a: {  	_ = 	snop  }
0x3b: {  	_ = 	snop  }
0x3c: {  	p2 =	seq.s32 s10, $0x1;
	s10 =	sld [smem:$0x3FBA]  }
0x3d: {  	_ =	shalt  }
0x3e: {  	_ =	shalt  }
0x3f: {  	_ =	shalt  }
0x40: {  	_ =	shalt  }
0x41: {  	_ =	shalt  }
0x42: {  	_ =	shalt  }
0x43: {  	_ =	shalt  }
0x44: {  	_ =	shalt  }
0x45: {  	_ =	shalt  }
0x46: {  	_ =	shalt  }
0x47: {  	_ =	shalt  }
0x48: {  	_ =	shalt  }
0x49: {  	_ =	shalt  }
0x4a: {  	_ =	shalt  }
0x4b: {  	_ =	shalt  }
0x4c: {  	_ =	shalt  }
0x4d: {  	_ =	shalt  }
0x4e: {  	_ =	shalt  }
0x4f: {  	_ =	shalt  }
0x50: {  	_ =	shalt  }
0x51: {  	_ =	shalt  }
0x52: {  	_ =	shalt  }
0x53: {  	_ =	shalt  }
0x54: {  	_ =	shalt  }
0x55: {  	_ =	shalt  }
0x56: {  	_ =	shalt  }
0x57: {  	_ =	shalt  }
0x58: {  	_ =	shalt  }
0x59: {  	_ =	shalt  }
0x5a: {  	_ =	shalt  }
0x5b: {  	_ =	shalt  }
0x5c: {  	_ =	shalt  }
0x5d: {  	_ =	shalt  }
0x5e: {  	_ =	shalt  }
0x5f: {  	_ =	shalt  }
0x60: {  	_ =	shalt  }
0x61: {  	_ =	shalt  }
0x62: {  	_ =	shalt  }
0x63: {  	_ =	shalt  }
0x64: {  	_ =	shalt  }
0x65: {  	_ =	shalt  }
0x66: {  	_ =	shalt  }
0x67: {  	_ =	shalt  }
0x68: {  	_ =	shalt  }
0x69: {  	_ =	shalt  }
0x6a: {  	_ =	shalt  }
0x6b: {  	_ =	shalt  }
0x6c: {  	_ =	shalt  }
0x6d: {  	_ =	shalt  }
0x6e: {  	_ =	shalt  }
0x6f: {  	_ =	shalt  }
0x70: {  	_ =	shalt  }
0x71: {  	_ =	shalt  }
0x72: {  	_ =	shalt  }
0x73: {  	_ =	shalt  }
0x74: {  	_ =	shalt  }
0x75: {  	_ =	shalt  }
0x76: {  	_ =	shalt  }
0x77: {  	_ =	shalt  }
0x78: {  	_ =	shalt  }
0x79: {  	_ =	shalt  }
0x7a: {  	_ =	shalt  }
0x7b: {  	_ =	shalt  }
0x7c: {  	_ =	shalt  }
0x7d: {  	_ =	shalt  }
0x7e: {  	_ =	shalt  }
0x7f: {  	_ =	shalt  }
0x80: {  	_ =	shalt  }
0x81: {  	_ =	shalt  }
0x82: {  	_ =	shalt  }
0x83: {  	_ =	shalt  }
0x84: {  	_ =	shalt  }
0x85: {  	_ =	shalt  }
0x86: {  	_ =	shalt  }
0x87: {  	_ =	shalt  }
.Lfunc_end0:
.L_simem_size_0:
called_computation_lowered:
.L_overlay_start_0:
0x88: {  	s2 =	sld [smem:$0x3FD9]  }
0x89: {  	s3 =	sld [smem:$0x3FFE];
	_ =	sdelay $0x1  }
0x8a: {  	s1 =	srdreg.scid  }
0x8b: {  	s0 =	sand.u32 $0x1, s1  }
0x8c: {  	s17 =	sshll.u32 s0, $0xA;
	s2 =	sadd.s32 s3, s2  }
0x8d: {  	s2 =	sadd.s32 s2, s17  }
0x8e: {  	[smem:$0x3FC6] =	sst s2  }
0x8f: {  	_ = 	snop  }
0x90: {  	s2 =	sld [smem:$0x3FC9]  }
0x91: {  	s18 =	sld [smem:$0x3FC8]  }
0x92: {  	s4 =	sld [smem:$0x3FD0];
	(tm) =	ssettm $0x1  }
0x93: {  	s5 =	sld [smem:$0x3FFB];
	_ =	sdelay $0x3  }
0x94: {  	_ =	strace s5  }
0x95: {  	s5 =	sld [smem:$0x3FFC];
	_ =	sdelay $0x3  }
0x96: {  	_ =	strace s5  }
0x97: {  	s5 =	sld [smem:$0x3FFD];
	_ =	sdelay $0x3  }
0x98: {  	_ =	strace s5  }
0x99: {  	_ =	strace $0x8FFFFFFF  }
0x9a: {  	s19 =	sld [smem:$0x3FDB];
	_ =	sdelay $0x1  }
0x9b: {  	s6 =	simm.s32 $_scs_section_size  }
0x9c: {  	s7 =	simm.s32 $_size__tile_overlayer_lowered;
	s8 =	simm.s32 $_tile_overlayer_lowered  }
0x9d: {  	s22 =	simm.s32 $0x1BFF;
	s21 =	sshll.u32 s8, $0x1;
	s5 =	sadd.s32 s6, s19  }
0x9e: {  	s9 =	simm.s32 $0x0;
	s20 =	sshll.u32 s7, $0x1;
	s7 =	sadd.s32 s21, s5  }
0x9f: {  	[timem:s9], [sflag:s22] =	dma.local [hbm:s7], s20  }
0xa0: {  	_ =	swait.ge [sflag:s22], s20  }
0xa1: {  	s6 =	ssub.s32 $0x0, s20;
	[sflag:s22] =	ssyncset.done $0x0  }
0xa2: {  	[sflag:s22] =	ssyncadd.s32 s6;
	_ =	sdelay $0x1  }
0xa3: {  	s23 =	simm.s32 $0x1B8B  }
0xa4: {  	_ =	swait.ge [sflag:s23], $0x1  }
0xa5: {  	[sflag:s23] =	ssyncset.done $0x0  }
0xa6: {  	s25 =	simm.s32 $0x1B8E;
	s24 =	sld [smem:$0x3FFE];
	[sflag:s23] =	ssyncadd.s32 $0xFFFFFFFF  }
0xa7: {  	s26 =	simm.s32 $execute0_lowered;
	[smem:$0x3FD2] =	sst s25  }
0xa8: {  	s7 =	sshll.u32 s26, $0x1;
	_ =	strace $0x80000046;
	[dreg:$0x1] =	wrdreg $0xFFFFFFFF  }
0xa9: {  	s28 =	simm.s32 $_size_execute0_lowered;
	s5 =	sadd.s32 s5, s7;
	[dreg:$0x0] =	wrdreg $0x0  }
0xaa: {  	s7 =	sshll.u32 s28, $0x1;
	[dreg:$0x2] =	wrdreg s5  }
0xab: {  	[dreg:$0x3] =	wrdreg s7  }
0xac: {  	[dreg:$0x4] =	wrdreg $0xC0  }
0xad: {  	_ =	task [dreg:s9], $0x5FFFF  }
0xae: {  	[dreg:$0x1] =	wrdreg $0xFFFFFFFF  }
0xaf: {  	[dreg:$0x0] =	wrdreg $0x60  }
0xb0: {  	[dreg:$0x2] =	wrdreg s2  }
0xb1: {  	[dreg:$0x3] =	wrdreg s18  }
0xb2: {  	[dreg:$0x4] =	wrdreg s24  }
0xb3: {  	[dreg:$0x5] =	wrdreg s4  }
0xb4: {  	[dreg:$0x6] =	wrdreg $0x9  }
0xb5: {  	_ =	task.clear_ibuf [dreg:s9], $0x7FFFF;
	_ =	strace $0x90000046  }
0xb6: {  	s29 =	simm.s32 $0x9;
	_ =	strace $0x80000048  }
0xb7: {  	_ =	swait.ge [sflag:s29], $0x1  }
0xb8: {  	[sflag:s29] =	ssyncadd.s32 $0xFFFFFFFF  }
0xb9: {  	_ =	strace $0x90000048  }
0xba: {  	_ =	sfence  }
0xbb: {  	s30 =	sld [smem:$0x0];
	_ =	sdelay $0x2  }
0xbc: {  	s31 =	sshll.u32 s1, $0xD;
	s1 =	sshrl.u32 s1, $0x2  }
0xbd: {  	s3 =	sand.u32 $0x4000, s31;
	s1 =	sadd.s32 s1, s30  }
0xbe: {  	s0 =	sor.u32 s3, s0;
	s1 =	sshll.u32 s1, $0x11  }
0xbf: {  	s0 =	sor.u32 s1, s0  }
0xc0: {  	s0 =	sadd.s32 $0x8F2B, s0  }
0xc1: {  	[sflag:s0] =	ssyncadd.remote.s32 $0x1  }
0xc2: {  	_ =	sfence.sel $0xFFFF  }
0xc3: {  	[dreg:$0x0] =	wrdreg $0xFFFFFFFF;
	(pc) =	sbr.abs _section_cstart, $3  }
0xc4: {  	[dreg:$0x1] =	wrdreg $0xFFFFFFFF  }
0xc5: {  	_ =	task.clear_ibuf [dreg:s9], $0x2FFFF;
	_ =	strace $0x9FFFFFFF  }
0xc6: {  	(tm) =	ssettm $0x7FFFFFFF  }
0xc7: {  	_ =	shalt  }
tec
execute0_lowered:
.L_overlay_start_1:
0x0: {  	(tag) =	ssettag $0x1  }
0x1: {  	s1 =	rddreg [dreg:$0x0]  }
0x2: {  	s7 =	rddreg [dreg:$0x1]  }
0x3: {  	s8 =	rddreg [dreg:$0x2]  }
0x4: {  	s2 =	srdreg.scid;
	s9 =	rddreg [dreg:$0x3]  }
0x5: {  	s3 =	simm.s32 $0x0;
	s5 =	sand.u32 $0x1, s2;
	s2 =	rddreg [dreg:$0x4]  }
0x6: {  	s21 =	simm.s32 $0x80;
	[smem:$0x7FF] =	sst s3  }
0x7: {  	s22 =	simm.s32 $0x280;
	_ =	strace $0x80000047;
	[dreg:$0x8] =	wrdreg s21  }
0x8: {  	s23 =	simm.s32 $0x300;
	[dreg:$0x9] =	wrdreg s22  }
0x9: {  	s24 =	simm.s32 $0x380;
	[dreg:$0xa] =	wrdreg s23  }
0xa: {  	s25 =	simm.s32 $0x400;
	[dreg:$0xb] =	wrdreg s24  }
0xb: {  	s26 =	simm.s32 $0x480;
	[dreg:$0xc] =	wrdreg s25  }
0xc: {  	s28 =	simm.s32 $0x500;
	[dreg:$0xd] =	wrdreg s26  }
0xd: {  	s29 =	simm.s32 $0x580;
	[dreg:$0xe] =	wrdreg s28  }
0xe: {  	s30 =	simm.s32 $0x600;
	[dreg:$0xf] =	wrdreg s29  }
0xf: {  	s31 =	simm.s32 $0x680;
	[dreg:$0x10] =	wrdreg s30  }
0x10: {  	s10 =	simm.s32 $0x800;
	[dreg:$0x11] =	wrdreg s31  }
0x11: {  	s11 =	simm.s32 $0x880;
	[dreg:$0x14] =	wrdreg s10  }
0x12: {  	s12 =	simm.s32 $0x900;
	[dreg:$0x15] =	wrdreg s11  }
0x13: {  	s13 =	simm.s32 $0x980;
	[dreg:$0x16] =	wrdreg s12  }
0x14: {  	s14 =	simm.s32 $0xA00;
	[dreg:$0x17] =	wrdreg s13  }
0x15: {  	s15 =	simm.s32 $0xA80;
	[dreg:$0x18] =	wrdreg s14  }
0x16: {  	s16 =	simm.s32 $0xB00;
	[dreg:$0x19] =	wrdreg s15  }
0x17: {  	s17 =	simm.s32 $0xB80;
	[dreg:$0x1a] =	wrdreg s16  }
0x18: {  	s18 =	simm.s32 $0xC00;
	[dreg:$0x1b] =	wrdreg s17  }
0x19: {  	[dreg:$0x1c] =	wrdreg s18;
	s21 =	simm.s32 $0xD80  }
0x1a: {  	s22 =	simm.s32 $0xE00;
	[dreg:$0x1f] =	wrdreg s21  }
0x1b: {  	s23 =	simm.s32 $0xE80;
	[smem:$0x796] =	sst s22  }
0x1c: {  	s24 =	simm.s32 $0xF00;
	[smem:$0x797] =	sst s23  }
0x1d: {  	s25 =	simm.s32 $0xF80;
	[smem:$0x798] =	sst s24  }
0x1e: {  	s26 =	simm.s32 $0x1000;
	[smem:$0x799] =	sst s25  }
0x1f: {  	s28 =	simm.s32 $0x1080;
	[smem:$0x79A] =	sst s26  }
0x20: {  	s29 =	simm.s32 $0x1100;
	[smem:$0x79B] =	sst s28  }
0x21: {  	s30 =	simm.s32 $0x1180;
	[smem:$0x79C] =	sst s29  }
0x22: {  	s31 =	simm.s32 $0x1200;
	[smem:$0x79D] =	sst s30  }
0x23: {  	s10 =	simm.s32 $0x1380;
	[smem:$0x79E] =	sst s31  }
0x24: {  	s11 =	simm.s32 $0x1400;
	[smem:$0x7A1] =	sst s10  }
0x25: {  	s12 =	simm.s32 $0x1480;
	[smem:$0x7A2] =	sst s11  }
0x26: {  	s13 =	simm.s32 $0x1500;
	[smem:$0x7A3] =	sst s12  }
0x27: {  	s14 =	simm.s32 $0x1580;
	[smem:$0x7A4] =	sst s13  }
0x28: {  	s15 =	simm.s32 $0x1600;
	[smem:$0x7A5] =	sst s14  }
0x29: {  	s16 =	simm.s32 $0x1680;
	[smem:$0x7A6] =	sst s15  }
0x2a: {  	s17 =	simm.s32 $0x1700;
	[smem:$0x7A7] =	sst s16  }
0x2b: {  	s18 =	simm.s32 $0x1780;
	[smem:$0x7A8] =	sst s17  }
0x2c: {  	[smem:$0x7A9] =	sst s18;
	s21 =	simm.s32 $0x1900  }
0x2d: {  	s22 =	simm.s32 $0x1980;
	[smem:$0x7AC] =	sst s21  }
0x2e: {  	s23 =	simm.s32 $0x1A00;
	[smem:$0x7AD] =	sst s22  }
0x2f: {  	s24 =	simm.s32 $0x1A80;
	[smem:$0x7AE] =	sst s23  }
0x30: {  	s25 =	simm.s32 $0x1B00;
	[smem:$0x7AF] =	sst s24  }
0x31: {  	s26 =	simm.s32 $0x1B80;
	[smem:$0x7B0] =	sst s25  }
0x32: {  	s28 =	simm.s32 $0x1C00;
	[smem:$0x7B1] =	sst s26  }
0x33: {  	s29 =	simm.s32 $0x1C80;
	[smem:$0x7B2] =	sst s28  }
0x34: {  	s30 =	simm.s32 $0x1D00;
	[smem:$0x7B3] =	sst s29  }
0x35: {  	s31 =	simm.s32 $0x1D80;
	[smem:$0x7B4] =	sst s30  }
0x36: {  	s10 =	simm.s32 $0x1F00;
	[smem:$0x7B5] =	sst s31  }
0x37: {  	s11 =	simm.s32 $0x1F80;
	[smem:$0x7B8] =	sst s10  }
0x38: {  	s12 =	simm.s32 $0x2000;
	[smem:$0x7B9] =	sst s11  }
0x39: {  	s13 =	simm.s32 $0x2080;
	[smem:$0x7BA] =	sst s12  }
0x3a: {  	s14 =	simm.s32 $0x2100;
	[smem:$0x7BB] =	sst s13  }
0x3b: {  	s15 =	simm.s32 $0x2180;
	[smem:$0x7BC] =	sst s14  }
0x3c: {  	s16 =	simm.s32 $0x2600;
	[smem:$0x7BD] =	sst s15  }
0x3d: {  	s17 =	simm.s32 $0x2A00;
	[smem:$0x7BE] =	sst s16  }
0x3e: {  	s18 =	simm.s32 $0x2E00;
	[smem:$0x7BF] =	sst s17  }
0x3f: {  	[smem:$0x7C0] =	sst s18;
	s21 =	simm.s32 $0x3A00  }
0x40: {  	s22 =	simm.s32 $0x3E00;
	[smem:$0x7C3] =	sst s21  }
0x41: {  	s23 =	simm.s32 $0x4200;
	[smem:$0x7C4] =	sst s22  }
0x42: {  	s24 =	simm.s32 $0x4600;
	[smem:$0x7C5] =	sst s23  }
0x43: {  	s25 =	simm.s32 $0x4A00;
	[smem:$0x7C6] =	sst s24  }
0x44: {  	s26 =	simm.s32 $0x4E00;
	[smem:$0x7C7] =	sst s25  }
0x45: {  	s28 =	simm.s32 $0x5200;
	[smem:$0x7C8] =	sst s26  }
0x46: {  	s29 =	simm.s32 $0x5600;
	[smem:$0x7C9] =	sst s28  }
0x47: {  	s30 =	simm.s32 $0x5A00;
	[smem:$0x7CA] =	sst s29  }
0x48: {  	s31 =	simm.s32 $0x5E00;
	[smem:$0x7CB] =	sst s30  }
0x49: {  	s10 =	simm.s32 $0x6A00;
	[smem:$0x7CC] =	sst s31  }
0x4a: {  	s11 =	simm.s32 $0x6E00;
	[smem:$0x7CF] =	sst s10  }
0x4b: {  	s12 =	simm.s32 $0x7200;
	[smem:$0x7D0] =	sst s11  }
0x4c: {  	s13 =	simm.s32 $0x7600;
	[smem:$0x7D1] =	sst s12  }
0x4d: {  	s0 =	stileid.u32;
	s14 =	simm.s32 $0x7A00;
	[smem:$0x7D2] =	sst s13  }
0x4e: {  	s4 =	sshll.u32 s0, $0x7;
	s15 =	simm.s32 $0x7E00;
	[smem:$0x7D3] =	sst s14  }
0x4f: {  	s6 =	sshll.u32 s5, $0x6;
	s16 =	simm.s32 $0x8200;
	[smem:$0x7D4] =	sst s15  }
0x50: {  	s6 =	sor.u32 s6, s4;
	s17 =	simm.s32 $0x8600;
	[smem:$0x7D5] =	sst s16  }
0x51: {  	s4 =	sshrl.u32 s6, $0x3;
	s18 =	simm.s32 $0x8A00;
	[smem:$0x7D6] =	sst s17  }
0x52: {  	s7 =	sadd.s32 s7, s4;
	[smem:$0x7D7] =	sst s18  }
0x53: {  	s19 =	sadd.s32 s8, s4;
	[dreg:$0x5] =	wrdreg s7  }
0x54: {  	s20 =	sadd.s32 s9, s4;
	[dreg:$0x6] =	wrdreg s19  }
0x55: {  	s8 =	simm.s32 $0x700;
	[dreg:$0x7] =	wrdreg s20  }
0x56: {  	s9 =	simm.s32 $0x780;
	[dreg:$0x12] =	wrdreg s8  }
0x57: {  	s21 =	simm.s32 $0x9600;
	[dreg:$0x13] =	wrdreg s9  }
0x58: {  	s22 =	simm.s32 $0x9A00;
	[smem:$0x7DA] =	sst s21  }
0x59: {  	s23 =	simm.s32 $0x9E00;
	[smem:$0x7DB] =	sst s22  }
0x5a: {  	s24 =	simm.s32 $0xA200;
	[smem:$0x7DC] =	sst s23  }
0x5b: {  	s25 =	simm.s32 $0xA600;
	[smem:$0x7DD] =	sst s24  }
0x5c: {  	s26 =	simm.s32 $0xAA00;
	[smem:$0x7DE] =	sst s25  }
0x5d: {  	s28 =	simm.s32 $0xAE00;
	[smem:$0x7DF] =	sst s26  }
0x5e: {  	s29 =	simm.s32 $0xB200;
	[smem:$0x7E0] =	sst s28  }
0x5f: {  	s30 =	simm.s32 $0xB600;
	[smem:$0x7E1] =	sst s29  }
0x60: {  	s31 =	simm.s32 $0xBA00;
	[smem:$0x7E2] =	sst s30  }
0x61: {  	s11 =	simm.s32 $0xC200;
	[smem:$0x7E3] =	sst s31  }
0x62: {  	s12 =	simm.s32 $0xC600;
	[smem:$0x7E5] =	sst s11  }
0x63: {  	s13 =	simm.s32 $0xCA00;
	[smem:$0x7E6] =	sst s12  }
0x64: {  	v22 =	vlaneseq.u32;
	v4 =	vimm.s32 $0x3;
	v5 =	vimm.s32 $0x7;
	s14 =	simm.s32 $0xCE00;
	[smem:$0x7E7] =	sst s13  }
0x65: {  	v6 =	vimm.s32 $0x0;
	vm0 =	vmmov $0x1;
	v8 =	vimm.s32 $0x1;
	s15 =	simm.s32 $0xD200;
	[smem:$0x7E8] =	sst s14  }
0x66: {  	v9 =	vimm.s32 $0x2;
	v10 =	vimm.s32 $0x4;
	v11 =	vimm.s32 $0x5;
	s16 =	simm.s32 $0xD600;
	[smem:$0x7E9] =	sst s15  }
0x67: {  	v12 =	vimm.s32 $0x6;
	v13 =	vimm.s32 $0x8;
	v14 =	vimm.s32 $0x9;
	s17 =	simm.s32 $0xDA00;
	[smem:$0x7EA] =	sst s16  }
0x68: {  	v15 =	vimm.s32 $0xA;
	v16 =	vimm.s32 $0xB;
	v17 =	vimm.s32 $0xC;
	s18 =	simm.s32 $0xDE00;
	[smem:$0x7EB] =	sst s17  }
0x69: {  	v18 =	vimm.s32 $0xD;
	v19 =	vimm.s32 $0xE;
	v20 =	vimm.s32 $0xF;
	s19 =	simm.s32 $0xC80;
	[smem:$0x7EC] =	sst s18  }
0x6a: {  	v21 =	vimm.s32 $0x3F80;
	vm8 =	vcmask $0x300;
	vm14 =	vcmask $0x704;
	s20 =	simm.s32 $0xD00;
	[dreg:$0x1d] =	wrdreg s19  }
0x6b: {  	vm2 =	vcmask $0x70C;
	vm9 =	vcmask $0xB08;
	vm3 =	vcmask $0xB10;
	s8 =	simm.s32 $0x1280;
	[dreg:$0x1e] =	wrdreg s20  }
0x6c: {  	vm15 =	vcmask $0xF0C;
	vm4 =	vcmask $0xF14;
	vm10 =	vcmask $0x1310;
	s9 =	simm.s32 $0x1300;
	[smem:$0x79F] =	sst s8  }
0x6d: {  	vm5 =	vcmask $0x1318;
	vm13 =	vcmask $0x1714;
	vm6 =	vcmask $0x171C;
	s21 =	simm.s32 $0xE600;
	[smem:$0x7A0] =	sst s9  }
0x6e: {  	vm11 =	vcmask $0x1B18;
	vm7 =	vcmask $0x1B20;
	vm12 =	vcmask $0x1F1C;
	s22 =	simm.s32 $0xEA00;
	[smem:$0x7EE] =	sst s21  }
0x6f: {  	v23 =	vimm.s32 $0x7F80;
	v24 =	vimm.s32 $0xBF80;
	v25 =	vimm.s32 $0xFF80;
	s23 =	simm.s32 $0xEE00;
	[smem:$0x7EF] =	sst s22  }
0x70: {  	vm1 =	vcmask $0x2F2C;
	v7 =	vmul.u32 $0x8, v22;
	v21 =	vsel vm8, $0x0, v21;
	s24 =	simm.s32 $0xF200;
	[smem:$0x7F0] =	sst s23  }
0x71: {  	v23 =	vsel vm8, $0x4000, v23;
	v24 =	vsel vm8, $0x8000, v24;
	v25 =	vsel vm8, $0xC000, v25;
	s25 =	simm.s32 $0xF600;
	[smem:$0x7F1] =	sst s24  }
0x72: {  	vm8 =	vcmask $0x1F24;
	v21 =	vsel vm14, $0x480, v21;
	v23 =	vsel vm14, $0x4480, v23;
	s26 =	simm.s32 $0xFA00;
	[smem:$0x7F2] =	sst s25  }
0x73: {  	v24 =	vsel vm14, $0x8480, v24;
	v25 =	vsel vm14, $0xC480, v25;
	vm14 =	vcmask $0x2320;
	s28 =	simm.s32 $0xFE00;
	[smem:$0x7F3] =	sst s26  }
0x74: {  	v21 =	vsel vm9, $0x900, v21;
	v23 =	vsel vm9, $0x4900, v23;
	v24 =	vsel vm9, $0x8900, v24;
	s11 =	simm.s32 $0x10200;
	[smem:$0x7F4] =	sst s28  }
0x75: {  	v25 =	vsel vm9, $0xC900, v25;
	vm9 =	vcmask $0x2328;
	v0 =	vor.u32 s6, v22;
	s29 =	simm.s32 $0x10600;
	[smem:$0x7F5] =	sst s11  }
0x76: {  	v21 =	vsel vm15, $0xD80, v21;
	v23 =	vsel vm15, $0x4D80, v23;
	v24 =	vsel vm15, $0x8D80, v24;
	s30 =	simm.s32 $0x10A00;
	[smem:$0x7F6] =	sst s29  }
0x77: {  	v25 =	vsel vm15, $0xCD80, v25;
	vm15 =	vcmask $0x2724;
	v21 =	vsel vm10, $0x1200, v21;
	s13 =	simm.s32 $0x10E00;
	[smem:$0x7F7] =	sst s30  }
0x78: {  	s10 =	sor.u32 $0x30, s6;
	v23 =	vsel vm10, $0x5200, v23;
	v24 =	vsel vm10, $0x9200, v24;
	v25 =	vsel vm10, $0xD200, v25;
	s31 =	simm.s32 $0x11200;
	[smem:$0x7F8] =	sst s13  }
0x79: {  	vm10 =	vcmask $0x272C;
	v3 =	vor.u32 s10, v22;
	v21 =	vsel vm13, $0x1680, v21;
	s14 =	simm.s32 $0x11600;
	[smem:$0x7F9] =	sst s31  }
0x7a: {  	s7 =	sor.u32 $0x10, s6;
	v23 =	vsel vm13, $0x5680, v23;
	v24 =	vsel vm13, $0x9680, v24;
	v25 =	vsel vm13, $0xD680, v25;
	s15 =	simm.s32 $0x11A00;
	[smem:$0x7FA] =	sst s14  }
0x7b: {  	vm13 =	vcmask $0x2B28;
	s16 =	simm.s32 $0x11E00;
	v1 =	vor.u32 s7, v22;
	v21 =	vsel vm11, $0x1B00, v21;
	[smem:$0x7FB] =	sst s15  }
0x7c: {  	s5 =	ssub.s32 $0x2, s5;
	s18 =	simm.s32 $0x12200;
	v23 =	vsel vm11, $0x5B00, v23;
	v24 =	vsel vm11, $0x9B00, v24;
	v25 =	vsel vm11, $0xDB00, v25;
	[smem:$0x7FC] =	sst s16  }
0x7d: {  	s4 =	smul.u32 $0x3E800, s4;
	s8 =	simm.s32 $0x1E00;
	vm11 =	vcmask $0x2B30;
	[smem:$0x7FD] =	sst s18;
	v21 =	vsel vm12, $0x1F80, v21;
	v23 =	vsel vm12, $0x5F80, v23  }
0x7e: {  	s10 =	sshrl.u32 s10, $0x3;
	[smem:$0x7B6] =	sst s8;
	s8 =	simm.s32 $0x6200;
	v24 =	vsel vm12, $0x9F80, v24;
	v25 =	vsel vm12, $0xDF80, v25;
	vm12 =	vcmask $0x2F34  }
0x7f: {  	s19 =	simm.s32 $0x1800;
	[smem:$0x7CD] =	sst s8;
	s8 =	sor.u32 $0x20, s6;
	v21 =	vsel vm14, $0x2000, v21;
	v23 =	vsel vm14, $0x6000, v23;
	v24 =	vsel vm14, $0xA000, v24  }
0x80: {  	s17 =	simm.s32 $0x2;
	s20 =	simm.s32 $0x1880;
	[smem:$0x7AA] =	sst s19;
	v25 =	vsel vm14, $0xE000, v25;
	vm14 =	vcmask $0x3330;
	v2 =	vor.u32 s8, v22  }
0x81: {  	s9 =	simm.s32 $0x1E80;
	s7 =	sshrl.u32 s7, $0x3;
	[smem:$0x7AB] =	sst s20;
	v21 =	vsel vm15, $0x2480, v21;
	v23 =	vsel vm15, $0x6480, v23;
	v24 =	vsel vm15, $0xA480, v24  }
0x82: {  	s11 =	sadd.s32 $0x1B5800, s4;
	[smem:$0x7B7] =	sst s9;
	s19 =	simm.s32 $0x3200;
	v25 =	vsel vm15, $0xE480, v25;
	v22 =	vmul.u32 $0x80, v22;
	vm15 =	vmmov $0x7fff  }
0x83: {  	s10 =	smul.u32 $0x3E800, s10;
	s20 =	simm.s32 $0x3600;
	[smem:$0x7C1] =	sst s19;
	v21 =	vsel vm13, $0x2900, v21;
	v23 =	vsel vm13, $0x6900, v23;
	v24 =	vsel vm13, $0xA900, v24  }
0x84: {  	s13 =	simm.s32 $0x3;
	s9 =	simm.s32 $0x6600;
	[smem:$0x7C2] =	sst s20;
	v25 =	vsel vm13, $0xE900, v25;
	vm13 =	vcmask $0x3338;
	v21 =	vsel vm1, $0x2D80, v21  }
0x85: {  	s14 =	simm.s32 $0x200;
	[smem:$0x7CE] =	sst s9;
	s19 =	simm.s32 $0x8E00;
	v23 =	vsel vm1, $0x6D80, v23;
	v24 =	vsel vm1, $0xAD80, v24;
	v25 =	vsel vm1, $0xED80, v25  }
0x86: {  	s15 =	simm.s32 $0x2200;
	s20 =	simm.s32 $0x9200;
	[smem:$0x7D8] =	sst s19;
	vm1 =	vcmask $0x3734;
	v26 =	vor.u32 $0x800, v22;
	v27 =	vor.u32 $0x1000, v22  }
0x87: {  	s16 =	simm.s32 $0x1;
	s9 =	simm.s32 $0xBE00;
	[smem:$0x7D9] =	sst s20;
	v21 =	vsel vm14, $0x3200, v21;
	v23 =	vsel vm14, $0x7200, v23;
	v24 =	vsel vm14, $0xB200, v24  }
0x88: {  	s6 =	smul.u32 $0x3E800, s7;
	s7 =	sadd.s32 $0xBB800, s4;
	[smem:$0x7E4] =	sst s9;
	v25 =	vsel vm14, $0xF200, v25;
	v21 =	vsel vm1, $0x3680, v21;
	v23 =	vsel vm1, $0x7680, v23  }
0x89: {  	s19 =	sshrl.u32 s5, $0x1;
	s20 =	simm.s32 $0xE200;
	s8 =	sshrl.u32 s8, $0x3;
	v24 =	vsel vm1, $0xB680, v24;
	v25 =	vsel vm1, $0xF680, v25;
	vm1 =	vcmask $0x3B38  }
0x8a: {  	s9 =	sadd.s32 $0x138800, s4;
	[smem:$0x7ED] =	sst s20;
	s12 =	ssub.s32 s5, s19;
	v28 =	vor.u32 $0x1800, v22;
	vm14 =	vcmask $0x373C;
	v21 =	vsel vm1, $0x3B00, v21  }
0x8b: {  	s5 =	sadd.s32 $0x3E800, s4;
	s8 =	smul.u32 $0x3E800, s8;
	s12 =	smax.u32 s12, $0x1;
	v23 =	vsel vm1, $0x7B00, v23;
	v24 =	vsel vm1, $0xBB00, v24;
	v25 =	vsel vm1, $0xFB00, v25  }
.LBB2_1:
0x8c: {  	s18 =	rddreg [dreg:$0x5]  }
0x8d: {  	[tilespmem:s3], [sflag:$0x3] =	stream.linear.gather [hbm4b:s18+s3], $0x40, $0x38;
	[tilespmem:$0x12280] =	vst v63  }
0x8e: {  	_ =	swait.ge [sflag:s13], $0x40  }
0x8f: {  	s24 =	rddreg [dreg:$0x6];
	[sflag:s13] =	ssyncset.done $0x0  }
0x90: {  	s19 =	rddreg [dreg:$0x8];
	[sflag:s13] =	ssyncadd.s32 $0xFFFFFFC0  }
0x91: {  	[tilespmem:s19], [sflag:$0x3] =	stream.linear.gather [hbm4b:s24+s3], $0x40, $0x38;
	[tilespmem:$0x12280] =	vst v63  }
0x92: {  	_ =	swait.ge [sflag:s13], $0x40  }
0x93: {  	[sflag:s13] =	ssyncset.done $0x0  }
0x94: {  	[sflag:s13] =	ssyncadd.s32 $0xFFFFFFC0  }
0x95: {  	[tilespmem:$0x100] =	vst v0  }
0x96: {  	v29 =	vld [tilespmem:$0x100];
	_ =	sdelay $0x2  }
0x97: {  	v30 =	vld [tilespmem:$0x0];
	_ =	sdelay $0x1  }
0x98: {  	v31 =	vld [tilespmem:$0x10];
	v32 =	vshrl.u32 v29, $0x3  }
0x99: {  	v32 =	vmul.u32 $0x7D0, v32  }
0x9a: {  	v29 =	vand.u32 $0x7, v29  }
0x9b: {  	v33 =	vld [tilespmem:$0x20];
	v30 =	vand.u32 $0x7F, v30;
	v29 =	vor.u32 v29, v32  }
0x9c: {  	[tilespmem:$0x180] =	vst v30;
	v30 =	vld [tilespmem:$0x30];
	v32 =	vperm.xlane v29, v6  }
0x9d: {  	[tilespmem:$0x110] =	vst v1;
	v31 =	vand.u32 $0x7F, v31  }
0x9e: {  	[tilespmem:$0x190] =	vst v31;
	v41 =	vperm.xlane v29, v8;
	v31 =	vadd.s32 v7, v32  }
0x9f: {  	[tilespmem:$0x120] =	vst v2  }
0xa0: {  	[tilespmem:$0x130] =	vst v3;
	v33 =	vand.u32 $0x7F, v33;
	v42 =	vperm.xlane v29, v9;
	v32 =	vadd.s32 v7, v41  }
0xa1: {  	[tilespmem:$0x1A0] =	vst v33;
	v30 =	vand.u32 $0x7F, v30  }
0xa2: {  	v43 =	vperm.xlane v29, v4;
	[tilespmem:$0x1B0] =	vst v30;
	v30 =	vadd.s32 v7, v42  }
0xa3: {  	[tilespmem:s14], [sflag:$0x1] =	stream.indirect_vreg.gather [hbm4b:s1+s3], $0x80, v31, vm0, $0xb8;
	[tilespmem:$0x12280] =	vst v63  }
0xa4: {  	s25 =	rddreg [dreg:$0x9];
	v44 =	vperm.xlane v29, v10;
	v31 =	vadd.s32 v7, v43  }
0xa5: {  	[tilespmem:s25], [sflag:$0x1] =	stream.indirect_vreg.gather [hbm4b:s1+s3], $0x80, v32, vm0, $0xb8;
	[tilespmem:$0x12280] =	vst v63  }
0xa6: {  	s26 =	rddreg [dreg:$0xa];
	v46 =	vperm.xlane v29, v11;
	v45 =	vadd.s32 v7, v44  }
0xa7: {  	[tilespmem:s26], [sflag:$0x1] =	stream.indirect_vreg.gather [hbm4b:s1+s3], $0x80, v30, vm0, $0xb8;
	[tilespmem:$0x12280] =	vst v63  }
0xa8: {  	s28 =	rddreg [dreg:$0xb];
	v47 =	vperm.xlane v29, v12;
	v30 =	vadd.s32 v7, v46  }
0xa9: {  	[tilespmem:s28], [sflag:$0x1] =	stream.indirect_vreg.gather [hbm4b:s1+s3], $0x80, v31, vm0, $0xb8;
	[tilespmem:$0x12280] =	vst v63  }
0xaa: {  	s29 =	rddreg [dreg:$0xc];
	v48 =	vperm.xlane v29, v5;
	v31 =	vadd.s32 v7, v47  }
0xab: {  	[tilespmem:s29], [sflag:$0x1] =	stream.indirect_vreg.gather [hbm4b:s1+s3], $0x80, v45, vm0, $0xb8;
	[tilespmem:$0x12280] =	vst v63  }
0xac: {  	s30 =	rddreg [dreg:$0xd];
	v50 =	vperm.xlane v29, v13;
	v49 =	vadd.s32 v7, v48  }
0xad: {  	[tilespmem:s30], [sflag:$0x1] =	stream.indirect_vreg.gather [hbm4b:s1+s3], $0x80, v30, vm0, $0xb8;
	[tilespmem:$0x12280] =	vst v63  }
0xae: {  	s31 =	rddreg [dreg:$0xe];
	v51 =	vperm.xlane v29, v14;
	v30 =	vadd.s32 v7, v50  }
0xaf: {  	[tilespmem:s31], [sflag:$0x1] =	stream.indirect_vreg.gather [hbm4b:s1+s3], $0x80, v31, vm0, $0xb8;
	[tilespmem:$0x12280] =	vst v63  }
0xb0: {  	s20 =	rddreg [dreg:$0xf];
	v52 =	vperm.xlane v29, v15;
	v31 =	vadd.s32 v7, v51  }
0xb1: {  	[tilespmem:s20], [sflag:$0x1] =	stream.indirect_vreg.gather [hbm4b:s1+s3], $0x80, v49, vm0, $0xb8;
	[tilespmem:$0x12280] =	vst v63  }
0xb2: {  	s21 =	rddreg [dreg:$0x10];
	v54 =	vperm.xlane v29, v16;
	v53 =	vadd.s32 v7, v52  }
0xb3: {  	[tilespmem:s21], [sflag:$0x1] =	stream.indirect_vreg.gather [hbm4b:s1+s3], $0x80, v30, vm0, $0xb8;
	[tilespmem:$0x12280] =	vst v63  }
0xb4: {  	s22 =	rddreg [dreg:$0x11];
	v55 =	vperm.xlane v29, v17;
	v30 =	vadd.s32 v7, v54  }
0xb5: {  	[tilespmem:s22], [sflag:$0x1] =	stream.indirect_vreg.gather [hbm4b:s1+s3], $0x80, v31, vm0, $0xb8;
	[tilespmem:$0x12280] =	vst v63  }
0xb6: {  	s23 =	rddreg [dreg:$0x12];
	v56 =	vperm.xlane v29, v18;
	v31 =	vadd.s32 v7, v55  }
0xb7: {  	[tilespmem:s23], [sflag:$0x1] =	stream.indirect_vreg.gather [hbm4b:s1+s3], $0x80, v53, vm0, $0xb8;
	[tilespmem:$0x12280] =	vst v63  }
0xb8: {  	s24 =	rddreg [dreg:$0x13];
	v58 =	vperm.xlane v29, v19;
	v57 =	vadd.s32 v7, v56  }
0xb9: {  	[tilespmem:s24], [sflag:$0x1] =	stream.indirect_vreg.gather [hbm4b:s1+s3], $0x80, v30, vm0, $0xb8;
	[tilespmem:$0x12280] =	vst v63  }
0xba: {  	v29 =	vperm.xlane v29, v20;
	s25 =	rddreg [dreg:$0x14];
	v30 =	vadd.s32 v7, v58  }
0xbb: {  	[tilespmem:s25], [sflag:$0x1] =	stream.indirect_vreg.gather [hbm4b:s1+s3], $0x80, v31, vm0, $0xb8;
	[tilespmem:$0x12280] =	vst v63  }
0xbc: {  	v29 =	vadd.s32 v7, v29;
	s26 =	rddreg [dreg:$0x15]  }
0xbd: {  	[tilespmem:s26], [sflag:$0x1] =	stream.indirect_vreg.gather [hbm4b:s1+s3], $0x80, v57, vm0, $0xb8;
	[tilespmem:$0x12280] =	vst v63  }
0xbe: {  	s28 =	rddreg [dreg:$0x16]  }
0xbf: {  	[tilespmem:s28], [sflag:$0x1] =	stream.indirect_vreg.gather [hbm4b:s1+s3], $0x80, v30, vm0, $0xb8;
	[tilespmem:$0x12280] =	vst v63  }
0xc0: {  	s29 =	rddreg [dreg:$0x17]  }
0xc1: {  	[tilespmem:s29], [sflag:$0x1] =	stream.indirect_vreg.gather [hbm4b:s1+s3], $0x80, v29, vm0, $0xb8;
	[tilespmem:$0x12280] =	vst v63  }
0xc2: {  	v29 =	vld [tilespmem:$0x110];
	_ =	sdelay $0x4  }
0xc3: {  	v30 =	vshrl.u32 v29, $0x3  }
0xc4: {  	v30 =	vmul.u32 $0x7D0, v30  }
0xc5: {  	v29 =	vand.u32 $0x7, v29  }
0xc6: {  	v29 =	vor.u32 v29, v30  }
0xc7: {  	v30 =	vperm.xlane v29, v6;
	_ =	sdelay $0x1  }
0xc8: {  	v31 =	vperm.xlane v29, v8;
	v30 =	vadd.s32 v7, v30;
	_ =	sdelay $0x1  }
0xc9: {  	v59 =	vperm.xlane v29, v9;
	v31 =	vadd.s32 v7, v31  }
0xca: {  	s30 =	rddreg [dreg:$0x18]  }
0xcb: {  	s31 =	rddreg [dreg:$0x19];
	v60 =	vperm.xlane v29, v4;
	v32 =	vadd.s32 v7, v59  }
0xcc: {  	[tilespmem:s30], [sflag:$0x1] =	stream.indirect_vreg.gather [hbm4b:s1+s3], $0x80, v30, vm0, $0xb8;
	[tilespmem:$0x12280] =	vst v63  }
0xcd: {  	s20 =	rddreg [dreg:$0x1a];
	v61 =	vperm.xlane v29, v10;
	v30 =	vadd.s32 v7, v60  }
0xce: {  	[tilespmem:s31], [sflag:$0x1] =	stream.indirect_vreg.gather [hbm4b:s1+s3], $0x80, v31, vm0, $0xb8;
	[tilespmem:$0x12280] =	vst v63  }
0xcf: {  	s21 =	rddreg [dreg:$0x1b];
	v62 =	vperm.xlane v29, v11;
	v31 =	vadd.s32 v7, v61  }
0xd0: {  	[tilespmem:s20], [sflag:$0x1] =	stream.indirect_vreg.gather [hbm4b:s1+s3], $0x80, v32, vm0, $0xb8;
	[tilespmem:$0x12280] =	vst v63  }
0xd1: {  	s22 =	rddreg [dreg:$0x1c];
	v36 =	vperm.xlane v29, v12;
	v63 =	vadd.s32 v7, v62  }
0xd2: {  	[tilespmem:s21], [sflag:$0x1] =	stream.indirect_vreg.gather [hbm4b:s1+s3], $0x80, v30, vm0, $0xb8;
	[tilespmem:$0x12280] =	vst v63  }
0xd3: {  	s23 =	rddreg [dreg:$0x1d];
	v37 =	vperm.xlane v29, v5;
	v30 =	vadd.s32 v7, v36  }
0xd4: {  	[tilespmem:s22], [sflag:$0x1] =	stream.indirect_vreg.gather [hbm4b:s1+s3], $0x80, v31, vm0, $0xb8;
	[tilespmem:$0x12280] =	vst v63  }
0xd5: {  	s24 =	rddreg [dreg:$0x1e];
	v38 =	vperm.xlane v29, v13;
	v31 =	vadd.s32 v7, v37  }
0xd6: {  	[tilespmem:s23], [sflag:$0x1] =	stream.indirect_vreg.gather [hbm4b:s1+s3], $0x80, v63, vm0, $0xb8;
	[tilespmem:$0x12280] =	vst v63  }
0xd7: {  	s25 =	rddreg [dreg:$0x1f];
	v40 =	vperm.xlane v29, v14;
	v39 =	vadd.s32 v7, v38  }
0xd8: {  	[tilespmem:s24], [sflag:$0x1] =	stream.indirect_vreg.gather [hbm4b:s1+s3], $0x80, v30, vm0, $0xb8;
	[tilespmem:$0x12280] =	vst v63  }
0xd9: {  	s26 =	sld [smem:$0x796];
	v41 =	vperm.xlane v29, v15;
	v30 =	vadd.s32 v7, v40  }
0xda: {  	[tilespmem:s25], [sflag:$0x1] =	stream.indirect_vreg.gather [hbm4b:s1+s3], $0x80, v31, vm0, $0xb8;
	[tilespmem:$0x12280] =	vst v63  }
0xdb: {  	s28 =	sld [smem:$0x797];
	v42 =	vperm.xlane v29, v16;
	v31 =	vadd.s32 v7, v41  }
0xdc: {  	[tilespmem:s26], [sflag:$0x1] =	stream.indirect_vreg.gather [hbm4b:s1+s3], $0x80, v39, vm0, $0xb8;
	[tilespmem:$0x12280] =	vst v63  }
0xdd: {  	s29 =	sld [smem:$0x798];
	v44 =	vperm.xlane v29, v17;
	v43 =	vadd.s32 v7, v42  }
0xde: {  	[tilespmem:s28], [sflag:$0x1] =	stream.indirect_vreg.gather [hbm4b:s1+s3], $0x80, v30, vm0, $0xb8;
	[tilespmem:$0x12280] =	vst v63  }
0xdf: {  	v45 =	vperm.xlane v29, v18;
	s30 =	sld [smem:$0x799];
	v30 =	vadd.s32 v7, v44  }
0xe0: {  	[tilespmem:s29], [sflag:$0x1] =	stream.indirect_vreg.gather [hbm4b:s1+s3], $0x80, v31, vm0, $0xb8;
	[tilespmem:$0x12280] =	vst v63  }
0xe1: {  	v46 =	vperm.xlane v29, v19;
	s31 =	sld [smem:$0x79A];
	v31 =	vadd.s32 v7, v45  }
0xe2: {  	[tilespmem:s30], [sflag:$0x1] =	stream.indirect_vreg.gather [hbm4b:s1+s3], $0x80, v43, vm0, $0xb8;
	[tilespmem:$0x12280] =	vst v63  }
0xe3: {  	v29 =	vperm.xlane v29, v20;
	v47 =	vadd.s32 v7, v46;
	s20 =	sld [smem:$0x79B]  }
0xe4: {  	[tilespmem:s31], [sflag:$0x1] =	stream.indirect_vreg.gather [hbm4b:s1+s3], $0x80, v30, vm0, $0xb8;
	[tilespmem:$0x12280] =	vst v63  }
0xe5: {  	v29 =	vadd.s32 v7, v29;
	s21 =	sld [smem:$0x79C]  }
0xe6: {  	[tilespmem:s20], [sflag:$0x1] =	stream.indirect_vreg.gather [hbm4b:s1+s3], $0x80, v31, vm0, $0xb8;
	[tilespmem:$0x12280] =	vst v63  }
0xe7: {  	s22 =	sld [smem:$0x79D]  }
0xe8: {  	[tilespmem:s21], [sflag:$0x1] =	stream.indirect_vreg.gather [hbm4b:s1+s3], $0x80, v47, vm0, $0xb8;
	[tilespmem:$0x12280] =	vst v63  }
0xe9: {  	_ = 	snop  }
0xea: {  	[tilespmem:s22], [sflag:$0x1] =	stream.indirect_vreg.gather [hbm4b:s1+s3], $0x80, v29, vm0, $0xb8;
	[tilespmem:$0x12280] =	vst v63  }
0xeb: {  	v29 =	vld [tilespmem:$0x120];
	_ =	sdelay $0x4  }
0xec: {  	v30 =	vshrl.u32 v29, $0x3  }
0xed: {  	v30 =	vmul.u32 $0x7D0, v30  }
0xee: {  	v29 =	vand.u32 $0x7, v29  }
0xef: {  	v29 =	vor.u32 v29, v30  }
0xf0: {  	v30 =	vperm.xlane v29, v6;
	_ =	sdelay $0x1  }
0xf1: {  	v31 =	vperm.xlane v29, v8;
	v30 =	vadd.s32 v7, v30;
	_ =	sdelay $0x1  }
0xf2: {  	s23 =	sld [smem:$0x79E];
	v48 =	vperm.xlane v29, v9;
	v31 =	vadd.s32 v7, v31;
	_ =	sdelay $0x1  }
0xf3: {  	s24 =	sld [smem:$0x79F];
	v49 =	vperm.xlane v29, v4;
	v32 =	vadd.s32 v7, v48  }
0xf4: {  	[tilespmem:s23], [sflag:$0x1] =	stream.indirect_vreg.gather [hbm4b:s1+s3], $0x80, v30, vm0, $0xb8;
	[tilespmem:$0x12280] =	vst v63  }
0xf5: {  	s25 =	sld [smem:$0x7A0];
	v50 =	vperm.xlane v29, v10;
	v30 =	vadd.s32 v7, v49  }
0xf6: {  	[tilespmem:s24], [sflag:$0x1] =	stream.indirect_vreg.gather [hbm4b:s1+s3], $0x80, v31, vm0, $0xb8;
	[tilespmem:$0x12280] =	vst v63  }
0xf7: {  	s26 =	sld [smem:$0x7A1];
	v51 =	vperm.xlane v29, v11;
	v31 =	vadd.s32 v7, v50  }
0xf8: {  	[tilespmem:s25], [sflag:$0x1] =	stream.indirect_vreg.gather [hbm4b:s1+s3], $0x80, v32, vm0, $0xb8;
	[tilespmem:$0x12280] =	vst v63  }
0xf9: {  	s28 =	sld [smem:$0x7A2];
	v53 =	vperm.xlane v29, v12;
	v52 =	vadd.s32 v7, v51  }
0xfa: {  	[tilespmem:s26], [sflag:$0x1] =	stream.indirect_vreg.gather [hbm4b:s1+s3], $0x80, v30, vm0, $0xb8;
	[tilespmem:$0x12280] =	vst v63  }
0xfb: {  	s29 =	sld [smem:$0x7A3];
	v54 =	vperm.xlane v29, v5;
	v30 =	vadd.s32 v7, v53  }
0xfc: {  	[tilespmem:s28], [sflag:$0x1] =	stream.indirect_vreg.gather [hbm4b:s1+s3], $0x80, v31, vm0, $0xb8;
	[tilespmem:$0x12280] =	vst v63  }
0xfd: {  	s30 =	sld [smem:$0x7A4];
	v55 =	vperm.xlane v29, v13;
	v31 =	vadd.s32 v7, v54  }
0xfe: {  	[tilespmem:s29], [sflag:$0x1] =	stream.indirect_vreg.gather [hbm4b:s1+s3], $0x80, v52, vm0, $0xb8;
	[tilespmem:$0x12280] =	vst v63  }
0xff: {  	s31 =	sld [smem:$0x7A5];
	v57 =	vperm.xlane v29, v14;
	v56 =	vadd.s32 v7, v55  }
0x100: {  	[tilespmem:s30], [sflag:$0x1] =	stream.indirect_vreg.gather [hbm4b:s1+s3], $0x80, v30, vm0, $0xb8;
	[tilespmem:$0x12280] =	vst v63  }
0x101: {  	s20 =	sld [smem:$0x7A6];
	v58 =	vperm.xlane v29, v15;
	v30 =	vadd.s32 v7, v57  }
0x102: {  	[tilespmem:s31], [sflag:$0x1] =	stream.indirect_vreg.gather [hbm4b:s1+s3], $0x80, v31, vm0, $0xb8;
	[tilespmem:$0x12280] =	vst v63  }
0x103: {  	s21 =	sld [smem:$0x7A7];
	v59 =	vperm.xlane v29, v16;
	v31 =	vadd.s32 v7, v58  }
0x104: {  	[tilespmem:s20], [sflag:$0x1] =	stream.indirect_vreg.gather [hbm4b:s1+s3], $0x80, v56, vm0, $0xb8;
	[tilespmem:$0x12280] =	vst v63  }
0x105: {  	s22 =	sld [smem:$0x7A8];
	v61 =	vperm.xlane v29, v17;
	v60 =	vadd.s32 v7, v59  }
0x106: {  	[tilespmem:s21], [sflag:$0x1] =	stream.indirect_vreg.gather [hbm4b:s1+s3], $0x80, v30, vm0, $0xb8;
	[tilespmem:$0x12280] =	vst v63  }
0x107: {  	v62 =	vperm.xlane v29, v18;
	s23 =	sld [smem:$0x7A9];
	v30 =	vadd.s32 v7, v61  }
0x108: {  	[tilespmem:s22], [sflag:$0x1] =	stream.indirect_vreg.gather [hbm4b:s1+s3], $0x80, v31, vm0, $0xb8;
	[tilespmem:$0x12280] =	vst v63  }
0x109: {  	v63 =	vperm.xlane v29, v19;
	s24 =	sld [smem:$0x7AA];
	v31 =	vadd.s32 v7, v62  }
0x10a: {  	[tilespmem:s23], [sflag:$0x1] =	stream.indirect_vreg.gather [hbm4b:s1+s3], $0x80, v60, vm0, $0xb8;
	[tilespmem:$0x12280] =	vst v63  }
0x10b: {  	v29 =	vperm.xlane v29, v20;
	v36 =	vadd.s32 v7, v63;
	s25 =	sld [smem:$0x7AB]  }
0x10c: {  	[tilespmem:s24], [sflag:$0x1] =	stream.indirect_vreg.gather [hbm4b:s1+s3], $0x80, v30, vm0, $0xb8;
	[tilespmem:$0x12280] =	vst v63  }
0x10d: {  	v29 =	vadd.s32 v7, v29;
	s26 =	sld [smem:$0x7AC]  }
0x10e: {  	[tilespmem:s25], [sflag:$0x1] =	stream.indirect_vreg.gather [hbm4b:s1+s3], $0x80, v31, vm0, $0xb8;
	[tilespmem:$0x12280] =	vst v63  }
0x10f: {  	s28 =	sld [smem:$0x7AD]  }
0x110: {  	[tilespmem:s26], [sflag:$0x1] =	stream.indirect_vreg.gather [hbm4b:s1+s3], $0x80, v36, vm0, $0xb8;
	[tilespmem:$0x12280] =	vst v63  }
0x111: {  	_ = 	snop  }
0x112: {  	[tilespmem:s28], [sflag:$0x1] =	stream.indirect_vreg.gather [hbm4b:s1+s3], $0x80, v29, vm0, $0xb8;
	[tilespmem:$0x12280] =	vst v63  }
0x113: {  	v29 =	vld [tilespmem:$0x130];
	_ =	sdelay $0x4  }
0x114: {  	v30 =	vshrl.u32 v29, $0x3  }
0x115: {  	v30 =	vmul.u32 $0x7D0, v30  }
0x116: {  	v29 =	vand.u32 $0x7, v29  }
0x117: {  	v29 =	vor.u32 v29, v30  }
0x118: {  	v30 =	vperm.xlane v29, v6;
	_ =	sdelay $0x1  }
0x119: {  	v31 =	vperm.xlane v29, v8;
	v30 =	vadd.s32 v7, v30;
	_ =	sdelay $0x1  }
0x11a: {  	s29 =	sld [smem:$0x7AE];
	v37 =	vperm.xlane v29, v9;
	v31 =	vadd.s32 v7, v31;
	_ =	sdelay $0x1  }
0x11b: {  	s30 =	sld [smem:$0x7AF];
	v38 =	vperm.xlane v29, v4;
	v32 =	vadd.s32 v7, v37  }
0x11c: {  	[tilespmem:s29], [sflag:$0x1] =	stream.indirect_vreg.gather [hbm4b:s1+s3], $0x80, v30, vm0, $0xb8;
	[tilespmem:$0x12280] =	vst v63  }
0x11d: {  	s31 =	sld [smem:$0x7B0];
	v39 =	vperm.xlane v29, v10;
	v30 =	vadd.s32 v7, v38  }
0x11e: {  	[tilespmem:s30], [sflag:$0x1] =	stream.indirect_vreg.gather [hbm4b:s1+s3], $0x80, v31, vm0, $0xb8;
	[tilespmem:$0x12280] =	vst v63  }
0x11f: {  	s20 =	sld [smem:$0x7B1];
	v40 =	vperm.xlane v29, v11;
	v31 =	vadd.s32 v7, v39  }
0x120: {  	[tilespmem:s31], [sflag:$0x1] =	stream.indirect_vreg.gather [hbm4b:s1+s3], $0x80, v32, vm0, $0xb8;
	[tilespmem:$0x12280] =	vst v63  }
0x121: {  	s21 =	sld [smem:$0x7B2];
	v42 =	vperm.xlane v29, v12;
	v41 =	vadd.s32 v7, v40  }
0x122: {  	[tilespmem:s20], [sflag:$0x1] =	stream.indirect_vreg.gather [hbm4b:s1+s3], $0x80, v30, vm0, $0xb8;
	[tilespmem:$0x12280] =	vst v63  }
0x123: {  	s22 =	sld [smem:$0x7B3];
	v43 =	vperm.xlane v29, v5;
	v30 =	vadd.s32 v7, v42  }
0x124: {  	[tilespmem:s21], [sflag:$0x1] =	stream.indirect_vreg.gather [hbm4b:s1+s3], $0x80, v31, vm0, $0xb8;
	[tilespmem:$0x12280] =	vst v63  }
0x125: {  	s23 =	sld [smem:$0x7B4];
	v44 =	vperm.xlane v29, v13;
	v31 =	vadd.s32 v7, v43  }
0x126: {  	[tilespmem:s22], [sflag:$0x1] =	stream.indirect_vreg.gather [hbm4b:s1+s3], $0x80, v41, vm0, $0xb8;
	[tilespmem:$0x12280] =	vst v63  }
0x127: {  	s24 =	sld [smem:$0x7B5];
	v46 =	vperm.xlane v29, v14;
	v45 =	vadd.s32 v7, v44  }
0x128: {  	[tilespmem:s23], [sflag:$0x1] =	stream.indirect_vreg.gather [hbm4b:s1+s3], $0x80, v30, vm0, $0xb8;
	[tilespmem:$0x12280] =	vst v63  }
0x129: {  	s25 =	sld [smem:$0x7B6];
	v47 =	vperm.xlane v29, v15;
	v30 =	vadd.s32 v7, v46  }
0x12a: {  	[tilespmem:s24], [sflag:$0x1] =	stream.indirect_vreg.gather [hbm4b:s1+s3], $0x80, v31, vm0, $0xb8;
	[tilespmem:$0x12280] =	vst v63  }
0x12b: {  	s26 =	sld [smem:$0x7B7];
	v48 =	vperm.xlane v29, v16;
	v31 =	vadd.s32 v7, v47  }
0x12c: {  	[tilespmem:s25], [sflag:$0x1] =	stream.indirect_vreg.gather [hbm4b:s1+s3], $0x80, v45, vm0, $0xb8;
	[tilespmem:$0x12280] =	vst v63  }
0x12d: {  	s28 =	sld [smem:$0x7B8];
	v50 =	vperm.xlane v29, v17;
	v49 =	vadd.s32 v7, v48  }
0x12e: {  	[tilespmem:s26], [sflag:$0x1] =	stream.indirect_vreg.gather [hbm4b:s1+s3], $0x80, v30, vm0, $0xb8;
	[tilespmem:$0x12280] =	vst v63  }
0x12f: {  	v51 =	vperm.xlane v29, v18;
	s29 =	sld [smem:$0x7B9];
	v30 =	vadd.s32 v7, v50  }
0x130: {  	[tilespmem:s28], [sflag:$0x1] =	stream.indirect_vreg.gather [hbm4b:s1+s3], $0x80, v31, vm0, $0xb8;
	[tilespmem:$0x12280] =	vst v63  }
0x131: {  	v52 =	vperm.xlane v29, v19;
	s30 =	sld [smem:$0x7BA];
	v31 =	vadd.s32 v7, v51  }
0x132: {  	[tilespmem:s29], [sflag:$0x1] =	stream.indirect_vreg.gather [hbm4b:s1+s3], $0x80, v49, vm0, $0xb8;
	[tilespmem:$0x12280] =	vst v63  }
0x133: {  	v29 =	vperm.xlane v29, v20;
	v53 =	vadd.s32 v7, v52;
	s31 =	sld [smem:$0x7BB]  }
0x134: {  	[tilespmem:s30], [sflag:$0x1] =	stream.indirect_vreg.gather [hbm4b:s1+s3], $0x80, v30, vm0, $0xb8;
	[tilespmem:$0x12280] =	vst v63  }
0x135: {  	v29 =	vadd.s32 v7, v29;
	s20 =	sld [smem:$0x7BC]  }
0x136: {  	[tilespmem:s31], [sflag:$0x1] =	stream.indirect_vreg.gather [hbm4b:s1+s3], $0x80, v31, vm0, $0xb8;
	[tilespmem:$0x12280] =	vst v63  }
0x137: {  	s21 =	sld [smem:$0x7BD]  }
0x138: {  	[tilespmem:s20], [sflag:$0x1] =	stream.indirect_vreg.gather [hbm4b:s1+s3], $0x80, v53, vm0, $0xb8;
	[tilespmem:$0x12280] =	vst v63  }
0x139: {  	_ = 	snop  }
0x13a: {  	[tilespmem:s21], [sflag:$0x1] =	stream.indirect_vreg.gather [hbm4b:s1+s3], $0x80, v29, vm0, $0xb8;
	[tilespmem:$0x12280] =	vst v63  }
0x13b: {  	v29 =	vld [tilespmem:$0x0];
	_ =	sdelay $0x4  }
0x13c: {  	v29 =	vnsel vm0, $0x0, v29  }
0x13d: {  	(xrf0) =	vadd.scan.msk.s32 $0xffff, v29;
	_ =	sdelay $0x5  }
0x13e: {  	v29, _, _ =	vpop (xrf0)  }
0x13f: {  	(v2sf) =	vpush v29, $0xF;
	_ =	sdelay $0xe  }
0x140: {  	s22 =	spop (v2sf)  }
0x141: {  	s18 =	sshll.u32 s22, $0x3  }
0x142: {  	s18 =	sand.u32 $0x7FFFFC00, s18  }
0x143: {  	s18 =	sadd.s32 s4, s18  }
0x144: {  	s18 =	sshrl.u32 s18, $0x3  }
0x145: {  	s18 =	sadd.s32 s1, s18  }
0x146: {  	[tilespmem:s15], [sflag:$0x2] =	stream.linear.gather [hbm4b:s18+s3], $0x400, $0x38;
	[tilespmem:$0x12280] =	vst v63  }
0x147: {  	v29 =	vld [tilespmem:$0x0];
	_ =	sdelay $0x3  }
0x148: {  	vm1 =	vcmask $0x308  }
0x149: {  	v29 =	vsel vm1, $0x0, v29  }
0x14a: {  	(xrf0) =	vadd.scan.msk.s32 $0xffff, v29;
	_ =	sdelay $0x5  }
0x14b: {  	v29, _, _ =	vpop (xrf0)  }
0x14c: {  	(v2sf) =	vpush v29, $0xF;
	_ =	sdelay $0xe  }
0x14d: {  	s23 =	spop (v2sf)  }
0x14e: {  	s18 =	sshll.u32 s23, $0x3  }
0x14f: {  	s18 =	sand.u32 $0x7FFFFC00, s18  }
0x150: {  	s24 =	sld [smem:$0x7BE];
	s18 =	sadd.s32 s4, s18  }
0x151: {  	s18 =	sshrl.u32 s18, $0x3  }
0x152: {  	s18 =	sadd.s32 s1, s18  }
0x153: {  	[tilespmem:s24], [sflag:$0x2] =	stream.linear.gather [hbm4b:s18+s3], $0x400, $0x38;
	[tilespmem:$0x12280] =	vst v63  }
0x154: {  	v29 =	vld [tilespmem:$0x0];
	_ =	sdelay $0x4  }
0x155: {  	v29 =	vsel vm2, $0x0, v29  }
0x156: {  	(xrf0) =	vadd.scan.msk.s32 $0xffff, v29;
	_ =	sdelay $0x5  }
0x157: {  	v29, _, _ =	vpop (xrf0)  }
0x158: {  	(v2sf) =	vpush v29, $0xF;
	_ =	sdelay $0xe  }
0x159: {  	s25 =	spop (v2sf)  }
0x15a: {  	s18 =	sshll.u32 s25, $0x3  }
0x15b: {  	s18 =	sand.u32 $0x7FFFFC00, s18  }
0x15c: {  	s26 =	sld [smem:$0x7BF];
	s18 =	sadd.s32 s4, s18  }
0x15d: {  	s18 =	sshrl.u32 s18, $0x3  }
0x15e: {  	s18 =	sadd.s32 s1, s18  }
0x15f: {  	[tilespmem:s26], [sflag:$0x2] =	stream.linear.gather [hbm4b:s18+s3], $0x400, $0x38;
	[tilespmem:$0x12280] =	vst v63  }
0x160: {  	v29 =	vld [tilespmem:$0x0];
	_ =	sdelay $0x4  }
0x161: {  	v29 =	vsel vm3, $0x0, v29  }
0x162: {  	(xrf0) =	vadd.scan.msk.s32 $0xffff, v29;
	_ =	sdelay $0x5  }
0x163: {  	v29, _, _ =	vpop (xrf0)  }
0x164: {  	(v2sf) =	vpush v29, $0xF;
	_ =	sdelay $0xe  }
0x165: {  	s28 =	spop (v2sf)  }
0x166: {  	s18 =	sshll.u32 s28, $0x3  }
0x167: {  	s18 =	sand.u32 $0x7FFFFC00, s18  }
0x168: {  	s29 =	sld [smem:$0x7C0];
	s18 =	sadd.s32 s4, s18  }
0x169: {  	s18 =	sshrl.u32 s18, $0x3  }
0x16a: {  	s18 =	sadd.s32 s1, s18  }
0x16b: {  	[tilespmem:s29], [sflag:$0x2] =	stream.linear.gather [hbm4b:s18+s3], $0x400, $0x38;
	[tilespmem:$0x12280] =	vst v63  }
0x16c: {  	v29 =	vld [tilespmem:$0x0];
	_ =	sdelay $0x4  }
0x16d: {  	v29 =	vsel vm4, $0x0, v29  }
0x16e: {  	(xrf0) =	vadd.scan.msk.s32 $0xffff, v29;
	_ =	sdelay $0x5  }
0x16f: {  	v29, _, _ =	vpop (xrf0)  }
0x170: {  	(v2sf) =	vpush v29, $0xF;
	_ =	sdelay $0xe  }
0x171: {  	s30 =	spop (v2sf)  }
0x172: {  	s18 =	sshll.u32 s30, $0x3  }
0x173: {  	s18 =	sand.u32 $0x7FFFFC00, s18  }
0x174: {  	s31 =	sld [smem:$0x7C1];
	s18 =	sadd.s32 s4, s18  }
0x175: {  	s18 =	sshrl.u32 s18, $0x3  }
0x176: {  	s18 =	sadd.s32 s1, s18  }
0x177: {  	[tilespmem:s31], [sflag:$0x2] =	stream.linear.gather [hbm4b:s18+s3], $0x400, $0x38;
	[tilespmem:$0x12280] =	vst v63  }
0x178: {  	v29 =	vld [tilespmem:$0x0];
	_ =	sdelay $0x4  }
0x179: {  	v29 =	vsel vm5, $0x0, v29  }
0x17a: {  	(xrf0) =	vadd.scan.msk.s32 $0xffff, v29;
	_ =	sdelay $0x5  }
0x17b: {  	v29, _, _ =	vpop (xrf0)  }
0x17c: {  	(v2sf) =	vpush v29, $0xF;
	_ =	sdelay $0xe  }
0x17d: {  	s19 =	spop (v2sf)  }
0x17e: {  	s18 =	sshll.u32 s19, $0x3  }
0x17f: {  	s18 =	sand.u32 $0x7FFFFC00, s18  }
0x180: {  	s20 =	sld [smem:$0x7C2];
	s18 =	sadd.s32 s4, s18  }
0x181: {  	s18 =	sshrl.u32 s18, $0x3  }
0x182: {  	s18 =	sadd.s32 s1, s18  }
0x183: {  	[tilespmem:s20], [sflag:$0x2] =	stream.linear.gather [hbm4b:s18+s3], $0x400, $0x38;
	[tilespmem:$0x12280] =	vst v63  }
0x184: {  	v29 =	vld [tilespmem:$0x0];
	_ =	sdelay $0x4  }
0x185: {  	v29 =	vsel vm6, $0x0, v29  }
0x186: {  	(xrf0) =	vadd.scan.msk.s32 $0xffff, v29;
	_ =	sdelay $0x5  }
0x187: {  	v29, _, _ =	vpop (xrf0)  }
0x188: {  	(v2sf) =	vpush v29, $0xF;
	_ =	sdelay $0xe  }
0x189: {  	s21 =	spop (v2sf)  }
0x18a: {  	s18 =	sshll.u32 s21, $0x3  }
0x18b: {  	s18 =	sand.u32 $0x7FFFFC00, s18  }
0x18c: {  	s22 =	sld [smem:$0x7C3];
	s18 =	sadd.s32 s4, s18  }
0x18d: {  	s18 =	sshrl.u32 s18, $0x3  }
0x18e: {  	s18 =	sadd.s32 s1, s18  }
0x18f: {  	[tilespmem:s22], [sflag:$0x2] =	stream.linear.gather [hbm4b:s18+s3], $0x400, $0x38;
	[tilespmem:$0x12280] =	vst v63  }
0x190: {  	v29 =	vld [tilespmem:$0x0];
	_ =	sdelay $0x4  }
0x191: {  	v29 =	vsel vm7, $0x0, v29  }
0x192: {  	(xrf0) =	vadd.scan.msk.s32 $0xffff, v29;
	_ =	sdelay $0x5  }
0x193: {  	v29, _, _ =	vpop (xrf0)  }
0x194: {  	(v2sf) =	vpush v29, $0xF;
	_ =	sdelay $0xe  }
0x195: {  	s23 =	spop (v2sf)  }
0x196: {  	s18 =	sshll.u32 s23, $0x3  }
0x197: {  	s18 =	sand.u32 $0x7FFFFC00, s18  }
0x198: {  	s24 =	sld [smem:$0x7C4];
	s18 =	sadd.s32 s4, s18  }
0x199: {  	s18 =	sshrl.u32 s18, $0x3  }
0x19a: {  	s18 =	sadd.s32 s1, s18  }
0x19b: {  	[tilespmem:s24], [sflag:$0x2] =	stream.linear.gather [hbm4b:s18+s3], $0x400, $0x38;
	[tilespmem:$0x12280] =	vst v63  }
0x19c: {  	v29 =	vld [tilespmem:$0x0];
	_ =	sdelay $0x4  }
0x19d: {  	v29 =	vsel vm8, $0x0, v29  }
0x19e: {  	(xrf0) =	vadd.scan.msk.s32 $0xffff, v29;
	_ =	sdelay $0x5  }
0x19f: {  	v29, _, _ =	vpop (xrf0)  }
0x1a0: {  	(v2sf) =	vpush v29, $0xF;
	_ =	sdelay $0xe  }
0x1a1: {  	s25 =	spop (v2sf)  }
0x1a2: {  	s18 =	sshll.u32 s25, $0x3  }
0x1a3: {  	s18 =	sand.u32 $0x7FFFFC00, s18  }
0x1a4: {  	s26 =	sld [smem:$0x7C5];
	s18 =	sadd.s32 s5, s18  }
0x1a5: {  	s18 =	sshrl.u32 s18, $0x3  }
0x1a6: {  	s18 =	sadd.s32 s1, s18  }
0x1a7: {  	[tilespmem:s26], [sflag:$0x2] =	stream.linear.gather [hbm4b:s18+s3], $0x400, $0x38;
	[tilespmem:$0x12280] =	vst v63  }
0x1a8: {  	v29 =	vld [tilespmem:$0x0];
	_ =	sdelay $0x4  }
0x1a9: {  	v29 =	vsel vm9, $0x0, v29  }
0x1aa: {  	(xrf0) =	vadd.scan.msk.s32 $0xffff, v29;
	_ =	sdelay $0x5  }
0x1ab: {  	v29, _, _ =	vpop (xrf0)  }
0x1ac: {  	(v2sf) =	vpush v29, $0xF;
	_ =	sdelay $0xe  }
0x1ad: {  	s28 =	spop (v2sf)  }
0x1ae: {  	s18 =	sshll.u32 s28, $0x3  }
0x1af: {  	s18 =	sand.u32 $0x7FFFFC00, s18  }
0x1b0: {  	s29 =	sld [smem:$0x7C6];
	s18 =	sadd.s32 s5, s18  }
0x1b1: {  	s18 =	sshrl.u32 s18, $0x3  }
0x1b2: {  	s18 =	sadd.s32 s1, s18  }
0x1b3: {  	[tilespmem:s29], [sflag:$0x2] =	stream.linear.gather [hbm4b:s18+s3], $0x400, $0x38;
	[tilespmem:$0x12280] =	vst v63  }
0x1b4: {  	v29 =	vld [tilespmem:$0x0];
	_ =	sdelay $0x4  }
0x1b5: {  	v29 =	vsel vm10, $0x0, v29  }
0x1b6: {  	(xrf0) =	vadd.scan.msk.s32 $0xffff, v29;
	_ =	sdelay $0x5  }
0x1b7: {  	v29, _, _ =	vpop (xrf0)  }
0x1b8: {  	(v2sf) =	vpush v29, $0xF;
	_ =	sdelay $0xe  }
0x1b9: {  	s30 =	spop (v2sf)  }
0x1ba: {  	s18 =	sshll.u32 s30, $0x3  }
0x1bb: {  	s18 =	sand.u32 $0x7FFFFC00, s18  }
0x1bc: {  	s31 =	sld [smem:$0x7C7];
	s18 =	sadd.s32 s5, s18  }
0x1bd: {  	s18 =	sshrl.u32 s18, $0x3  }
0x1be: {  	s18 =	sadd.s32 s1, s18  }
0x1bf: {  	[tilespmem:s31], [sflag:$0x2] =	stream.linear.gather [hbm4b:s18+s3], $0x400, $0x38;
	[tilespmem:$0x12280] =	vst v63  }
0x1c0: {  	v29 =	vld [tilespmem:$0x0];
	_ =	sdelay $0x4  }
0x1c1: {  	v29 =	vsel vm11, $0x0, v29  }
0x1c2: {  	(xrf0) =	vadd.scan.msk.s32 $0xffff, v29;
	_ =	sdelay $0x5  }
0x1c3: {  	v29, _, _ =	vpop (xrf0)  }
0x1c4: {  	(v2sf) =	vpush v29, $0xF;
	_ =	sdelay $0xe  }
0x1c5: {  	s19 =	spop (v2sf)  }
0x1c6: {  	s18 =	sshll.u32 s19, $0x3  }
0x1c7: {  	s18 =	sand.u32 $0x7FFFFC00, s18  }
0x1c8: {  	s20 =	sld [smem:$0x7C8];
	s18 =	sadd.s32 s5, s18  }
0x1c9: {  	s18 =	sshrl.u32 s18, $0x3  }
0x1ca: {  	s18 =	sadd.s32 s1, s18  }
0x1cb: {  	[tilespmem:s20], [sflag:$0x2] =	stream.linear.gather [hbm4b:s18+s3], $0x400, $0x38;
	[tilespmem:$0x12280] =	vst v63  }
0x1cc: {  	v29 =	vld [tilespmem:$0x0];
	_ =	sdelay $0x4  }
0x1cd: {  	v29 =	vsel vm12, $0x0, v29  }
0x1ce: {  	(xrf0) =	vadd.scan.msk.s32 $0xffff, v29;
	_ =	sdelay $0x5  }
0x1cf: {  	v29, _, _ =	vpop (xrf0)  }
0x1d0: {  	(v2sf) =	vpush v29, $0xF;
	_ =	sdelay $0xe  }
0x1d1: {  	s21 =	spop (v2sf)  }
0x1d2: {  	s18 =	sshll.u32 s21, $0x3  }
0x1d3: {  	s18 =	sand.u32 $0x7FFFFC00, s18  }
0x1d4: {  	s22 =	sld [smem:$0x7C9];
	s18 =	sadd.s32 s5, s18  }
0x1d5: {  	s18 =	sshrl.u32 s18, $0x3  }
0x1d6: {  	s18 =	sadd.s32 s1, s18  }
0x1d7: {  	[tilespmem:s22], [sflag:$0x2] =	stream.linear.gather [hbm4b:s18+s3], $0x400, $0x38;
	[tilespmem:$0x12280] =	vst v63  }
0x1d8: {  	v29 =	vld [tilespmem:$0x0];
	_ =	sdelay $0x4  }
0x1d9: {  	v29 =	vsel vm13, $0x0, v29  }
0x1da: {  	(xrf0) =	vadd.scan.msk.s32 $0xffff, v29;
	_ =	sdelay $0x5  }
0x1db: {  	v29, _, _ =	vpop (xrf0)  }
0x1dc: {  	(v2sf) =	vpush v29, $0xF;
	_ =	sdelay $0xe  }
0x1dd: {  	s23 =	spop (v2sf)  }
0x1de: {  	s18 =	sshll.u32 s23, $0x3  }
0x1df: {  	s18 =	sand.u32 $0x7FFFFC00, s18  }
0x1e0: {  	s24 =	sld [smem:$0x7CA];
	s18 =	sadd.s32 s5, s18  }
0x1e1: {  	s18 =	sshrl.u32 s18, $0x3  }
0x1e2: {  	s18 =	sadd.s32 s1, s18  }
0x1e3: {  	[tilespmem:s24], [sflag:$0x2] =	stream.linear.gather [hbm4b:s18+s3], $0x400, $0x38;
	[tilespmem:$0x12280] =	vst v63  }
0x1e4: {  	v29 =	vld [tilespmem:$0x0];
	_ =	sdelay $0x4  }
0x1e5: {  	v29 =	vsel vm14, $0x0, v29  }
0x1e6: {  	(xrf0) =	vadd.scan.msk.s32 $0xffff, v29;
	_ =	sdelay $0x5  }
0x1e7: {  	v29, _, _ =	vpop (xrf0)  }
0x1e8: {  	(v2sf) =	vpush v29, $0xF;
	_ =	sdelay $0xe  }
0x1e9: {  	s25 =	spop (v2sf)  }
0x1ea: {  	s18 =	sshll.u32 s25, $0x3  }
0x1eb: {  	s18 =	sand.u32 $0x7FFFFC00, s18  }
0x1ec: {  	s26 =	sld [smem:$0x7CB];
	s18 =	sadd.s32 s5, s18  }
0x1ed: {  	s18 =	sshrl.u32 s18, $0x3  }
0x1ee: {  	s18 =	sadd.s32 s1, s18  }
0x1ef: {  	[tilespmem:s26], [sflag:$0x2] =	stream.linear.gather [hbm4b:s18+s3], $0x400, $0x38;
	[tilespmem:$0x12280] =	vst v63  }
0x1f0: {  	v29 =	vld [tilespmem:$0x0];
	_ =	sdelay $0x4  }
0x1f1: {  	v29 =	vsel vm15, $0x0, v29  }
0x1f2: {  	(xrf0) =	vadd.scan.msk.s32 $0xffff, v29;
	_ =	sdelay $0x5  }
0x1f3: {  	v29, _, _ =	vpop (xrf0)  }
0x1f4: {  	(v2sf) =	vpush v29, $0xF;
	_ =	sdelay $0xe  }
0x1f5: {  	s28 =	spop (v2sf)  }
0x1f6: {  	s18 =	sshll.u32 s28, $0x3  }
0x1f7: {  	s18 =	sand.u32 $0x7FFFFC00, s18  }
0x1f8: {  	s29 =	sld [smem:$0x7CC];
	s18 =	sadd.s32 s5, s18  }
0x1f9: {  	s18 =	sshrl.u32 s18, $0x3  }
0x1fa: {  	s18 =	sadd.s32 s1, s18  }
0x1fb: {  	[tilespmem:s29], [sflag:$0x2] =	stream.linear.gather [hbm4b:s18+s3], $0x400, $0x38;
	[tilespmem:$0x12280] =	vst v63  }
0x1fc: {  	v29 =	vld [tilespmem:$0x10];
	_ =	sdelay $0x4  }
0x1fd: {  	v29 =	vnsel vm0, $0x0, v29  }
0x1fe: {  	(xrf0) =	vadd.scan.msk.s32 $0xffff, v29;
	_ =	sdelay $0x5  }
0x1ff: {  	v29, _, _ =	vpop (xrf0)  }
0x200: {  	(v2sf) =	vpush v29, $0xF;
	_ =	sdelay $0xe  }
0x201: {  	s30 =	spop (v2sf)  }
0x202: {  	s18 =	sshll.u32 s30, $0x3  }
0x203: {  	s18 =	sand.u32 $0x7FFFFC00, s18  }
0x204: {  	s31 =	sld [smem:$0x7CD];
	s18 =	sadd.s32 s6, s18  }
0x205: {  	s18 =	sshrl.u32 s18, $0x3  }
0x206: {  	s18 =	sadd.s32 s1, s18  }
0x207: {  	[tilespmem:s31], [sflag:$0x2] =	stream.linear.gather [hbm4b:s18+s3], $0x400, $0x38;
	[tilespmem:$0x12280] =	vst v63  }
0x208: {  	v29 =	vld [tilespmem:$0x10];
	_ =	sdelay $0x4  }
0x209: {  	v29 =	vsel vm1, $0x0, v29  }
0x20a: {  	(xrf0) =	vadd.scan.msk.s32 $0xffff, v29;
	_ =	sdelay $0x5  }
0x20b: {  	v29, _, _ =	vpop (xrf0)  }
0x20c: {  	(v2sf) =	vpush v29, $0xF;
	_ =	sdelay $0xe  }
0x20d: {  	s19 =	spop (v2sf)  }
0x20e: {  	s18 =	sshll.u32 s19, $0x3  }
0x20f: {  	s18 =	sand.u32 $0x7FFFFC00, s18  }
0x210: {  	s20 =	sld [smem:$0x7CE];
	s18 =	sadd.s32 s6, s18  }
0x211: {  	s18 =	sshrl.u32 s18, $0x3  }
0x212: {  	s18 =	sadd.s32 s1, s18  }
0x213: {  	[tilespmem:s20], [sflag:$0x2] =	stream.linear.gather [hbm4b:s18+s3], $0x400, $0x38;
	[tilespmem:$0x12280] =	vst v63  }
0x214: {  	v29 =	vld [tilespmem:$0x10];
	_ =	sdelay $0x4  }
0x215: {  	v29 =	vsel vm2, $0x0, v29  }
0x216: {  	(xrf0) =	vadd.scan.msk.s32 $0xffff, v29;
	_ =	sdelay $0x5  }
0x217: {  	v29, _, _ =	vpop (xrf0)  }
0x218: {  	(v2sf) =	vpush v29, $0xF;
	_ =	sdelay $0xe  }
0x219: {  	s21 =	spop (v2sf)  }
0x21a: {  	s18 =	sshll.u32 s21, $0x3  }
0x21b: {  	s18 =	sand.u32 $0x7FFFFC00, s18  }
0x21c: {  	s22 =	sld [smem:$0x7CF];
	s18 =	sadd.s32 s6, s18  }
0x21d: {  	s18 =	sshrl.u32 s18, $0x3  }
0x21e: {  	s18 =	sadd.s32 s1, s18  }
0x21f: {  	[tilespmem:s22], [sflag:$0x2] =	stream.linear.gather [hbm4b:s18+s3], $0x400, $0x38;
	[tilespmem:$0x12280] =	vst v63  }
0x220: {  	v29 =	vld [tilespmem:$0x10];
	_ =	sdelay $0x4  }
0x221: {  	v29 =	vsel vm3, $0x0, v29  }
0x222: {  	(xrf0) =	vadd.scan.msk.s32 $0xffff, v29;
	_ =	sdelay $0x5  }
0x223: {  	v29, _, _ =	vpop (xrf0)  }
0x224: {  	(v2sf) =	vpush v29, $0xF;
	_ =	sdelay $0xe  }
0x225: {  	s23 =	spop (v2sf)  }
0x226: {  	s18 =	sshll.u32 s23, $0x3  }
0x227: {  	s18 =	sand.u32 $0x7FFFFC00, s18  }
0x228: {  	s24 =	sld [smem:$0x7D0];
	s18 =	sadd.s32 s6, s18  }
0x229: {  	s18 =	sshrl.u32 s18, $0x3  }
0x22a: {  	s18 =	sadd.s32 s1, s18  }
0x22b: {  	[tilespmem:s24], [sflag:$0x2] =	stream.linear.gather [hbm4b:s18+s3], $0x400, $0x38;
	[tilespmem:$0x12280] =	vst v63  }
0x22c: {  	v29 =	vld [tilespmem:$0x10];
	_ =	sdelay $0x4  }
0x22d: {  	v29 =	vsel vm4, $0x0, v29  }
0x22e: {  	(xrf0) =	vadd.scan.msk.s32 $0xffff, v29;
	_ =	sdelay $0x5  }
0x22f: {  	v29, _, _ =	vpop (xrf0)  }
0x230: {  	(v2sf) =	vpush v29, $0xF;
	_ =	sdelay $0xe  }
0x231: {  	s25 =	spop (v2sf)  }
0x232: {  	s18 =	sshll.u32 s25, $0x3  }
0x233: {  	s18 =	sand.u32 $0x7FFFFC00, s18  }
0x234: {  	s26 =	sld [smem:$0x7D1];
	s18 =	sadd.s32 s6, s18  }
0x235: {  	s18 =	sshrl.u32 s18, $0x3  }
0x236: {  	s18 =	sadd.s32 s1, s18  }
0x237: {  	[tilespmem:s26], [sflag:$0x2] =	stream.linear.gather [hbm4b:s18+s3], $0x400, $0x38;
	[tilespmem:$0x12280] =	vst v63  }
0x238: {  	v29 =	vld [tilespmem:$0x10];
	_ =	sdelay $0x4  }
0x239: {  	v29 =	vsel vm5, $0x0, v29  }
0x23a: {  	(xrf0) =	vadd.scan.msk.s32 $0xffff, v29;
	_ =	sdelay $0x5  }
0x23b: {  	v29, _, _ =	vpop (xrf0)  }
0x23c: {  	(v2sf) =	vpush v29, $0xF;
	_ =	sdelay $0xe  }
0x23d: {  	s28 =	spop (v2sf)  }
0x23e: {  	s18 =	sshll.u32 s28, $0x3  }
0x23f: {  	s18 =	sand.u32 $0x7FFFFC00, s18  }
0x240: {  	s29 =	sld [smem:$0x7D2];
	s18 =	sadd.s32 s6, s18  }
0x241: {  	s18 =	sshrl.u32 s18, $0x3  }
0x242: {  	s18 =	sadd.s32 s1, s18  }
0x243: {  	[tilespmem:s29], [sflag:$0x2] =	stream.linear.gather [hbm4b:s18+s3], $0x400, $0x38;
	[tilespmem:$0x12280] =	vst v63  }
0x244: {  	v29 =	vld [tilespmem:$0x10];
	_ =	sdelay $0x4  }
0x245: {  	v29 =	vsel vm6, $0x0, v29  }
0x246: {  	(xrf0) =	vadd.scan.msk.s32 $0xffff, v29;
	_ =	sdelay $0x5  }
0x247: {  	v29, _, _ =	vpop (xrf0)  }
0x248: {  	(v2sf) =	vpush v29, $0xF;
	_ =	sdelay $0xe  }
0x249: {  	s30 =	spop (v2sf)  }
0x24a: {  	s18 =	sshll.u32 s30, $0x3  }
0x24b: {  	s18 =	sand.u32 $0x7FFFFC00, s18  }
0x24c: {  	s31 =	sld [smem:$0x7D3];
	s18 =	sadd.s32 s6, s18  }
0x24d: {  	s18 =	sshrl.u32 s18, $0x3  }
0x24e: {  	s18 =	sadd.s32 s1, s18  }
0x24f: {  	[tilespmem:s31], [sflag:$0x2] =	stream.linear.gather [hbm4b:s18+s3], $0x400, $0x38;
	[tilespmem:$0x12280] =	vst v63  }
0x250: {  	v29 =	vld [tilespmem:$0x10];
	_ =	sdelay $0x4  }
0x251: {  	v29 =	vsel vm7, $0x0, v29  }
0x252: {  	(xrf0) =	vadd.scan.msk.s32 $0xffff, v29;
	_ =	sdelay $0x5  }
0x253: {  	v29, _, _ =	vpop (xrf0)  }
0x254: {  	(v2sf) =	vpush v29, $0xF;
	_ =	sdelay $0xe  }
0x255: {  	s19 =	spop (v2sf)  }
0x256: {  	s18 =	sshll.u32 s19, $0x3  }
0x257: {  	s18 =	sand.u32 $0x7FFFFC00, s18  }
0x258: {  	s20 =	sld [smem:$0x7D4];
	s18 =	sadd.s32 s6, s18  }
0x259: {  	s18 =	sshrl.u32 s18, $0x3  }
0x25a: {  	s18 =	sadd.s32 s1, s18  }
0x25b: {  	[tilespmem:s20], [sflag:$0x2] =	stream.linear.gather [hbm4b:s18+s3], $0x400, $0x38;
	[tilespmem:$0x12280] =	vst v63  }
0x25c: {  	v29 =	vld [tilespmem:$0x10];
	_ =	sdelay $0x4  }
0x25d: {  	v29 =	vsel vm8, $0x0, v29  }
0x25e: {  	(xrf0) =	vadd.scan.msk.s32 $0xffff, v29;
	_ =	sdelay $0x5  }
0x25f: {  	v29, _, _ =	vpop (xrf0)  }
0x260: {  	(v2sf) =	vpush v29, $0xF;
	_ =	sdelay $0xe  }
0x261: {  	s21 =	spop (v2sf)  }
0x262: {  	s18 =	sshll.u32 s21, $0x3  }
0x263: {  	s18 =	sand.u32 $0x7FFFFC00, s18  }
0x264: {  	s22 =	sld [smem:$0x7D5];
	s18 =	sadd.s32 s7, s18  }
0x265: {  	s18 =	sshrl.u32 s18, $0x3  }
0x266: {  	s18 =	sadd.s32 s1, s18  }
0x267: {  	[tilespmem:s22], [sflag:$0x2] =	stream.linear.gather [hbm4b:s18+s3], $0x400, $0x38;
	[tilespmem:$0x12280] =	vst v63  }
0x268: {  	v29 =	vld [tilespmem:$0x10];
	_ =	sdelay $0x4  }
0x269: {  	v29 =	vsel vm9, $0x0, v29  }
0x26a: {  	(xrf0) =	vadd.scan.msk.s32 $0xffff, v29;
	_ =	sdelay $0x5  }
0x26b: {  	v29, _, _ =	vpop (xrf0)  }
0x26c: {  	(v2sf) =	vpush v29, $0xF;
	_ =	sdelay $0xe  }
0x26d: {  	s23 =	spop (v2sf)  }
0x26e: {  	s18 =	sshll.u32 s23, $0x3  }
0x26f: {  	s18 =	sand.u32 $0x7FFFFC00, s18  }
0x270: {  	s24 =	sld [smem:$0x7D6];
	s18 =	sadd.s32 s7, s18  }
0x271: {  	s18 =	sshrl.u32 s18, $0x3  }
0x272: {  	s18 =	sadd.s32 s1, s18  }
0x273: {  	[tilespmem:s24], [sflag:$0x2] =	stream.linear.gather [hbm4b:s18+s3], $0x400, $0x38;
	[tilespmem:$0x12280] =	vst v63  }
0x274: {  	v29 =	vld [tilespmem:$0x10];
	_ =	sdelay $0x4  }
0x275: {  	v29 =	vsel vm10, $0x0, v29  }
0x276: {  	(xrf0) =	vadd.scan.msk.s32 $0xffff, v29;
	_ =	sdelay $0x5  }
0x277: {  	v29, _, _ =	vpop (xrf0)  }
0x278: {  	(v2sf) =	vpush v29, $0xF;
	_ =	sdelay $0xe  }
0x279: {  	s25 =	spop (v2sf)  }
0x27a: {  	s18 =	sshll.u32 s25, $0x3  }
0x27b: {  	s18 =	sand.u32 $0x7FFFFC00, s18  }
0x27c: {  	s26 =	sld [smem:$0x7D7];
	s18 =	sadd.s32 s7, s18  }
0x27d: {  	s18 =	sshrl.u32 s18, $0x3  }
0x27e: {  	s18 =	sadd.s32 s1, s18  }
0x27f: {  	[tilespmem:s26], [sflag:$0x2] =	stream.linear.gather [hbm4b:s18+s3], $0x400, $0x38;
	[tilespmem:$0x12280] =	vst v63  }
0x280: {  	v29 =	vld [tilespmem:$0x10];
	_ =	sdelay $0x4  }
0x281: {  	v29 =	vsel vm11, $0x0, v29  }
0x282: {  	(xrf0) =	vadd.scan.msk.s32 $0xffff, v29;
	_ =	sdelay $0x5  }
0x283: {  	v29, _, _ =	vpop (xrf0)  }
0x284: {  	(v2sf) =	vpush v29, $0xF;
	_ =	sdelay $0xe  }
0x285: {  	s28 =	spop (v2sf)  }
0x286: {  	s18 =	sshll.u32 s28, $0x3  }
0x287: {  	s18 =	sand.u32 $0x7FFFFC00, s18  }
0x288: {  	s29 =	sld [smem:$0x7D8];
	s18 =	sadd.s32 s7, s18  }
0x289: {  	s18 =	sshrl.u32 s18, $0x3  }
0x28a: {  	s18 =	sadd.s32 s1, s18  }
0x28b: {  	[tilespmem:s29], [sflag:$0x2] =	stream.linear.gather [hbm4b:s18+s3], $0x400, $0x38;
	[tilespmem:$0x12280] =	vst v63  }
0x28c: {  	v29 =	vld [tilespmem:$0x10];
	_ =	sdelay $0x4  }
0x28d: {  	v29 =	vsel vm12, $0x0, v29  }
0x28e: {  	(xrf0) =	vadd.scan.msk.s32 $0xffff, v29;
	_ =	sdelay $0x5  }
0x28f: {  	v29, _, _ =	vpop (xrf0)  }
0x290: {  	(v2sf) =	vpush v29, $0xF;
	_ =	sdelay $0xe  }
0x291: {  	s30 =	spop (v2sf)  }
0x292: {  	s18 =	sshll.u32 s30, $0x3  }
0x293: {  	s18 =	sand.u32 $0x7FFFFC00, s18  }
0x294: {  	s31 =	sld [smem:$0x7D9];
	s18 =	sadd.s32 s7, s18  }
0x295: {  	s18 =	sshrl.u32 s18, $0x3  }
0x296: {  	s18 =	sadd.s32 s1, s18  }
0x297: {  	[tilespmem:s31], [sflag:$0x2] =	stream.linear.gather [hbm4b:s18+s3], $0x400, $0x38;
	[tilespmem:$0x12280] =	vst v63  }
0x298: {  	v29 =	vld [tilespmem:$0x10];
	_ =	sdelay $0x4  }
0x299: {  	v29 =	vsel vm13, $0x0, v29  }
0x29a: {  	(xrf0) =	vadd.scan.msk.s32 $0xffff, v29;
	_ =	sdelay $0x5  }
0x29b: {  	v29, _, _ =	vpop (xrf0)  }
0x29c: {  	(v2sf) =	vpush v29, $0xF;
	_ =	sdelay $0xe  }
0x29d: {  	s19 =	spop (v2sf)  }
0x29e: {  	s18 =	sshll.u32 s19, $0x3  }
0x29f: {  	s18 =	sand.u32 $0x7FFFFC00, s18  }
0x2a0: {  	s20 =	sld [smem:$0x7DA];
	s18 =	sadd.s32 s7, s18  }
0x2a1: {  	s18 =	sshrl.u32 s18, $0x3  }
0x2a2: {  	s18 =	sadd.s32 s1, s18  }
0x2a3: {  	[tilespmem:s20], [sflag:$0x2] =	stream.linear.gather [hbm4b:s18+s3], $0x400, $0x38;
	[tilespmem:$0x12280] =	vst v63  }
0x2a4: {  	v29 =	vld [tilespmem:$0x10];
	_ =	sdelay $0x4  }
0x2a5: {  	v29 =	vsel vm14, $0x0, v29  }
0x2a6: {  	(xrf0) =	vadd.scan.msk.s32 $0xffff, v29;
	_ =	sdelay $0x5  }
0x2a7: {  	v29, _, _ =	vpop (xrf0)  }
0x2a8: {  	(v2sf) =	vpush v29, $0xF;
	_ =	sdelay $0xe  }
0x2a9: {  	s21 =	spop (v2sf)  }
0x2aa: {  	s18 =	sshll.u32 s21, $0x3  }
0x2ab: {  	s18 =	sand.u32 $0x7FFFFC00, s18  }
0x2ac: {  	s22 =	sld [smem:$0x7DB];
	s18 =	sadd.s32 s7, s18  }
0x2ad: {  	s18 =	sshrl.u32 s18, $0x3  }
0x2ae: {  	s18 =	sadd.s32 s1, s18  }
0x2af: {  	[tilespmem:s22], [sflag:$0x2] =	stream.linear.gather [hbm4b:s18+s3], $0x400, $0x38;
	[tilespmem:$0x12280] =	vst v63  }
0x2b0: {  	v29 =	vld [tilespmem:$0x10];
	_ =	sdelay $0x4  }
0x2b1: {  	v29 =	vsel vm15, $0x0, v29  }
0x2b2: {  	(xrf0) =	vadd.scan.msk.s32 $0xffff, v29;
	_ =	sdelay $0x5  }
0x2b3: {  	v29, _, _ =	vpop (xrf0)  }
0x2b4: {  	(v2sf) =	vpush v29, $0xF;
	_ =	sdelay $0xe  }
0x2b5: {  	s23 =	spop (v2sf)  }
0x2b6: {  	s18 =	sshll.u32 s23, $0x3  }
0x2b7: {  	s18 =	sand.u32 $0x7FFFFC00, s18  }
0x2b8: {  	s24 =	sld [smem:$0x7DC];
	s18 =	sadd.s32 s7, s18  }
0x2b9: {  	s18 =	sshrl.u32 s18, $0x3  }
0x2ba: {  	s18 =	sadd.s32 s1, s18  }
0x2bb: {  	[tilespmem:s24], [sflag:$0x2] =	stream.linear.gather [hbm4b:s18+s3], $0x400, $0x38;
	[tilespmem:$0x12280] =	vst v63  }
0x2bc: {  	v29 =	vld [tilespmem:$0x20];
	_ =	sdelay $0x4  }
0x2bd: {  	v29 =	vnsel vm0, $0x0, v29  }
0x2be: {  	(xrf0) =	vadd.scan.msk.s32 $0xffff, v29;
	_ =	sdelay $0x5  }
0x2bf: {  	v29, _, _ =	vpop (xrf0)  }
0x2c0: {  	(v2sf) =	vpush v29, $0xF;
	_ =	sdelay $0xe  }
0x2c1: {  	s25 =	spop (v2sf)  }
0x2c2: {  	s18 =	sshll.u32 s25, $0x3  }
0x2c3: {  	s18 =	sand.u32 $0x7FFFFC00, s18  }
0x2c4: {  	s26 =	sld [smem:$0x7DD];
	s18 =	sadd.s32 s8, s18  }
0x2c5: {  	s18 =	sshrl.u32 s18, $0x3  }
0x2c6: {  	s18 =	sadd.s32 s1, s18  }
0x2c7: {  	[tilespmem:s26], [sflag:$0x2] =	stream.linear.gather [hbm4b:s18+s3], $0x400, $0x38;
	[tilespmem:$0x12280] =	vst v63  }
0x2c8: {  	v29 =	vld [tilespmem:$0x20];
	_ =	sdelay $0x4  }
0x2c9: {  	v29 =	vsel vm1, $0x0, v29  }
0x2ca: {  	(xrf0) =	vadd.scan.msk.s32 $0xffff, v29;
	_ =	sdelay $0x5  }
0x2cb: {  	v29, _, _ =	vpop (xrf0)  }
0x2cc: {  	(v2sf) =	vpush v29, $0xF;
	_ =	sdelay $0xe  }
0x2cd: {  	s28 =	spop (v2sf)  }
0x2ce: {  	s18 =	sshll.u32 s28, $0x3  }
0x2cf: {  	s18 =	sand.u32 $0x7FFFFC00, s18  }
0x2d0: {  	s29 =	sld [smem:$0x7DE];
	s18 =	sadd.s32 s8, s18  }
0x2d1: {  	s18 =	sshrl.u32 s18, $0x3  }
0x2d2: {  	s18 =	sadd.s32 s1, s18  }
0x2d3: {  	[tilespmem:s29], [sflag:$0x2] =	stream.linear.gather [hbm4b:s18+s3], $0x400, $0x38;
	[tilespmem:$0x12280] =	vst v63  }
0x2d4: {  	v29 =	vld [tilespmem:$0x20];
	_ =	sdelay $0x4  }
0x2d5: {  	v29 =	vsel vm2, $0x0, v29  }
0x2d6: {  	(xrf0) =	vadd.scan.msk.s32 $0xffff, v29;
	_ =	sdelay $0x5  }
0x2d7: {  	v29, _, _ =	vpop (xrf0)  }
0x2d8: {  	(v2sf) =	vpush v29, $0xF;
	_ =	sdelay $0xe  }
0x2d9: {  	s30 =	spop (v2sf)  }
0x2da: {  	s18 =	sshll.u32 s30, $0x3  }
0x2db: {  	s18 =	sand.u32 $0x7FFFFC00, s18  }
0x2dc: {  	s31 =	sld [smem:$0x7DF];
	s18 =	sadd.s32 s8, s18  }
0x2dd: {  	s18 =	sshrl.u32 s18, $0x3  }
0x2de: {  	s18 =	sadd.s32 s1, s18  }
0x2df: {  	[tilespmem:s31], [sflag:$0x2] =	stream.linear.gather [hbm4b:s18+s3], $0x400, $0x38;
	[tilespmem:$0x12280] =	vst v63  }
0x2e0: {  	v29 =	vld [tilespmem:$0x20];
	_ =	sdelay $0x4  }
0x2e1: {  	v29 =	vsel vm3, $0x0, v29  }
0x2e2: {  	(xrf0) =	vadd.scan.msk.s32 $0xffff, v29;
	_ =	sdelay $0x5  }
0x2e3: {  	v29, _, _ =	vpop (xrf0)  }
0x2e4: {  	(v2sf) =	vpush v29, $0xF;
	_ =	sdelay $0xe  }
0x2e5: {  	s19 =	spop (v2sf)  }
0x2e6: {  	s18 =	sshll.u32 s19, $0x3  }
0x2e7: {  	s18 =	sand.u32 $0x7FFFFC00, s18  }
0x2e8: {  	s20 =	sld [smem:$0x7E0];
	s18 =	sadd.s32 s8, s18  }
0x2e9: {  	s18 =	sshrl.u32 s18, $0x3  }
0x2ea: {  	s18 =	sadd.s32 s1, s18  }
0x2eb: {  	[tilespmem:s20], [sflag:$0x2] =	stream.linear.gather [hbm4b:s18+s3], $0x400, $0x38;
	[tilespmem:$0x12280] =	vst v63  }
0x2ec: {  	v29 =	vld [tilespmem:$0x20];
	_ =	sdelay $0x4  }
0x2ed: {  	v29 =	vsel vm4, $0x0, v29  }
0x2ee: {  	(xrf0) =	vadd.scan.msk.s32 $0xffff, v29;
	_ =	sdelay $0x5  }
0x2ef: {  	v29, _, _ =	vpop (xrf0)  }
0x2f0: {  	(v2sf) =	vpush v29, $0xF;
	_ =	sdelay $0xe  }
0x2f1: {  	s21 =	spop (v2sf)  }
0x2f2: {  	s18 =	sshll.u32 s21, $0x3  }
0x2f3: {  	s18 =	sand.u32 $0x7FFFFC00, s18  }
0x2f4: {  	s22 =	sld [smem:$0x7E1];
	s18 =	sadd.s32 s8, s18  }
0x2f5: {  	s18 =	sshrl.u32 s18, $0x3  }
0x2f6: {  	s18 =	sadd.s32 s1, s18  }
0x2f7: {  	[tilespmem:s22], [sflag:$0x2] =	stream.linear.gather [hbm4b:s18+s3], $0x400, $0x38;
	[tilespmem:$0x12280] =	vst v63  }
0x2f8: {  	v29 =	vld [tilespmem:$0x20];
	_ =	sdelay $0x4  }
0x2f9: {  	v29 =	vsel vm5, $0x0, v29  }
0x2fa: {  	(xrf0) =	vadd.scan.msk.s32 $0xffff, v29;
	_ =	sdelay $0x5  }
0x2fb: {  	v29, _, _ =	vpop (xrf0)  }
0x2fc: {  	(v2sf) =	vpush v29, $0xF;
	_ =	sdelay $0xe  }
0x2fd: {  	s23 =	spop (v2sf)  }
0x2fe: {  	s18 =	sshll.u32 s23, $0x3  }
0x2ff: {  	s18 =	sand.u32 $0x7FFFFC00, s18  }
0x300: {  	s24 =	sld [smem:$0x7E2];
	s18 =	sadd.s32 s8, s18  }
0x301: {  	s18 =	sshrl.u32 s18, $0x3  }
0x302: {  	s18 =	sadd.s32 s1, s18  }
0x303: {  	[tilespmem:s24], [sflag:$0x2] =	stream.linear.gather [hbm4b:s18+s3], $0x400, $0x38;
	[tilespmem:$0x12280] =	vst v63  }
0x304: {  	v29 =	vld [tilespmem:$0x20];
	_ =	sdelay $0x4  }
0x305: {  	v29 =	vsel vm6, $0x0, v29  }
0x306: {  	(xrf0) =	vadd.scan.msk.s32 $0xffff, v29;
	_ =	sdelay $0x5  }
0x307: {  	v29, _, _ =	vpop (xrf0)  }
0x308: {  	(v2sf) =	vpush v29, $0xF;
	_ =	sdelay $0xe  }
0x309: {  	s25 =	spop (v2sf)  }
0x30a: {  	s18 =	sshll.u32 s25, $0x3  }
0x30b: {  	s18 =	sand.u32 $0x7FFFFC00, s18  }
0x30c: {  	s26 =	sld [smem:$0x7E3];
	s18 =	sadd.s32 s8, s18  }
0x30d: {  	s18 =	sshrl.u32 s18, $0x3  }
0x30e: {  	s18 =	sadd.s32 s1, s18  }
0x30f: {  	[tilespmem:s26], [sflag:$0x2] =	stream.linear.gather [hbm4b:s18+s3], $0x400, $0x38;
	[tilespmem:$0x12280] =	vst v63  }
0x310: {  	v29 =	vld [tilespmem:$0x20];
	_ =	sdelay $0x4  }
0x311: {  	v29 =	vsel vm7, $0x0, v29  }
0x312: {  	(xrf0) =	vadd.scan.msk.s32 $0xffff, v29;
	_ =	sdelay $0x5  }
0x313: {  	v29, _, _ =	vpop (xrf0)  }
0x314: {  	(v2sf) =	vpush v29, $0xF;
	_ =	sdelay $0xe  }
0x315: {  	s28 =	spop (v2sf)  }
0x316: {  	s18 =	sshll.u32 s28, $0x3  }
0x317: {  	s18 =	sand.u32 $0x7FFFFC00, s18  }
0x318: {  	s29 =	sld [smem:$0x7E4];
	s18 =	sadd.s32 s8, s18  }
0x319: {  	s18 =	sshrl.u32 s18, $0x3  }
0x31a: {  	s18 =	sadd.s32 s1, s18  }
0x31b: {  	[tilespmem:s29], [sflag:$0x2] =	stream.linear.gather [hbm4b:s18+s3], $0x400, $0x38;
	[tilespmem:$0x12280] =	vst v63  }
0x31c: {  	v29 =	vld [tilespmem:$0x20];
	_ =	sdelay $0x4  }
0x31d: {  	v29 =	vsel vm8, $0x0, v29  }
0x31e: {  	(xrf0) =	vadd.scan.msk.s32 $0xffff, v29;
	_ =	sdelay $0x5  }
0x31f: {  	v29, _, _ =	vpop (xrf0)  }
0x320: {  	(v2sf) =	vpush v29, $0xF;
	_ =	sdelay $0xe  }
0x321: {  	s30 =	spop (v2sf)  }
0x322: {  	s18 =	sshll.u32 s30, $0x3  }
0x323: {  	s18 =	sand.u32 $0x7FFFFC00, s18  }
0x324: {  	s31 =	sld [smem:$0x7E5];
	s18 =	sadd.s32 s9, s18  }
0x325: {  	s18 =	sshrl.u32 s18, $0x3  }
0x326: {  	s18 =	sadd.s32 s1, s18  }
0x327: {  	[tilespmem:s31], [sflag:$0x2] =	stream.linear.gather [hbm4b:s18+s3], $0x400, $0x38;
	[tilespmem:$0x12280] =	vst v63  }
0x328: {  	v29 =	vld [tilespmem:$0x20];
	_ =	sdelay $0x4  }
0x329: {  	v29 =	vsel vm9, $0x0, v29  }
0x32a: {  	(xrf0) =	vadd.scan.msk.s32 $0xffff, v29;
	_ =	sdelay $0x5  }
0x32b: {  	v29, _, _ =	vpop (xrf0)  }
0x32c: {  	(v2sf) =	vpush v29, $0xF;
	_ =	sdelay $0xe  }
0x32d: {  	s19 =	spop (v2sf)  }
0x32e: {  	s18 =	sshll.u32 s19, $0x3  }
0x32f: {  	s18 =	sand.u32 $0x7FFFFC00, s18  }
0x330: {  	s20 =	sld [smem:$0x7E6];
	s18 =	sadd.s32 s9, s18  }
0x331: {  	s18 =	sshrl.u32 s18, $0x3  }
0x332: {  	s18 =	sadd.s32 s1, s18  }
0x333: {  	[tilespmem:s20], [sflag:$0x2] =	stream.linear.gather [hbm4b:s18+s3], $0x400, $0x38;
	[tilespmem:$0x12280] =	vst v63  }
0x334: {  	v29 =	vld [tilespmem:$0x20];
	_ =	sdelay $0x4  }
0x335: {  	v29 =	vsel vm10, $0x0, v29  }
0x336: {  	(xrf0) =	vadd.scan.msk.s32 $0xffff, v29;
	_ =	sdelay $0x5  }
0x337: {  	v29, _, _ =	vpop (xrf0)  }
0x338: {  	(v2sf) =	vpush v29, $0xF;
	_ =	sdelay $0xe  }
0x339: {  	s21 =	spop (v2sf)  }
0x33a: {  	s18 =	sshll.u32 s21, $0x3  }
0x33b: {  	s18 =	sand.u32 $0x7FFFFC00, s18  }
0x33c: {  	s22 =	sld [smem:$0x7E7];
	s18 =	sadd.s32 s9, s18  }
0x33d: {  	s18 =	sshrl.u32 s18, $0x3  }
0x33e: {  	s18 =	sadd.s32 s1, s18  }
0x33f: {  	[tilespmem:s22], [sflag:$0x2] =	stream.linear.gather [hbm4b:s18+s3], $0x400, $0x38;
	[tilespmem:$0x12280] =	vst v63  }
0x340: {  	v29 =	vld [tilespmem:$0x20];
	_ =	sdelay $0x4  }
0x341: {  	v29 =	vsel vm11, $0x0, v29  }
0x342: {  	(xrf0) =	vadd.scan.msk.s32 $0xffff, v29;
	_ =	sdelay $0x5  }
0x343: {  	v29, _, _ =	vpop (xrf0)  }
0x344: {  	(v2sf) =	vpush v29, $0xF;
	_ =	sdelay $0xe  }
0x345: {  	s23 =	spop (v2sf)  }
0x346: {  	s18 =	sshll.u32 s23, $0x3  }
0x347: {  	s18 =	sand.u32 $0x7FFFFC00, s18  }
0x348: {  	s24 =	sld [smem:$0x7E8];
	s18 =	sadd.s32 s9, s18  }
0x349: {  	s18 =	sshrl.u32 s18, $0x3  }
0x34a: {  	s18 =	sadd.s32 s1, s18  }
0x34b: {  	[tilespmem:s24], [sflag:$0x2] =	stream.linear.gather [hbm4b:s18+s3], $0x400, $0x38;
	[tilespmem:$0x12280] =	vst v63  }
0x34c: {  	v29 =	vld [tilespmem:$0x20];
	_ =	sdelay $0x4  }
0x34d: {  	v29 =	vsel vm12, $0x0, v29  }
0x34e: {  	(xrf0) =	vadd.scan.msk.s32 $0xffff, v29;
	_ =	sdelay $0x5  }
0x34f: {  	v29, _, _ =	vpop (xrf0)  }
0x350: {  	(v2sf) =	vpush v29, $0xF;
	_ =	sdelay $0xe  }
0x351: {  	s25 =	spop (v2sf)  }
0x352: {  	s18 =	sshll.u32 s25, $0x3  }
0x353: {  	s18 =	sand.u32 $0x7FFFFC00, s18  }
0x354: {  	s26 =	sld [smem:$0x7E9];
	s18 =	sadd.s32 s9, s18  }
0x355: {  	s18 =	sshrl.u32 s18, $0x3  }
0x356: {  	s18 =	sadd.s32 s1, s18  }
0x357: {  	[tilespmem:s26], [sflag:$0x2] =	stream.linear.gather [hbm4b:s18+s3], $0x400, $0x38;
	[tilespmem:$0x12280] =	vst v63  }
0x358: {  	v29 =	vld [tilespmem:$0x20];
	_ =	sdelay $0x4  }
0x359: {  	v29 =	vsel vm13, $0x0, v29  }
0x35a: {  	(xrf0) =	vadd.scan.msk.s32 $0xffff, v29;
	_ =	sdelay $0x5  }
0x35b: {  	v29, _, _ =	vpop (xrf0)  }
0x35c: {  	(v2sf) =	vpush v29, $0xF;
	_ =	sdelay $0xe  }
0x35d: {  	s28 =	spop (v2sf)  }
0x35e: {  	s18 =	sshll.u32 s28, $0x3  }
0x35f: {  	s18 =	sand.u32 $0x7FFFFC00, s18  }
0x360: {  	s29 =	sld [smem:$0x7EA];
	s18 =	sadd.s32 s9, s18  }
0x361: {  	s18 =	sshrl.u32 s18, $0x3  }
0x362: {  	s18 =	sadd.s32 s1, s18  }
0x363: {  	[tilespmem:s29], [sflag:$0x2] =	stream.linear.gather [hbm4b:s18+s3], $0x400, $0x38;
	[tilespmem:$0x12280] =	vst v63  }
0x364: {  	v29 =	vld [tilespmem:$0x20];
	_ =	sdelay $0x4  }
0x365: {  	v29 =	vsel vm14, $0x0, v29  }
0x366: {  	(xrf0) =	vadd.scan.msk.s32 $0xffff, v29;
	_ =	sdelay $0x5  }
0x367: {  	v29, _, _ =	vpop (xrf0)  }
0x368: {  	(v2sf) =	vpush v29, $0xF;
	_ =	sdelay $0xe  }
0x369: {  	s30 =	spop (v2sf)  }
0x36a: {  	s18 =	sshll.u32 s30, $0x3  }
0x36b: {  	s18 =	sand.u32 $0x7FFFFC00, s18  }
0x36c: {  	s31 =	sld [smem:$0x7EB];
	s18 =	sadd.s32 s9, s18  }
0x36d: {  	s18 =	sshrl.u32 s18, $0x3  }
0x36e: {  	s18 =	sadd.s32 s1, s18  }
0x36f: {  	[tilespmem:s31], [sflag:$0x2] =	stream.linear.gather [hbm4b:s18+s3], $0x400, $0x38;
	[tilespmem:$0x12280] =	vst v63  }
0x370: {  	v29 =	vld [tilespmem:$0x20];
	_ =	sdelay $0x4  }
0x371: {  	v29 =	vsel vm15, $0x0, v29  }
0x372: {  	(xrf0) =	vadd.scan.msk.s32 $0xffff, v29;
	_ =	sdelay $0x5  }
0x373: {  	v29, _, _ =	vpop (xrf0)  }
0x374: {  	(v2sf) =	vpush v29, $0xF;
	_ =	sdelay $0xe  }
0x375: {  	s19 =	spop (v2sf)  }
0x376: {  	s18 =	sshll.u32 s19, $0x3  }
0x377: {  	s18 =	sand.u32 $0x7FFFFC00, s18  }
0x378: {  	s20 =	sld [smem:$0x7EC];
	s18 =	sadd.s32 s9, s18  }
0x379: {  	s18 =	sshrl.u32 s18, $0x3  }
0x37a: {  	s18 =	sadd.s32 s1, s18  }
0x37b: {  	[tilespmem:s20], [sflag:$0x2] =	stream.linear.gather [hbm4b:s18+s3], $0x400, $0x38;
	[tilespmem:$0x12280] =	vst v63  }
0x37c: {  	v29 =	vld [tilespmem:$0x30];
	_ =	sdelay $0x4  }
0x37d: {  	v29 =	vnsel vm0, $0x0, v29  }
0x37e: {  	(xrf0) =	vadd.scan.msk.s32 $0xffff, v29;
	_ =	sdelay $0x5  }
0x37f: {  	v29, _, _ =	vpop (xrf0)  }
0x380: {  	(v2sf) =	vpush v29, $0xF;
	_ =	sdelay $0xe  }
0x381: {  	s21 =	spop (v2sf)  }
0x382: {  	s18 =	sshll.u32 s21, $0x3  }
0x383: {  	s18 =	sand.u32 $0x7FFFFC00, s18  }
0x384: {  	s22 =	sld [smem:$0x7ED];
	s18 =	sadd.s32 s10, s18  }
0x385: {  	s18 =	sshrl.u32 s18, $0x3  }
0x386: {  	s18 =	sadd.s32 s1, s18  }
0x387: {  	[tilespmem:s22], [sflag:$0x2] =	stream.linear.gather [hbm4b:s18+s3], $0x400, $0x38;
	[tilespmem:$0x12280] =	vst v63  }
0x388: {  	v29 =	vld [tilespmem:$0x30];
	_ =	sdelay $0x4  }
0x389: {  	v29 =	vsel vm1, $0x0, v29  }
0x38a: {  	(xrf0) =	vadd.scan.msk.s32 $0xffff, v29;
	_ =	sdelay $0x5  }
0x38b: {  	v29, _, _ =	vpop (xrf0)  }
0x38c: {  	(v2sf) =	vpush v29, $0xF;
	_ =	sdelay $0xe  }
0x38d: {  	s23 =	spop (v2sf)  }
0x38e: {  	s18 =	sshll.u32 s23, $0x3  }
0x38f: {  	s18 =	sand.u32 $0x7FFFFC00, s18  }
0x390: {  	s24 =	sld [smem:$0x7EE];
	s18 =	sadd.s32 s10, s18  }
0x391: {  	s18 =	sshrl.u32 s18, $0x3  }
0x392: {  	s18 =	sadd.s32 s1, s18  }
0x393: {  	[tilespmem:s24], [sflag:$0x2] =	stream.linear.gather [hbm4b:s18+s3], $0x400, $0x38;
	[tilespmem:$0x12280] =	vst v63  }
0x394: {  	v29 =	vld [tilespmem:$0x30];
	_ =	sdelay $0x4  }
0x395: {  	v29 =	vsel vm2, $0x0, v29  }
0x396: {  	(xrf0) =	vadd.scan.msk.s32 $0xffff, v29;
	_ =	sdelay $0x5  }
0x397: {  	v29, _, _ =	vpop (xrf0)  }
0x398: {  	(v2sf) =	vpush v29, $0xF;
	_ =	sdelay $0xe  }
0x399: {  	s25 =	spop (v2sf)  }
0x39a: {  	s18 =	sshll.u32 s25, $0x3  }
0x39b: {  	s18 =	sand.u32 $0x7FFFFC00, s18  }
0x39c: {  	s26 =	sld [smem:$0x7EF];
	s18 =	sadd.s32 s10, s18  }
0x39d: {  	s18 =	sshrl.u32 s18, $0x3  }
0x39e: {  	s18 =	sadd.s32 s1, s18  }
0x39f: {  	[tilespmem:s26], [sflag:$0x2] =	stream.linear.gather [hbm4b:s18+s3], $0x400, $0x38;
	[tilespmem:$0x12280] =	vst v63  }
0x3a0: {  	v29 =	vld [tilespmem:$0x30];
	_ =	sdelay $0x4  }
0x3a1: {  	v29 =	vsel vm3, $0x0, v29  }
0x3a2: {  	(xrf0) =	vadd.scan.msk.s32 $0xffff, v29;
	_ =	sdelay $0x5  }
0x3a3: {  	v29, _, _ =	vpop (xrf0)  }
0x3a4: {  	(v2sf) =	vpush v29, $0xF;
	_ =	sdelay $0xe  }
0x3a5: {  	s28 =	spop (v2sf)  }
0x3a6: {  	s18 =	sshll.u32 s28, $0x3  }
0x3a7: {  	s18 =	sand.u32 $0x7FFFFC00, s18  }
0x3a8: {  	s29 =	sld [smem:$0x7F0];
	s18 =	sadd.s32 s10, s18  }
0x3a9: {  	s18 =	sshrl.u32 s18, $0x3  }
0x3aa: {  	s18 =	sadd.s32 s1, s18  }
0x3ab: {  	[tilespmem:s29], [sflag:$0x2] =	stream.linear.gather [hbm4b:s18+s3], $0x400, $0x38;
	[tilespmem:$0x12280] =	vst v63  }
0x3ac: {  	v29 =	vld [tilespmem:$0x30];
	_ =	sdelay $0x4  }
0x3ad: {  	v29 =	vsel vm4, $0x0, v29  }
0x3ae: {  	(xrf0) =	vadd.scan.msk.s32 $0xffff, v29;
	_ =	sdelay $0x5  }
0x3af: {  	v29, _, _ =	vpop (xrf0)  }
0x3b0: {  	(v2sf) =	vpush v29, $0xF;
	_ =	sdelay $0xe  }
0x3b1: {  	s30 =	spop (v2sf)  }
0x3b2: {  	s18 =	sshll.u32 s30, $0x3  }
0x3b3: {  	s18 =	sand.u32 $0x7FFFFC00, s18  }
0x3b4: {  	s31 =	sld [smem:$0x7F1];
	s18 =	sadd.s32 s10, s18  }
0x3b5: {  	s18 =	sshrl.u32 s18, $0x3  }
0x3b6: {  	s18 =	sadd.s32 s1, s18  }
0x3b7: {  	[tilespmem:s31], [sflag:$0x2] =	stream.linear.gather [hbm4b:s18+s3], $0x400, $0x38;
	[tilespmem:$0x12280] =	vst v63  }
0x3b8: {  	v29 =	vld [tilespmem:$0x30];
	_ =	sdelay $0x4  }
0x3b9: {  	v29 =	vsel vm5, $0x0, v29  }
0x3ba: {  	(xrf0) =	vadd.scan.msk.s32 $0xffff, v29;
	_ =	sdelay $0x5  }
0x3bb: {  	v29, _, _ =	vpop (xrf0)  }
0x3bc: {  	(v2sf) =	vpush v29, $0xF;
	_ =	sdelay $0xe  }
0x3bd: {  	s19 =	spop (v2sf)  }
0x3be: {  	s18 =	sshll.u32 s19, $0x3  }
0x3bf: {  	s18 =	sand.u32 $0x7FFFFC00, s18  }
0x3c0: {  	s20 =	sld [smem:$0x7F2];
	s18 =	sadd.s32 s10, s18  }
0x3c1: {  	s18 =	sshrl.u32 s18, $0x3  }
0x3c2: {  	s18 =	sadd.s32 s1, s18  }
0x3c3: {  	[tilespmem:s20], [sflag:$0x2] =	stream.linear.gather [hbm4b:s18+s3], $0x400, $0x38;
	[tilespmem:$0x12280] =	vst v63  }
0x3c4: {  	v29 =	vld [tilespmem:$0x30];
	_ =	sdelay $0x4  }
0x3c5: {  	v29 =	vsel vm6, $0x0, v29  }
0x3c6: {  	(xrf0) =	vadd.scan.msk.s32 $0xffff, v29;
	_ =	sdelay $0x5  }
0x3c7: {  	v29, _, _ =	vpop (xrf0)  }
0x3c8: {  	(v2sf) =	vpush v29, $0xF;
	_ =	sdelay $0xe  }
0x3c9: {  	s21 =	spop (v2sf)  }
0x3ca: {  	s18 =	sshll.u32 s21, $0x3  }
0x3cb: {  	s18 =	sand.u32 $0x7FFFFC00, s18  }
0x3cc: {  	s22 =	sld [smem:$0x7F3];
	s18 =	sadd.s32 s10, s18  }
0x3cd: {  	s18 =	sshrl.u32 s18, $0x3  }
0x3ce: {  	s18 =	sadd.s32 s1, s18  }
0x3cf: {  	[tilespmem:s22], [sflag:$0x2] =	stream.linear.gather [hbm4b:s18+s3], $0x400, $0x38;
	[tilespmem:$0x12280] =	vst v63  }
0x3d0: {  	v29 =	vld [tilespmem:$0x30];
	_ =	sdelay $0x4  }
0x3d1: {  	v29 =	vsel vm7, $0x0, v29  }
0x3d2: {  	(xrf0) =	vadd.scan.msk.s32 $0xffff, v29;
	_ =	sdelay $0x5  }
0x3d3: {  	v29, _, _ =	vpop (xrf0)  }
0x3d4: {  	(v2sf) =	vpush v29, $0xF;
	_ =	sdelay $0xe  }
0x3d5: {  	s23 =	spop (v2sf)  }
0x3d6: {  	s18 =	sshll.u32 s23, $0x3  }
0x3d7: {  	s18 =	sand.u32 $0x7FFFFC00, s18  }
0x3d8: {  	s24 =	sld [smem:$0x7F4];
	s18 =	sadd.s32 s10, s18  }
0x3d9: {  	s18 =	sshrl.u32 s18, $0x3  }
0x3da: {  	s18 =	sadd.s32 s1, s18  }
0x3db: {  	[tilespmem:s24], [sflag:$0x2] =	stream.linear.gather [hbm4b:s18+s3], $0x400, $0x38;
	[tilespmem:$0x12280] =	vst v63  }
0x3dc: {  	v29 =	vld [tilespmem:$0x30];
	_ =	sdelay $0x4  }
0x3dd: {  	v29 =	vsel vm8, $0x0, v29  }
0x3de: {  	(xrf0) =	vadd.scan.msk.s32 $0xffff, v29;
	_ =	sdelay $0x5  }
0x3df: {  	v29, _, _ =	vpop (xrf0)  }
0x3e0: {  	(v2sf) =	vpush v29, $0xF;
	_ =	sdelay $0xe  }
0x3e1: {  	s25 =	spop (v2sf)  }
0x3e2: {  	s18 =	sshll.u32 s25, $0x3  }
0x3e3: {  	s18 =	sand.u32 $0x7FFFFC00, s18  }
0x3e4: {  	s26 =	sld [smem:$0x7F5];
	s18 =	sadd.s32 s11, s18  }
0x3e5: {  	s18 =	sshrl.u32 s18, $0x3  }
0x3e6: {  	s18 =	sadd.s32 s1, s18  }
0x3e7: {  	[tilespmem:s26], [sflag:$0x2] =	stream.linear.gather [hbm4b:s18+s3], $0x400, $0x38;
	[tilespmem:$0x12280] =	vst v63  }
0x3e8: {  	v29 =	vld [tilespmem:$0x30];
	_ =	sdelay $0x4  }
0x3e9: {  	v29 =	vsel vm9, $0x0, v29  }
0x3ea: {  	(xrf0) =	vadd.scan.msk.s32 $0xffff, v29;
	_ =	sdelay $0x5  }
0x3eb: {  	v29, _, _ =	vpop (xrf0)  }
0x3ec: {  	(v2sf) =	vpush v29, $0xF;
	_ =	sdelay $0xe  }
0x3ed: {  	s28 =	spop (v2sf)  }
0x3ee: {  	s18 =	sshll.u32 s28, $0x3  }
0x3ef: {  	s18 =	sand.u32 $0x7FFFFC00, s18  }
0x3f0: {  	s29 =	sld [smem:$0x7F6];
	s18 =	sadd.s32 s11, s18  }
0x3f1: {  	s18 =	sshrl.u32 s18, $0x3  }
0x3f2: {  	s18 =	sadd.s32 s1, s18  }
0x3f3: {  	[tilespmem:s29], [sflag:$0x2] =	stream.linear.gather [hbm4b:s18+s3], $0x400, $0x38;
	[tilespmem:$0x12280] =	vst v63  }
0x3f4: {  	v29 =	vld [tilespmem:$0x30];
	_ =	sdelay $0x4  }
0x3f5: {  	v29 =	vsel vm10, $0x0, v29  }
0x3f6: {  	(xrf0) =	vadd.scan.msk.s32 $0xffff, v29;
	_ =	sdelay $0x5  }
0x3f7: {  	v29, _, _ =	vpop (xrf0)  }
0x3f8: {  	(v2sf) =	vpush v29, $0xF;
	_ =	sdelay $0xe  }
0x3f9: {  	s30 =	spop (v2sf)  }
0x3fa: {  	s18 =	sshll.u32 s30, $0x3  }
0x3fb: {  	s18 =	sand.u32 $0x7FFFFC00, s18  }
0x3fc: {  	s31 =	sld [smem:$0x7F7];
	s18 =	sadd.s32 s11, s18  }
0x3fd: {  	s18 =	sshrl.u32 s18, $0x3  }
0x3fe: {  	s18 =	sadd.s32 s1, s18  }
0x3ff: {  	[tilespmem:s31], [sflag:$0x2] =	stream.linear.gather [hbm4b:s18+s3], $0x400, $0x38;
	[tilespmem:$0x12280] =	vst v63  }
0x400: {  	v29 =	vld [tilespmem:$0x30];
	_ =	sdelay $0x4  }
0x401: {  	v29 =	vsel vm11, $0x0, v29  }
0x402: {  	(xrf0) =	vadd.scan.msk.s32 $0xffff, v29;
	_ =	sdelay $0x5  }
0x403: {  	v29, _, _ =	vpop (xrf0)  }
0x404: {  	(v2sf) =	vpush v29, $0xF;
	_ =	sdelay $0xe  }
0x405: {  	s19 =	spop (v2sf)  }
0x406: {  	s18 =	sshll.u32 s19, $0x3  }
0x407: {  	s18 =	sand.u32 $0x7FFFFC00, s18  }
0x408: {  	s20 =	sld [smem:$0x7F8];
	s18 =	sadd.s32 s11, s18  }
0x409: {  	s18 =	sshrl.u32 s18, $0x3  }
0x40a: {  	s18 =	sadd.s32 s1, s18  }
0x40b: {  	[tilespmem:s20], [sflag:$0x2] =	stream.linear.gather [hbm4b:s18+s3], $0x400, $0x38;
	[tilespmem:$0x12280] =	vst v63  }
0x40c: {  	v29 =	vld [tilespmem:$0x30];
	_ =	sdelay $0x4  }
0x40d: {  	v29 =	vsel vm12, $0x0, v29  }
0x40e: {  	(xrf0) =	vadd.scan.msk.s32 $0xffff, v29;
	_ =	sdelay $0x5  }
0x40f: {  	v29, _, _ =	vpop (xrf0)  }
0x410: {  	(v2sf) =	vpush v29, $0xF;
	_ =	sdelay $0xe  }
0x411: {  	s21 =	spop (v2sf)  }
0x412: {  	s18 =	sshll.u32 s21, $0x3  }
0x413: {  	s18 =	sand.u32 $0x7FFFFC00, s18  }
0x414: {  	s22 =	sld [smem:$0x7F9];
	s18 =	sadd.s32 s11, s18  }
0x415: {  	s18 =	sshrl.u32 s18, $0x3  }
0x416: {  	s18 =	sadd.s32 s1, s18  }
0x417: {  	[tilespmem:s22], [sflag:$0x2] =	stream.linear.gather [hbm4b:s18+s3], $0x400, $0x38;
	[tilespmem:$0x12280] =	vst v63  }
0x418: {  	v29 =	vld [tilespmem:$0x30];
	_ =	sdelay $0x4  }
0x419: {  	v29 =	vsel vm13, $0x0, v29  }
0x41a: {  	(xrf0) =	vadd.scan.msk.s32 $0xffff, v29;
	_ =	sdelay $0x5  }
0x41b: {  	v29, _, _ =	vpop (xrf0)  }
0x41c: {  	(v2sf) =	vpush v29, $0xF;
	_ =	sdelay $0xe  }
0x41d: {  	s23 =	spop (v2sf)  }
0x41e: {  	s18 =	sshll.u32 s23, $0x3  }
0x41f: {  	s18 =	sand.u32 $0x7FFFFC00, s18  }
0x420: {  	s24 =	sld [smem:$0x7FA];
	s18 =	sadd.s32 s11, s18  }
0x421: {  	s18 =	sshrl.u32 s18, $0x3  }
0x422: {  	s18 =	sadd.s32 s1, s18  }
0x423: {  	[tilespmem:s24], [sflag:$0x2] =	stream.linear.gather [hbm4b:s18+s3], $0x400, $0x38;
	[tilespmem:$0x12280] =	vst v63  }
0x424: {  	v29 =	vld [tilespmem:$0x30];
	_ =	sdelay $0x4  }
0x425: {  	v29 =	vsel vm14, $0x0, v29  }
0x426: {  	(xrf0) =	vadd.scan.msk.s32 $0xffff, v29;
	_ =	sdelay $0x5  }
0x427: {  	v29, _, _ =	vpop (xrf0)  }
0x428: {  	(v2sf) =	vpush v29, $0xF;
	_ =	sdelay $0xe  }
0x429: {  	s25 =	spop (v2sf)  }
0x42a: {  	s18 =	sshll.u32 s25, $0x3  }
0x42b: {  	s18 =	sand.u32 $0x7FFFFC00, s18  }
0x42c: {  	s26 =	sld [smem:$0x7FB];
	s18 =	sadd.s32 s11, s18  }
0x42d: {  	s18 =	sshrl.u32 s18, $0x3  }
0x42e: {  	s18 =	sadd.s32 s1, s18  }
0x42f: {  	[tilespmem:s26], [sflag:$0x2] =	stream.linear.gather [hbm4b:s18+s3], $0x400, $0x38;
	[tilespmem:$0x12280] =	vst v63  }
0x430: {  	v29 =	vld [tilespmem:$0x30];
	_ =	sdelay $0x4  }
0x431: {  	v29 =	vsel vm15, $0x0, v29  }
0x432: {  	(xrf0) =	vadd.scan.msk.s32 $0xffff, v29;
	_ =	sdelay $0x5  }
0x433: {  	v29, _, _ =	vpop (xrf0)  }
0x434: {  	(v2sf) =	vpush v29, $0xF;
	_ =	sdelay $0xe  }
0x435: {  	s28 =	spop (v2sf)  }
0x436: {  	s18 =	sshll.u32 s28, $0x3  }
0x437: {  	s18 =	sand.u32 $0x7FFFFC00, s18  }
0x438: {  	s29 =	sld [smem:$0x7FC];
	s18 =	sadd.s32 s11, s18  }
0x439: {  	s18 =	sshrl.u32 s18, $0x3  }
0x43a: {  	s18 =	sadd.s32 s1, s18  }
0x43b: {  	[tilespmem:s29], [sflag:$0x2] =	stream.linear.gather [hbm4b:s18+s3], $0x400, $0x38;
	[tilespmem:$0x12280] =	vst v63  }
0x43c: {  	_ =	swait.ge [sflag:s16], $0x2000  }
0x43d: {  	[sflag:s16] =	ssyncset.done $0x0  }
0x43e: {  	[sflag:s16] =	ssyncadd.s32 $0xFFFFE000  }
0x43f: {  	_ =	swait.ge [sflag:s17], $0x400  }
0x440: {  	[sflag:s17] =	ssyncset.done $0x0  }
0x441: {  	[sflag:s17] =	ssyncadd.s32 $0xFFFFFC00  }
0x442: {  	_ =	swait.ge [sflag:s17], $0x400  }
0x443: {  	[sflag:s17] =	ssyncset.done $0x0  }
0x444: {  	[sflag:s17] =	ssyncadd.s32 $0xFFFFFC00  }
0x445: {  	_ =	swait.ge [sflag:s17], $0x400  }
0x446: {  	[sflag:s17] =	ssyncset.done $0x0  }
0x447: {  	[sflag:s17] =	ssyncadd.s32 $0xFFFFFC00  }
0x448: {  	_ =	swait.ge [sflag:s17], $0x400  }
0x449: {  	[sflag:s17] =	ssyncset.done $0x0  }
0x44a: {  	[sflag:s17] =	ssyncadd.s32 $0xFFFFFC00  }
0x44b: {  	_ =	swait.ge [sflag:s17], $0x400  }
0x44c: {  	[sflag:s17] =	ssyncset.done $0x0  }
0x44d: {  	[sflag:s17] =	ssyncadd.s32 $0xFFFFFC00  }
0x44e: {  	_ =	swait.ge [sflag:s17], $0x400  }
0x44f: {  	[sflag:s17] =	ssyncset.done $0x0  }
0x450: {  	[sflag:s17] =	ssyncadd.s32 $0xFFFFFC00  }
0x451: {  	_ =	swait.ge [sflag:s17], $0x400  }
0x452: {  	[sflag:s17] =	ssyncset.done $0x0  }
0x453: {  	[sflag:s17] =	ssyncadd.s32 $0xFFFFFC00  }
0x454: {  	_ =	swait.ge [sflag:s17], $0x400  }
0x455: {  	[sflag:s17] =	ssyncset.done $0x0  }
0x456: {  	[sflag:s17] =	ssyncadd.s32 $0xFFFFFC00  }
0x457: {  	_ =	swait.ge [sflag:s17], $0x400  }
0x458: {  	[sflag:s17] =	ssyncset.done $0x0  }
0x459: {  	[sflag:s17] =	ssyncadd.s32 $0xFFFFFC00  }
0x45a: {  	_ =	swait.ge [sflag:s17], $0x400  }
0x45b: {  	[sflag:s17] =	ssyncset.done $0x0  }
0x45c: {  	[sflag:s17] =	ssyncadd.s32 $0xFFFFFC00  }
0x45d: {  	_ =	swait.ge [sflag:s17], $0x400  }
0x45e: {  	[sflag:s17] =	ssyncset.done $0x0  }
0x45f: {  	[sflag:s17] =	ssyncadd.s32 $0xFFFFFC00  }
0x460: {  	_ =	swait.ge [sflag:s17], $0x400  }
0x461: {  	[sflag:s17] =	ssyncset.done $0x0  }
0x462: {  	[sflag:s17] =	ssyncadd.s32 $0xFFFFFC00  }
0x463: {  	_ =	swait.ge [sflag:s17], $0x400  }
0x464: {  	[sflag:s17] =	ssyncset.done $0x0  }
0x465: {  	[sflag:s17] =	ssyncadd.s32 $0xFFFFFC00  }
0x466: {  	_ =	swait.ge [sflag:s17], $0x400  }
0x467: {  	[sflag:s17] =	ssyncset.done $0x0  }
0x468: {  	[sflag:s17] =	ssyncadd.s32 $0xFFFFFC00  }
0x469: {  	_ =	swait.ge [sflag:s17], $0x400  }
0x46a: {  	[sflag:s17] =	ssyncset.done $0x0  }
0x46b: {  	[sflag:s17] =	ssyncadd.s32 $0xFFFFFC00  }
0x46c: {  	_ =	swait.ge [sflag:s17], $0x400  }
0x46d: {  	[sflag:s17] =	ssyncset.done $0x0  }
0x46e: {  	[sflag:s17] =	ssyncadd.s32 $0xFFFFFC00  }
0x46f: {  	_ =	swait.ge [sflag:s17], $0x400  }
0x470: {  	[sflag:s17] =	ssyncset.done $0x0  }
0x471: {  	[sflag:s17] =	ssyncadd.s32 $0xFFFFFC00  }
0x472: {  	_ =	swait.ge [sflag:s17], $0x400  }
0x473: {  	[sflag:s17] =	ssyncset.done $0x0  }
0x474: {  	[sflag:s17] =	ssyncadd.s32 $0xFFFFFC00  }
0x475: {  	_ =	swait.ge [sflag:s17], $0x400  }
0x476: {  	[sflag:s17] =	ssyncset.done $0x0  }
0x477: {  	[sflag:s17] =	ssyncadd.s32 $0xFFFFFC00  }
0x478: {  	_ =	swait.ge [sflag:s17], $0x400  }
0x479: {  	[sflag:s17] =	ssyncset.done $0x0  }
0x47a: {  	[sflag:s17] =	ssyncadd.s32 $0xFFFFFC00  }
0x47b: {  	_ =	swait.ge [sflag:s17], $0x400  }
0x47c: {  	[sflag:s17] =	ssyncset.done $0x0  }
0x47d: {  	[sflag:s17] =	ssyncadd.s32 $0xFFFFFC00  }
0x47e: {  	_ =	swait.ge [sflag:s17], $0x400  }
0x47f: {  	[sflag:s17] =	ssyncset.done $0x0  }
0x480: {  	[sflag:s17] =	ssyncadd.s32 $0xFFFFFC00  }
0x481: {  	_ =	swait.ge [sflag:s17], $0x400  }
0x482: {  	[sflag:s17] =	ssyncset.done $0x0  }
0x483: {  	[sflag:s17] =	ssyncadd.s32 $0xFFFFFC00  }
0x484: {  	_ =	swait.ge [sflag:s17], $0x400  }
0x485: {  	[sflag:s17] =	ssyncset.done $0x0  }
0x486: {  	[sflag:s17] =	ssyncadd.s32 $0xFFFFFC00  }
0x487: {  	_ =	swait.ge [sflag:s17], $0x400  }
0x488: {  	[sflag:s17] =	ssyncset.done $0x0  }
0x489: {  	[sflag:s17] =	ssyncadd.s32 $0xFFFFFC00  }
0x48a: {  	_ =	swait.ge [sflag:s17], $0x400  }
0x48b: {  	[sflag:s17] =	ssyncset.done $0x0  }
0x48c: {  	[sflag:s17] =	ssyncadd.s32 $0xFFFFFC00  }
0x48d: {  	_ =	swait.ge [sflag:s17], $0x400  }
0x48e: {  	[sflag:s17] =	ssyncset.done $0x0  }
0x48f: {  	[sflag:s17] =	ssyncadd.s32 $0xFFFFFC00  }
0x490: {  	_ =	swait.ge [sflag:s17], $0x400  }
0x491: {  	[sflag:s17] =	ssyncset.done $0x0  }
0x492: {  	[sflag:s17] =	ssyncadd.s32 $0xFFFFFC00  }
0x493: {  	_ =	swait.ge [sflag:s17], $0x400  }
0x494: {  	[sflag:s17] =	ssyncset.done $0x0  }
0x495: {  	[sflag:s17] =	ssyncadd.s32 $0xFFFFFC00  }
0x496: {  	_ =	swait.ge [sflag:s17], $0x400  }
0x497: {  	[sflag:s17] =	ssyncset.done $0x0  }
0x498: {  	[sflag:s17] =	ssyncadd.s32 $0xFFFFFC00  }
0x499: {  	_ =	swait.ge [sflag:s17], $0x400  }
0x49a: {  	[sflag:s17] =	ssyncset.done $0x0  }
0x49b: {  	[sflag:s17] =	ssyncadd.s32 $0xFFFFFC00  }
0x49c: {  	_ =	swait.ge [sflag:s17], $0x400  }
0x49d: {  	[sflag:s17] =	ssyncset.done $0x0  }
0x49e: {  	[sflag:s17] =	ssyncadd.s32 $0xFFFFFC00  }
0x49f: {  	_ =	swait.ge [sflag:s17], $0x400  }
0x4a0: {  	[sflag:s17] =	ssyncset.done $0x0  }
0x4a1: {  	[sflag:s17] =	ssyncadd.s32 $0xFFFFFC00  }
0x4a2: {  	_ =	swait.ge [sflag:s17], $0x400  }
0x4a3: {  	[sflag:s17] =	ssyncset.done $0x0  }
0x4a4: {  	[sflag:s17] =	ssyncadd.s32 $0xFFFFFC00  }
0x4a5: {  	_ =	swait.ge [sflag:s17], $0x400  }
0x4a6: {  	[sflag:s17] =	ssyncset.done $0x0  }
0x4a7: {  	[sflag:s17] =	ssyncadd.s32 $0xFFFFFC00  }
0x4a8: {  	_ =	swait.ge [sflag:s17], $0x400  }
0x4a9: {  	[sflag:s17] =	ssyncset.done $0x0  }
0x4aa: {  	[sflag:s17] =	ssyncadd.s32 $0xFFFFFC00  }
0x4ab: {  	_ =	swait.ge [sflag:s17], $0x400  }
0x4ac: {  	[sflag:s17] =	ssyncset.done $0x0  }
0x4ad: {  	[sflag:s17] =	ssyncadd.s32 $0xFFFFFC00  }
0x4ae: {  	_ =	swait.ge [sflag:s17], $0x400  }
0x4af: {  	[sflag:s17] =	ssyncset.done $0x0  }
0x4b0: {  	[sflag:s17] =	ssyncadd.s32 $0xFFFFFC00  }
0x4b1: {  	_ =	swait.ge [sflag:s17], $0x400  }
0x4b2: {  	[sflag:s17] =	ssyncset.done $0x0  }
0x4b3: {  	[sflag:s17] =	ssyncadd.s32 $0xFFFFFC00  }
0x4b4: {  	_ =	swait.ge [sflag:s17], $0x400  }
0x4b5: {  	[sflag:s17] =	ssyncset.done $0x0  }
0x4b6: {  	[sflag:s17] =	ssyncadd.s32 $0xFFFFFC00  }
0x4b7: {  	_ =	swait.ge [sflag:s17], $0x400  }
0x4b8: {  	[sflag:s17] =	ssyncset.done $0x0  }
0x4b9: {  	[sflag:s17] =	ssyncadd.s32 $0xFFFFFC00  }
0x4ba: {  	_ =	swait.ge [sflag:s17], $0x400  }
0x4bb: {  	[sflag:s17] =	ssyncset.done $0x0  }
0x4bc: {  	[sflag:s17] =	ssyncadd.s32 $0xFFFFFC00  }
0x4bd: {  	_ =	swait.ge [sflag:s17], $0x400  }
0x4be: {  	[sflag:s17] =	ssyncset.done $0x0  }
0x4bf: {  	[sflag:s17] =	ssyncadd.s32 $0xFFFFFC00  }
0x4c0: {  	_ =	swait.ge [sflag:s17], $0x400  }
0x4c1: {  	[sflag:s17] =	ssyncset.done $0x0  }
0x4c2: {  	[sflag:s17] =	ssyncadd.s32 $0xFFFFFC00  }
0x4c3: {  	_ =	swait.ge [sflag:s17], $0x400  }
0x4c4: {  	[sflag:s17] =	ssyncset.done $0x0  }
0x4c5: {  	[sflag:s17] =	ssyncadd.s32 $0xFFFFFC00  }
0x4c6: {  	_ =	swait.ge [sflag:s17], $0x400  }
0x4c7: {  	[sflag:s17] =	ssyncset.done $0x0  }
0x4c8: {  	[sflag:s17] =	ssyncadd.s32 $0xFFFFFC00  }
0x4c9: {  	_ =	swait.ge [sflag:s17], $0x400  }
0x4ca: {  	[sflag:s17] =	ssyncset.done $0x0  }
0x4cb: {  	[sflag:s17] =	ssyncadd.s32 $0xFFFFFC00  }
0x4cc: {  	_ =	swait.ge [sflag:s17], $0x400  }
0x4cd: {  	[sflag:s17] =	ssyncset.done $0x0  }
0x4ce: {  	[sflag:s17] =	ssyncadd.s32 $0xFFFFFC00  }
0x4cf: {  	_ =	swait.ge [sflag:s17], $0x400  }
0x4d0: {  	[sflag:s17] =	ssyncset.done $0x0  }
0x4d1: {  	[sflag:s17] =	ssyncadd.s32 $0xFFFFFC00  }
0x4d2: {  	_ =	swait.ge [sflag:s17], $0x400  }
0x4d3: {  	[sflag:s17] =	ssyncset.done $0x0  }
0x4d4: {  	[sflag:s17] =	ssyncadd.s32 $0xFFFFFC00  }
0x4d5: {  	_ =	swait.ge [sflag:s17], $0x400  }
0x4d6: {  	[sflag:s17] =	ssyncset.done $0x0  }
0x4d7: {  	[sflag:s17] =	ssyncadd.s32 $0xFFFFFC00  }
0x4d8: {  	_ =	swait.ge [sflag:s17], $0x400  }
0x4d9: {  	[sflag:s17] =	ssyncset.done $0x0  }
0x4da: {  	[sflag:s17] =	ssyncadd.s32 $0xFFFFFC00  }
0x4db: {  	_ =	swait.ge [sflag:s17], $0x400  }
0x4dc: {  	[sflag:s17] =	ssyncset.done $0x0  }
0x4dd: {  	[sflag:s17] =	ssyncadd.s32 $0xFFFFFC00  }
0x4de: {  	_ =	swait.ge [sflag:s17], $0x400  }
0x4df: {  	[sflag:s17] =	ssyncset.done $0x0  }
0x4e0: {  	[sflag:s17] =	ssyncadd.s32 $0xFFFFFC00  }
0x4e1: {  	_ =	swait.ge [sflag:s17], $0x400  }
0x4e2: {  	[sflag:s17] =	ssyncset.done $0x0  }
0x4e3: {  	[sflag:s17] =	ssyncadd.s32 $0xFFFFFC00  }
0x4e4: {  	_ =	swait.ge [sflag:s17], $0x400  }
0x4e5: {  	[sflag:s17] =	ssyncset.done $0x0  }
0x4e6: {  	[sflag:s17] =	ssyncadd.s32 $0xFFFFFC00  }
0x4e7: {  	_ =	swait.ge [sflag:s17], $0x400  }
0x4e8: {  	[sflag:s17] =	ssyncset.done $0x0  }
0x4e9: {  	[sflag:s17] =	ssyncadd.s32 $0xFFFFFC00  }
0x4ea: {  	_ =	swait.ge [sflag:s17], $0x400  }
0x4eb: {  	[sflag:s17] =	ssyncset.done $0x0  }
0x4ec: {  	[sflag:s17] =	ssyncadd.s32 $0xFFFFFC00  }
0x4ed: {  	_ =	swait.ge [sflag:s17], $0x400  }
0x4ee: {  	[sflag:s17] =	ssyncset.done $0x0  }
0x4ef: {  	[sflag:s17] =	ssyncadd.s32 $0xFFFFFC00  }
0x4f0: {  	_ =	swait.ge [sflag:s17], $0x400  }
0x4f1: {  	[sflag:s17] =	ssyncset.done $0x0  }
0x4f2: {  	[sflag:s17] =	ssyncadd.s32 $0xFFFFFC00  }
0x4f3: {  	_ =	swait.ge [sflag:s17], $0x400  }
0x4f4: {  	[sflag:s17] =	ssyncset.done $0x0  }
0x4f5: {  	[sflag:s17] =	ssyncadd.s32 $0xFFFFFC00  }
0x4f6: {  	_ =	swait.ge [sflag:s17], $0x400  }
0x4f7: {  	[sflag:s17] =	ssyncset.done $0x0  }
0x4f8: {  	[sflag:s17] =	ssyncadd.s32 $0xFFFFFC00  }
0x4f9: {  	_ =	swait.ge [sflag:s17], $0x400  }
0x4fa: {  	[sflag:s17] =	ssyncset.done $0x0  }
0x4fb: {  	[sflag:s17] =	ssyncadd.s32 $0xFFFFFC00  }
0x4fc: {  	_ =	swait.ge [sflag:s17], $0x400  }
0x4fd: {  	[sflag:s17] =	ssyncset.done $0x0  }
0x4fe: {  	[sflag:s17] =	ssyncadd.s32 $0xFFFFFC00  }
0x4ff: {  	v29 =	vld [tilespmem:$0x180];
	_ =	sdelay $0x4  }
0x500: {  	v29 =	vadd.s32 v21, v29;
	_ =	sdelay $0x2  }
0x501: {  	v30 =	vld.idx.msk [tilespmem:v22+s14+$0x0], $0xffff;
	_ =	sdelay $0x1  }
0x502: {  	v29 =	vld.idx.msk [tilespmem:v29+s15+$0x0], $0xffff;
	_ =	sdelay $0x1  }
0x503: {  	v31 =	vld [tilespmem:$0x0]  }
0x504: {  	v54 =	vld [tilespmem:$0x80];
	v55 =	vmul.f32 $3.125195240e-06, v30;
	_ =	sdelay $0x1  }
0x505: {  	v34 =	vld [tilespmem:$0x190];
	v30 =	vmul.f32 $8.999968760e-01, v30;
	v33 =	vadd.f32 $-1.362425800e+00, v55;
	v29 =	vmul.f32 $8.999968760e-01, v29;
	_ =	sdelay $0x1  }
0x506: {  	v30 =	vsub.f32 $-1.362465500e+00, v30;
	v29 =	vsub.f32 v33, v29  }
0x507: {  	vm1 =	veq.s32 v31, $0x0;
	v31 =	vmul.f32 $3.125195240e-06, v54  }
0x508: {  	v29 =	vsel vm1, v30, v29  }
0x509: {  	v30 =	vadd.s32 v23, v34;
	v29 =	vsub.f32 v29, v31;
	_ =	sdelay $0x1  }
0x50a: {  	[tilespmem:$0x12200] =	vst v29  }
0x50b: {  	v29 =	vld.idx.msk [tilespmem:v26+s14+$0x0], $0xffff;
	_ =	sdelay $0x1  }
0x50c: {  	v30 =	vld.idx.msk [tilespmem:v30+s15+$0x0], $0xffff;
	_ =	sdelay $0x1  }
0x50d: {  	v56 =	vld [tilespmem:$0x90]  }
0x50e: {  	v31 =	vld [tilespmem:$0x10];
	v57 =	vmul.f32 $3.125195240e-06, v29;
	_ =	sdelay $0x1  }
0x50f: {  	v58 =	vld [tilespmem:$0x1A0];
	v29 =	vmul.f32 $8.999968760e-01, v29;
	v30 =	vmul.f32 $8.999968760e-01, v30;
	v33 =	vadd.f32 $-1.362425800e+00, v57;
	_ =	sdelay $0x1  }
0x510: {  	v29 =	vsub.f32 $-1.362465500e+00, v29;
	v30 =	vsub.f32 v33, v30  }
0x511: {  	vm1 =	veq.s32 v31, $0x0;
	v31 =	vmul.f32 $3.125195240e-06, v56  }
0x512: {  	v29 =	vsel vm1, v29, v30  }
0x513: {  	v30 =	vadd.s32 v24, v58;
	v29 =	vsub.f32 v29, v31;
	_ =	sdelay $0x1  }
0x514: {  	[tilespmem:$0x12210] =	vst v29  }
0x515: {  	v29 =	vld.idx.msk [tilespmem:v27+s14+$0x0], $0xffff;
	_ =	sdelay $0x1  }
0x516: {  	v30 =	vld.idx.msk [tilespmem:v30+s15+$0x0], $0xffff;
	_ =	sdelay $0x1  }
0x517: {  	v59 =	vld [tilespmem:$0xA0]  }
0x518: {  	v31 =	vld [tilespmem:$0x20];
	v60 =	vmul.f32 $3.125195240e-06, v29;
	_ =	sdelay $0x1  }
0x519: {  	v61 =	vld [tilespmem:$0x1B0];
	v29 =	vmul.f32 $8.999968760e-01, v29;
	v30 =	vmul.f32 $8.999968760e-01, v30;
	v33 =	vadd.f32 $-1.362425800e+00, v60;
	_ =	sdelay $0x1  }
0x51a: {  	v29 =	vsub.f32 $-1.362465500e+00, v29;
	v30 =	vsub.f32 v33, v30  }
0x51b: {  	vm1 =	veq.s32 v31, $0x0;
	v31 =	vmul.f32 $3.125195240e-06, v59  }
0x51c: {  	v29 =	vsel vm1, v29, v30  }
0x51d: {  	v30 =	vadd.s32 v25, v61;
	v29 =	vsub.f32 v29, v31;
	_ =	sdelay $0x1  }
0x51e: {  	[tilespmem:$0x12220] =	vst v29  }
0x51f: {  	v29 =	vld.idx.msk [tilespmem:v28+s14+$0x0], $0xffff;
	_ =	sdelay $0x1  }
0x520: {  	v30 =	vld.idx.msk [tilespmem:v30+s15+$0x0], $0xffff;
	_ =	sdelay $0x1  }
0x521: {  	v62 =	vld [tilespmem:$0xB0]  }
0x522: {  	v31 =	vld [tilespmem:$0x30];
	v63 =	vmul.f32 $3.125195240e-06, v29;
	_ =	sdelay $0x1  }
0x523: {  	v29 =	vmul.f32 $8.999968760e-01, v29;
	v30 =	vmul.f32 $8.999968760e-01, v30;
	v33 =	vadd.f32 $-1.362425800e+00, v63;
	_ =	sdelay $0x1  }
0x524: {  	v29 =	vsub.f32 $-1.362465500e+00, v29;
	v30 =	vsub.f32 v33, v30  }
0x525: {  	vm1 =	veq.s32 v31, $0x0;
	v31 =	vmul.f32 $3.125195240e-06, v62  }
0x526: {  	v29 =	vsel vm1, v29, v30  }
0x527: {  	s31 =	sld [smem:$0x7FD];
	v29 =	vsub.f32 v29, v31  }
0x528: {  	p0 =	sne.s32 s12, $0x1  }
.Ltmp0:
0x529: {  	s30 =	rddreg [dreg:$0x7];
	[tilespmem:$0x12230] =	vst v29;
	(pc) =	sbr.rel @p0 .LBB2_1-.Ltmp0, $4  }
0x52a: {  	[hbm4b:s30+s3] =	stream.linear.scatter [tilespmem:s31], [sflag:$0x3], $0x40, $0x38;
	[tilespmem:$0x12280] =	vst v63  }
0x52b: {  	_ =	swait.ge [sflag:s13], $0x40  }
0x52c: {  	[sflag:s13] =	ssyncset.done $0x0  }
0x52d: {  	s12 =	sadd.s32 $0xFFFFFFFF, s12;
	[sflag:s13] =	ssyncadd.s32 $0xFFFFFFC0  }
0x52e: {  	_ =	sfence.sel $0x180000  }
0x52f: {  	[bflag:$0x0] =	sbarrier.arrive $0xFFFF  }
0x530: {  	p0 =	sne.s32 s0, $0x0;
	_ =	strace $0x90000047  }
0x531: {  	s0 =	sadd.s32 @!p0 $0x100000, s2;
	[bflag:$0x2] =	sbarrier.arrive $0xFFFF  }
0x532: {  	[sflag:s0] =	ssyncadd.tile.s32 @!p0 $0x1;
	_ =	shalt  }
.Lfunc_end2:
_tile_overlayer_lowered:
.L_overlay_start_2:
0x533: {  	(tag) =	ssettag $0x2  }
0x534: {  	s0 =	rddreg [dreg:$0x0];
	s2 =	stileid.u32  }
0x535: {  	s1 =	rddreg [dreg:$0x1];
	p0 =	sne.s32 s2, $0x0  }
0x536: {  	s3 =	rddreg [dreg:$0x2];
	[bflag:$0x3] =	sbarrier.arrive $0xFFFF;
	s2 =	simm.s32 @!p0 $0x1C03  }
0x537: {  	[timem:s3], [sflag:s2] =	dma.local @!p0 [hbm:s0], s1  }
0x538: {  	s0 =	simm.s32 @!p0 $0x3  }
0x539: {  	_ =	swait.ge @!p0 [sflag:s0], s1  }
0x53a: {  	s1 =	ssub.s32 @!p0 $0x0, s1;
	[sflag:s0] =	ssyncset.done @!p0 $0x0  }
0x53b: {  	[sflag:s0] =	ssyncadd.s32 @!p0 s1  }
0x53c: {  	[bflag:$0x3] =	sbarrier.arrive $0xFFFF  }
0x53d: {  	_ =	shalt  }

</sc_bundles>
